<compile_context>
chip_gen: v7x
topology: tpu7x:2x2x1
jax: 0.10.2.dev20260603
libtpu: 0.0.44.dev20260713+nightly
codegen_flags: <defaults>
</compile_context>

<pallas_src>
import jax
import jax.numpy as jnp
from jax import lax
from jax.experimental import pallas as pl
from jax.experimental.pallas import tpu as pltpu
from jax.experimental.pallas import tpu_sc as plsc

N = 10000
NP = 10240
E = 320000
NC = 2
NS = 16
NW = NC * NS
C = 96
G = 112
EP = NW * G * C
NSET = 4
NBLK = G
RPT = NP // NS
D = 128
DH = 64
H = 128
OUT = 64
BR = 512
NB = NP // BR

_f32 = jnp.float32



def _make_agg_body(nh):
    def body(u, src3, dst3, zrows, out, sidx, didx, gbuf, acc, us, *sems):
        semg = sems[:NSET]
        semw = sems[NSET:]
        c = lax.axis_index("c")
        s = lax.axis_index("s")
        wid = c * NS + s
        rsl = pl.ds(s * RPT, RPT)
        pltpu.sync_copy(src3.at[wid], sidx)
        pltpu.sync_copy(dst3.at[wid], didx)

        for h in range(nh):
            pltpu.sync_copy(u.at[h].at[rsl], us.at[rsl])
            uh = us

            def gfire(blk, set_i):
                pltpu.async_copy(uh.at[sidx.at[blk]], gbuf.at[set_i],
                                 semg[set_i])

            def gdrain(set_i):
                pltpu.make_async_copy(uh.at[sidx.at[0]], gbuf.at[set_i],
                                      semg[set_i]).wait()

            def sfire(blk, set_i):
                pltpu.async_copy(gbuf.at[set_i], acc.at[didx.at[blk]],
                                 semw[set_i], add=True)

            def sdrain(set_i):
                pltpu.make_async_copy(gbuf.at[set_i], acc.at[didx.at[0]],
                                      semw[set_i]).wait()

            pltpu.sync_copy(zrows.at[rsl], acc.at[rsl])
            plsc.subcore_barrier()

            gfire(0, 0)
            gfire(1, 1)

            def loop(i, carry):
                for pos in range(4):
                    set_pf = (pos + 2) % 4
                    blk = 4 * i + pos

                    if pos >= 2:
                        sdrain(set_pf)
                    else:
                        @pl.when(i >= 1)
                        def _():
                            sdrain(set_pf)

                    if pos < 2:
                        gfire(blk + 2, set_pf)
                    else:
                        @pl.when(i < NBLK // 4 - 1)
                        def _():
                            gfire(blk + 2, set_pf)

                    gdrain(pos)
                    sfire(blk, pos)
                return carry

            lax.fori_loop(0, NBLK // 4, loop, 0)
            sdrain(2)
            sdrain(3)
            plsc.subcore_barrier()
            pltpu.sync_copy(acc.at[rsl], out.at[c].at[h].at[rsl])
            if h + 1 < nh:
                plsc.subcore_barrier()
    return body


def _deg_body(dst3, zrows, ones_hbm, out, didx, obuf, acc, sem):
    c = lax.axis_index("c")
    s = lax.axis_index("s")
    wid = c * NS + s
    rsl = pl.ds(s * RPT, RPT)
    pltpu.sync_copy(dst3.at[wid], didx)
    pltpu.sync_copy(ones_hbm, obuf)
    pltpu.sync_copy(zrows.at[rsl], acc.at[rsl])
    plsc.subcore_barrier()

    def sfire(g):
        pltpu.async_copy(obuf, acc.at[didx.at[g]], sem, add=True)

    def sdrain():
        pltpu.make_async_copy(obuf, acc.at[didx.at[0]], sem).wait()

    for j in range(3):
        sfire(j)

    def loop(g, carry):
        sdrain()
        sfire(g + 3)
        return carry

    lax.fori_loop(0, G - 3, loop, 0)
    for j in range(3):
        sdrain()
    plsc.subcore_barrier()
    pltpu.sync_copy(acc.at[rsl], out.at[c].at[0].at[rsl])


_sc_mesh = plsc.VectorSubcoreMesh(core_axis_name="c", subcore_axis_name="s")

_deg_kernel = pl.kernel(
    _deg_body,
    out_type=jax.ShapeDtypeStruct((NC, 1, NP, DH), _f32),
    mesh=_sc_mesh,
    scratch_types=[
        pltpu.VMEM((G, C), jnp.int32),
        pltpu.VMEM((C, DH), _f32),
        pltpu.VMEM_SHARED((NP, DH), _f32),
        pltpu.SemaphoreType.DMA,
    ],
    compiler_params=pltpu.CompilerParams(use_tc_tiling_on_sc=False),
)


def _make_agg_kernel(nh):
    return pl.kernel(
        _make_agg_body(nh),
        out_type=jax.ShapeDtypeStruct((NC, nh, NP, DH), _f32),
        mesh=_sc_mesh,
        scratch_types=[
            pltpu.VMEM((G, C), jnp.int32),
            pltpu.VMEM((G, C), jnp.int32),
            pltpu.VMEM((NSET, C, DH), _f32),
            pltpu.VMEM_SHARED((NP, DH), _f32),
            pltpu.VMEM_SHARED((NP, DH), _f32),
        ] + [pltpu.SemaphoreType.DMA] * (2 * NSET),
        compiler_params=pltpu.CompilerParams(use_tc_tiling_on_sc=False),
    )


_agg2_kernel = _make_agg_kernel(2)



def _h0_body(x, we, be, o):
    o[...] = jnp.dot(x[...], we[...], preferred_element_type=_f32) + be[...]


def _u1_body(h0, dg, w1, o, od):
    i = pl.program_id(0)
    deg = dg[0, 0][:, 0:1] + dg[1, 0][:, 0:1] + 1.0
    r = lax.rsqrt(deg)
    rows = i * BR + lax.broadcasted_iota(jnp.int32, (BR, 1), 0)
    r = jnp.where(rows < N, r, 0.0)
    dinv = jnp.broadcast_to(r, (BR, D))
    od[...] = dinv
    u = jnp.dot(h0[...], w1[...], preferred_element_type=_f32) * dinv
    o[0] = u[:, :DH]
    o[1] = u[:, DH:]


def _gather_h(p, u, dinv, b):
    pL = p[0, 0] + p[1, 0] + u[0]
    pR = p[0, 1] + p[1, 1] + u[1]
    agg = jnp.concatenate([pL, pR], axis=1)
    return jnp.maximum(agg * dinv[...] + b[...], 0.0)


def _mid_body(p, u, dinv, b, w, o):
    h = _gather_h(p, u, dinv, b)
    v = jnp.dot(h, w[...], preferred_element_type=_f32) * dinv[...]
    o[0] = v[:, :DH]
    o[1] = v[:, DH:]


def _fin_body(p, u, dinv, b, wf1, bf1, wf2, bf2, o, acc):
    i = pl.program_id(0)

    @pl.when(i == 0)
    def _():
        acc[...] = jnp.zeros_like(acc)

    h = _gather_h(p, u, dinv, b)
    rows = i * BR + lax.broadcasted_iota(jnp.int32, (BR, 1), 0)
    h = jnp.where(rows < N, h, 0.0)
    acc[0:1, :] += jnp.sum(h, axis=0, keepdims=True)

    @pl.when(i == NB - 1)
    def _():
        g = acc[0:1, :] * (1.0 / N)
        z = jnp.maximum(jnp.dot(g, wf1[...], preferred_element_type=_f32)
                        + bf1[...], 0.0)
        o[...] = jnp.dot(z, wf2[...], preferred_element_type=_f32) + bf2[...]


def _rows_spec():
    return pl.BlockSpec((BR, D), lambda i: (i, 0))


def _half_spec():
    return pl.BlockSpec((2, BR, DH), lambda i: (0, i, 0))


def _pair_spec():
    return pl.BlockSpec((NC, 2, BR, DH), lambda i: (0, 0, i, 0))


def _full_spec(shape):
    return pl.BlockSpec(shape, lambda i: tuple(0 for _ in shape))


_h0_kernel = pl.pallas_call(
    _h0_body,
    grid=(NB,),
    in_specs=[_rows_spec(), _full_spec((D, H)), _full_spec((1, H))],
    out_specs=_rows_spec(),
    out_shape=jax.ShapeDtypeStruct((NP, H), _f32),
)

_u1_kernel = pl.pallas_call(
    _u1_body,
    grid=(NB,),
    in_specs=[_rows_spec(),
              pl.BlockSpec((NC, 1, BR, DH), lambda i: (0, 0, i, 0)),
              _full_spec((H, H))],
    out_specs=[_half_spec(), _rows_spec()],
    out_shape=[jax.ShapeDtypeStruct((2, NP, DH), _f32),
               jax.ShapeDtypeStruct((NP, D), _f32)],
)

_mid_kernel = pl.pallas_call(
    _mid_body,
    grid=(NB,),
    in_specs=[_pair_spec(), _half_spec(), _rows_spec(),
              _full_spec((1, H)), _full_spec((H, H))],
    out_specs=_half_spec(),
    out_shape=jax.ShapeDtypeStruct((2, NP, DH), _f32),
)

_fin_kernel = pl.pallas_call(
    _fin_body,
    grid=(NB,),
    in_specs=[_pair_spec(), _half_spec(), _rows_spec(),
              _full_spec((1, H)), _full_spec((H, H)), _full_spec((1, H)),
              _full_spec((H, OUT)), _full_spec((1, OUT))],
    out_specs=pl.BlockSpec((1, OUT), lambda i: (0, 0)),
    out_shape=jax.ShapeDtypeStruct((1, OUT), _f32),
    scratch_shapes=[pltpu.VMEM((8, H), _f32)],
    compiler_params=pltpu.CompilerParams(dimension_semantics=("arbitrary",)),
)



def kernel(x, edge_index, W_emb, b_emb, W1, b1, W2, b2, W3, b3,
           W_fc1, b_fc1, W_fc2, b_fc2):
    ei = edge_index.astype(jnp.int32)
    src3 = jnp.pad(ei[0], (0, EP - E), constant_values=N).reshape(NW, G, C)
    dst3 = jnp.pad(ei[1], (0, EP - E), constant_values=N).reshape(NW, G, C)

    zrows = jnp.zeros((NP, DH), _f32)
    ones_c = jnp.ones((C, DH), _f32)

    degP = _deg_kernel(dst3, zrows, ones_c)

    xp = jnp.pad(x, ((0, NP - N), (0, 0)))
    h0 = _h0_kernel(xp, W_emb, b_emb.reshape(1, H))

    u, dinv = _u1_kernel(h0, degP, W1)
    for W_next, b_prev in ((W2, b1), (W3, b2)):
        aggP = _agg2_kernel(u, src3, dst3, zrows)
        u = _mid_kernel(aggP, u, dinv, b_prev.reshape(1, H), W_next)

    aggP = _agg2_kernel(u, src3, dst3, zrows)
    out = _fin_kernel(aggP, u, dinv, b3.reshape(1, H),
                      W_fc1, b_fc1.reshape(1, H), W_fc2, b_fc2.reshape(1, OUT))
    return out

# --- scband reference (transcript-rebuilt; emitter-appended) ---
"""Pipeline reference for scband-topology-aware-gnn-12317966205309 (READ-ONLY COPY).

The authoritative reference and input builder live on the scoring server;
editing this copy changes nothing except your own understanding.
"""

import jax, jax.numpy as jnp
import numpy as np

N = 10000
E = 320000
D = 128
H = 128
OUT = 64


def setup_inputs(seed: int = 0) -> dict:
    key = jax.random.key(seed)
    ks = jax.random.split(key, 14)
    x = jax.random.normal(ks[0], (N, D), dtype=jnp.float32)
    edge_index = jax.random.randint(ks[1], (2, E), 0, N, dtype=jnp.int64)
    s = 0.05
    W_emb = jax.random.normal(ks[2], (D, H), dtype=jnp.float32) * s
    b_emb = jnp.zeros((H,), dtype=jnp.float32)
    W1 = jax.random.normal(ks[3], (H, H), dtype=jnp.float32) * s
    b1 = jnp.zeros((H,), dtype=jnp.float32)
    W2 = jax.random.normal(ks[4], (H, H), dtype=jnp.float32) * s
    b2 = jnp.zeros((H,), dtype=jnp.float32)
    W3 = jax.random.normal(ks[5], (H, H), dtype=jnp.float32) * s
    b3 = jnp.zeros((H,), dtype=jnp.float32)
    W_fc1 = jax.random.normal(ks[6], (H, H), dtype=jnp.float32) * s
    b_fc1 = jnp.zeros((H,), dtype=jnp.float32)
    W_fc2 = jax.random.normal(ks[7], (H, OUT), dtype=jnp.float32) * s
    b_fc2 = jnp.zeros((OUT,), dtype=jnp.float32)
    return {"x": x, "edge_index": edge_index, "W_emb": W_emb, "b_emb": b_emb,
            "W1": W1, "b1": b1, "W2": W2, "b2": b2, "W3": W3, "b3": b3,
            "W_fc1": W_fc1, "b_fc1": b_fc1, "W_fc2": W_fc2, "b_fc2": b_fc2}


def _gcn_conv(h, src, dst, norm, W, b, n_nodes):
    hw = h @ W
    msg = hw[src] * norm[:, None]
    agg = jnp.zeros((n_nodes, hw.shape[1]), dtype=hw.dtype).at[dst].add(msg)
    return agg + b


def reference(x, edge_index, W_emb, b_emb, W1, b1, W2, b2, W3, b3, W_fc1, b_fc1, W_fc2, b_fc2):
    n_nodes = x.shape[0]
    loops = jnp.arange(n_nodes, dtype=edge_index.dtype)
    src = jnp.concatenate([edge_index[0], loops])
    dst = jnp.concatenate([edge_index[1], loops])
    # GCN symmetric normalization with self-loops
    deg = jnp.zeros((n_nodes,), dtype=jnp.float32).at[dst].add(1.0)
    dinv = jnp.where(deg > 0, 1.0 / jnp.sqrt(deg), 0.0)
    norm = dinv[src] * dinv[dst]
    h = x @ W_emb + b_emb
    for W, b in ((W1, b1), (W2, b2), (W3, b3)):
        h = _gcn_conv(h, src, dst, norm, W, b, n_nodes)
        h = jax.nn.relu(h)
        # dropout is identity in eval mode
    g = jnp.mean(h, axis=0, keepdims=True)
    g = jax.nn.relu(g @ W_fc1 + b_fc1)
    out = g @ W_fc2 + b_fc2
    return out

if __name__ == "__main__":
    import jax
    _d = setup_inputs()
    print(jax.jit(kernel)(*tuple(_d.values())))

</pallas_src>

<mosaic_0001>
#map = affine_map<(d0, d1) -> (0, 0, 0)>
#map1 = affine_map<(d0, d1) -> (0, 0)>
#map2 = affine_map<(d0, d1) -> (0, 0, 0, 0)>
module attributes {stable_mosaic.version = 14 : i64} {
  func.func @_deg_body(%arg0: i32, %arg1: i32, %arg2: memref<32x112x96xi32, #tpu.memory_space<hbm>>, %arg3: memref<10240x64xf32, #tpu.memory_space<hbm>>, %arg4: memref<96x64xf32, #tpu.memory_space<hbm>>, %arg5: memref<2x1x10240x64xf32, #tpu.memory_space<hbm>>, %arg6: memref<112x96xi32, #tpu.memory_space<vmem>>, %arg7: memref<96x64xf32, #tpu.memory_space<vmem>>, %arg8: memref<10240x64xf32, #tpu.memory_space<vmem_shared>>, %arg9: memref<!tpu.dma_semaphore, #tpu.memory_space<semaphore_mem>>) attributes {dimension_semantics = [#tpu.dimension_semantics<core_parallel>, #tpu.dimension_semantics<subcore_parallel>], iteration_bounds = array<i64: 2, 16>, scalar_prefetch = 0 : i64, scratch_operands = 4 : i64, tpu.core_type = #tpu.core_type<sc_vector_subcore>, window_params = [{transform_indices = #map}, {transform_indices = #map1}, {transform_indices = #map1}, {transform_indices = #map2}]} {
    %mul3A = arith.constant 16 : i32
    %mul3A_0 = arith.muli %arg0, %mul3A : i32
    %add3A = arith.addi %mul3A_0, %arg1 : i32
    %mul3A_1 = arith.constant 640 : i32
    %mul3A_2 = arith.muli %arg1, %mul3A_1 : i32
    "tpu.region"() ({
      %run_scoped3A_49 = tpu.sem_alloc : memref<!tpu.dma_semaphore, #tpu.memory_space<semaphore_mem>>
      %dma_start3A_50 = arith.constant 0 : i32
      %dma_start3A_51 = arith.constant 0 : i32
      %dma_start3A_52 = tpu.memref_slice %arg2[%add3A, %dma_start3A_50, %dma_start3A_51] : memref<32x112x96xi32, #tpu.memory_space<hbm>> -> memref<1x112x96xi32, #tpu.memory_space<hbm>>
      %dma_start3A_53 = tpu.memref_squeeze %dma_start3A_52 : memref<1x112x96xi32, #tpu.memory_space<hbm>> -> memref<112x96xi32, #tpu.memory_space<hbm>>
      %dma_start3A_54 = arith.constant 0 : i32
      %dma_start3A_55 = arith.constant 0 : i32
      %dma_start3A_56 = tpu.memref_slice %arg2[%add3A, %dma_start3A_54, %dma_start3A_55] : memref<32x112x96xi32, #tpu.memory_space<hbm>> -> memref<1x112x96xi32, #tpu.memory_space<hbm>>
      %dma_start3A_57 = tpu.memref_squeeze %dma_start3A_56 : memref<1x112x96xi32, #tpu.memory_space<hbm>> -> memref<112x96xi32, #tpu.memory_space<hbm>>
      tpu.enqueue_dma source(%dma_start3A_57 : memref<112x96xi32, #tpu.memory_space<hbm>>) target(%arg6 : memref<112x96xi32, #tpu.memory_space<vmem>>) target_semaphore(%run_scoped3A_49 : memref<!tpu.dma_semaphore, #tpu.memory_space<semaphore_mem>>)
      %dma_wait3A_58 = arith.constant 0 : i32
      %dma_wait3A_59 = arith.constant 0 : i32
      %dma_wait3A_60 = tpu.memref_slice %arg2[%add3A, %dma_wait3A_58, %dma_wait3A_59] : memref<32x112x96xi32, #tpu.memory_space<hbm>> -> memref<1x112x96xi32, #tpu.memory_space<hbm>>
      %dma_wait3A_61 = tpu.memref_squeeze %dma_wait3A_60 : memref<1x112x96xi32, #tpu.memory_space<hbm>> -> memref<112x96xi32, #tpu.memory_space<hbm>>
      %dma_wait3A_62 = arith.constant 0 : i32
      %dma_wait3A_63 = arith.constant 0 : i32
      %dma_wait3A_64 = tpu.memref_slice %arg2[%add3A, %dma_wait3A_62, %dma_wait3A_63] : memref<32x112x96xi32, #tpu.memory_space<hbm>> -> memref<1x112x96xi32, #tpu.memory_space<hbm>>
      %dma_wait3A_65 = tpu.memref_squeeze %dma_wait3A_64 : memref<1x112x96xi32, #tpu.memory_space<hbm>> -> memref<112x96xi32, #tpu.memory_space<hbm>>
      tpu.wait_dma2 semaphore(%run_scoped3A_49 : memref<!tpu.dma_semaphore, #tpu.memory_space<semaphore_mem>>) src(%dma_wait3A_65 : memref<112x96xi32, #tpu.memory_space<hbm>>) dst(%arg6 : memref<112x96xi32, #tpu.memory_space<vmem>>)
      tpu.yield
    }) : () -> ()
    "tpu.region"() ({
      %run_scoped3A_49 = tpu.sem_alloc : memref<!tpu.dma_semaphore, #tpu.memory_space<semaphore_mem>>
      tpu.enqueue_dma source(%arg4 : memref<96x64xf32, #tpu.memory_space<hbm>>) target(%arg7 : memref<96x64xf32, #tpu.memory_space<vmem>>) target_semaphore(%run_scoped3A_49 : memref<!tpu.dma_semaphore, #tpu.memory_space<semaphore_mem>>)
      tpu.wait_dma2 semaphore(%run_scoped3A_49 : memref<!tpu.dma_semaphore, #tpu.memory_space<semaphore_mem>>) src(%arg4 : memref<96x64xf32, #tpu.memory_space<hbm>>) dst(%arg7 : memref<96x64xf32, #tpu.memory_space<vmem>>)
      tpu.yield
    }) : () -> ()
    "tpu.region"() ({
      %run_scoped3A_49 = tpu.sem_alloc : memref<!tpu.dma_semaphore, #tpu.memory_space<semaphore_mem>>
      %dma_start3A_50 = arith.constant 0 : i32
      %dma_start3A_51 = tpu.memref_slice %arg8[%mul3A_2, %dma_start3A_50] : memref<10240x64xf32, #tpu.memory_space<vmem_shared>> -> memref<640x64xf32, #tpu.memory_space<vmem_shared>>
      %dma_start3A_52 = arith.constant 0 : i32
      %dma_start3A_53 = tpu.memref_slice %arg3[%mul3A_2, %dma_start3A_52] : memref<10240x64xf32, #tpu.memory_space<hbm>> -> memref<640x64xf32, #tpu.memory_space<hbm>>
      tpu.enqueue_dma source(%dma_start3A_53 : memref<640x64xf32, #tpu.memory_space<hbm>>) target(%dma_start3A_51 : memref<640x64xf32, #tpu.memory_space<vmem_shared>>) target_semaphore(%run_scoped3A_49 : memref<!tpu.dma_semaphore, #tpu.memory_space<semaphore_mem>>)
      %dma_wait3A_54 = arith.constant 0 : i32
      %dma_wait3A_55 = tpu.memref_slice %arg8[%mul3A_2, %dma_wait3A_54] : memref<10240x64xf32, #tpu.memory_space<vmem_shared>> -> memref<640x64xf32, #tpu.memory_space<vmem_shared>>
      %dma_wait3A_56 = arith.constant 0 : i32
      %dma_wait3A_57 = tpu.memref_slice %arg3[%mul3A_2, %dma_wait3A_56] : memref<10240x64xf32, #tpu.memory_space<hbm>> -> memref<640x64xf32, #tpu.memory_space<hbm>>
      tpu.wait_dma2 semaphore(%run_scoped3A_49 : memref<!tpu.dma_semaphore, #tpu.memory_space<semaphore_mem>>) src(%dma_wait3A_57 : memref<640x64xf32, #tpu.memory_space<hbm>>) dst(%dma_wait3A_55 : memref<640x64xf32, #tpu.memory_space<vmem_shared>>)
      tpu.yield
    }) : () -> ()
    %barrier3A = arith.constant 0 : index
    tpu.barrier barrier_id(%barrier3A)
    %dma_start3A = arith.constant 0 : i32
    %dma_start3A_3 = arith.constant 0 : i32
    %dma_start3A_4 = tpu.memref_slice %arg6[%dma_start3A, %dma_start3A_3] : memref<112x96xi32, #tpu.memory_space<vmem>> -> memref<1x96xi32, #tpu.memory_space<vmem>>
    %dma_start3A_5 = tpu.memref_squeeze %dma_start3A_4 : memref<1x96xi32, #tpu.memory_space<vmem>> -> memref<96xi32, #tpu.memory_space<vmem>>
    %dma_start3A_6 = arith.constant 0 : i32
    %dma_start3A_7 = arith.constant 0 : i32
    %dma_start3A_8 = tpu.memref_slice %arg8[%dma_start3A_6, %dma_start3A_7] : memref<10240x64xf32, #tpu.memory_space<vmem_shared>> -> memref<10240x64xf32, #tpu.memory_space<vmem_shared>>
    tpu.enqueue_indirect_dma source(%arg7 : memref<96x64xf32, #tpu.memory_space<vmem>>) target(%dma_start3A_8 : memref<10240x64xf32, #tpu.memory_space<vmem_shared>>) offsets(%dma_start3A_5 : memref<96xi32, #tpu.memory_space<vmem>>) semaphore(%arg9 : memref<!tpu.dma_semaphore, #tpu.memory_space<semaphore_mem>>) {add = true}
    %dma_start3A_9 = arith.constant 1 : i32
    %dma_start3A_10 = arith.constant 0 : i32
    %dma_start3A_11 = tpu.memref_slice %arg6[%dma_start3A_9, %dma_start3A_10] : memref<112x96xi32, #tpu.memory_space<vmem>> -> memref<1x96xi32, #tpu.memory_space<vmem>>
    %dma_start3A_12 = tpu.memref_squeeze %dma_start3A_11 : memref<1x96xi32, #tpu.memory_space<vmem>> -> memref<96xi32, #tpu.memory_space<vmem>>
    %dma_start3A_13 = arith.constant 0 : i32
    %dma_start3A_14 = arith.constant 0 : i32
    %dma_start3A_15 = tpu.memref_slice %arg8[%dma_start3A_13, %dma_start3A_14] : memref<10240x64xf32, #tpu.memory_space<vmem_shared>> -> memref<10240x64xf32, #tpu.memory_space<vmem_shared>>
    tpu.enqueue_indirect_dma source(%arg7 : memref<96x64xf32, #tpu.memory_space<vmem>>) target(%dma_start3A_15 : memref<10240x64xf32, #tpu.memory_space<vmem_shared>>) offsets(%dma_start3A_12 : memref<96xi32, #tpu.memory_space<vmem>>) semaphore(%arg9 : memref<!tpu.dma_semaphore, #tpu.memory_space<semaphore_mem>>) {add = true}
    %dma_start3A_16 = arith.constant 2 : i32
    %dma_start3A_17 = arith.constant 0 : i32
    %dma_start3A_18 = tpu.memref_slice %arg6[%dma_start3A_16, %dma_start3A_17] : memref<112x96xi32, #tpu.memory_space<vmem>> -> memref<1x96xi32, #tpu.memory_space<vmem>>
    %dma_start3A_19 = tpu.memref_squeeze %dma_start3A_18 : memref<1x96xi32, #tpu.memory_space<vmem>> -> memref<96xi32, #tpu.memory_space<vmem>>
    %dma_start3A_20 = arith.constant 0 : i32
    %dma_start3A_21 = arith.constant 0 : i32
    %dma_start3A_22 = tpu.memref_slice %arg8[%dma_start3A_20, %dma_start3A_21] : memref<10240x64xf32, #tpu.memory_space<vmem_shared>> -> memref<10240x64xf32, #tpu.memory_space<vmem_shared>>
    tpu.enqueue_indirect_dma source(%arg7 : memref<96x64xf32, #tpu.memory_space<vmem>>) target(%dma_start3A_22 : memref<10240x64xf32, #tpu.memory_space<vmem_shared>>) offsets(%dma_start3A_19 : memref<96xi32, #tpu.memory_space<vmem>>) semaphore(%arg9 : memref<!tpu.dma_semaphore, #tpu.memory_space<semaphore_mem>>) {add = true}
    %scan3A = arith.constant 0 : i32
    %scan3A_23 = arith.constant 0 : i32
    %scan3A_24 = arith.constant 109 : i32
    %scan3A_25 = arith.addi %scan3A_23, %scan3A_24 : i32
    %scan3A_26 = arith.constant 1 : i32
    scf.for %scan3A_49 = %scan3A_23 to %scan3A_25 step %scan3A_26  : i32 {
      %dma_wait3A_50 = arith.constant 0 : i32
      %dma_wait3A_51 = arith.constant 0 : i32
      %dma_wait3A_52 = tpu.memref_slice %arg6[%dma_wait3A_50, %dma_wait3A_51] : memref<112x96xi32, #tpu.memory_space<vmem>> -> memref<1x96xi32, #tpu.memory_space<vmem>>
      %dma_wait3A_53 = tpu.memref_squeeze %dma_wait3A_52 : memref<1x96xi32, #tpu.memory_space<vmem>> -> memref<96xi32, #tpu.memory_space<vmem>>
      %dma_wait3A_54 = arith.constant 0 : i32
      %dma_wait3A_55 = arith.constant 0 : i32
      %dma_wait3A_56 = tpu.memref_slice %arg8[%dma_wait3A_54, %dma_wait3A_55] : memref<10240x64xf32, #tpu.memory_space<vmem_shared>> -> memref<10240x64xf32, #tpu.memory_space<vmem_shared>>
      tpu.wait_indirect_dma semaphore(%arg9 : memref<!tpu.dma_semaphore, #tpu.memory_space<semaphore_mem>>) src(%arg7 : memref<96x64xf32, #tpu.memory_space<vmem>>) dst(%dma_wait3A_56 : memref<10240x64xf32, #tpu.memory_space<vmem_shared>>)
      %add3A_57 = arith.constant 3 : i32
      %add3A_58 = arith.addi %scan3A_49, %add3A_57 : i32
      %dma_start3A_59 = arith.constant 0 : i32
      %dma_start3A_60 = tpu.memref_slice %arg6[%add3A_58, %dma_start3A_59] : memref<112x96xi32, #tpu.memory_space<vmem>> -> memref<1x96xi32, #tpu.memory_space<vmem>>
      %dma_start3A_61 = tpu.memref_squeeze %dma_start3A_60 : memref<1x96xi32, #tpu.memory_space<vmem>> -> memref<96xi32, #tpu.memory_space<vmem>>
      %dma_start3A_62 = arith.constant 0 : i32
      %dma_start3A_63 = arith.constant 0 : i32
      %dma_start3A_64 = tpu.memref_slice %arg8[%dma_start3A_62, %dma_start3A_63] : memref<10240x64xf32, #tpu.memory_space<vmem_shared>> -> memref<10240x64xf32, #tpu.memory_space<vmem_shared>>
      tpu.enqueue_indirect_dma source(%arg7 : memref<96x64xf32, #tpu.memory_space<vmem>>) target(%dma_start3A_64 : memref<10240x64xf32, #tpu.memory_space<vmem_shared>>) offsets(%dma_start3A_61 : memref<96xi32, #tpu.memory_space<vmem>>) semaphore(%arg9 : memref<!tpu.dma_semaphore, #tpu.memory_space<semaphore_mem>>) {add = true}
    }
    %scan3A_27 = arith.constant 109 : i32
    %dma_wait3A = arith.constant 0 : i32
    %dma_wait3A_28 = arith.constant 0 : i32
    %dma_wait3A_29 = tpu.memref_slice %arg6[%dma_wait3A, %dma_wait3A_28] : memref<112x96xi32, #tpu.memory_space<vmem>> -> memref<1x96xi32, #tpu.memory_space<vmem>>
    %dma_wait3A_30 = tpu.memref_squeeze %dma_wait3A_29 : memref<1x96xi32, #tpu.memory_space<vmem>> -> memref<96xi32, #tpu.memory_space<vmem>>
    %dma_wait3A_31 = arith.constant 0 : i32
    %dma_wait3A_32 = arith.constant 0 : i32
    %dma_wait3A_33 = tpu.memref_slice %arg8[%dma_wait3A_31, %dma_wait3A_32] : memref<10240x64xf32, #tpu.memory_space<vmem_shared>> -> memref<10240x64xf32, #tpu.memory_space<vmem_shared>>
    tpu.wait_indirect_dma semaphore(%arg9 : memref<!tpu.dma_semaphore, #tpu.memory_space<semaphore_mem>>) src(%arg7 : memref<96x64xf32, #tpu.memory_space<vmem>>) dst(%dma_wait3A_33 : memref<10240x64xf32, #tpu.memory_space<vmem_shared>>)
    %dma_wait3A_34 = arith.constant 0 : i32
    %dma_wait3A_35 = arith.constant 0 : i32
    %dma_wait3A_36 = tpu.memref_slice %arg6[%dma_wait3A_34, %dma_wait3A_35] : memref<112x96xi32, #tpu.memory_space<vmem>> -> memref<1x96xi32, #tpu.memory_space<vmem>>
    %dma_wait3A_37 = tpu.memref_squeeze %dma_wait3A_36 : memref<1x96xi32, #tpu.memory_space<vmem>> -> memref<96xi32, #tpu.memory_space<vmem>>
    %dma_wait3A_38 = arith.constant 0 : i32
    %dma_wait3A_39 = arith.constant 0 : i32
    %dma_wait3A_40 = tpu.memref_slice %arg8[%dma_wait3A_38, %dma_wait3A_39] : memref<10240x64xf32, #tpu.memory_space<vmem_shared>> -> memref<10240x64xf32, #tpu.memory_space<vmem_shared>>
    tpu.wait_indirect_dma semaphore(%arg9 : memref<!tpu.dma_semaphore, #tpu.memory_space<semaphore_mem>>) src(%arg7 : memref<96x64xf32, #tpu.memory_space<vmem>>) dst(%dma_wait3A_40 : memref<10240x64xf32, #tpu.memory_space<vmem_shared>>)
    %dma_wait3A_41 = arith.constant 0 : i32
    %dma_wait3A_42 = arith.constant 0 : i32
    %dma_wait3A_43 = tpu.memref_slice %arg6[%dma_wait3A_41, %dma_wait3A_42] : memref<112x96xi32, #tpu.memory_space<vmem>> -> memref<1x96xi32, #tpu.memory_space<vmem>>
    %dma_wait3A_44 = tpu.memref_squeeze %dma_wait3A_43 : memref<1x96xi32, #tpu.memory_space<vmem>> -> memref<96xi32, #tpu.memory_space<vmem>>
    %dma_wait3A_45 = arith.constant 0 : i32
    %dma_wait3A_46 = arith.constant 0 : i32
    %dma_wait3A_47 = tpu.memref_slice %arg8[%dma_wait3A_45, %dma_wait3A_46] : memref<10240x64xf32, #tpu.memory_space<vmem_shared>> -> memref<10240x64xf32, #tpu.memory_space<vmem_shared>>
    tpu.wait_indirect_dma semaphore(%arg9 : memref<!tpu.dma_semaphore, #tpu.memory_space<semaphore_mem>>) src(%arg7 : memref<96x64xf32, #tpu.memory_space<vmem>>) dst(%dma_wait3A_47 : memref<10240x64xf32, #tpu.memory_space<vmem_shared>>)
    %barrier3A_48 = arith.constant 0 : index
    tpu.barrier barrier_id(%barrier3A_48)
    %run_scoped3A = arith.constant 0 : i32
    "tpu.region"() ({
      %run_scoped3A_49 = tpu.sem_alloc : memref<!tpu.dma_semaphore, #tpu.memory_space<semaphore_mem>>
      %dma_start3A_50 = arith.constant 0 : i32
      %dma_start3A_51 = arith.constant 0 : i32
      %dma_start3A_52 = arith.constant 0 : i32
      %dma_start3A_53 = tpu.memref_slice %arg5[%arg0, %dma_start3A_50, %dma_start3A_51, %dma_start3A_52] : memref<2x1x10240x64xf32, #tpu.memory_space<hbm>> -> memref<1x1x10240x64xf32, #tpu.memory_space<hbm>>
      %dma_start3A_54 = tpu.memref_squeeze %dma_start3A_53 : memref<1x1x10240x64xf32, #tpu.memory_space<hbm>> -> memref<1x10240x64xf32, #tpu.memory_space<hbm>>
      %dma_start3A_55 = arith.constant 0 : i32
      %dma_start3A_56 = arith.constant 0 : i32
      %dma_start3A_57 = tpu.memref_slice %dma_start3A_54[%run_scoped3A, %dma_start3A_55, %dma_start3A_56] : memref<1x10240x64xf32, #tpu.memory_space<hbm>> -> memref<1x10240x64xf32, #tpu.memory_space<hbm>>
      %dma_start3A_58 = tpu.memref_squeeze %dma_start3A_57 : memref<1x10240x64xf32, #tpu.memory_space<hbm>> -> memref<10240x64xf32, #tpu.memory_space<hbm>>
      %dma_start3A_59 = arith.constant 0 : i32
      %dma_start3A_60 = tpu.memref_slice %dma_start3A_58[%mul3A_2, %dma_start3A_59] : memref<10240x64xf32, #tpu.memory_space<hbm>> -> memref<640x64xf32, #tpu.memory_space<hbm>>
      %dma_start3A_61 = arith.constant 0 : i32
      %dma_start3A_62 = tpu.memref_slice %arg8[%mul3A_2, %dma_start3A_61] : memref<10240x64xf32, #tpu.memory_space<vmem_shared>> -> memref<640x64xf32, #tpu.memory_space<vmem_shared>>
      tpu.enqueue_dma source(%dma_start3A_62 : memref<640x64xf32, #tpu.memory_space<vmem_shared>>) target(%dma_start3A_60 : memref<640x64xf32, #tpu.memory_space<hbm>>) target_semaphore(%run_scoped3A_49 : memref<!tpu.dma_semaphore, #tpu.memory_space<semaphore_mem>>)
      %dma_wait3A_63 = arith.constant 0 : i32
      %dma_wait3A_64 = arith.constant 0 : i32
      %dma_wait3A_65 = arith.constant 0 : i32
      %dma_wait3A_66 = tpu.memref_slice %arg5[%arg0, %dma_wait3A_63, %dma_wait3A_64, %dma_wait3A_65] : memref<2x1x10240x64xf32, #tpu.memory_space<hbm>> -> memref<1x1x10240x64xf32, #tpu.memory_space<hbm>>
      %dma_wait3A_67 = tpu.memref_squeeze %dma_wait3A_66 : memref<1x1x10240x64xf32, #tpu.memory_space<hbm>> -> memref<1x10240x64xf32, #tpu.memory_space<hbm>>
      %dma_wait3A_68 = arith.constant 0 : i32
      %dma_wait3A_69 = arith.constant 0 : i32
      %dma_wait3A_70 = tpu.memref_slice %dma_wait3A_67[%run_scoped3A, %dma_wait3A_68, %dma_wait3A_69] : memref<1x10240x64xf32, #tpu.memory_space<hbm>> -> memref<1x10240x64xf32, #tpu.memory_space<hbm>>
      %dma_wait3A_71 = tpu.memref_squeeze %dma_wait3A_70 : memref<1x10240x64xf32, #tpu.memory_space<hbm>> -> memref<10240x64xf32, #tpu.memory_space<hbm>>
      %dma_wait3A_72 = arith.constant 0 : i32
      %dma_wait3A_73 = tpu.memref_slice %dma_wait3A_71[%mul3A_2, %dma_wait3A_72] : memref<10240x64xf32, #tpu.memory_space<hbm>> -> memref<640x64xf32, #tpu.memory_space<hbm>>
      %dma_wait3A_74 = arith.constant 0 : i32
      %dma_wait3A_75 = tpu.memref_slice %arg8[%mul3A_2, %dma_wait3A_74] : memref<10240x64xf32, #tpu.memory_space<vmem_shared>> -> memref<640x64xf32, #tpu.memory_space<vmem_shared>>
      tpu.wait_dma2 semaphore(%run_scoped3A_49 : memref<!tpu.dma_semaphore, #tpu.memory_space<semaphore_mem>>) src(%dma_wait3A_75 : memref<640x64xf32, #tpu.memory_space<vmem_shared>>) dst(%dma_wait3A_73 : memref<640x64xf32, #tpu.memory_space<hbm>>)
      tpu.yield
    }) : () -> ()
    return
  }
}

#map = affine_map<(d0, d1) -> (0, 0, 0)>
#map1 = affine_map<(d0, d1) -> (0, 0)>
#map2 = affine_map<(d0, d1) -> (0, 0, 0, 0)>
module attributes {stable_mosaic.version = 14 : i64} {
  func.func @body(%arg0: i32, %arg1: i32, %arg2: memref<2x10240x64xf32, #tpu.memory_space<hbm>>, %arg3: memref<32x112x96xi32, #tpu.memory_space<hbm>>, %arg4: memref<32x112x96xi32, #tpu.memory_space<hbm>>, %arg5: memref<10240x64xf32, #tpu.memory_space<hbm>>, %arg6: memref<2x2x10240x64xf32, #tpu.memory_space<hbm>>, %arg7: memref<112x96xi32, #tpu.memory_space<vmem>>, %arg8: memref<112x96xi32, #tpu.memory_space<vmem>>, %arg9: memref<4x96x64xf32, #tpu.memory_space<vmem>>, %arg10: memref<10240x64xf32, #tpu.memory_space<vmem_shared>>, %arg11: memref<10240x64xf32, #tpu.memory_space<vmem_shared>>, %arg12: memref<!tpu.dma_semaphore, #tpu.memory_space<semaphore_mem>>, %arg13: memref<!tpu.dma_semaphore, #tpu.memory_space<semaphore_mem>>, %arg14: memref<!tpu.dma_semaphore, #tpu.memory_space<semaphore_mem>>, %arg15: memref<!tpu.dma_semaphore, #tpu.memory_space<semaphore_mem>>, %arg16: memref<!tpu.dma_semaphore, #tpu.memory_space<semaphore_mem>>, %arg17: memref<!tpu.dma_semaphore, #tpu.memory_space<semaphore_mem>>, %arg18: memref<!tpu.dma_semaphore, #tpu.memory_space<semaphore_mem>>, %arg19: memref<!tpu.dma_semaphore, #tpu.memory_space<semaphore_mem>>) attributes {dimension_semantics = [#tpu.dimension_semantics<core_parallel>, #tpu.dimension_semantics<subcore_parallel>], iteration_bounds = array<i64: 2, 16>, scalar_prefetch = 0 : i64, scratch_operands = 13 : i64, tpu.core_type = #tpu.core_type<sc_vector_subcore>, window_params = [{transform_indices = #map}, {transform_indices = #map}, {transform_indices = #map}, {transform_indices = #map1}, {transform_indices = #map2}]} {
    %mul3A = arith.constant 16 : i32
    %mul3A_0 = arith.muli %arg0, %mul3A : i32
    %add3A = arith.addi %mul3A_0, %arg1 : i32
    %mul3A_1 = arith.constant 640 : i32
    %mul3A_2 = arith.muli %arg1, %mul3A_1 : i32
    "tpu.region"() ({
      %run_scoped3A_115 = tpu.sem_alloc : memref<!tpu.dma_semaphore, #tpu.memory_space<semaphore_mem>>
      %dma_start3A_116 = arith.constant 0 : i32
      %dma_start3A_117 = arith.constant 0 : i32
      %dma_start3A_118 = tpu.memref_slice %arg3[%add3A, %dma_start3A_116, %dma_start3A_117] : memref<32x112x96xi32, #tpu.memory_space<hbm>> -> memref<1x112x96xi32, #tpu.memory_space<hbm>>
      %dma_start3A_119 = tpu.memref_squeeze %dma_start3A_118 : memref<1x112x96xi32, #tpu.memory_space<hbm>> -> memref<112x96xi32, #tpu.memory_space<hbm>>
      %dma_start3A_120 = arith.constant 0 : i32
      %dma_start3A_121 = arith.constant 0 : i32
      %dma_start3A_122 = tpu.memref_slice %arg3[%add3A, %dma_start3A_120, %dma_start3A_121] : memref<32x112x96xi32, #tpu.memory_space<hbm>> -> memref<1x112x96xi32, #tpu.memory_space<hbm>>
      %dma_start3A_123 = tpu.memref_squeeze %dma_start3A_122 : memref<1x112x96xi32, #tpu.memory_space<hbm>> -> memref<112x96xi32, #tpu.memory_space<hbm>>
      tpu.enqueue_dma source(%dma_start3A_123 : memref<112x96xi32, #tpu.memory_space<hbm>>) target(%arg7 : memref<112x96xi32, #tpu.memory_space<vmem>>) target_semaphore(%run_scoped3A_115 : memref<!tpu.dma_semaphore, #tpu.memory_space<semaphore_mem>>)
      %dma_wait3A_124 = arith.constant 0 : i32
      %dma_wait3A_125 = arith.constant 0 : i32
      %dma_wait3A_126 = tpu.memref_slice %arg3[%add3A, %dma_wait3A_124, %dma_wait3A_125] : memref<32x112x96xi32, #tpu.memory_space<hbm>> -> memref<1x112x96xi32, #tpu.memory_space<hbm>>
      %dma_wait3A_127 = tpu.memref_squeeze %dma_wait3A_126 : memref<1x112x96xi32, #tpu.memory_space<hbm>> -> memref<112x96xi32, #tpu.memory_space<hbm>>
      %dma_wait3A_128 = arith.constant 0 : i32
      %dma_wait3A_129 = arith.constant 0 : i32
      %dma_wait3A_130 = tpu.memref_slice %arg3[%add3A, %dma_wait3A_128, %dma_wait3A_129] : memref<32x112x96xi32, #tpu.memory_space<hbm>> -> memref<1x112x96xi32, #tpu.memory_space<hbm>>
      %dma_wait3A_131 = tpu.memref_squeeze %dma_wait3A_130 : memref<1x112x96xi32, #tpu.memory_space<hbm>> -> memref<112x96xi32, #tpu.memory_space<hbm>>
      tpu.wait_dma2 semaphore(%run_scoped3A_115 : memref<!tpu.dma_semaphore, #tpu.memory_space<semaphore_mem>>) src(%dma_wait3A_131 : memref<112x96xi32, #tpu.memory_space<hbm>>) dst(%arg7 : memref<112x96xi32, #tpu.memory_space<vmem>>)
      tpu.yield
    }) : () -> ()
    "tpu.region"() ({
      %run_scoped3A_115 = tpu.sem_alloc : memref<!tpu.dma_semaphore, #tpu.memory_space<semaphore_mem>>
      %dma_start3A_116 = arith.constant 0 : i32
      %dma_start3A_117 = arith.constant 0 : i32
      %dma_start3A_118 = tpu.memref_slice %arg4[%add3A, %dma_start3A_116, %dma_start3A_117] : memref<32x112x96xi32, #tpu.memory_space<hbm>> -> memref<1x112x96xi32, #tpu.memory_space<hbm>>
      %dma_start3A_119 = tpu.memref_squeeze %dma_start3A_118 : memref<1x112x96xi32, #tpu.memory_space<hbm>> -> memref<112x96xi32, #tpu.memory_space<hbm>>
      %dma_start3A_120 = arith.constant 0 : i32
      %dma_start3A_121 = arith.constant 0 : i32
      %dma_start3A_122 = tpu.memref_slice %arg4[%add3A, %dma_start3A_120, %dma_start3A_121] : memref<32x112x96xi32, #tpu.memory_space<hbm>> -> memref<1x112x96xi32, #tpu.memory_space<hbm>>
      %dma_start3A_123 = tpu.memref_squeeze %dma_start3A_122 : memref<1x112x96xi32, #tpu.memory_space<hbm>> -> memref<112x96xi32, #tpu.memory_space<hbm>>
      tpu.enqueue_dma source(%dma_start3A_123 : memref<112x96xi32, #tpu.memory_space<hbm>>) target(%arg8 : memref<112x96xi32, #tpu.memory_space<vmem>>) target_semaphore(%run_scoped3A_115 : memref<!tpu.dma_semaphore, #tpu.memory_space<semaphore_mem>>)
      %dma_wait3A_124 = arith.constant 0 : i32
      %dma_wait3A_125 = arith.constant 0 : i32
      %dma_wait3A_126 = tpu.memref_slice %arg4[%add3A, %dma_wait3A_124, %dma_wait3A_125] : memref<32x112x96xi32, #tpu.memory_space<hbm>> -> memref<1x112x96xi32, #tpu.memory_space<hbm>>
      %dma_wait3A_127 = tpu.memref_squeeze %dma_wait3A_126 : memref<1x112x96xi32, #tpu.memory_space<hbm>> -> memref<112x96xi32, #tpu.memory_space<hbm>>
      %dma_wait3A_128 = arith.constant 0 : i32
      %dma_wait3A_129 = arith.constant 0 : i32
      %dma_wait3A_130 = tpu.memref_slice %arg4[%add3A, %dma_wait3A_128, %dma_wait3A_129] : memref<32x112x96xi32, #tpu.memory_space<hbm>> -> memref<1x112x96xi32, #tpu.memory_space<hbm>>
      %dma_wait3A_131 = tpu.memref_squeeze %dma_wait3A_130 : memref<1x112x96xi32, #tpu.memory_space<hbm>> -> memref<112x96xi32, #tpu.memory_space<hbm>>
      tpu.wait_dma2 semaphore(%run_scoped3A_115 : memref<!tpu.dma_semaphore, #tpu.memory_space<semaphore_mem>>) src(%dma_wait3A_131 : memref<112x96xi32, #tpu.memory_space<hbm>>) dst(%arg8 : memref<112x96xi32, #tpu.memory_space<vmem>>)
      tpu.yield
    }) : () -> ()
    %run_scoped3A = arith.constant 0 : i32
    "tpu.region"() ({
      %run_scoped3A_115 = tpu.sem_alloc : memref<!tpu.dma_semaphore, #tpu.memory_space<semaphore_mem>>
      %dma_start3A_116 = arith.constant 0 : i32
      %dma_start3A_117 = tpu.memref_slice %arg11[%mul3A_2, %dma_start3A_116] : memref<10240x64xf32, #tpu.memory_space<vmem_shared>> -> memref<640x64xf32, #tpu.memory_space<vmem_shared>>
      %dma_start3A_118 = arith.constant 0 : i32
      %dma_start3A_119 = arith.constant 0 : i32
      %dma_start3A_120 = tpu.memref_slice %arg2[%run_scoped3A, %dma_start3A_118, %dma_start3A_119] : memref<2x10240x64xf32, #tpu.memory_space<hbm>> -> memref<1x10240x64xf32, #tpu.memory_space<hbm>>
      %dma_start3A_121 = tpu.memref_squeeze %dma_start3A_120 : memref<1x10240x64xf32, #tpu.memory_space<hbm>> -> memref<10240x64xf32, #tpu.memory_space<hbm>>
      %dma_start3A_122 = arith.constant 0 : i32
      %dma_start3A_123 = tpu.memref_slice %dma_start3A_121[%mul3A_2, %dma_start3A_122] : memref<10240x64xf32, #tpu.memory_space<hbm>> -> memref<640x64xf32, #tpu.memory_space<hbm>>
      tpu.enqueue_dma source(%dma_start3A_123 : memref<640x64xf32, #tpu.memory_space<hbm>>) target(%dma_start3A_117 : memref<640x64xf32, #tpu.memory_space<vmem_shared>>) target_semaphore(%run_scoped3A_115 : memref<!tpu.dma_semaphore, #tpu.memory_space<semaphore_mem>>)
      %dma_wait3A_124 = arith.constant 0 : i32
      %dma_wait3A_125 = tpu.memref_slice %arg11[%mul3A_2, %dma_wait3A_124] : memref<10240x64xf32, #tpu.memory_space<vmem_shared>> -> memref<640x64xf32, #tpu.memory_space<vmem_shared>>
      %dma_wait3A_126 = arith.constant 0 : i32
      %dma_wait3A_127 = arith.constant 0 : i32
      %dma_wait3A_128 = tpu.memref_slice %arg2[%run_scoped3A, %dma_wait3A_126, %dma_wait3A_127] : memref<2x10240x64xf32, #tpu.memory_space<hbm>> -> memref<1x10240x64xf32, #tpu.memory_space<hbm>>
      %dma_wait3A_129 = tpu.memref_squeeze %dma_wait3A_128 : memref<1x10240x64xf32, #tpu.memory_space<hbm>> -> memref<10240x64xf32, #tpu.memory_space<hbm>>
      %dma_wait3A_130 = arith.constant 0 : i32
      %dma_wait3A_131 = tpu.memref_slice %dma_wait3A_129[%mul3A_2, %dma_wait3A_130] : memref<10240x64xf32, #tpu.memory_space<hbm>> -> memref<640x64xf32, #tpu.memory_space<hbm>>
      tpu.wait_dma2 semaphore(%run_scoped3A_115 : memref<!tpu.dma_semaphore, #tpu.memory_space<semaphore_mem>>) src(%dma_wait3A_131 : memref<640x64xf32, #tpu.memory_space<hbm>>) dst(%dma_wait3A_125 : memref<640x64xf32, #tpu.memory_space<vmem_shared>>)
      tpu.yield
    }) : () -> ()
    "tpu.region"() ({
      %run_scoped3A_115 = tpu.sem_alloc : memref<!tpu.dma_semaphore, #tpu.memory_space<semaphore_mem>>
      %dma_start3A_116 = arith.constant 0 : i32
      %dma_start3A_117 = tpu.memref_slice %arg10[%mul3A_2, %dma_start3A_116] : memref<10240x64xf32, #tpu.memory_space<vmem_shared>> -> memref<640x64xf32, #tpu.memory_space<vmem_shared>>
      %dma_start3A_118 = arith.constant 0 : i32
      %dma_start3A_119 = tpu.memref_slice %arg5[%mul3A_2, %dma_start3A_118] : memref<10240x64xf32, #tpu.memory_space<hbm>> -> memref<640x64xf32, #tpu.memory_space<hbm>>
      tpu.enqueue_dma source(%dma_start3A_119 : memref<640x64xf32, #tpu.memory_space<hbm>>) target(%dma_start3A_117 : memref<640x64xf32, #tpu.memory_space<vmem_shared>>) target_semaphore(%run_scoped3A_115 : memref<!tpu.dma_semaphore, #tpu.memory_space<semaphore_mem>>)
      %dma_wait3A_120 = arith.constant 0 : i32
      %dma_wait3A_121 = tpu.memref_slice %arg10[%mul3A_2, %dma_wait3A_120] : memref<10240x64xf32, #tpu.memory_space<vmem_shared>> -> memref<640x64xf32, #tpu.memory_space<vmem_shared>>
      %dma_wait3A_122 = arith.constant 0 : i32
      %dma_wait3A_123 = tpu.memref_slice %arg5[%mul3A_2, %dma_wait3A_122] : memref<10240x64xf32, #tpu.memory_space<hbm>> -> memref<640x64xf32, #tpu.memory_space<hbm>>
      tpu.wait_dma2 semaphore(%run_scoped3A_115 : memref<!tpu.dma_semaphore, #tpu.memory_space<semaphore_mem>>) src(%dma_wait3A_123 : memref<640x64xf32, #tpu.memory_space<hbm>>) dst(%dma_wait3A_121 : memref<640x64xf32, #tpu.memory_space<vmem_shared>>)
      tpu.yield
    }) : () -> ()
    %barrier3A = arith.constant 0 : index
    tpu.barrier barrier_id(%barrier3A)
    %dma_start3A = arith.constant 0 : i32
    %dma_start3A_3 = arith.constant 0 : i32
    %dma_start3A_4 = arith.constant 0 : i32
    %dma_start3A_5 = arith.constant 0 : i32
    %dma_start3A_6 = tpu.memref_slice %arg9[%dma_start3A_3, %dma_start3A_4, %dma_start3A_5] : memref<4x96x64xf32, #tpu.memory_space<vmem>> -> memref<1x96x64xf32, #tpu.memory_space<vmem>>
    %dma_start3A_7 = tpu.memref_squeeze %dma_start3A_6 : memref<1x96x64xf32, #tpu.memory_space<vmem>> -> memref<96x64xf32, #tpu.memory_space<vmem>>
    %dma_start3A_8 = arith.constant 0 : i32
    %dma_start3A_9 = tpu.memref_slice %arg7[%dma_start3A, %dma_start3A_8] : memref<112x96xi32, #tpu.memory_space<vmem>> -> memref<1x96xi32, #tpu.memory_space<vmem>>
    %dma_start3A_10 = tpu.memref_squeeze %dma_start3A_9 : memref<1x96xi32, #tpu.memory_space<vmem>> -> memref<96xi32, #tpu.memory_space<vmem>>
    %dma_start3A_11 = arith.constant 0 : i32
    %dma_start3A_12 = arith.constant 0 : i32
    %dma_start3A_13 = tpu.memref_slice %arg11[%dma_start3A_11, %dma_start3A_12] : memref<10240x64xf32, #tpu.memory_space<vmem_shared>> -> memref<10240x64xf32, #tpu.memory_space<vmem_shared>>
    tpu.enqueue_indirect_dma source(%dma_start3A_13 : memref<10240x64xf32, #tpu.memory_space<vmem_shared>>) target(%dma_start3A_7 : memref<96x64xf32, #tpu.memory_space<vmem>>) offsets(%dma_start3A_10 : memref<96xi32, #tpu.memory_space<vmem>>) semaphore(%arg12 : memref<!tpu.dma_semaphore, #tpu.memory_space<semaphore_mem>>)
    %dma_start3A_14 = arith.constant 1 : i32
    %dma_start3A_15 = arith.constant 1 : i32
    %dma_start3A_16 = arith.constant 0 : i32
    %dma_start3A_17 = arith.constant 0 : i32
    %dma_start3A_18 = tpu.memref_slice %arg9[%dma_start3A_15, %dma_start3A_16, %dma_start3A_17] : memref<4x96x64xf32, #tpu.memory_space<vmem>> -> memref<1x96x64xf32, #tpu.memory_space<vmem>>
    %dma_start3A_19 = tpu.memref_squeeze %dma_start3A_18 : memref<1x96x64xf32, #tpu.memory_space<vmem>> -> memref<96x64xf32, #tpu.memory_space<vmem>>
    %dma_start3A_20 = arith.constant 0 : i32
    %dma_start3A_21 = tpu.memref_slice %arg7[%dma_start3A_14, %dma_start3A_20] : memref<112x96xi32, #tpu.memory_space<vmem>> -> memref<1x96xi32, #tpu.memory_space<vmem>>
    %dma_start3A_22 = tpu.memref_squeeze %dma_start3A_21 : memref<1x96xi32, #tpu.memory_space<vmem>> -> memref<96xi32, #tpu.memory_space<vmem>>
    %dma_start3A_23 = arith.constant 0 : i32
    %dma_start3A_24 = arith.constant 0 : i32
    %dma_start3A_25 = tpu.memref_slice %arg11[%dma_start3A_23, %dma_start3A_24] : memref<10240x64xf32, #tpu.memory_space<vmem_shared>> -> memref<10240x64xf32, #tpu.memory_space<vmem_shared>>
    tpu.enqueue_indirect_dma source(%dma_start3A_25 : memref<10240x64xf32, #tpu.memory_space<vmem_shared>>) target(%dma_start3A_19 : memref<96x64xf32, #tpu.memory_space<vmem>>) offsets(%dma_start3A_22 : memref<96xi32, #tpu.memory_space<vmem>>) semaphore(%arg13 : memref<!tpu.dma_semaphore, #tpu.memory_space<semaphore_mem>>)
    %scan3A = arith.constant 0 : i32
    %scan3A_26 = arith.constant 0 : i32
    %scan3A_27 = arith.constant 28 : i32
    %scan3A_28 = arith.addi %scan3A_26, %scan3A_27 : i32
    %scan3A_29 = arith.constant 1 : i32
    scf.for %scan3A_115 = %scan3A_26 to %scan3A_28 step %scan3A_29  : i32 {
      %mul3A_116 = arith.constant 4 : i32
      %mul3A_117 = arith.muli %mul3A_116, %scan3A_115 : i32
      %add3A_118 = arith.constant 0 : i32
      %add3A_119 = arith.addi %mul3A_117, %add3A_118 : i32
      %ge3A = arith.constant 1 : i32
      %ge3A_120 = arith.cmpi sge, %scan3A_115, %ge3A : i32
      %convert_element_type3A = arith.extui %ge3A_120 : i1 to i32
      %cond3A = arith.constant 0 : i32
      %cond3A_121 = arith.cmpi ne, %convert_element_type3A, %cond3A : i32
      scf.if %cond3A_121 {
        %dma_wait3A_290 = arith.constant 2 : i32
        %dma_wait3A_291 = arith.constant 0 : i32
        %dma_wait3A_292 = arith.constant 0 : i32
        %dma_wait3A_293 = arith.constant 0 : i32
        %dma_wait3A_294 = tpu.memref_slice %arg9[%dma_wait3A_290, %dma_wait3A_292, %dma_wait3A_293] : memref<4x96x64xf32, #tpu.memory_space<vmem>> -> memref<1x96x64xf32, #tpu.memory_space<vmem>>
        %dma_wait3A_295 = tpu.memref_squeeze %dma_wait3A_294 : memref<1x96x64xf32, #tpu.memory_space<vmem>> -> memref<96x64xf32, #tpu.memory_space<vmem>>
        %dma_wait3A_296 = arith.constant 0 : i32
        %dma_wait3A_297 = tpu.memref_slice %arg8[%dma_wait3A_291, %dma_wait3A_296] : memref<112x96xi32, #tpu.memory_space<vmem>> -> memref<1x96xi32, #tpu.memory_space<vmem>>
        %dma_wait3A_298 = tpu.memref_squeeze %dma_wait3A_297 : memref<1x96xi32, #tpu.memory_space<vmem>> -> memref<96xi32, #tpu.memory_space<vmem>>
        %dma_wait3A_299 = arith.constant 0 : i32
        %dma_wait3A_300 = arith.constant 0 : i32
        %dma_wait3A_301 = tpu.memref_slice %arg10[%dma_wait3A_299, %dma_wait3A_300] : memref<10240x64xf32, #tpu.memory_space<vmem_shared>> -> memref<10240x64xf32, #tpu.memory_space<vmem_shared>>
        tpu.wait_indirect_dma semaphore(%arg18 : memref<!tpu.dma_semaphore, #tpu.memory_space<semaphore_mem>>) src(%dma_wait3A_295 : memref<96x64xf32, #tpu.memory_space<vmem>>) dst(%dma_wait3A_301 : memref<10240x64xf32, #tpu.memory_space<vmem_shared>>)
      } else {
      }
      %add3A_122 = arith.constant 2 : i32
      %add3A_123 = arith.addi %add3A_119, %add3A_122 : i32
      %dma_start3A_124 = arith.constant 2 : i32
      %dma_start3A_125 = arith.constant 0 : i32
      %dma_start3A_126 = arith.constant 0 : i32
      %dma_start3A_127 = tpu.memref_slice %arg9[%dma_start3A_124, %dma_start3A_125, %dma_start3A_126] : memref<4x96x64xf32, #tpu.memory_space<vmem>> -> memref<1x96x64xf32, #tpu.memory_space<vmem>>
      %dma_start3A_128 = tpu.memref_squeeze %dma_start3A_127 : memref<1x96x64xf32, #tpu.memory_space<vmem>> -> memref<96x64xf32, #tpu.memory_space<vmem>>
      %dma_start3A_129 = arith.constant 0 : i32
      %dma_start3A_130 = tpu.memref_slice %arg7[%add3A_123, %dma_start3A_129] : memref<112x96xi32, #tpu.memory_space<vmem>> -> memref<1x96xi32, #tpu.memory_space<vmem>>
      %dma_start3A_131 = tpu.memref_squeeze %dma_start3A_130 : memref<1x96xi32, #tpu.memory_space<vmem>> -> memref<96xi32, #tpu.memory_space<vmem>>
      %dma_start3A_132 = arith.constant 0 : i32
      %dma_start3A_133 = arith.constant 0 : i32
      %dma_start3A_134 = tpu.memref_slice %arg11[%dma_start3A_132, %dma_start3A_133] : memref<10240x64xf32, #tpu.memory_space<vmem_shared>> -> memref<10240x64xf32, #tpu.memory_space<vmem_shared>>
      tpu.enqueue_indirect_dma source(%dma_start3A_134 : memref<10240x64xf32, #tpu.memory_space<vmem_shared>>) target(%dma_start3A_128 : memref<96x64xf32, #tpu.memory_space<vmem>>) offsets(%dma_start3A_131 : memref<96xi32, #tpu.memory_space<vmem>>) semaphore(%arg14 : memref<!tpu.dma_semaphore, #tpu.memory_space<semaphore_mem>>)
      %dma_wait3A_135 = arith.constant 0 : i32
      %dma_wait3A_136 = arith.constant 0 : i32
      %dma_wait3A_137 = arith.constant 0 : i32
      %dma_wait3A_138 = arith.constant 0 : i32
      %dma_wait3A_139 = tpu.memref_slice %arg9[%dma_wait3A_136, %dma_wait3A_137, %dma_wait3A_138] : memref<4x96x64xf32, #tpu.memory_space<vmem>> -> memref<1x96x64xf32, #tpu.memory_space<vmem>>
      %dma_wait3A_140 = tpu.memref_squeeze %dma_wait3A_139 : memref<1x96x64xf32, #tpu.memory_space<vmem>> -> memref<96x64xf32, #tpu.memory_space<vmem>>
      %dma_wait3A_141 = arith.constant 0 : i32
      %dma_wait3A_142 = tpu.memref_slice %arg7[%dma_wait3A_135, %dma_wait3A_141] : memref<112x96xi32, #tpu.memory_space<vmem>> -> memref<1x96xi32, #tpu.memory_space<vmem>>
      %dma_wait3A_143 = tpu.memref_squeeze %dma_wait3A_142 : memref<1x96xi32, #tpu.memory_space<vmem>> -> memref<96xi32, #tpu.memory_space<vmem>>
      %dma_wait3A_144 = arith.constant 0 : i32
      %dma_wait3A_145 = arith.constant 0 : i32
      %dma_wait3A_146 = tpu.memref_slice %arg11[%dma_wait3A_144, %dma_wait3A_145] : memref<10240x64xf32, #tpu.memory_space<vmem_shared>> -> memref<10240x64xf32, #tpu.memory_space<vmem_shared>>
      tpu.wait_indirect_dma semaphore(%arg12 : memref<!tpu.dma_semaphore, #tpu.memory_space<semaphore_mem>>) src(%dma_wait3A_146 : memref<10240x64xf32, #tpu.memory_space<vmem_shared>>) dst(%dma_wait3A_140 : memref<96x64xf32, #tpu.memory_space<vmem>>)
      %dma_start3A_147 = arith.constant 0 : i32
      %dma_start3A_148 = arith.constant 0 : i32
      %dma_start3A_149 = arith.constant 0 : i32
      %dma_start3A_150 = tpu.memref_slice %arg9[%dma_start3A_147, %dma_start3A_148, %dma_start3A_149] : memref<4x96x64xf32, #tpu.memory_space<vmem>> -> memref<1x96x64xf32, #tpu.memory_space<vmem>>
      %dma_start3A_151 = tpu.memref_squeeze %dma_start3A_150 : memref<1x96x64xf32, #tpu.memory_space<vmem>> -> memref<96x64xf32, #tpu.memory_space<vmem>>
      %dma_start3A_152 = arith.constant 0 : i32
      %dma_start3A_153 = tpu.memref_slice %arg8[%add3A_119, %dma_start3A_152] : memref<112x96xi32, #tpu.memory_space<vmem>> -> memref<1x96xi32, #tpu.memory_space<vmem>>
      %dma_start3A_154 = tpu.memref_squeeze %dma_start3A_153 : memref<1x96xi32, #tpu.memory_space<vmem>> -> memref<96xi32, #tpu.memory_space<vmem>>
      %dma_start3A_155 = arith.constant 0 : i32
      %dma_start3A_156 = arith.constant 0 : i32
      %dma_start3A_157 = tpu.memref_slice %arg10[%dma_start3A_155, %dma_start3A_156] : memref<10240x64xf32, #tpu.memory_space<vmem_shared>> -> memref<10240x64xf32, #tpu.memory_space<vmem_shared>>
      tpu.enqueue_indirect_dma source(%dma_start3A_151 : memref<96x64xf32, #tpu.memory_space<vmem>>) target(%dma_start3A_157 : memref<10240x64xf32, #tpu.memory_space<vmem_shared>>) offsets(%dma_start3A_154 : memref<96xi32, #tpu.memory_space<vmem>>) semaphore(%arg16 : memref<!tpu.dma_semaphore, #tpu.memory_space<semaphore_mem>>) {add = true}
      %mul3A_158 = arith.constant 4 : i32
      %mul3A_159 = arith.muli %mul3A_158, %scan3A_115 : i32
      %add3A_160 = arith.constant 1 : i32
      %add3A_161 = arith.addi %mul3A_159, %add3A_160 : i32
      %ge3A_162 = arith.constant 1 : i32
      %ge3A_163 = arith.cmpi sge, %scan3A_115, %ge3A_162 : i32
      %convert_element_type3A_164 = arith.extui %ge3A_163 : i1 to i32
      %cond3A_165 = arith.constant 0 : i32
      %cond3A_166 = arith.cmpi ne, %convert_element_type3A_164, %cond3A_165 : i32
      scf.if %cond3A_166 {
        %dma_wait3A_290 = arith.constant 3 : i32
        %dma_wait3A_291 = arith.constant 0 : i32
        %dma_wait3A_292 = arith.constant 0 : i32
        %dma_wait3A_293 = arith.constant 0 : i32
        %dma_wait3A_294 = tpu.memref_slice %arg9[%dma_wait3A_290, %dma_wait3A_292, %dma_wait3A_293] : memref<4x96x64xf32, #tpu.memory_space<vmem>> -> memref<1x96x64xf32, #tpu.memory_space<vmem>>
        %dma_wait3A_295 = tpu.memref_squeeze %dma_wait3A_294 : memref<1x96x64xf32, #tpu.memory_space<vmem>> -> memref<96x64xf32, #tpu.memory_space<vmem>>
        %dma_wait3A_296 = arith.constant 0 : i32
        %dma_wait3A_297 = tpu.memref_slice %arg8[%dma_wait3A_291, %dma_wait3A_296] : memref<112x96xi32, #tpu.memory_space<vmem>> -> memref<1x96xi32, #tpu.memory_space<vmem>>
        %dma_wait3A_298 = tpu.memref_squeeze %dma_wait3A_297 : memref<1x96xi32, #tpu.memory_space<vmem>> -> memref<96xi32, #tpu.memory_space<vmem>>
        %dma_wait3A_299 = arith.constant 0 : i32
        %dma_wait3A_300 = arith.constant 0 : i32
        %dma_wait3A_301 = tpu.memref_slice %arg10[%dma_wait3A_299, %dma_wait3A_300] : memref<10240x64xf32, #tpu.memory_space<vmem_shared>> -> memref<10240x64xf32, #tpu.memory_space<vmem_shared>>
        tpu.wait_indirect_dma semaphore(%arg19 : memref<!tpu.dma_semaphore, #tpu.memory_space<semaphore_mem>>) src(%dma_wait3A_295 : memref<96x64xf32, #tpu.memory_space<vmem>>) dst(%dma_wait3A_301 : memref<10240x64xf32, #tpu.memory_space<vmem_shared>>)
      } else {
      }
      %add3A_167 = arith.constant 2 : i32
      %add3A_168 = arith.addi %add3A_161, %add3A_167 : i32
      %dma_start3A_169 = arith.constant 3 : i32
      %dma_start3A_170 = arith.constant 0 : i32
      %dma_start3A_171 = arith.constant 0 : i32
      %dma_start3A_172 = tpu.memref_slice %arg9[%dma_start3A_169, %dma_start3A_170, %dma_start3A_171] : memref<4x96x64xf32, #tpu.memory_space<vmem>> -> memref<1x96x64xf32, #tpu.memory_space<vmem>>
      %dma_start3A_173 = tpu.memref_squeeze %dma_start3A_172 : memref<1x96x64xf32, #tpu.memory_space<vmem>> -> memref<96x64xf32, #tpu.memory_space<vmem>>
      %dma_start3A_174 = arith.constant 0 : i32
      %dma_start3A_175 = tpu.memref_slice %arg7[%add3A_168, %dma_start3A_174] : memref<112x96xi32, #tpu.memory_space<vmem>> -> memref<1x96xi32, #tpu.memory_space<vmem>>
      %dma_start3A_176 = tpu.memref_squeeze %dma_start3A_175 : memref<1x96xi32, #tpu.memory_space<vmem>> -> memref<96xi32, #tpu.memory_space<vmem>>
      %dma_start3A_177 = arith.constant 0 : i32
      %dma_start3A_178 = arith.constant 0 : i32
      %dma_start3A_179 = tpu.memref_slice %arg11[%dma_start3A_177, %dma_start3A_178] : memref<10240x64xf32, #tpu.memory_space<vmem_shared>> -> memref<10240x64xf32, #tpu.memory_space<vmem_shared>>
      tpu.enqueue_indirect_dma source(%dma_start3A_179 : memref<10240x64xf32, #tpu.memory_space<vmem_shared>>) target(%dma_start3A_173 : memref<96x64xf32, #tpu.memory_space<vmem>>) offsets(%dma_start3A_176 : memref<96xi32, #tpu.memory_space<vmem>>) semaphore(%arg15 : memref<!tpu.dma_semaphore, #tpu.memory_space<semaphore_mem>>)
      %dma_wait3A_180 = arith.constant 0 : i32
      %dma_wait3A_181 = arith.constant 1 : i32
      %dma_wait3A_182 = arith.constant 0 : i32
      %dma_wait3A_183 = arith.constant 0 : i32
      %dma_wait3A_184 = tpu.memref_slice %arg9[%dma_wait3A_181, %dma_wait3A_182, %dma_wait3A_183] : memref<4x96x64xf32, #tpu.memory_space<vmem>> -> memref<1x96x64xf32, #tpu.memory_space<vmem>>
      %dma_wait3A_185 = tpu.memref_squeeze %dma_wait3A_184 : memref<1x96x64xf32, #tpu.memory_space<vmem>> -> memref<96x64xf32, #tpu.memory_space<vmem>>
      %dma_wait3A_186 = arith.constant 0 : i32
      %dma_wait3A_187 = tpu.memref_slice %arg7[%dma_wait3A_180, %dma_wait3A_186] : memref<112x96xi32, #tpu.memory_space<vmem>> -> memref<1x96xi32, #tpu.memory_space<vmem>>
      %dma_wait3A_188 = tpu.memref_squeeze %dma_wait3A_187 : memref<1x96xi32, #tpu.memory_space<vmem>> -> memref<96xi32, #tpu.memory_space<vmem>>
      %dma_wait3A_189 = arith.constant 0 : i32
      %dma_wait3A_190 = arith.constant 0 : i32
      %dma_wait3A_191 = tpu.memref_slice %arg11[%dma_wait3A_189, %dma_wait3A_190] : memref<10240x64xf32, #tpu.memory_space<vmem_shared>> -> memref<10240x64xf32, #tpu.memory_space<vmem_shared>>
      tpu.wait_indirect_dma semaphore(%arg13 : memref<!tpu.dma_semaphore, #tpu.memory_space<semaphore_mem>>) src(%dma_wait3A_191 : memref<10240x64xf32, #tpu.memory_space<vmem_shared>>) dst(%dma_wait3A_185 : memref<96x64xf32, #tpu.memory_space<vmem>>)
      %dma_start3A_192 = arith.constant 1 : i32
      %dma_start3A_193 = arith.constant 0 : i32
      %dma_start3A_194 = arith.constant 0 : i32
      %dma_start3A_195 = tpu.memref_slice %arg9[%dma_start3A_192, %dma_start3A_193, %dma_start3A_194] : memref<4x96x64xf32, #tpu.memory_space<vmem>> -> memref<1x96x64xf32, #tpu.memory_space<vmem>>
      %dma_start3A_196 = tpu.memref_squeeze %dma_start3A_195 : memref<1x96x64xf32, #tpu.memory_space<vmem>> -> memref<96x64xf32, #tpu.memory_space<vmem>>
      %dma_start3A_197 = arith.constant 0 : i32
      %dma_start3A_198 = tpu.memref_slice %arg8[%add3A_161, %dma_start3A_197] : memref<112x96xi32, #tpu.memory_space<vmem>> -> memref<1x96xi32, #tpu.memory_space<vmem>>
      %dma_start3A_199 = tpu.memref_squeeze %dma_start3A_198 : memref<1x96xi32, #tpu.memory_space<vmem>> -> memref<96xi32, #tpu.memory_space<vmem>>
      %dma_start3A_200 = arith.constant 0 : i32
      %dma_start3A_201 = arith.constant 0 : i32
      %dma_start3A_202 = tpu.memref_slice %arg10[%dma_start3A_200, %dma_start3A_201] : memref<10240x64xf32, #tpu.memory_space<vmem_shared>> -> memref<10240x64xf32, #tpu.memory_space<vmem_shared>>
      tpu.enqueue_indirect_dma source(%dma_start3A_196 : memref<96x64xf32, #tpu.memory_space<vmem>>) target(%dma_start3A_202 : memref<10240x64xf32, #tpu.memory_space<vmem_shared>>) offsets(%dma_start3A_199 : memref<96xi32, #tpu.memory_space<vmem>>) semaphore(%arg17 : memref<!tpu.dma_semaphore, #tpu.memory_space<semaphore_mem>>) {add = true}
      %mul3A_203 = arith.constant 4 : i32
      %mul3A_204 = arith.muli %mul3A_203, %scan3A_115 : i32
      %add3A_205 = arith.constant 2 : i32
      %add3A_206 = arith.addi %mul3A_204, %add3A_205 : i32
      %dma_wait3A_207 = arith.constant 0 : i32
      %dma_wait3A_208 = arith.constant 0 : i32
      %dma_wait3A_209 = arith.constant 0 : i32
      %dma_wait3A_210 = arith.constant 0 : i32
      %dma_wait3A_211 = tpu.memref_slice %arg9[%dma_wait3A_207, %dma_wait3A_209, %dma_wait3A_210] : memref<4x96x64xf32, #tpu.memory_space<vmem>> -> memref<1x96x64xf32, #tpu.memory_space<vmem>>
      %dma_wait3A_212 = tpu.memref_squeeze %dma_wait3A_211 : memref<1x96x64xf32, #tpu.memory_space<vmem>> -> memref<96x64xf32, #tpu.memory_space<vmem>>
      %dma_wait3A_213 = arith.constant 0 : i32
      %dma_wait3A_214 = tpu.memref_slice %arg8[%dma_wait3A_208, %dma_wait3A_213] : memref<112x96xi32, #tpu.memory_space<vmem>> -> memref<1x96xi32, #tpu.memory_space<vmem>>
      %dma_wait3A_215 = tpu.memref_squeeze %dma_wait3A_214 : memref<1x96xi32, #tpu.memory_space<vmem>> -> memref<96xi32, #tpu.memory_space<vmem>>
      %dma_wait3A_216 = arith.constant 0 : i32
      %dma_wait3A_217 = arith.constant 0 : i32
      %dma_wait3A_218 = tpu.memref_slice %arg10[%dma_wait3A_216, %dma_wait3A_217] : memref<10240x64xf32, #tpu.memory_space<vmem_shared>> -> memref<10240x64xf32, #tpu.memory_space<vmem_shared>>
      tpu.wait_indirect_dma semaphore(%arg16 : memref<!tpu.dma_semaphore, #tpu.memory_space<semaphore_mem>>) src(%dma_wait3A_212 : memref<96x64xf32, #tpu.memory_space<vmem>>) dst(%dma_wait3A_218 : memref<10240x64xf32, #tpu.memory_space<vmem_shared>>)
      %lt3A = arith.constant 27 : i32
      %lt3A_219 = arith.cmpi slt, %scan3A_115, %lt3A : i32
      %convert_element_type3A_220 = arith.extui %lt3A_219 : i1 to i32
      %cond3A_221 = arith.constant 0 : i32
      %cond3A_222 = arith.cmpi ne, %convert_element_type3A_220, %cond3A_221 : i32
      scf.if %cond3A_222 {
        %add3A_290 = arith.constant 2 : i32
        %add3A_291 = arith.addi %add3A_206, %add3A_290 : i32
        %dma_start3A_292 = arith.constant 0 : i32
        %dma_start3A_293 = arith.constant 0 : i32
        %dma_start3A_294 = arith.constant 0 : i32
        %dma_start3A_295 = tpu.memref_slice %arg9[%dma_start3A_292, %dma_start3A_293, %dma_start3A_294] : memref<4x96x64xf32, #tpu.memory_space<vmem>> -> memref<1x96x64xf32, #tpu.memory_space<vmem>>
        %dma_start3A_296 = tpu.memref_squeeze %dma_start3A_295 : memref<1x96x64xf32, #tpu.memory_space<vmem>> -> memref<96x64xf32, #tpu.memory_space<vmem>>
        %dma_start3A_297 = arith.constant 0 : i32
        %dma_start3A_298 = tpu.memref_slice %arg7[%add3A_291, %dma_start3A_297] : memref<112x96xi32, #tpu.memory_space<vmem>> -> memref<1x96xi32, #tpu.memory_space<vmem>>
        %dma_start3A_299 = tpu.memref_squeeze %dma_start3A_298 : memref<1x96xi32, #tpu.memory_space<vmem>> -> memref<96xi32, #tpu.memory_space<vmem>>
        %dma_start3A_300 = arith.constant 0 : i32
        %dma_start3A_301 = arith.constant 0 : i32
        %dma_start3A_302 = tpu.memref_slice %arg11[%dma_start3A_300, %dma_start3A_301] : memref<10240x64xf32, #tpu.memory_space<vmem_shared>> -> memref<10240x64xf32, #tpu.memory_space<vmem_shared>>
        tpu.enqueue_indirect_dma source(%dma_start3A_302 : memref<10240x64xf32, #tpu.memory_space<vmem_shared>>) target(%dma_start3A_296 : memref<96x64xf32, #tpu.memory_space<vmem>>) offsets(%dma_start3A_299 : memref<96xi32, #tpu.memory_space<vmem>>) semaphore(%arg12 : memref<!tpu.dma_semaphore, #tpu.memory_space<semaphore_mem>>)
      } else {
      }
      %dma_wait3A_223 = arith.constant 0 : i32
      %dma_wait3A_224 = arith.constant 2 : i32
      %dma_wait3A_225 = arith.constant 0 : i32
      %dma_wait3A_226 = arith.constant 0 : i32
      %dma_wait3A_227 = tpu.memref_slice %arg9[%dma_wait3A_224, %dma_wait3A_225, %dma_wait3A_226] : memref<4x96x64xf32, #tpu.memory_space<vmem>> -> memref<1x96x64xf32, #tpu.memory_space<vmem>>
      %dma_wait3A_228 = tpu.memref_squeeze %dma_wait3A_227 : memref<1x96x64xf32, #tpu.memory_space<vmem>> -> memref<96x64xf32, #tpu.memory_space<vmem>>
      %dma_wait3A_229 = arith.constant 0 : i32
      %dma_wait3A_230 = tpu.memref_slice %arg7[%dma_wait3A_223, %dma_wait3A_229] : memref<112x96xi32, #tpu.memory_space<vmem>> -> memref<1x96xi32, #tpu.memory_space<vmem>>
      %dma_wait3A_231 = tpu.memref_squeeze %dma_wait3A_230 : memref<1x96xi32, #tpu.memory_space<vmem>> -> memref<96xi32, #tpu.memory_space<vmem>>
      %dma_wait3A_232 = arith.constant 0 : i32
      %dma_wait3A_233 = arith.constant 0 : i32
      %dma_wait3A_234 = tpu.memref_slice %arg11[%dma_wait3A_232, %dma_wait3A_233] : memref<10240x64xf32, #tpu.memory_space<vmem_shared>> -> memref<10240x64xf32, #tpu.memory_space<vmem_shared>>
      tpu.wait_indirect_dma semaphore(%arg14 : memref<!tpu.dma_semaphore, #tpu.memory_space<semaphore_mem>>) src(%dma_wait3A_234 : memref<10240x64xf32, #tpu.memory_space<vmem_shared>>) dst(%dma_wait3A_228 : memref<96x64xf32, #tpu.memory_space<vmem>>)
      %dma_start3A_235 = arith.constant 2 : i32
      %dma_start3A_236 = arith.constant 0 : i32
      %dma_start3A_237 = arith.constant 0 : i32
      %dma_start3A_238 = tpu.memref_slice %arg9[%dma_start3A_235, %dma_start3A_236, %dma_start3A_237] : memref<4x96x64xf32, #tpu.memory_space<vmem>> -> memref<1x96x64xf32, #tpu.memory_space<vmem>>
      %dma_start3A_239 = tpu.memref_squeeze %dma_start3A_238 : memref<1x96x64xf32, #tpu.memory_space<vmem>> -> memref<96x64xf32, #tpu.memory_space<vmem>>
      %dma_start3A_240 = arith.constant 0 : i32
      %dma_start3A_241 = tpu.memref_slice %arg8[%add3A_206, %dma_start3A_240] : memref<112x96xi32, #tpu.memory_space<vmem>> -> memref<1x96xi32, #tpu.memory_space<vmem>>
      %dma_start3A_242 = tpu.memref_squeeze %dma_start3A_241 : memref<1x96xi32, #tpu.memory_space<vmem>> -> memref<96xi32, #tpu.memory_space<vmem>>
      %dma_start3A_243 = arith.constant 0 : i32
      %dma_start3A_244 = arith.constant 0 : i32
      %dma_start3A_245 = tpu.memref_slice %arg10[%dma_start3A_243, %dma_start3A_244] : memref<10240x64xf32, #tpu.memory_space<vmem_shared>> -> memref<10240x64xf32, #tpu.memory_space<vmem_shared>>
      tpu.enqueue_indirect_dma source(%dma_start3A_239 : memref<96x64xf32, #tpu.memory_space<vmem>>) target(%dma_start3A_245 : memref<10240x64xf32, #tpu.memory_space<vmem_shared>>) offsets(%dma_start3A_242 : memref<96xi32, #tpu.memory_space<vmem>>) semaphore(%arg18 : memref<!tpu.dma_semaphore, #tpu.memory_space<semaphore_mem>>) {add = true}
      %mul3A_246 = arith.constant 4 : i32
      %mul3A_247 = arith.muli %mul3A_246, %scan3A_115 : i32
      %add3A_248 = arith.constant 3 : i32
      %add3A_249 = arith.addi %mul3A_247, %add3A_248 : i32
      %dma_wait3A_250 = arith.constant 1 : i32
      %dma_wait3A_251 = arith.constant 0 : i32
      %dma_wait3A_252 = arith.constant 0 : i32
      %dma_wait3A_253 = arith.constant 0 : i32
      %dma_wait3A_254 = tpu.memref_slice %arg9[%dma_wait3A_250, %dma_wait3A_252, %dma_wait3A_253] : memref<4x96x64xf32, #tpu.memory_space<vmem>> -> memref<1x96x64xf32, #tpu.memory_space<vmem>>
      %dma_wait3A_255 = tpu.memref_squeeze %dma_wait3A_254 : memref<1x96x64xf32, #tpu.memory_space<vmem>> -> memref<96x64xf32, #tpu.memory_space<vmem>>
      %dma_wait3A_256 = arith.constant 0 : i32
      %dma_wait3A_257 = tpu.memref_slice %arg8[%dma_wait3A_251, %dma_wait3A_256] : memref<112x96xi32, #tpu.memory_space<vmem>> -> memref<1x96xi32, #tpu.memory_space<vmem>>
      %dma_wait3A_258 = tpu.memref_squeeze %dma_wait3A_257 : memref<1x96xi32, #tpu.memory_space<vmem>> -> memref<96xi32, #tpu.memory_space<vmem>>
      %dma_wait3A_259 = arith.constant 0 : i32
      %dma_wait3A_260 = arith.constant 0 : i32
      %dma_wait3A_261 = tpu.memref_slice %arg10[%dma_wait3A_259, %dma_wait3A_260] : memref<10240x64xf32, #tpu.memory_space<vmem_shared>> -> memref<10240x64xf32, #tpu.memory_space<vmem_shared>>
      tpu.wait_indirect_dma semaphore(%arg17 : memref<!tpu.dma_semaphore, #tpu.memory_space<semaphore_mem>>) src(%dma_wait3A_255 : memref<96x64xf32, #tpu.memory_space<vmem>>) dst(%dma_wait3A_261 : memref<10240x64xf32, #tpu.memory_space<vmem_shared>>)
      %lt3A_262 = arith.constant 27 : i32
      %lt3A_263 = arith.cmpi slt, %scan3A_115, %lt3A_262 : i32
      %convert_element_type3A_264 = arith.extui %lt3A_263 : i1 to i32
      %cond3A_265 = arith.constant 0 : i32
      %cond3A_266 = arith.cmpi ne, %convert_element_type3A_264, %cond3A_265 : i32
      scf.if %cond3A_266 {
        %add3A_290 = arith.constant 2 : i32
        %add3A_291 = arith.addi %add3A_249, %add3A_290 : i32
        %dma_start3A_292 = arith.constant 1 : i32
        %dma_start3A_293 = arith.constant 0 : i32
        %dma_start3A_294 = arith.constant 0 : i32
        %dma_start3A_295 = tpu.memref_slice %arg9[%dma_start3A_292, %dma_start3A_293, %dma_start3A_294] : memref<4x96x64xf32, #tpu.memory_space<vmem>> -> memref<1x96x64xf32, #tpu.memory_space<vmem>>
        %dma_start3A_296 = tpu.memref_squeeze %dma_start3A_295 : memref<1x96x64xf32, #tpu.memory_space<vmem>> -> memref<96x64xf32, #tpu.memory_space<vmem>>
        %dma_start3A_297 = arith.constant 0 : i32
        %dma_start3A_298 = tpu.memref_slice %arg7[%add3A_291, %dma_start3A_297] : memref<112x96xi32, #tpu.memory_space<vmem>> -> memref<1x96xi32, #tpu.memory_space<vmem>>
        %dma_start3A_299 = tpu.memref_squeeze %dma_start3A_298 : memref<1x96xi32, #tpu.memory_space<vmem>> -> memref<96xi32, #tpu.memory_space<vmem>>
        %dma_start3A_300 = arith.constant 0 : i32
        %dma_start3A_301 = arith.constant 0 : i32
        %dma_start3A_302 = tpu.memref_slice %arg11[%dma_start3A_300, %dma_start3A_301] : memref<10240x64xf32, #tpu.memory_space<vmem_shared>> -> memref<10240x64xf32, #tpu.memory_space<vmem_shared>>
        tpu.enqueue_indirect_dma source(%dma_start3A_302 : memref<10240x64xf32, #tpu.memory_space<vmem_shared>>) target(%dma_start3A_296 : memref<96x64xf32, #tpu.memory_space<vmem>>) offsets(%dma_start3A_299 : memref<96xi32, #tpu.memory_space<vmem>>) semaphore(%arg13 : memref<!tpu.dma_semaphore, #tpu.memory_space<semaphore_mem>>)
      } else {
      }
      %dma_wait3A_267 = arith.constant 0 : i32
      %dma_wait3A_268 = arith.constant 3 : i32
      %dma_wait3A_269 = arith.constant 0 : i32
      %dma_wait3A_270 = arith.constant 0 : i32
      %dma_wait3A_271 = tpu.memref_slice %arg9[%dma_wait3A_268, %dma_wait3A_269, %dma_wait3A_270] : memref<4x96x64xf32, #tpu.memory_space<vmem>> -> memref<1x96x64xf32, #tpu.memory_space<vmem>>
      %dma_wait3A_272 = tpu.memref_squeeze %dma_wait3A_271 : memref<1x96x64xf32, #tpu.memory_space<vmem>> -> memref<96x64xf32, #tpu.memory_space<vmem>>
      %dma_wait3A_273 = arith.constant 0 : i32
      %dma_wait3A_274 = tpu.memref_slice %arg7[%dma_wait3A_267, %dma_wait3A_273] : memref<112x96xi32, #tpu.memory_space<vmem>> -> memref<1x96xi32, #tpu.memory_space<vmem>>
      %dma_wait3A_275 = tpu.memref_squeeze %dma_wait3A_274 : memref<1x96xi32, #tpu.memory_space<vmem>> -> memref<96xi32, #tpu.memory_space<vmem>>
      %dma_wait3A_276 = arith.constant 0 : i32
      %dma_wait3A_277 = arith.constant 0 : i32
      %dma_wait3A_278 = tpu.memref_slice %arg11[%dma_wait3A_276, %dma_wait3A_277] : memref<10240x64xf32, #tpu.memory_space<vmem_shared>> -> memref<10240x64xf32, #tpu.memory_space<vmem_shared>>
      tpu.wait_indirect_dma semaphore(%arg15 : memref<!tpu.dma_semaphore, #tpu.memory_space<semaphore_mem>>) src(%dma_wait3A_278 : memref<10240x64xf32, #tpu.memory_space<vmem_shared>>) dst(%dma_wait3A_272 : memref<96x64xf32, #tpu.memory_space<vmem>>)
      %dma_start3A_279 = arith.constant 3 : i32
      %dma_start3A_280 = arith.constant 0 : i32
      %dma_start3A_281 = arith.constant 0 : i32
      %dma_start3A_282 = tpu.memref_slice %arg9[%dma_start3A_279, %dma_start3A_280, %dma_start3A_281] : memref<4x96x64xf32, #tpu.memory_space<vmem>> -> memref<1x96x64xf32, #tpu.memory_space<vmem>>
      %dma_start3A_283 = tpu.memref_squeeze %dma_start3A_282 : memref<1x96x64xf32, #tpu.memory_space<vmem>> -> memref<96x64xf32, #tpu.memory_space<vmem>>
      %dma_start3A_284 = arith.constant 0 : i32
      %dma_start3A_285 = tpu.memref_slice %arg8[%add3A_249, %dma_start3A_284] : memref<112x96xi32, #tpu.memory_space<vmem>> -> memref<1x96xi32, #tpu.memory_space<vmem>>
      %dma_start3A_286 = tpu.memref_squeeze %dma_start3A_285 : memref<1x96xi32, #tpu.memory_space<vmem>> -> memref<96xi32, #tpu.memory_space<vmem>>
      %dma_start3A_287 = arith.constant 0 : i32
      %dma_start3A_288 = arith.constant 0 : i32
      %dma_start3A_289 = tpu.memref_slice %arg10[%dma_start3A_287, %dma_start3A_288] : memref<10240x64xf32, #tpu.memory_space<vmem_shared>> -> memref<10240x64xf32, #tpu.memory_space<vmem_shared>>
      tpu.enqueue_indirect_dma source(%dma_start3A_283 : memref<96x64xf32, #tpu.memory_space<vmem>>) target(%dma_start3A_289 : memref<10240x64xf32, #tpu.memory_space<vmem_shared>>) offsets(%dma_start3A_286 : memref<96xi32, #tpu.memory_space<vmem>>) semaphore(%arg19 : memref<!tpu.dma_semaphore, #tpu.memory_space<semaphore_mem>>) {add = true}
    }
    %scan3A_30 = arith.constant 28 : i32
    %dma_wait3A = arith.constant 2 : i32
    %dma_wait3A_31 = arith.constant 0 : i32
    %dma_wait3A_32 = arith.constant 0 : i32
    %dma_wait3A_33 = arith.constant 0 : i32
    %dma_wait3A_34 = tpu.memref_slice %arg9[%dma_wait3A, %dma_wait3A_32, %dma_wait3A_33] : memref<4x96x64xf32, #tpu.memory_space<vmem>> -> memref<1x96x64xf32, #tpu.memory_space<vmem>>
    %dma_wait3A_35 = tpu.memref_squeeze %dma_wait3A_34 : memref<1x96x64xf32, #tpu.memory_space<vmem>> -> memref<96x64xf32, #tpu.memory_space<vmem>>
    %dma_wait3A_36 = arith.constant 0 : i32
    %dma_wait3A_37 = tpu.memref_slice %arg8[%dma_wait3A_31, %dma_wait3A_36] : memref<112x96xi32, #tpu.memory_space<vmem>> -> memref<1x96xi32, #tpu.memory_space<vmem>>
    %dma_wait3A_38 = tpu.memref_squeeze %dma_wait3A_37 : memref<1x96xi32, #tpu.memory_space<vmem>> -> memref<96xi32, #tpu.memory_space<vmem>>
    %dma_wait3A_39 = arith.constant 0 : i32
    %dma_wait3A_40 = arith.constant 0 : i32
    %dma_wait3A_41 = tpu.memref_slice %arg10[%dma_wait3A_39, %dma_wait3A_40] : memref<10240x64xf32, #tpu.memory_space<vmem_shared>> -> memref<10240x64xf32, #tpu.memory_space<vmem_shared>>
    tpu.wait_indirect_dma semaphore(%arg18 : memref<!tpu.dma_semaphore, #tpu.memory_space<semaphore_mem>>) src(%dma_wait3A_35 : memref<96x64xf32, #tpu.memory_space<vmem>>) dst(%dma_wait3A_41 : memref<10240x64xf32, #tpu.memory_space<vmem_shared>>)
    %dma_wait3A_42 = arith.constant 3 : i32
    %dma_wait3A_43 = arith.constant 0 : i32
    %dma_wait3A_44 = arith.constant 0 : i32
    %dma_wait3A_45 = arith.constant 0 : i32
    %dma_wait3A_46 = tpu.memref_slice %arg9[%dma_wait3A_42, %dma_wait3A_44, %dma_wait3A_45] : memref<4x96x64xf32, #tpu.memory_space<vmem>> -> memref<1x96x64xf32, #tpu.memory_space<vmem>>
    %dma_wait3A_47 = tpu.memref_squeeze %dma_wait3A_46 : memref<1x96x64xf32, #tpu.memory_space<vmem>> -> memref<96x64xf32, #tpu.memory_space<vmem>>
    %dma_wait3A_48 = arith.constant 0 : i32
    %dma_wait3A_49 = tpu.memref_slice %arg8[%dma_wait3A_43, %dma_wait3A_48] : memref<112x96xi32, #tpu.memory_space<vmem>> -> memref<1x96xi32, #tpu.memory_space<vmem>>
    %dma_wait3A_50 = tpu.memref_squeeze %dma_wait3A_49 : memref<1x96xi32, #tpu.memory_space<vmem>> -> memref<96xi32, #tpu.memory_space<vmem>>
    %dma_wait3A_51 = arith.constant 0 : i32
    %dma_wait3A_52 = arith.constant 0 : i32
    %dma_wait3A_53 = tpu.memref_slice %arg10[%dma_wait3A_51, %dma_wait3A_52] : memref<10240x64xf32, #tpu.memory_space<vmem_shared>> -> memref<10240x64xf32, #tpu.memory_space<vmem_shared>>
    tpu.wait_indirect_dma semaphore(%arg19 : memref<!tpu.dma_semaphore, #tpu.memory_space<semaphore_mem>>) src(%dma_wait3A_47 : memref<96x64xf32, #tpu.memory_space<vmem>>) dst(%dma_wait3A_53 : memref<10240x64xf32, #tpu.memory_space<vmem_shared>>)
    %barrier3A_54 = arith.constant 0 : index
    tpu.barrier barrier_id(%barrier3A_54)
    %run_scoped3A_55 = arith.constant 0 : i32
    "tpu.region"() ({
      %run_scoped3A_115 = tpu.sem_alloc : memref<!tpu.dma_semaphore, #tpu.memory_space<semaphore_mem>>
      %dma_start3A_116 = arith.constant 0 : i32
      %dma_start3A_117 = arith.constant 0 : i32
      %dma_start3A_118 = arith.constant 0 : i32
      %dma_start3A_119 = tpu.memref_slice %arg6[%arg0, %dma_start3A_116, %dma_start3A_117, %dma_start3A_118] : memref<2x2x10240x64xf32, #tpu.memory_space<hbm>> -> memref<1x2x10240x64xf32, #tpu.memory_space<hbm>>
      %dma_start3A_120 = tpu.memref_squeeze %dma_start3A_119 : memref<1x2x10240x64xf32, #tpu.memory_space<hbm>> -> memref<2x10240x64xf32, #tpu.memory_space<hbm>>
      %dma_start3A_121 = arith.constant 0 : i32
      %dma_start3A_122 = arith.constant 0 : i32
      %dma_start3A_123 = tpu.memref_slice %dma_start3A_120[%run_scoped3A_55, %dma_start3A_121, %dma_start3A_122] : memref<2x10240x64xf32, #tpu.memory_space<hbm>> -> memref<1x10240x64xf32, #tpu.memory_space<hbm>>
      %dma_start3A_124 = tpu.memref_squeeze %dma_start3A_123 : memref<1x10240x64xf32, #tpu.memory_space<hbm>> -> memref<10240x64xf32, #tpu.memory_space<hbm>>
      %dma_start3A_125 = arith.constant 0 : i32
      %dma_start3A_126 = tpu.memref_slice %dma_start3A_124[%mul3A_2, %dma_start3A_125] : memref<10240x64xf32, #tpu.memory_space<hbm>> -> memref<640x64xf32, #tpu.memory_space<hbm>>
      %dma_start3A_127 = arith.constant 0 : i32
      %dma_start3A_128 = tpu.memref_slice %arg10[%mul3A_2, %dma_start3A_127] : memref<10240x64xf32, #tpu.memory_space<vmem_shared>> -> memref<640x64xf32, #tpu.memory_space<vmem_shared>>
      tpu.enqueue_dma source(%dma_start3A_128 : memref<640x64xf32, #tpu.memory_space<vmem_shared>>) target(%dma_start3A_126 : memref<640x64xf32, #tpu.memory_space<hbm>>) target_semaphore(%run_scoped3A_115 : memref<!tpu.dma_semaphore, #tpu.memory_space<semaphore_mem>>)
      %dma_wait3A_129 = arith.constant 0 : i32
      %dma_wait3A_130 = arith.constant 0 : i32
      %dma_wait3A_131 = arith.constant 0 : i32
      %dma_wait3A_132 = tpu.memref_slice %arg6[%arg0, %dma_wait3A_129, %dma_wait3A_130, %dma_wait3A_131] : memref<2x2x10240x64xf32, #tpu.memory_space<hbm>> -> memref<1x2x10240x64xf32, #tpu.memory_space<hbm>>
      %dma_wait3A_133 = tpu.memref_squeeze %dma_wait3A_132 : memref<1x2x10240x64xf32, #tpu.memory_space<hbm>> -> memref<2x10240x64xf32, #tpu.memory_space<hbm>>
      %dma_wait3A_134 = arith.constant 0 : i32
      %dma_wait3A_135 = arith.constant 0 : i32
      %dma_wait3A_136 = tpu.memref_slice %dma_wait3A_133[%run_scoped3A_55, %dma_wait3A_134, %dma_wait3A_135] : memref<2x10240x64xf32, #tpu.memory_space<hbm>> -> memref<1x10240x64xf32, #tpu.memory_space<hbm>>
      %dma_wait3A_137 = tpu.memref_squeeze %dma_wait3A_136 : memref<1x10240x64xf32, #tpu.memory_space<hbm>> -> memref<10240x64xf32, #tpu.memory_space<hbm>>
      %dma_wait3A_138 = arith.constant 0 : i32
      %dma_wait3A_139 = tpu.memref_slice %dma_wait3A_137[%mul3A_2, %dma_wait3A_138] : memref<10240x64xf32, #tpu.memory_space<hbm>> -> memref<640x64xf32, #tpu.memory_space<hbm>>
      %dma_wait3A_140 = arith.constant 0 : i32
      %dma_wait3A_141 = tpu.memref_slice %arg10[%mul3A_2, %dma_wait3A_140] : memref<10240x64xf32, #tpu.memory_space<vmem_shared>> -> memref<640x64xf32, #tpu.memory_space<vmem_shared>>
      tpu.wait_dma2 semaphore(%run_scoped3A_115 : memref<!tpu.dma_semaphore, #tpu.memory_space<semaphore_mem>>) src(%dma_wait3A_141 : memref<640x64xf32, #tpu.memory_space<vmem_shared>>) dst(%dma_wait3A_139 : memref<640x64xf32, #tpu.memory_space<hbm>>)
      tpu.yield
    }) : () -> ()
    %barrier3A_56 = arith.constant 0 : index
    tpu.barrier barrier_id(%barrier3A_56)
    %run_scoped3A_57 = arith.constant 1 : i32
    "tpu.region"() ({
      %run_scoped3A_115 = tpu.sem_alloc : memref<!tpu.dma_semaphore, #tpu.memory_space<semaphore_mem>>
      %dma_start3A_116 = arith.constant 0 : i32
      %dma_start3A_117 = tpu.memref_slice %arg11[%mul3A_2, %dma_start3A_116] : memref<10240x64xf32, #tpu.memory_space<vmem_shared>> -> memref<640x64xf32, #tpu.memory_space<vmem_shared>>
      %dma_start3A_118 = arith.constant 0 : i32
      %dma_start3A_119 = arith.constant 0 : i32
      %dma_start3A_120 = tpu.memref_slice %arg2[%run_scoped3A_57, %dma_start3A_118, %dma_start3A_119] : memref<2x10240x64xf32, #tpu.memory_space<hbm>> -> memref<1x10240x64xf32, #tpu.memory_space<hbm>>
      %dma_start3A_121 = tpu.memref_squeeze %dma_start3A_120 : memref<1x10240x64xf32, #tpu.memory_space<hbm>> -> memref<10240x64xf32, #tpu.memory_space<hbm>>
      %dma_start3A_122 = arith.constant 0 : i32
      %dma_start3A_123 = tpu.memref_slice %dma_start3A_121[%mul3A_2, %dma_start3A_122] : memref<10240x64xf32, #tpu.memory_space<hbm>> -> memref<640x64xf32, #tpu.memory_space<hbm>>
      tpu.enqueue_dma source(%dma_start3A_123 : memref<640x64xf32, #tpu.memory_space<hbm>>) target(%dma_start3A_117 : memref<640x64xf32, #tpu.memory_space<vmem_shared>>) target_semaphore(%run_scoped3A_115 : memref<!tpu.dma_semaphore, #tpu.memory_space<semaphore_mem>>)
      %dma_wait3A_124 = arith.constant 0 : i32
      %dma_wait3A_125 = tpu.memref_slice %arg11[%mul3A_2, %dma_wait3A_124] : memref<10240x64xf32, #tpu.memory_space<vmem_shared>> -> memref<640x64xf32, #tpu.memory_space<vmem_shared>>
      %dma_wait3A_126 = arith.constant 0 : i32
      %dma_wait3A_127 = arith.constant 0 : i32
      %dma_wait3A_128 = tpu.memref_slice %arg2[%run_scoped3A_57, %dma_wait3A_126, %dma_wait3A_127] : memref<2x10240x64xf32, #tpu.memory_space<hbm>> -> memref<1x10240x64xf32, #tpu.memory_space<hbm>>
      %dma_wait3A_129 = tpu.memref_squeeze %dma_wait3A_128 : memref<1x10240x64xf32, #tpu.memory_space<hbm>> -> memref<10240x64xf32, #tpu.memory_space<hbm>>
      %dma_wait3A_130 = arith.constant 0 : i32
      %dma_wait3A_131 = tpu.memref_slice %dma_wait3A_129[%mul3A_2, %dma_wait3A_130] : memref<10240x64xf32, #tpu.memory_space<hbm>> -> memref<640x64xf32, #tpu.memory_space<hbm>>
      tpu.wait_dma2 semaphore(%run_scoped3A_115 : memref<!tpu.dma_semaphore, #tpu.memory_space<semaphore_mem>>) src(%dma_wait3A_131 : memref<640x64xf32, #tpu.memory_space<hbm>>) dst(%dma_wait3A_125 : memref<640x64xf32, #tpu.memory_space<vmem_shared>>)
      tpu.yield
    }) : () -> ()
    "tpu.region"() ({
      %run_scoped3A_115 = tpu.sem_alloc : memref<!tpu.dma_semaphore, #tpu.memory_space<semaphore_mem>>
      %dma_start3A_116 = arith.constant 0 : i32
      %dma_start3A_117 = tpu.memref_slice %arg10[%mul3A_2, %dma_start3A_116] : memref<10240x64xf32, #tpu.memory_space<vmem_shared>> -> memref<640x64xf32, #tpu.memory_space<vmem_shared>>
      %dma_start3A_118 = arith.constant 0 : i32
      %dma_start3A_119 = tpu.memref_slice %arg5[%mul3A_2, %dma_start3A_118] : memref<10240x64xf32, #tpu.memory_space<hbm>> -> memref<640x64xf32, #tpu.memory_space<hbm>>
      tpu.enqueue_dma source(%dma_start3A_119 : memref<640x64xf32, #tpu.memory_space<hbm>>) target(%dma_start3A_117 : memref<640x64xf32, #tpu.memory_space<vmem_shared>>) target_semaphore(%run_scoped3A_115 : memref<!tpu.dma_semaphore, #tpu.memory_space<semaphore_mem>>)
      %dma_wait3A_120 = arith.constant 0 : i32
      %dma_wait3A_121 = tpu.memref_slice %arg10[%mul3A_2, %dma_wait3A_120] : memref<10240x64xf32, #tpu.memory_space<vmem_shared>> -> memref<640x64xf32, #tpu.memory_space<vmem_shared>>
      %dma_wait3A_122 = arith.constant 0 : i32
      %dma_wait3A_123 = tpu.memref_slice %arg5[%mul3A_2, %dma_wait3A_122] : memref<10240x64xf32, #tpu.memory_space<hbm>> -> memref<640x64xf32, #tpu.memory_space<hbm>>
      tpu.wait_dma2 semaphore(%run_scoped3A_115 : memref<!tpu.dma_semaphore, #tpu.memory_space<semaphore_mem>>) src(%dma_wait3A_123 : memref<640x64xf32, #tpu.memory_space<hbm>>) dst(%dma_wait3A_121 : memref<640x64xf32, #tpu.memory_space<vmem_shared>>)
      tpu.yield
    }) : () -> ()
    %barrier3A_58 = arith.constant 0 : index
    tpu.barrier barrier_id(%barrier3A_58)
    %dma_start3A_59 = arith.constant 0 : i32
    %dma_start3A_60 = arith.constant 0 : i32
    %dma_start3A_61 = arith.constant 0 : i32
    %dma_start3A_62 = arith.constant 0 : i32
    %dma_start3A_63 = tpu.memref_slice %arg9[%dma_start3A_60, %dma_start3A_61, %dma_start3A_62] : memref<4x96x64xf32, #tpu.memory_space<vmem>> -> memref<1x96x64xf32, #tpu.memory_space<vmem>>
    %dma_start3A_64 = tpu.memref_squeeze %dma_start3A_63 : memref<1x96x64xf32, #tpu.memory_space<vmem>> -> memref<96x64xf32, #tpu.memory_space<vmem>>
    %dma_start3A_65 = arith.constant 0 : i32
    %dma_start3A_66 = tpu.memref_slice %arg7[%dma_start3A_59, %dma_start3A_65] : memref<112x96xi32, #tpu.memory_space<vmem>> -> memref<1x96xi32, #tpu.memory_space<vmem>>
    %dma_start3A_67 = tpu.memref_squeeze %dma_start3A_66 : memref<1x96xi32, #tpu.memory_space<vmem>> -> memref<96xi32, #tpu.memory_space<vmem>>
    %dma_start3A_68 = arith.constant 0 : i32
    %dma_start3A_69 = arith.constant 0 : i32
    %dma_start3A_70 = tpu.memref_slice %arg11[%dma_start3A_68, %dma_start3A_69] : memref<10240x64xf32, #tpu.memory_space<vmem_shared>> -> memref<10240x64xf32, #tpu.memory_space<vmem_shared>>
    tpu.enqueue_indirect_dma source(%dma_start3A_70 : memref<10240x64xf32, #tpu.memory_space<vmem_shared>>) target(%dma_start3A_64 : memref<96x64xf32, #tpu.memory_space<vmem>>) offsets(%dma_start3A_67 : memref<96xi32, #tpu.memory_space<vmem>>) semaphore(%arg12 : memref<!tpu.dma_semaphore, #tpu.memory_space<semaphore_mem>>)
    %dma_start3A_71 = arith.constant 1 : i32
    %dma_start3A_72 = arith.constant 1 : i32
    %dma_start3A_73 = arith.constant 0 : i32
    %dma_start3A_74 = arith.constant 0 : i32
    %dma_start3A_75 = tpu.memref_slice %arg9[%dma_start3A_72, %dma_start3A_73, %dma_start3A_74] : memref<4x96x64xf32, #tpu.memory_space<vmem>> -> memref<1x96x64xf32, #tpu.memory_space<vmem>>
    %dma_start3A_76 = tpu.memref_squeeze %dma_start3A_75 : memref<1x96x64xf32, #tpu.memory_space<vmem>> -> memref<96x64xf32, #tpu.memory_space<vmem>>
    %dma_start3A_77 = arith.constant 0 : i32
    %dma_start3A_78 = tpu.memref_slice %arg7[%dma_start3A_71, %dma_start3A_77] : memref<112x96xi32, #tpu.memory_space<vmem>> -> memref<1x96xi32, #tpu.memory_space<vmem>>
    %dma_start3A_79 = tpu.memref_squeeze %dma_start3A_78 : memref<1x96xi32, #tpu.memory_space<vmem>> -> memref<96xi32, #tpu.memory_space<vmem>>
    %dma_start3A_80 = arith.constant 0 : i32
    %dma_start3A_81 = arith.constant 0 : i32
    %dma_start3A_82 = tpu.memref_slice %arg11[%dma_start3A_80, %dma_start3A_81] : memref<10240x64xf32, #tpu.memory_space<vmem_shared>> -> memref<10240x64xf32, #tpu.memory_space<vmem_shared>>
    tpu.enqueue_indirect_dma source(%dma_start3A_82 : memref<10240x64xf32, #tpu.memory_space<vmem_shared>>) target(%dma_start3A_76 : memref<96x64xf32, #tpu.memory_space<vmem>>) offsets(%dma_start3A_79 : memref<96xi32, #tpu.memory_space<vmem>>) semaphore(%arg13 : memref<!tpu.dma_semaphore, #tpu.memory_space<semaphore_mem>>)
    %scan3A_83 = arith.constant 0 : i32
    %scan3A_84 = arith.constant 0 : i32
    %scan3A_85 = arith.constant 28 : i32
    %scan3A_86 = arith.addi %scan3A_84, %scan3A_85 : i32
    %scan3A_87 = arith.constant 1 : i32
    scf.for %scan3A_115 = %scan3A_84 to %scan3A_86 step %scan3A_87  : i32 {
      %mul3A_116 = arith.constant 4 : i32
      %mul3A_117 = arith.muli %mul3A_116, %scan3A_115 : i32
      %add3A_118 = arith.constant 0 : i32
      %add3A_119 = arith.addi %mul3A_117, %add3A_118 : i32
      %ge3A = arith.constant 1 : i32
      %ge3A_120 = arith.cmpi sge, %scan3A_115, %ge3A : i32
      %convert_element_type3A = arith.extui %ge3A_120 : i1 to i32
      %cond3A = arith.constant 0 : i32
      %cond3A_121 = arith.cmpi ne, %convert_element_type3A, %cond3A : i32
      scf.if %cond3A_121 {
        %dma_wait3A_290 = arith.constant 2 : i32
        %dma_wait3A_291 = arith.constant 0 : i32
        %dma_wait3A_292 = arith.constant 0 : i32
        %dma_wait3A_293 = arith.constant 0 : i32
        %dma_wait3A_294 = tpu.memref_slice %arg9[%dma_wait3A_290, %dma_wait3A_292, %dma_wait3A_293] : memref<4x96x64xf32, #tpu.memory_space<vmem>> -> memref<1x96x64xf32, #tpu.memory_space<vmem>>
        %dma_wait3A_295 = tpu.memref_squeeze %dma_wait3A_294 : memref<1x96x64xf32, #tpu.memory_space<vmem>> -> memref<96x64xf32, #tpu.memory_space<vmem>>
        %dma_wait3A_296 = arith.constant 0 : i32
        %dma_wait3A_297 = tpu.memref_slice %arg8[%dma_wait3A_291, %dma_wait3A_296] : memref<112x96xi32, #tpu.memory_space<vmem>> -> memref<1x96xi32, #tpu.memory_space<vmem>>
        %dma_wait3A_298 = tpu.memref_squeeze %dma_wait3A_297 : memref<1x96xi32, #tpu.memory_space<vmem>> -> memref<96xi32, #tpu.memory_space<vmem>>
        %dma_wait3A_299 = arith.constant 0 : i32
        %dma_wait3A_300 = arith.constant 0 : i32
        %dma_wait3A_301 = tpu.memref_slice %arg10[%dma_wait3A_299, %dma_wait3A_300] : memref<10240x64xf32, #tpu.memory_space<vmem_shared>> -> memref<10240x64xf32, #tpu.memory_space<vmem_shared>>
        tpu.wait_indirect_dma semaphore(%arg18 : memref<!tpu.dma_semaphore, #tpu.memory_space<semaphore_mem>>) src(%dma_wait3A_295 : memref<96x64xf32, #tpu.memory_space<vmem>>) dst(%dma_wait3A_301 : memref<10240x64xf32, #tpu.memory_space<vmem_shared>>)
      } else {
      }
      %add3A_122 = arith.constant 2 : i32
      %add3A_123 = arith.addi %add3A_119, %add3A_122 : i32
      %dma_start3A_124 = arith.constant 2 : i32
      %dma_start3A_125 = arith.constant 0 : i32
      %dma_start3A_126 = arith.constant 0 : i32
      %dma_start3A_127 = tpu.memref_slice %arg9[%dma_start3A_124, %dma_start3A_125, %dma_start3A_126] : memref<4x96x64xf32, #tpu.memory_space<vmem>> -> memref<1x96x64xf32, #tpu.memory_space<vmem>>
      %dma_start3A_128 = tpu.memref_squeeze %dma_start3A_127 : memref<1x96x64xf32, #tpu.memory_space<vmem>> -> memref<96x64xf32, #tpu.memory_space<vmem>>
      %dma_start3A_129 = arith.constant 0 : i32
      %dma_start3A_130 = tpu.memref_slice %arg7[%add3A_123, %dma_start3A_129] : memref<112x96xi32, #tpu.memory_space<vmem>> -> memref<1x96xi32, #tpu.memory_space<vmem>>
      %dma_start3A_131 = tpu.memref_squeeze %dma_start3A_130 : memref<1x96xi32, #tpu.memory_space<vmem>> -> memref<96xi32, #tpu.memory_space<vmem>>
      %dma_start3A_132 = arith.constant 0 : i32
      %dma_start3A_133 = arith.constant 0 : i32
      %dma_start3A_134 = tpu.memref_slice %arg11[%dma_start3A_132, %dma_start3A_133] : memref<10240x64xf32, #tpu.memory_space<vmem_shared>> -> memref<10240x64xf32, #tpu.memory_space<vmem_shared>>
      tpu.enqueue_indirect_dma source(%dma_start3A_134 : memref<10240x64xf32, #tpu.memory_space<vmem_shared>>) target(%dma_start3A_128 : memref<96x64xf32, #tpu.memory_space<vmem>>) offsets(%dma_start3A_131 : memref<96xi32, #tpu.memory_space<vmem>>) semaphore(%arg14 : memref<!tpu.dma_semaphore, #tpu.memory_space<semaphore_mem>>)
      %dma_wait3A_135 = arith.constant 0 : i32
      %dma_wait3A_136 = arith.constant 0 : i32
      %dma_wait3A_137 = arith.constant 0 : i32
      %dma_wait3A_138 = arith.constant 0 : i32
      %dma_wait3A_139 = tpu.memref_slice %arg9[%dma_wait3A_136, %dma_wait3A_137, %dma_wait3A_138] : memref<4x96x64xf32, #tpu.memory_space<vmem>> -> memref<1x96x64xf32, #tpu.memory_space<vmem>>
      %dma_wait3A_140 = tpu.memref_squeeze %dma_wait3A_139 : memref<1x96x64xf32, #tpu.memory_space<vmem>> -> memref<96x64xf32, #tpu.memory_space<vmem>>
      %dma_wait3A_141 = arith.constant 0 : i32
      %dma_wait3A_142 = tpu.memref_slice %arg7[%dma_wait3A_135, %dma_wait3A_141] : memref<112x96xi32, #tpu.memory_space<vmem>> -> memref<1x96xi32, #tpu.memory_space<vmem>>
      %dma_wait3A_143 = tpu.memref_squeeze %dma_wait3A_142 : memref<1x96xi32, #tpu.memory_space<vmem>> -> memref<96xi32, #tpu.memory_space<vmem>>
      %dma_wait3A_144 = arith.constant 0 : i32
      %dma_wait3A_145 = arith.constant 0 : i32
      %dma_wait3A_146 = tpu.memref_slice %arg11[%dma_wait3A_144, %dma_wait3A_145] : memref<10240x64xf32, #tpu.memory_space<vmem_shared>> -> memref<10240x64xf32, #tpu.memory_space<vmem_shared>>
      tpu.wait_indirect_dma semaphore(%arg12 : memref<!tpu.dma_semaphore, #tpu.memory_space<semaphore_mem>>) src(%dma_wait3A_146 : memref<10240x64xf32, #tpu.memory_space<vmem_shared>>) dst(%dma_wait3A_140 : memref<96x64xf32, #tpu.memory_space<vmem>>)
      %dma_start3A_147 = arith.constant 0 : i32
      %dma_start3A_148 = arith.constant 0 : i32
      %dma_start3A_149 = arith.constant 0 : i32
      %dma_start3A_150 = tpu.memref_slice %arg9[%dma_start3A_147, %dma_start3A_148, %dma_start3A_149] : memref<4x96x64xf32, #tpu.memory_space<vmem>> -> memref<1x96x64xf32, #tpu.memory_space<vmem>>
      %dma_start3A_151 = tpu.memref_squeeze %dma_start3A_150 : memref<1x96x64xf32, #tpu.memory_space<vmem>> -> memref<96x64xf32, #tpu.memory_space<vmem>>
      %dma_start3A_152 = arith.constant 0 : i32
      %dma_start3A_153 = tpu.memref_slice %arg8[%add3A_119, %dma_start3A_152] : memref<112x96xi32, #tpu.memory_space<vmem>> -> memref<1x96xi32, #tpu.memory_space<vmem>>
      %dma_start3A_154 = tpu.memref_squeeze %dma_start3A_153 : memref<1x96xi32, #tpu.memory_space<vmem>> -> memref<96xi32, #tpu.memory_space<vmem>>
      %dma_start3A_155 = arith.constant 0 : i32
      %dma_start3A_156 = arith.constant 0 : i32
      %dma_start3A_157 = tpu.memref_slice %arg10[%dma_start3A_155, %dma_start3A_156] : memref<10240x64xf32, #tpu.memory_space<vmem_shared>> -> memref<10240x64xf32, #tpu.memory_space<vmem_shared>>
      tpu.enqueue_indirect_dma source(%dma_start3A_151 : memref<96x64xf32, #tpu.memory_space<vmem>>) target(%dma_start3A_157 : memref<10240x64xf32, #tpu.memory_space<vmem_shared>>) offsets(%dma_start3A_154 : memref<96xi32, #tpu.memory_space<vmem>>) semaphore(%arg16 : memref<!tpu.dma_semaphore, #tpu.memory_space<semaphore_mem>>) {add = true}
      %mul3A_158 = arith.constant 4 : i32
      %mul3A_159 = arith.muli %mul3A_158, %scan3A_115 : i32
      %add3A_160 = arith.constant 1 : i32
      %add3A_161 = arith.addi %mul3A_159, %add3A_160 : i32
      %ge3A_162 = arith.constant 1 : i32
      %ge3A_163 = arith.cmpi sge, %scan3A_115, %ge3A_162 : i32
      %convert_element_type3A_164 = arith.extui %ge3A_163 : i1 to i32
      %cond3A_165 = arith.constant 0 : i32
      %cond3A_166 = arith.cmpi ne, %convert_element_type3A_164, %cond3A_165 : i32
      scf.if %cond3A_166 {
        %dma_wait3A_290 = arith.constant 3 : i32
        %dma_wait3A_291 = arith.constant 0 : i32
        %dma_wait3A_292 = arith.constant 0 : i32
        %dma_wait3A_293 = arith.constant 0 : i32
        %dma_wait3A_294 = tpu.memref_slice %arg9[%dma_wait3A_290, %dma_wait3A_292, %dma_wait3A_293] : memref<4x96x64xf32, #tpu.memory_space<vmem>> -> memref<1x96x64xf32, #tpu.memory_space<vmem>>
        %dma_wait3A_295 = tpu.memref_squeeze %dma_wait3A_294 : memref<1x96x64xf32, #tpu.memory_space<vmem>> -> memref<96x64xf32, #tpu.memory_space<vmem>>
        %dma_wait3A_296 = arith.constant 0 : i32
        %dma_wait3A_297 = tpu.memref_slice %arg8[%dma_wait3A_291, %dma_wait3A_296] : memref<112x96xi32, #tpu.memory_space<vmem>> -> memref<1x96xi32, #tpu.memory_space<vmem>>
        %dma_wait3A_298 = tpu.memref_squeeze %dma_wait3A_297 : memref<1x96xi32, #tpu.memory_space<vmem>> -> memref<96xi32, #tpu.memory_space<vmem>>
        %dma_wait3A_299 = arith.constant 0 : i32
        %dma_wait3A_300 = arith.constant 0 : i32
        %dma_wait3A_301 = tpu.memref_slice %arg10[%dma_wait3A_299, %dma_wait3A_300] : memref<10240x64xf32, #tpu.memory_space<vmem_shared>> -> memref<10240x64xf32, #tpu.memory_space<vmem_shared>>
        tpu.wait_indirect_dma semaphore(%arg19 : memref<!tpu.dma_semaphore, #tpu.memory_space<semaphore_mem>>) src(%dma_wait3A_295 : memref<96x64xf32, #tpu.memory_space<vmem>>) dst(%dma_wait3A_301 : memref<10240x64xf32, #tpu.memory_space<vmem_shared>>)
      } else {
      }
      %add3A_167 = arith.constant 2 : i32
      %add3A_168 = arith.addi %add3A_161, %add3A_167 : i32
      %dma_start3A_169 = arith.constant 3 : i32
      %dma_start3A_170 = arith.constant 0 : i32
      %dma_start3A_171 = arith.constant 0 : i32
      %dma_start3A_172 = tpu.memref_slice %arg9[%dma_start3A_169, %dma_start3A_170, %dma_start3A_171] : memref<4x96x64xf32, #tpu.memory_space<vmem>> -> memref<1x96x64xf32, #tpu.memory_space<vmem>>
      %dma_start3A_173 = tpu.memref_squeeze %dma_start3A_172 : memref<1x96x64xf32, #tpu.memory_space<vmem>> -> memref<96x64xf32, #tpu.memory_space<vmem>>
      %dma_start3A_174 = arith.constant 0 : i32
      %dma_start3A_175 = tpu.memref_slice %arg7[%add3A_168, %dma_start3A_174] : memref<112x96xi32, #tpu.memory_space<vmem>> -> memref<1x96xi32, #tpu.memory_space<vmem>>
      %dma_start3A_176 = tpu.memref_squeeze %dma_start3A_175 : memref<1x96xi32, #tpu.memory_space<vmem>> -> memref<96xi32, #tpu.memory_space<vmem>>
      %dma_start3A_177 = arith.constant 0 : i32
      %dma_start3A_178 = arith.constant 0 : i32
      %dma_start3A_179 = tpu.memref_slice %arg11[%dma_start3A_177, %dma_start3A_178] : memref<10240x64xf32, #tpu.memory_space<vmem_shared>> -> memref<10240x64xf32, #tpu.memory_space<vmem_shared>>
      tpu.enqueue_indirect_dma source(%dma_start3A_179 : memref<10240x64xf32, #tpu.memory_space<vmem_shared>>) target(%dma_start3A_173 : memref<96x64xf32, #tpu.memory_space<vmem>>) offsets(%dma_start3A_176 : memref<96xi32, #tpu.memory_space<vmem>>) semaphore(%arg15 : memref<!tpu.dma_semaphore, #tpu.memory_space<semaphore_mem>>)
      %dma_wait3A_180 = arith.constant 0 : i32
      %dma_wait3A_181 = arith.constant 1 : i32
      %dma_wait3A_182 = arith.constant 0 : i32
      %dma_wait3A_183 = arith.constant 0 : i32
      %dma_wait3A_184 = tpu.memref_slice %arg9[%dma_wait3A_181, %dma_wait3A_182, %dma_wait3A_183] : memref<4x96x64xf32, #tpu.memory_space<vmem>> -> memref<1x96x64xf32, #tpu.memory_space<vmem>>
      %dma_wait3A_185 = tpu.memref_squeeze %dma_wait3A_184 : memref<1x96x64xf32, #tpu.memory_space<vmem>> -> memref<96x64xf32, #tpu.memory_space<vmem>>
      %dma_wait3A_186 = arith.constant 0 : i32
      %dma_wait3A_187 = tpu.memref_slice %arg7[%dma_wait3A_180, %dma_wait3A_186] : memref<112x96xi32, #tpu.memory_space<vmem>> -> memref<1x96xi32, #tpu.memory_space<vmem>>
      %dma_wait3A_188 = tpu.memref_squeeze %dma_wait3A_187 : memref<1x96xi32, #tpu.memory_space<vmem>> -> memref<96xi32, #tpu.memory_space<vmem>>
      %dma_wait3A_189 = arith.constant 0 : i32
      %dma_wait3A_190 = arith.constant 0 : i32
      %dma_wait3A_191 = tpu.memref_slice %arg11[%dma_wait3A_189, %dma_wait3A_190] : memref<10240x64xf32, #tpu.memory_space<vmem_shared>> -> memref<10240x64xf32, #tpu.memory_space<vmem_shared>>
      tpu.wait_indirect_dma semaphore(%arg13 : memref<!tpu.dma_semaphore, #tpu.memory_space<semaphore_mem>>) src(%dma_wait3A_191 : memref<10240x64xf32, #tpu.memory_space<vmem_shared>>) dst(%dma_wait3A_185 : memref<96x64xf32, #tpu.memory_space<vmem>>)
      %dma_start3A_192 = arith.constant 1 : i32
      %dma_start3A_193 = arith.constant 0 : i32
      %dma_start3A_194 = arith.constant 0 : i32
      %dma_start3A_195 = tpu.memref_slice %arg9[%dma_start3A_192, %dma_start3A_193, %dma_start3A_194] : memref<4x96x64xf32, #tpu.memory_space<vmem>> -> memref<1x96x64xf32, #tpu.memory_space<vmem>>
      %dma_start3A_196 = tpu.memref_squeeze %dma_start3A_195 : memref<1x96x64xf32, #tpu.memory_space<vmem>> -> memref<96x64xf32, #tpu.memory_space<vmem>>
      %dma_start3A_197 = arith.constant 0 : i32
      %dma_start3A_198 = tpu.memref_slice %arg8[%add3A_161, %dma_start3A_197] : memref<112x96xi32, #tpu.memory_space<vmem>> -> memref<1x96xi32, #tpu.memory_space<vmem>>
      %dma_start3A_199 = tpu.memref_squeeze %dma_start3A_198 : memref<1x96xi32, #tpu.memory_space<vmem>> -> memref<96xi32, #tpu.memory_space<vmem>>
      %dma_start3A_200 = arith.constant 0 : i32
      %dma_start3A_201 = arith.constant 0 : i32
      %dma_start3A_202 = tpu.memref_slice %arg10[%dma_start3A_200, %dma_start3A_201] : memref<10240x64xf32, #tpu.memory_space<vmem_shared>> -> memref<10240x64xf32, #tpu.memory_space<vmem_shared>>
      tpu.enqueue_indirect_dma source(%dma_start3A_196 : memref<96x64xf32, #tpu.memory_space<vmem>>) target(%dma_start3A_202 : memref<10240x64xf32, #tpu.memory_space<vmem_shared>>) offsets(%dma_start3A_199 : memref<96xi32, #tpu.memory_space<vmem>>) semaphore(%arg17 : memref<!tpu.dma_semaphore, #tpu.memory_space<semaphore_mem>>) {add = true}
      %mul3A_203 = arith.constant 4 : i32
      %mul3A_204 = arith.muli %mul3A_203, %scan3A_115 : i32
      %add3A_205 = arith.constant 2 : i32
      %add3A_206 = arith.addi %mul3A_204, %add3A_205 : i32
      %dma_wait3A_207 = arith.constant 0 : i32
      %dma_wait3A_208 = arith.constant 0 : i32
      %dma_wait3A_209 = arith.constant 0 : i32
      %dma_wait3A_210 = arith.constant 0 : i32
      %dma_wait3A_211 = tpu.memref_slice %arg9[%dma_wait3A_207, %dma_wait3A_209, %dma_wait3A_210] : memref<4x96x64xf32, #tpu.memory_space<vmem>> -> memref<1x96x64xf32, #tpu.memory_space<vmem>>
      %dma_wait3A_212 = tpu.memref_squeeze %dma_wait3A_211 : memref<1x96x64xf32, #tpu.memory_space<vmem>> -> memref<96x64xf32, #tpu.memory_space<vmem>>
      %dma_wait3A_213 = arith.constant 0 : i32
      %dma_wait3A_214 = tpu.memref_slice %arg8[%dma_wait3A_208, %dma_wait3A_213] : memref<112x96xi32, #tpu.memory_space<vmem>> -> memref<1x96xi32, #tpu.memory_space<vmem>>
      %dma_wait3A_215 = tpu.memref_squeeze %dma_wait3A_214 : memref<1x96xi32, #tpu.memory_space<vmem>> -> memref<96xi32, #tpu.memory_space<vmem>>
      %dma_wait3A_216 = arith.constant 0 : i32
      %dma_wait3A_217 = arith.constant 0 : i32
      %dma_wait3A_218 = tpu.memref_slice %arg10[%dma_wait3A_216, %dma_wait3A_217] : memref<10240x64xf32, #tpu.memory_space<vmem_shared>> -> memref<10240x64xf32, #tpu.memory_space<vmem_shared>>
      tpu.wait_indirect_dma semaphore(%arg16 : memref<!tpu.dma_semaphore, #tpu.memory_space<semaphore_mem>>) src(%dma_wait3A_212 : memref<96x64xf32, #tpu.memory_space<vmem>>) dst(%dma_wait3A_218 : memref<10240x64xf32, #tpu.memory_space<vmem_shared>>)
      %lt3A = arith.constant 27 : i32
      %lt3A_219 = arith.cmpi slt, %scan3A_115, %lt3A : i32
      %convert_element_type3A_220 = arith.extui %lt3A_219 : i1 to i32
      %cond3A_221 = arith.constant 0 : i32
      %cond3A_222 = arith.cmpi ne, %convert_element_type3A_220, %cond3A_221 : i32
      scf.if %cond3A_222 {
        %add3A_290 = arith.constant 2 : i32
        %add3A_291 = arith.addi %add3A_206, %add3A_290 : i32
        %dma_start3A_292 = arith.constant 0 : i32
        %dma_start3A_293 = arith.constant 0 : i32
        %dma_start3A_294 = arith.constant 0 : i32
        %dma_start3A_295 = tpu.memref_slice %arg9[%dma_start3A_292, %dma_start3A_293, %dma_start3A_294] : memref<4x96x64xf32, #tpu.memory_space<vmem>> -> memref<1x96x64xf32, #tpu.memory_space<vmem>>
        %dma_start3A_296 = tpu.memref_squeeze %dma_start3A_295 : memref<1x96x64xf32, #tpu.memory_space<vmem>> -> memref<96x64xf32, #tpu.memory_space<vmem>>
        %dma_start3A_297 = arith.constant 0 : i32
        %dma_start3A_298 = tpu.memref_slice %arg7[%add3A_291, %dma_start3A_297] : memref<112x96xi32, #tpu.memory_space<vmem>> -> memref<1x96xi32, #tpu.memory_space<vmem>>
        %dma_start3A_299 = tpu.memref_squeeze %dma_start3A_298 : memref<1x96xi32, #tpu.memory_space<vmem>> -> memref<96xi32, #tpu.memory_space<vmem>>
        %dma_start3A_300 = arith.constant 0 : i32
        %dma_start3A_301 = arith.constant 0 : i32
        %dma_start3A_302 = tpu.memref_slice %arg11[%dma_start3A_300, %dma_start3A_301] : memref<10240x64xf32, #tpu.memory_space<vmem_shared>> -> memref<10240x64xf32, #tpu.memory_space<vmem_shared>>
        tpu.enqueue_indirect_dma source(%dma_start3A_302 : memref<10240x64xf32, #tpu.memory_space<vmem_shared>>) target(%dma_start3A_296 : memref<96x64xf32, #tpu.memory_space<vmem>>) offsets(%dma_start3A_299 : memref<96xi32, #tpu.memory_space<vmem>>) semaphore(%arg12 : memref<!tpu.dma_semaphore, #tpu.memory_space<semaphore_mem>>)
      } else {
      }
      %dma_wait3A_223 = arith.constant 0 : i32
      %dma_wait3A_224 = arith.constant 2 : i32
      %dma_wait3A_225 = arith.constant 0 : i32
      %dma_wait3A_226 = arith.constant 0 : i32
      %dma_wait3A_227 = tpu.memref_slice %arg9[%dma_wait3A_224, %dma_wait3A_225, %dma_wait3A_226] : memref<4x96x64xf32, #tpu.memory_space<vmem>> -> memref<1x96x64xf32, #tpu.memory_space<vmem>>
      %dma_wait3A_228 = tpu.memref_squeeze %dma_wait3A_227 : memref<1x96x64xf32, #tpu.memory_space<vmem>> -> memref<96x64xf32, #tpu.memory_space<vmem>>
      %dma_wait3A_229 = arith.constant 0 : i32
      %dma_wait3A_230 = tpu.memref_slice %arg7[%dma_wait3A_223, %dma_wait3A_229] : memref<112x96xi32, #tpu.memory_space<vmem>> -> memref<1x96xi32, #tpu.memory_space<vmem>>
      %dma_wait3A_231 = tpu.memref_squeeze %dma_wait3A_230 : memref<1x96xi32, #tpu.memory_space<vmem>> -> memref<96xi32, #tpu.memory_space<vmem>>
      %dma_wait3A_232 = arith.constant 0 : i32
      %dma_wait3A_233 = arith.constant 0 : i32
      %dma_wait3A_234 = tpu.memref_slice %arg11[%dma_wait3A_232, %dma_wait3A_233] : memref<10240x64xf32, #tpu.memory_space<vmem_shared>> -> memref<10240x64xf32, #tpu.memory_space<vmem_shared>>
      tpu.wait_indirect_dma semaphore(%arg14 : memref<!tpu.dma_semaphore, #tpu.memory_space<semaphore_mem>>) src(%dma_wait3A_234 : memref<10240x64xf32, #tpu.memory_space<vmem_shared>>) dst(%dma_wait3A_228 : memref<96x64xf32, #tpu.memory_space<vmem>>)
      %dma_start3A_235 = arith.constant 2 : i32
      %dma_start3A_236 = arith.constant 0 : i32
      %dma_start3A_237 = arith.constant 0 : i32
      %dma_start3A_238 = tpu.memref_slice %arg9[%dma_start3A_235, %dma_start3A_236, %dma_start3A_237] : memref<4x96x64xf32, #tpu.memory_space<vmem>> -> memref<1x96x64xf32, #tpu.memory_space<vmem>>
      %dma_start3A_239 = tpu.memref_squeeze %dma_start3A_238 : memref<1x96x64xf32, #tpu.memory_space<vmem>> -> memref<96x64xf32, #tpu.memory_space<vmem>>
      %dma_start3A_240 = arith.constant 0 : i32
      %dma_start3A_241 = tpu.memref_slice %arg8[%add3A_206, %dma_start3A_240] : memref<112x96xi32, #tpu.memory_space<vmem>> -> memref<1x96xi32, #tpu.memory_space<vmem>>
      %dma_start3A_242 = tpu.memref_squeeze %dma_start3A_241 : memref<1x96xi32, #tpu.memory_space<vmem>> -> memref<96xi32, #tpu.memory_space<vmem>>
      %dma_start3A_243 = arith.constant 0 : i32
      %dma_start3A_244 = arith.constant 0 : i32
      %dma_start3A_245 = tpu.memref_slice %arg10[%dma_start3A_243, %dma_start3A_244] : memref<10240x64xf32, #tpu.memory_space<vmem_shared>> -> memref<10240x64xf32, #tpu.memory_space<vmem_shared>>
      tpu.enqueue_indirect_dma source(%dma_start3A_239 : memref<96x64xf32, #tpu.memory_space<vmem>>) target(%dma_start3A_245 : memref<10240x64xf32, #tpu.memory_space<vmem_shared>>) offsets(%dma_start3A_242 : memref<96xi32, #tpu.memory_space<vmem>>) semaphore(%arg18 : memref<!tpu.dma_semaphore, #tpu.memory_space<semaphore_mem>>) {add = true}
      %mul3A_246 = arith.constant 4 : i32
      %mul3A_247 = arith.muli %mul3A_246, %scan3A_115 : i32
      %add3A_248 = arith.constant 3 : i32
      %add3A_249 = arith.addi %mul3A_247, %add3A_248 : i32
      %dma_wait3A_250 = arith.constant 1 : i32
      %dma_wait3A_251 = arith.constant 0 : i32
      %dma_wait3A_252 = arith.constant 0 : i32
      %dma_wait3A_253 = arith.constant 0 : i32
      %dma_wait3A_254 = tpu.memref_slice %arg9[%dma_wait3A_250, %dma_wait3A_252, %dma_wait3A_253] : memref<4x96x64xf32, #tpu.memory_space<vmem>> -> memref<1x96x64xf32, #tpu.memory_space<vmem>>
      %dma_wait3A_255 = tpu.memref_squeeze %dma_wait3A_254 : memref<1x96x64xf32, #tpu.memory_space<vmem>> -> memref<96x64xf32, #tpu.memory_space<vmem>>
      %dma_wait3A_256 = arith.constant 0 : i32
      %dma_wait3A_257 = tpu.memref_slice %arg8[%dma_wait3A_251, %dma_wait3A_256] : memref<112x96xi32, #tpu.memory_space<vmem>> -> memref<1x96xi32, #tpu.memory_space<vmem>>
      %dma_wait3A_258 = tpu.memref_squeeze %dma_wait3A_257 : memref<1x96xi32, #tpu.memory_space<vmem>> -> memref<96xi32, #tpu.memory_space<vmem>>
      %dma_wait3A_259 = arith.constant 0 : i32
      %dma_wait3A_260 = arith.constant 0 : i32
      %dma_wait3A_261 = tpu.memref_slice %arg10[%dma_wait3A_259, %dma_wait3A_260] : memref<10240x64xf32, #tpu.memory_space<vmem_shared>> -> memref<10240x64xf32, #tpu.memory_space<vmem_shared>>
      tpu.wait_indirect_dma semaphore(%arg17 : memref<!tpu.dma_semaphore, #tpu.memory_space<semaphore_mem>>) src(%dma_wait3A_255 : memref<96x64xf32, #tpu.memory_space<vmem>>) dst(%dma_wait3A_261 : memref<10240x64xf32, #tpu.memory_space<vmem_shared>>)
      %lt3A_262 = arith.constant 27 : i32
      %lt3A_263 = arith.cmpi slt, %scan3A_115, %lt3A_262 : i32
      %convert_element_type3A_264 = arith.extui %lt3A_263 : i1 to i32
      %cond3A_265 = arith.constant 0 : i32
      %cond3A_266 = arith.cmpi ne, %convert_element_type3A_264, %cond3A_265 : i32
      scf.if %cond3A_266 {
        %add3A_290 = arith.constant 2 : i32
        %add3A_291 = arith.addi %add3A_249, %add3A_290 : i32
        %dma_start3A_292 = arith.constant 1 : i32
        %dma_start3A_293 = arith.constant 0 : i32
        %dma_start3A_294 = arith.constant 0 : i32
        %dma_start3A_295 = tpu.memref_slice %arg9[%dma_start3A_292, %dma_start3A_293, %dma_start3A_294] : memref<4x96x64xf32, #tpu.memory_space<vmem>> -> memref<1x96x64xf32, #tpu.memory_space<vmem>>
        %dma_start3A_296 = tpu.memref_squeeze %dma_start3A_295 : memref<1x96x64xf32, #tpu.memory_space<vmem>> -> memref<96x64xf32, #tpu.memory_space<vmem>>
        %dma_start3A_297 = arith.constant 0 : i32
        %dma_start3A_298 = tpu.memref_slice %arg7[%add3A_291, %dma_start3A_297] : memref<112x96xi32, #tpu.memory_space<vmem>> -> memref<1x96xi32, #tpu.memory_space<vmem>>
        %dma_start3A_299 = tpu.memref_squeeze %dma_start3A_298 : memref<1x96xi32, #tpu.memory_space<vmem>> -> memref<96xi32, #tpu.memory_space<vmem>>
        %dma_start3A_300 = arith.constant 0 : i32
        %dma_start3A_301 = arith.constant 0 : i32
        %dma_start3A_302 = tpu.memref_slice %arg11[%dma_start3A_300, %dma_start3A_301] : memref<10240x64xf32, #tpu.memory_space<vmem_shared>> -> memref<10240x64xf32, #tpu.memory_space<vmem_shared>>
        tpu.enqueue_indirect_dma source(%dma_start3A_302 : memref<10240x64xf32, #tpu.memory_space<vmem_shared>>) target(%dma_start3A_296 : memref<96x64xf32, #tpu.memory_space<vmem>>) offsets(%dma_start3A_299 : memref<96xi32, #tpu.memory_space<vmem>>) semaphore(%arg13 : memref<!tpu.dma_semaphore, #tpu.memory_space<semaphore_mem>>)
      } else {
      }
      %dma_wait3A_267 = arith.constant 0 : i32
      %dma_wait3A_268 = arith.constant 3 : i32
      %dma_wait3A_269 = arith.constant 0 : i32
      %dma_wait3A_270 = arith.constant 0 : i32
      %dma_wait3A_271 = tpu.memref_slice %arg9[%dma_wait3A_268, %dma_wait3A_269, %dma_wait3A_270] : memref<4x96x64xf32, #tpu.memory_space<vmem>> -> memref<1x96x64xf32, #tpu.memory_space<vmem>>
      %dma_wait3A_272 = tpu.memref_squeeze %dma_wait3A_271 : memref<1x96x64xf32, #tpu.memory_space<vmem>> -> memref<96x64xf32, #tpu.memory_space<vmem>>
      %dma_wait3A_273 = arith.constant 0 : i32
      %dma_wait3A_274 = tpu.memref_slice %arg7[%dma_wait3A_267, %dma_wait3A_273] : memref<112x96xi32, #tpu.memory_space<vmem>> -> memref<1x96xi32, #tpu.memory_space<vmem>>
      %dma_wait3A_275 = tpu.memref_squeeze %dma_wait3A_274 : memref<1x96xi32, #tpu.memory_space<vmem>> -> memref<96xi32, #tpu.memory_space<vmem>>
      %dma_wait3A_276 = arith.constant 0 : i32
      %dma_wait3A_277 = arith.constant 0 : i32
      %dma_wait3A_278 = tpu.memref_slice %arg11[%dma_wait3A_276, %dma_wait3A_277] : memref<10240x64xf32, #tpu.memory_space<vmem_shared>> -> memref<10240x64xf32, #tpu.memory_space<vmem_shared>>
      tpu.wait_indirect_dma semaphore(%arg15 : memref<!tpu.dma_semaphore, #tpu.memory_space<semaphore_mem>>) src(%dma_wait3A_278 : memref<10240x64xf32, #tpu.memory_space<vmem_shared>>) dst(%dma_wait3A_272 : memref<96x64xf32, #tpu.memory_space<vmem>>)
      %dma_start3A_279 = arith.constant 3 : i32
      %dma_start3A_280 = arith.constant 0 : i32
      %dma_start3A_281 = arith.constant 0 : i32
      %dma_start3A_282 = tpu.memref_slice %arg9[%dma_start3A_279, %dma_start3A_280, %dma_start3A_281] : memref<4x96x64xf32, #tpu.memory_space<vmem>> -> memref<1x96x64xf32, #tpu.memory_space<vmem>>
      %dma_start3A_283 = tpu.memref_squeeze %dma_start3A_282 : memref<1x96x64xf32, #tpu.memory_space<vmem>> -> memref<96x64xf32, #tpu.memory_space<vmem>>
      %dma_start3A_284 = arith.constant 0 : i32
      %dma_start3A_285 = tpu.memref_slice %arg8[%add3A_249, %dma_start3A_284] : memref<112x96xi32, #tpu.memory_space<vmem>> -> memref<1x96xi32, #tpu.memory_space<vmem>>
      %dma_start3A_286 = tpu.memref_squeeze %dma_start3A_285 : memref<1x96xi32, #tpu.memory_space<vmem>> -> memref<96xi32, #tpu.memory_space<vmem>>
      %dma_start3A_287 = arith.constant 0 : i32
      %dma_start3A_288 = arith.constant 0 : i32
      %dma_start3A_289 = tpu.memref_slice %arg10[%dma_start3A_287, %dma_start3A_288] : memref<10240x64xf32, #tpu.memory_space<vmem_shared>> -> memref<10240x64xf32, #tpu.memory_space<vmem_shared>>
      tpu.enqueue_indirect_dma source(%dma_start3A_283 : memref<96x64xf32, #tpu.memory_space<vmem>>) target(%dma_start3A_289 : memref<10240x64xf32, #tpu.memory_space<vmem_shared>>) offsets(%dma_start3A_286 : memref<96xi32, #tpu.memory_space<vmem>>) semaphore(%arg19 : memref<!tpu.dma_semaphore, #tpu.memory_space<semaphore_mem>>) {add = true}
    }
    %scan3A_88 = arith.constant 28 : i32
    %dma_wait3A_89 = arith.constant 2 : i32
    %dma_wait3A_90 = arith.constant 0 : i32
    %dma_wait3A_91 = arith.constant 0 : i32
    %dma_wait3A_92 = arith.constant 0 : i32
    %dma_wait3A_93 = tpu.memref_slice %arg9[%dma_wait3A_89, %dma_wait3A_91, %dma_wait3A_92] : memref<4x96x64xf32, #tpu.memory_space<vmem>> -> memref<1x96x64xf32, #tpu.memory_space<vmem>>
    %dma_wait3A_94 = tpu.memref_squeeze %dma_wait3A_93 : memref<1x96x64xf32, #tpu.memory_space<vmem>> -> memref<96x64xf32, #tpu.memory_space<vmem>>
    %dma_wait3A_95 = arith.constant 0 : i32
    %dma_wait3A_96 = tpu.memref_slice %arg8[%dma_wait3A_90, %dma_wait3A_95] : memref<112x96xi32, #tpu.memory_space<vmem>> -> memref<1x96xi32, #tpu.memory_space<vmem>>
    %dma_wait3A_97 = tpu.memref_squeeze %dma_wait3A_96 : memref<1x96xi32, #tpu.memory_space<vmem>> -> memref<96xi32, #tpu.memory_space<vmem>>
    %dma_wait3A_98 = arith.constant 0 : i32
    %dma_wait3A_99 = arith.constant 0 : i32
    %dma_wait3A_100 = tpu.memref_slice %arg10[%dma_wait3A_98, %dma_wait3A_99] : memref<10240x64xf32, #tpu.memory_space<vmem_shared>> -> memref<10240x64xf32, #tpu.memory_space<vmem_shared>>
    tpu.wait_indirect_dma semaphore(%arg18 : memref<!tpu.dma_semaphore, #tpu.memory_space<semaphore_mem>>) src(%dma_wait3A_94 : memref<96x64xf32, #tpu.memory_space<vmem>>) dst(%dma_wait3A_100 : memref<10240x64xf32, #tpu.memory_space<vmem_shared>>)
    %dma_wait3A_101 = arith.constant 3 : i32
    %dma_wait3A_102 = arith.constant 0 : i32
    %dma_wait3A_103 = arith.constant 0 : i32
    %dma_wait3A_104 = arith.constant 0 : i32
    %dma_wait3A_105 = tpu.memref_slice %arg9[%dma_wait3A_101, %dma_wait3A_103, %dma_wait3A_104] : memref<4x96x64xf32, #tpu.memory_space<vmem>> -> memref<1x96x64xf32, #tpu.memory_space<vmem>>
    %dma_wait3A_106 = tpu.memref_squeeze %dma_wait3A_105 : memref<1x96x64xf32, #tpu.memory_space<vmem>> -> memref<96x64xf32, #tpu.memory_space<vmem>>
    %dma_wait3A_107 = arith.constant 0 : i32
    %dma_wait3A_108 = tpu.memref_slice %arg8[%dma_wait3A_102, %dma_wait3A_107] : memref<112x96xi32, #tpu.memory_space<vmem>> -> memref<1x96xi32, #tpu.memory_space<vmem>>
    %dma_wait3A_109 = tpu.memref_squeeze %dma_wait3A_108 : memref<1x96xi32, #tpu.memory_space<vmem>> -> memref<96xi32, #tpu.memory_space<vmem>>
    %dma_wait3A_110 = arith.constant 0 : i32
    %dma_wait3A_111 = arith.constant 0 : i32
    %dma_wait3A_112 = tpu.memref_slice %arg10[%dma_wait3A_110, %dma_wait3A_111] : memref<10240x64xf32, #tpu.memory_space<vmem_shared>> -> memref<10240x64xf32, #tpu.memory_space<vmem_shared>>
    tpu.wait_indirect_dma semaphore(%arg19 : memref<!tpu.dma_semaphore, #tpu.memory_space<semaphore_mem>>) src(%dma_wait3A_106 : memref<96x64xf32, #tpu.memory_space<vmem>>) dst(%dma_wait3A_112 : memref<10240x64xf32, #tpu.memory_space<vmem_shared>>)
    %barrier3A_113 = arith.constant 0 : index
    tpu.barrier barrier_id(%barrier3A_113)
    %run_scoped3A_114 = arith.constant 1 : i32
    "tpu.region"() ({
      %run_scoped3A_115 = tpu.sem_alloc : memref<!tpu.dma_semaphore, #tpu.memory_space<semaphore_mem>>
      %dma_start3A_116 = arith.constant 0 : i32
      %dma_start3A_117 = arith.constant 0 : i32
      %dma_start3A_118 = arith.constant 0 : i32
      %dma_start3A_119 = tpu.memref_slice %arg6[%arg0, %dma_start3A_116, %dma_start3A_117, %dma_start3A_118] : memref<2x2x10240x64xf32, #tpu.memory_space<hbm>> -> memref<1x2x10240x64xf32, #tpu.memory_space<hbm>>
      %dma_start3A_120 = tpu.memref_squeeze %dma_start3A_119 : memref<1x2x10240x64xf32, #tpu.memory_space<hbm>> -> memref<2x10240x64xf32, #tpu.memory_space<hbm>>
      %dma_start3A_121 = arith.constant 0 : i32
      %dma_start3A_122 = arith.constant 0 : i32
      %dma_start3A_123 = tpu.memref_slice %dma_start3A_120[%run_scoped3A_114, %dma_start3A_121, %dma_start3A_122] : memref<2x10240x64xf32, #tpu.memory_space<hbm>> -> memref<1x10240x64xf32, #tpu.memory_space<hbm>>
      %dma_start3A_124 = tpu.memref_squeeze %dma_start3A_123 : memref<1x10240x64xf32, #tpu.memory_space<hbm>> -> memref<10240x64xf32, #tpu.memory_space<hbm>>
      %dma_start3A_125 = arith.constant 0 : i32
      %dma_start3A_126 = tpu.memref_slice %dma_start3A_124[%mul3A_2, %dma_start3A_125] : memref<10240x64xf32, #tpu.memory_space<hbm>> -> memref<640x64xf32, #tpu.memory_space<hbm>>
      %dma_start3A_127 = arith.constant 0 : i32
      %dma_start3A_128 = tpu.memref_slice %arg10[%mul3A_2, %dma_start3A_127] : memref<10240x64xf32, #tpu.memory_space<vmem_shared>> -> memref<640x64xf32, #tpu.memory_space<vmem_shared>>
      tpu.enqueue_dma source(%dma_start3A_128 : memref<640x64xf32, #tpu.memory_space<vmem_shared>>) target(%dma_start3A_126 : memref<640x64xf32, #tpu.memory_space<hbm>>) target_semaphore(%run_scoped3A_115 : memref<!tpu.dma_semaphore, #tpu.memory_space<semaphore_mem>>)
      %dma_wait3A_129 = arith.constant 0 : i32
      %dma_wait3A_130 = arith.constant 0 : i32
      %dma_wait3A_131 = arith.constant 0 : i32
      %dma_wait3A_132 = tpu.memref_slice %arg6[%arg0, %dma_wait3A_129, %dma_wait3A_130, %dma_wait3A_131] : memref<2x2x10240x64xf32, #tpu.memory_space<hbm>> -> memref<1x2x10240x64xf32, #tpu.memory_space<hbm>>
      %dma_wait3A_133 = tpu.memref_squeeze %dma_wait3A_132 : memref<1x2x10240x64xf32, #tpu.memory_space<hbm>> -> memref<2x10240x64xf32, #tpu.memory_space<hbm>>
      %dma_wait3A_134 = arith.constant 0 : i32
      %dma_wait3A_135 = arith.constant 0 : i32
      %dma_wait3A_136 = tpu.memref_slice %dma_wait3A_133[%run_scoped3A_114, %dma_wait3A_134, %dma_wait3A_135] : memref<2x10240x64xf32, #tpu.memory_space<hbm>> -> memref<1x10240x64xf32, #tpu.memory_space<hbm>>
      %dma_wait3A_137 = tpu.memref_squeeze %dma_wait3A_136 : memref<1x10240x64xf32, #tpu.memory_space<hbm>> -> memref<10240x64xf32, #tpu.memory_space<hbm>>
      %dma_wait3A_138 = arith.constant 0 : i32
      %dma_wait3A_139 = tpu.memref_slice %dma_wait3A_137[%mul3A_2, %dma_wait3A_138] : memref<10240x64xf32, #tpu.memory_space<hbm>> -> memref<640x64xf32, #tpu.memory_space<hbm>>
      %dma_wait3A_140 = arith.constant 0 : i32
      %dma_wait3A_141 = tpu.memref_slice %arg10[%mul3A_2, %dma_wait3A_140] : memref<10240x64xf32, #tpu.memory_space<vmem_shared>> -> memref<640x64xf32, #tpu.memory_space<vmem_shared>>
      tpu.wait_dma2 semaphore(%run_scoped3A_115 : memref<!tpu.dma_semaphore, #tpu.memory_space<semaphore_mem>>) src(%dma_wait3A_141 : memref<640x64xf32, #tpu.memory_space<vmem_shared>>) dst(%dma_wait3A_139 : memref<640x64xf32, #tpu.memory_space<hbm>>)
      tpu.yield
    }) : () -> ()
    return
  }
}

#map = affine_map<(d0, d1) -> (0, 0, 0)>
#map1 = affine_map<(d0, d1) -> (0, 0)>
#map2 = affine_map<(d0, d1) -> (0, 0, 0, 0)>
module attributes {stable_mosaic.version = 14 : i64} {
  func.func @body(%arg0: i32, %arg1: i32, %arg2: memref<2x10240x64xf32, #tpu.memory_space<hbm>>, %arg3: memref<32x112x96xi32, #tpu.memory_space<hbm>>, %arg4: memref<32x112x96xi32, #tpu.memory_space<hbm>>, %arg5: memref<10240x64xf32, #tpu.memory_space<hbm>>, %arg6: memref<2x2x10240x64xf32, #tpu.memory_space<hbm>>, %arg7: memref<112x96xi32, #tpu.memory_space<vmem>>, %arg8: memref<112x96xi32, #tpu.memory_space<vmem>>, %arg9: memref<4x96x64xf32, #tpu.memory_space<vmem>>, %arg10: memref<10240x64xf32, #tpu.memory_space<vmem_shared>>, %arg11: memref<10240x64xf32, #tpu.memory_space<vmem_shared>>, %arg12: memref<!tpu.dma_semaphore, #tpu.memory_space<semaphore_mem>>, %arg13: memref<!tpu.dma_semaphore, #tpu.memory_space<semaphore_mem>>, %arg14: memref<!tpu.dma_semaphore, #tpu.memory_space<semaphore_mem>>, %arg15: memref<!tpu.dma_semaphore, #tpu.memory_space<semaphore_mem>>, %arg16: memref<!tpu.dma_semaphore, #tpu.memory_space<semaphore_mem>>, %arg17: memref<!tpu.dma_semaphore, #tpu.memory_space<semaphore_mem>>, %arg18: memref<!tpu.dma_semaphore, #tpu.memory_space<semaphore_mem>>, %arg19: memref<!tpu.dma_semaphore, #tpu.memory_space<semaphore_mem>>) attributes {dimension_semantics = [#tpu.dimension_semantics<core_parallel>, #tpu.dimension_semantics<subcore_parallel>], iteration_bounds = array<i64: 2, 16>, scalar_prefetch = 0 : i64, scratch_operands = 13 : i64, tpu.core_type = #tpu.core_type<sc_vector_subcore>, window_params = [{transform_indices = #map}, {transform_indices = #map}, {transform_indices = #map}, {transform_indices = #map1}, {transform_indices = #map2}]} {
    %mul3A = arith.constant 16 : i32
    %mul3A_0 = arith.muli %arg0, %mul3A : i32
    %add3A = arith.addi %mul3A_0, %arg1 : i32
    %mul3A_1 = arith.constant 640 : i32
    %mul3A_2 = arith.muli %arg1, %mul3A_1 : i32
    "tpu.region"() ({
      %run_scoped3A_115 = tpu.sem_alloc : memref<!tpu.dma_semaphore, #tpu.memory_space<semaphore_mem>>
      %dma_start3A_116 = arith.constant 0 : i32
      %dma_start3A_117 = arith.constant 0 : i32
      %dma_start3A_118 = tpu.memref_slice %arg3[%add3A, %dma_start3A_116, %dma_start3A_117] : memref<32x112x96xi32, #tpu.memory_space<hbm>> -> memref<1x112x96xi32, #tpu.memory_space<hbm>>
      %dma_start3A_119 = tpu.memref_squeeze %dma_start3A_118 : memref<1x112x96xi32, #tpu.memory_space<hbm>> -> memref<112x96xi32, #tpu.memory_space<hbm>>
      %dma_start3A_120 = arith.constant 0 : i32
      %dma_start3A_121 = arith.constant 0 : i32
      %dma_start3A_122 = tpu.memref_slice %arg3[%add3A, %dma_start3A_120, %dma_start3A_121] : memref<32x112x96xi32, #tpu.memory_space<hbm>> -> memref<1x112x96xi32, #tpu.memory_space<hbm>>
      %dma_start3A_123 = tpu.memref_squeeze %dma_start3A_122 : memref<1x112x96xi32, #tpu.memory_space<hbm>> -> memref<112x96xi32, #tpu.memory_space<hbm>>
      tpu.enqueue_dma source(%dma_start3A_123 : memref<112x96xi32, #tpu.memory_space<hbm>>) target(%arg7 : memref<112x96xi32, #tpu.memory_space<vmem>>) target_semaphore(%run_scoped3A_115 : memref<!tpu.dma_semaphore, #tpu.memory_space<semaphore_mem>>)
      %dma_wait3A_124 = arith.constant 0 : i32
      %dma_wait3A_125 = arith.constant 0 : i32
      %dma_wait3A_126 = tpu.memref_slice %arg3[%add3A, %dma_wait3A_124, %dma_wait3A_125] : memref<32x112x96xi32, #tpu.memory_space<hbm>> -> memref<1x112x96xi32, #tpu.memory_space<hbm>>
      %dma_wait3A_127 = tpu.memref_squeeze %dma_wait3A_126 : memref<1x112x96xi32, #tpu.memory_space<hbm>> -> memref<112x96xi32, #tpu.memory_space<hbm>>
      %dma_wait3A_128 = arith.constant 0 : i32
      %dma_wait3A_129 = arith.constant 0 : i32
      %dma_wait3A_130 = tpu.memref_slice %arg3[%add3A, %dma_wait3A_128, %dma_wait3A_129] : memref<32x112x96xi32, #tpu.memory_space<hbm>> -> memref<1x112x96xi32, #tpu.memory_space<hbm>>
      %dma_wait3A_131 = tpu.memref_squeeze %dma_wait3A_130 : memref<1x112x96xi32, #tpu.memory_space<hbm>> -> memref<112x96xi32, #tpu.memory_space<hbm>>
      tpu.wait_dma2 semaphore(%run_scoped3A_115 : memref<!tpu.dma_semaphore, #tpu.memory_space<semaphore_mem>>) src(%dma_wait3A_131 : memref<112x96xi32, #tpu.memory_space<hbm>>) dst(%arg7 : memref<112x96xi32, #tpu.memory_space<vmem>>)
      tpu.yield
    }) : () -> ()
    "tpu.region"() ({
      %run_scoped3A_115 = tpu.sem_alloc : memref<!tpu.dma_semaphore, #tpu.memory_space<semaphore_mem>>
      %dma_start3A_116 = arith.constant 0 : i32
      %dma_start3A_117 = arith.constant 0 : i32
      %dma_start3A_118 = tpu.memref_slice %arg4[%add3A, %dma_start3A_116, %dma_start3A_117] : memref<32x112x96xi32, #tpu.memory_space<hbm>> -> memref<1x112x96xi32, #tpu.memory_space<hbm>>
      %dma_start3A_119 = tpu.memref_squeeze %dma_start3A_118 : memref<1x112x96xi32, #tpu.memory_space<hbm>> -> memref<112x96xi32, #tpu.memory_space<hbm>>
      %dma_start3A_120 = arith.constant 0 : i32
      %dma_start3A_121 = arith.constant 0 : i32
      %dma_start3A_122 = tpu.memref_slice %arg4[%add3A, %dma_start3A_120, %dma_start3A_121] : memref<32x112x96xi32, #tpu.memory_space<hbm>> -> memref<1x112x96xi32, #tpu.memory_space<hbm>>
      %dma_start3A_123 = tpu.memref_squeeze %dma_start3A_122 : memref<1x112x96xi32, #tpu.memory_space<hbm>> -> memref<112x96xi32, #tpu.memory_space<hbm>>
      tpu.enqueue_dma source(%dma_start3A_123 : memref<112x96xi32, #tpu.memory_space<hbm>>) target(%arg8 : memref<112x96xi32, #tpu.memory_space<vmem>>) target_semaphore(%run_scoped3A_115 : memref<!tpu.dma_semaphore, #tpu.memory_space<semaphore_mem>>)
      %dma_wait3A_124 = arith.constant 0 : i32
      %dma_wait3A_125 = arith.constant 0 : i32
      %dma_wait3A_126 = tpu.memref_slice %arg4[%add3A, %dma_wait3A_124, %dma_wait3A_125] : memref<32x112x96xi32, #tpu.memory_space<hbm>> -> memref<1x112x96xi32, #tpu.memory_space<hbm>>
      %dma_wait3A_127 = tpu.memref_squeeze %dma_wait3A_126 : memref<1x112x96xi32, #tpu.memory_space<hbm>> -> memref<112x96xi32, #tpu.memory_space<hbm>>
      %dma_wait3A_128 = arith.constant 0 : i32
      %dma_wait3A_129 = arith.constant 0 : i32
      %dma_wait3A_130 = tpu.memref_slice %arg4[%add3A, %dma_wait3A_128, %dma_wait3A_129] : memref<32x112x96xi32, #tpu.memory_space<hbm>> -> memref<1x112x96xi32, #tpu.memory_space<hbm>>
      %dma_wait3A_131 = tpu.memref_squeeze %dma_wait3A_130 : memref<1x112x96xi32, #tpu.memory_space<hbm>> -> memref<112x96xi32, #tpu.memory_space<hbm>>
      tpu.wait_dma2 semaphore(%run_scoped3A_115 : memref<!tpu.dma_semaphore, #tpu.memory_space<semaphore_mem>>) src(%dma_wait3A_131 : memref<112x96xi32, #tpu.memory_space<hbm>>) dst(%arg8 : memref<112x96xi32, #tpu.memory_space<vmem>>)
      tpu.yield
    }) : () -> ()
    %run_scoped3A = arith.constant 0 : i32
    "tpu.region"() ({
      %run_scoped3A_115 = tpu.sem_alloc : memref<!tpu.dma_semaphore, #tpu.memory_space<semaphore_mem>>
      %dma_start3A_116 = arith.constant 0 : i32
      %dma_start3A_117 = tpu.memref_slice %arg11[%mul3A_2, %dma_start3A_116] : memref<10240x64xf32, #tpu.memory_space<vmem_shared>> -> memref<640x64xf32, #tpu.memory_space<vmem_shared>>
      %dma_start3A_118 = arith.constant 0 : i32
      %dma_start3A_119 = arith.constant 0 : i32
      %dma_start3A_120 = tpu.memref_slice %arg2[%run_scoped3A, %dma_start3A_118, %dma_start3A_119] : memref<2x10240x64xf32, #tpu.memory_space<hbm>> -> memref<1x10240x64xf32, #tpu.memory_space<hbm>>
      %dma_start3A_121 = tpu.memref_squeeze %dma_start3A_120 : memref<1x10240x64xf32, #tpu.memory_space<hbm>> -> memref<10240x64xf32, #tpu.memory_space<hbm>>
      %dma_start3A_122 = arith.constant 0 : i32
      %dma_start3A_123 = tpu.memref_slice %dma_start3A_121[%mul3A_2, %dma_start3A_122] : memref<10240x64xf32, #tpu.memory_space<hbm>> -> memref<640x64xf32, #tpu.memory_space<hbm>>
      tpu.enqueue_dma source(%dma_start3A_123 : memref<640x64xf32, #tpu.memory_space<hbm>>) target(%dma_start3A_117 : memref<640x64xf32, #tpu.memory_space<vmem_shared>>) target_semaphore(%run_scoped3A_115 : memref<!tpu.dma_semaphore, #tpu.memory_space<semaphore_mem>>)
      %dma_wait3A_124 = arith.constant 0 : i32
      %dma_wait3A_125 = tpu.memref_slice %arg11[%mul3A_2, %dma_wait3A_124] : memref<10240x64xf32, #tpu.memory_space<vmem_shared>> -> memref<640x64xf32, #tpu.memory_space<vmem_shared>>
      %dma_wait3A_126 = arith.constant 0 : i32
      %dma_wait3A_127 = arith.constant 0 : i32
      %dma_wait3A_128 = tpu.memref_slice %arg2[%run_scoped3A, %dma_wait3A_126, %dma_wait3A_127] : memref<2x10240x64xf32, #tpu.memory_space<hbm>> -> memref<1x10240x64xf32, #tpu.memory_space<hbm>>
      %dma_wait3A_129 = tpu.memref_squeeze %dma_wait3A_128 : memref<1x10240x64xf32, #tpu.memory_space<hbm>> -> memref<10240x64xf32, #tpu.memory_space<hbm>>
      %dma_wait3A_130 = arith.constant 0 : i32
      %dma_wait3A_131 = tpu.memref_slice %dma_wait3A_129[%mul3A_2, %dma_wait3A_130] : memref<10240x64xf32, #tpu.memory_space<hbm>> -> memref<640x64xf32, #tpu.memory_space<hbm>>
      tpu.wait_dma2 semaphore(%run_scoped3A_115 : memref<!tpu.dma_semaphore, #tpu.memory_space<semaphore_mem>>) src(%dma_wait3A_131 : memref<640x64xf32, #tpu.memory_space<hbm>>) dst(%dma_wait3A_125 : memref<640x64xf32, #tpu.memory_space<vmem_shared>>)
      tpu.yield
    }) : () -> ()
    "tpu.region"() ({
      %run_scoped3A_115 = tpu.sem_alloc : memref<!tpu.dma_semaphore, #tpu.memory_space<semaphore_mem>>
      %dma_start3A_116 = arith.constant 0 : i32
      %dma_start3A_117 = tpu.memref_slice %arg10[%mul3A_2, %dma_start3A_116] : memref<10240x64xf32, #tpu.memory_space<vmem_shared>> -> memref<640x64xf32, #tpu.memory_space<vmem_shared>>
      %dma_start3A_118 = arith.constant 0 : i32
      %dma_start3A_119 = tpu.memref_slice %arg5[%mul3A_2, %dma_start3A_118] : memref<10240x64xf32, #tpu.memory_space<hbm>> -> memref<640x64xf32, #tpu.memory_space<hbm>>
      tpu.enqueue_dma source(%dma_start3A_119 : memref<640x64xf32, #tpu.memory_space<hbm>>) target(%dma_start3A_117 : memref<640x64xf32, #tpu.memory_space<vmem_shared>>) target_semaphore(%run_scoped3A_115 : memref<!tpu.dma_semaphore, #tpu.memory_space<semaphore_mem>>)
      %dma_wait3A_120 = arith.constant 0 : i32
      %dma_wait3A_121 = tpu.memref_slice %arg10[%mul3A_2, %dma_wait3A_120] : memref<10240x64xf32, #tpu.memory_space<vmem_shared>> -> memref<640x64xf32, #tpu.memory_space<vmem_shared>>
      %dma_wait3A_122 = arith.constant 0 : i32
      %dma_wait3A_123 = tpu.memref_slice %arg5[%mul3A_2, %dma_wait3A_122] : memref<10240x64xf32, #tpu.memory_space<hbm>> -> memref<640x64xf32, #tpu.memory_space<hbm>>
      tpu.wait_dma2 semaphore(%run_scoped3A_115 : memref<!tpu.dma_semaphore, #tpu.memory_space<semaphore_mem>>) src(%dma_wait3A_123 : memref<640x64xf32, #tpu.memory_space<hbm>>) dst(%dma_wait3A_121 : memref<640x64xf32, #tpu.memory_space<vmem_shared>>)
      tpu.yield
    }) : () -> ()
    %barrier3A = arith.constant 0 : index
    tpu.barrier barrier_id(%barrier3A)
    %dma_start3A = arith.constant 0 : i32
    %dma_start3A_3 = arith.constant 0 : i32
    %dma_start3A_4 = arith.constant 0 : i32
    %dma_start3A_5 = arith.constant 0 : i32
    %dma_start3A_6 = tpu.memref_slice %arg9[%dma_start3A_3, %dma_start3A_4, %dma_start3A_5] : memref<4x96x64xf32, #tpu.memory_space<vmem>> -> memref<1x96x64xf32, #tpu.memory_space<vmem>>
    %dma_start3A_7 = tpu.memref_squeeze %dma_start3A_6 : memref<1x96x64xf32, #tpu.memory_space<vmem>> -> memref<96x64xf32, #tpu.memory_space<vmem>>
    %dma_start3A_8 = arith.constant 0 : i32
    %dma_start3A_9 = tpu.memref_slice %arg7[%dma_start3A, %dma_start3A_8] : memref<112x96xi32, #tpu.memory_space<vmem>> -> memref<1x96xi32, #tpu.memory_space<vmem>>
    %dma_start3A_10 = tpu.memref_squeeze %dma_start3A_9 : memref<1x96xi32, #tpu.memory_space<vmem>> -> memref<96xi32, #tpu.memory_space<vmem>>
    %dma_start3A_11 = arith.constant 0 : i32
    %dma_start3A_12 = arith.constant 0 : i32
    %dma_start3A_13 = tpu.memref_slice %arg11[%dma_start3A_11, %dma_start3A_12] : memref<10240x64xf32, #tpu.memory_space<vmem_shared>> -> memref<10240x64xf32, #tpu.memory_space<vmem_shared>>
    tpu.enqueue_indirect_dma source(%dma_start3A_13 : memref<10240x64xf32, #tpu.memory_space<vmem_shared>>) target(%dma_start3A_7 : memref<96x64xf32, #tpu.memory_space<vmem>>) offsets(%dma_start3A_10 : memref<96xi32, #tpu.memory_space<vmem>>) semaphore(%arg12 : memref<!tpu.dma_semaphore, #tpu.memory_space<semaphore_mem>>)
    %dma_start3A_14 = arith.constant 1 : i32
    %dma_start3A_15 = arith.constant 1 : i32
    %dma_start3A_16 = arith.constant 0 : i32
    %dma_start3A_17 = arith.constant 0 : i32
    %dma_start3A_18 = tpu.memref_slice %arg9[%dma_start3A_15, %dma_start3A_16, %dma_start3A_17] : memref<4x96x64xf32, #tpu.memory_space<vmem>> -> memref<1x96x64xf32, #tpu.memory_space<vmem>>
    %dma_start3A_19 = tpu.memref_squeeze %dma_start3A_18 : memref<1x96x64xf32, #tpu.memory_space<vmem>> -> memref<96x64xf32, #tpu.memory_space<vmem>>
    %dma_start3A_20 = arith.constant 0 : i32
    %dma_start3A_21 = tpu.memref_slice %arg7[%dma_start3A_14, %dma_start3A_20] : memref<112x96xi32, #tpu.memory_space<vmem>> -> memref<1x96xi32, #tpu.memory_space<vmem>>
    %dma_start3A_22 = tpu.memref_squeeze %dma_start3A_21 : memref<1x96xi32, #tpu.memory_space<vmem>> -> memref<96xi32, #tpu.memory_space<vmem>>
    %dma_start3A_23 = arith.constant 0 : i32
    %dma_start3A_24 = arith.constant 0 : i32
    %dma_start3A_25 = tpu.memref_slice %arg11[%dma_start3A_23, %dma_start3A_24] : memref<10240x64xf32, #tpu.memory_space<vmem_shared>> -> memref<10240x64xf32, #tpu.memory_space<vmem_shared>>
    tpu.enqueue_indirect_dma source(%dma_start3A_25 : memref<10240x64xf32, #tpu.memory_space<vmem_shared>>) target(%dma_start3A_19 : memref<96x64xf32, #tpu.memory_space<vmem>>) offsets(%dma_start3A_22 : memref<96xi32, #tpu.memory_space<vmem>>) semaphore(%arg13 : memref<!tpu.dma_semaphore, #tpu.memory_space<semaphore_mem>>)
    %scan3A = arith.constant 0 : i32
    %scan3A_26 = arith.constant 0 : i32
    %scan3A_27 = arith.constant 28 : i32
    %scan3A_28 = arith.addi %scan3A_26, %scan3A_27 : i32
    %scan3A_29 = arith.constant 1 : i32
    scf.for %scan3A_115 = %scan3A_26 to %scan3A_28 step %scan3A_29  : i32 {
      %mul3A_116 = arith.constant 4 : i32
      %mul3A_117 = arith.muli %mul3A_116, %scan3A_115 : i32
      %add3A_118 = arith.constant 0 : i32
      %add3A_119 = arith.addi %mul3A_117, %add3A_118 : i32
      %ge3A = arith.constant 1 : i32
      %ge3A_120 = arith.cmpi sge, %scan3A_115, %ge3A : i32
      %convert_element_type3A = arith.extui %ge3A_120 : i1 to i32
      %cond3A = arith.constant 0 : i32
      %cond3A_121 = arith.cmpi ne, %convert_element_type3A, %cond3A : i32
      scf.if %cond3A_121 {
        %dma_wait3A_290 = arith.constant 2 : i32
        %dma_wait3A_291 = arith.constant 0 : i32
        %dma_wait3A_292 = arith.constant 0 : i32
        %dma_wait3A_293 = arith.constant 0 : i32
        %dma_wait3A_294 = tpu.memref_slice %arg9[%dma_wait3A_290, %dma_wait3A_292, %dma_wait3A_293] : memref<4x96x64xf32, #tpu.memory_space<vmem>> -> memref<1x96x64xf32, #tpu.memory_space<vmem>>
        %dma_wait3A_295 = tpu.memref_squeeze %dma_wait3A_294 : memref<1x96x64xf32, #tpu.memory_space<vmem>> -> memref<96x64xf32, #tpu.memory_space<vmem>>
        %dma_wait3A_296 = arith.constant 0 : i32
        %dma_wait3A_297 = tpu.memref_slice %arg8[%dma_wait3A_291, %dma_wait3A_296] : memref<112x96xi32, #tpu.memory_space<vmem>> -> memref<1x96xi32, #tpu.memory_space<vmem>>
        %dma_wait3A_298 = tpu.memref_squeeze %dma_wait3A_297 : memref<1x96xi32, #tpu.memory_space<vmem>> -> memref<96xi32, #tpu.memory_space<vmem>>
        %dma_wait3A_299 = arith.constant 0 : i32
        %dma_wait3A_300 = arith.constant 0 : i32
        %dma_wait3A_301 = tpu.memref_slice %arg10[%dma_wait3A_299, %dma_wait3A_300] : memref<10240x64xf32, #tpu.memory_space<vmem_shared>> -> memref<10240x64xf32, #tpu.memory_space<vmem_shared>>
        tpu.wait_indirect_dma semaphore(%arg18 : memref<!tpu.dma_semaphore, #tpu.memory_space<semaphore_mem>>) src(%dma_wait3A_295 : memref<96x64xf32, #tpu.memory_space<vmem>>) dst(%dma_wait3A_301 : memref<10240x64xf32, #tpu.memory_space<vmem_shared>>)
      } else {
      }
      %add3A_122 = arith.constant 2 : i32
      %add3A_123 = arith.addi %add3A_119, %add3A_122 : i32
      %dma_start3A_124 = arith.constant 2 : i32
      %dma_start3A_125 = arith.constant 0 : i32
      %dma_start3A_126 = arith.constant 0 : i32
      %dma_start3A_127 = tpu.memref_slice %arg9[%dma_start3A_124, %dma_start3A_125, %dma_start3A_126] : memref<4x96x64xf32, #tpu.memory_space<vmem>> -> memref<1x96x64xf32, #tpu.memory_space<vmem>>
      %dma_start3A_128 = tpu.memref_squeeze %dma_start3A_127 : memref<1x96x64xf32, #tpu.memory_space<vmem>> -> memref<96x64xf32, #tpu.memory_space<vmem>>
      %dma_start3A_129 = arith.constant 0 : i32
      %dma_start3A_130 = tpu.memref_slice %arg7[%add3A_123, %dma_start3A_129] : memref<112x96xi32, #tpu.memory_space<vmem>> -> memref<1x96xi32, #tpu.memory_space<vmem>>
      %dma_start3A_131 = tpu.memref_squeeze %dma_start3A_130 : memref<1x96xi32, #tpu.memory_space<vmem>> -> memref<96xi32, #tpu.memory_space<vmem>>
      %dma_start3A_132 = arith.constant 0 : i32
      %dma_start3A_133 = arith.constant 0 : i32
      %dma_start3A_134 = tpu.memref_slice %arg11[%dma_start3A_132, %dma_start3A_133] : memref<10240x64xf32, #tpu.memory_space<vmem_shared>> -> memref<10240x64xf32, #tpu.memory_space<vmem_shared>>
      tpu.enqueue_indirect_dma source(%dma_start3A_134 : memref<10240x64xf32, #tpu.memory_space<vmem_shared>>) target(%dma_start3A_128 : memref<96x64xf32, #tpu.memory_space<vmem>>) offsets(%dma_start3A_131 : memref<96xi32, #tpu.memory_space<vmem>>) semaphore(%arg14 : memref<!tpu.dma_semaphore, #tpu.memory_space<semaphore_mem>>)
      %dma_wait3A_135 = arith.constant 0 : i32
      %dma_wait3A_136 = arith.constant 0 : i32
      %dma_wait3A_137 = arith.constant 0 : i32
      %dma_wait3A_138 = arith.constant 0 : i32
      %dma_wait3A_139 = tpu.memref_slice %arg9[%dma_wait3A_136, %dma_wait3A_137, %dma_wait3A_138] : memref<4x96x64xf32, #tpu.memory_space<vmem>> -> memref<1x96x64xf32, #tpu.memory_space<vmem>>
      %dma_wait3A_140 = tpu.memref_squeeze %dma_wait3A_139 : memref<1x96x64xf32, #tpu.memory_space<vmem>> -> memref<96x64xf32, #tpu.memory_space<vmem>>
      %dma_wait3A_141 = arith.constant 0 : i32
      %dma_wait3A_142 = tpu.memref_slice %arg7[%dma_wait3A_135, %dma_wait3A_141] : memref<112x96xi32, #tpu.memory_space<vmem>> -> memref<1x96xi32, #tpu.memory_space<vmem>>
      %dma_wait3A_143 = tpu.memref_squeeze %dma_wait3A_142 : memref<1x96xi32, #tpu.memory_space<vmem>> -> memref<96xi32, #tpu.memory_space<vmem>>
      %dma_wait3A_144 = arith.constant 0 : i32
      %dma_wait3A_145 = arith.constant 0 : i32
      %dma_wait3A_146 = tpu.memref_slice %arg11[%dma_wait3A_144, %dma_wait3A_145] : memref<10240x64xf32, #tpu.memory_space<vmem_shared>> -> memref<10240x64xf32, #tpu.memory_space<vmem_shared>>
      tpu.wait_indirect_dma semaphore(%arg12 : memref<!tpu.dma_semaphore, #tpu.memory_space<semaphore_mem>>) src(%dma_wait3A_146 : memref<10240x64xf32, #tpu.memory_space<vmem_shared>>) dst(%dma_wait3A_140 : memref<96x64xf32, #tpu.memory_space<vmem>>)
      %dma_start3A_147 = arith.constant 0 : i32
      %dma_start3A_148 = arith.constant 0 : i32
      %dma_start3A_149 = arith.constant 0 : i32
      %dma_start3A_150 = tpu.memref_slice %arg9[%dma_start3A_147, %dma_start3A_148, %dma_start3A_149] : memref<4x96x64xf32, #tpu.memory_space<vmem>> -> memref<1x96x64xf32, #tpu.memory_space<vmem>>
      %dma_start3A_151 = tpu.memref_squeeze %dma_start3A_150 : memref<1x96x64xf32, #tpu.memory_space<vmem>> -> memref<96x64xf32, #tpu.memory_space<vmem>>
      %dma_start3A_152 = arith.constant 0 : i32
      %dma_start3A_153 = tpu.memref_slice %arg8[%add3A_119, %dma_start3A_152] : memref<112x96xi32, #tpu.memory_space<vmem>> -> memref<1x96xi32, #tpu.memory_space<vmem>>
      %dma_start3A_154 = tpu.memref_squeeze %dma_start3A_153 : memref<1x96xi32, #tpu.memory_space<vmem>> -> memref<96xi32, #tpu.memory_space<vmem>>
      %dma_start3A_155 = arith.constant 0 : i32
      %dma_start3A_156 = arith.constant 0 : i32
      %dma_start3A_157 = tpu.memref_slice %arg10[%dma_start3A_155, %dma_start3A_156] : memref<10240x64xf32, #tpu.memory_space<vmem_shared>> -> memref<10240x64xf32, #tpu.memory_space<vmem_shared>>
      tpu.enqueue_indirect_dma source(%dma_start3A_151 : memref<96x64xf32, #tpu.memory_space<vmem>>) target(%dma_start3A_157 : memref<10240x64xf32, #tpu.memory_space<vmem_shared>>) offsets(%dma_start3A_154 : memref<96xi32, #tpu.memory_space<vmem>>) semaphore(%arg16 : memref<!tpu.dma_semaphore, #tpu.memory_space<semaphore_mem>>) {add = true}
      %mul3A_158 = arith.constant 4 : i32
      %mul3A_159 = arith.muli %mul3A_158, %scan3A_115 : i32
      %add3A_160 = arith.constant 1 : i32
      %add3A_161 = arith.addi %mul3A_159, %add3A_160 : i32
      %ge3A_162 = arith.constant 1 : i32
      %ge3A_163 = arith.cmpi sge, %scan3A_115, %ge3A_162 : i32
      %convert_element_type3A_164 = arith.extui %ge3A_163 : i1 to i32
      %cond3A_165 = arith.constant 0 : i32
      %cond3A_166 = arith.cmpi ne, %convert_element_type3A_164, %cond3A_165 : i32
      scf.if %cond3A_166 {
        %dma_wait3A_290 = arith.constant 3 : i32
        %dma_wait3A_291 = arith.constant 0 : i32
        %dma_wait3A_292 = arith.constant 0 : i32
        %dma_wait3A_293 = arith.constant 0 : i32
        %dma_wait3A_294 = tpu.memref_slice %arg9[%dma_wait3A_290, %dma_wait3A_292, %dma_wait3A_293] : memref<4x96x64xf32, #tpu.memory_space<vmem>> -> memref<1x96x64xf32, #tpu.memory_space<vmem>>
        %dma_wait3A_295 = tpu.memref_squeeze %dma_wait3A_294 : memref<1x96x64xf32, #tpu.memory_space<vmem>> -> memref<96x64xf32, #tpu.memory_space<vmem>>
        %dma_wait3A_296 = arith.constant 0 : i32
        %dma_wait3A_297 = tpu.memref_slice %arg8[%dma_wait3A_291, %dma_wait3A_296] : memref<112x96xi32, #tpu.memory_space<vmem>> -> memref<1x96xi32, #tpu.memory_space<vmem>>
        %dma_wait3A_298 = tpu.memref_squeeze %dma_wait3A_297 : memref<1x96xi32, #tpu.memory_space<vmem>> -> memref<96xi32, #tpu.memory_space<vmem>>
        %dma_wait3A_299 = arith.constant 0 : i32
        %dma_wait3A_300 = arith.constant 0 : i32
        %dma_wait3A_301 = tpu.memref_slice %arg10[%dma_wait3A_299, %dma_wait3A_300] : memref<10240x64xf32, #tpu.memory_space<vmem_shared>> -> memref<10240x64xf32, #tpu.memory_space<vmem_shared>>
        tpu.wait_indirect_dma semaphore(%arg19 : memref<!tpu.dma_semaphore, #tpu.memory_space<semaphore_mem>>) src(%dma_wait3A_295 : memref<96x64xf32, #tpu.memory_space<vmem>>) dst(%dma_wait3A_301 : memref<10240x64xf32, #tpu.memory_space<vmem_shared>>)
      } else {
      }
      %add3A_167 = arith.constant 2 : i32
      %add3A_168 = arith.addi %add3A_161, %add3A_167 : i32
      %dma_start3A_169 = arith.constant 3 : i32
      %dma_start3A_170 = arith.constant 0 : i32
      %dma_start3A_171 = arith.constant 0 : i32
      %dma_start3A_172 = tpu.memref_slice %arg9[%dma_start3A_169, %dma_start3A_170, %dma_start3A_171] : memref<4x96x64xf32, #tpu.memory_space<vmem>> -> memref<1x96x64xf32, #tpu.memory_space<vmem>>
      %dma_start3A_173 = tpu.memref_squeeze %dma_start3A_172 : memref<1x96x64xf32, #tpu.memory_space<vmem>> -> memref<96x64xf32, #tpu.memory_space<vmem>>
      %dma_start3A_174 = arith.constant 0 : i32
      %dma_start3A_175 = tpu.memref_slice %arg7[%add3A_168, %dma_start3A_174] : memref<112x96xi32, #tpu.memory_space<vmem>> -> memref<1x96xi32, #tpu.memory_space<vmem>>
      %dma_start3A_176 = tpu.memref_squeeze %dma_start3A_175 : memref<1x96xi32, #tpu.memory_space<vmem>> -> memref<96xi32, #tpu.memory_space<vmem>>
      %dma_start3A_177 = arith.constant 0 : i32
      %dma_start3A_178 = arith.constant 0 : i32
      %dma_start3A_179 = tpu.memref_slice %arg11[%dma_start3A_177, %dma_start3A_178] : memref<10240x64xf32, #tpu.memory_space<vmem_shared>> -> memref<10240x64xf32, #tpu.memory_space<vmem_shared>>
      tpu.enqueue_indirect_dma source(%dma_start3A_179 : memref<10240x64xf32, #tpu.memory_space<vmem_shared>>) target(%dma_start3A_173 : memref<96x64xf32, #tpu.memory_space<vmem>>) offsets(%dma_start3A_176 : memref<96xi32, #tpu.memory_space<vmem>>) semaphore(%arg15 : memref<!tpu.dma_semaphore, #tpu.memory_space<semaphore_mem>>)
      %dma_wait3A_180 = arith.constant 0 : i32
      %dma_wait3A_181 = arith.constant 1 : i32
      %dma_wait3A_182 = arith.constant 0 : i32
      %dma_wait3A_183 = arith.constant 0 : i32
      %dma_wait3A_184 = tpu.memref_slice %arg9[%dma_wait3A_181, %dma_wait3A_182, %dma_wait3A_183] : memref<4x96x64xf32, #tpu.memory_space<vmem>> -> memref<1x96x64xf32, #tpu.memory_space<vmem>>
      %dma_wait3A_185 = tpu.memref_squeeze %dma_wait3A_184 : memref<1x96x64xf32, #tpu.memory_space<vmem>> -> memref<96x64xf32, #tpu.memory_space<vmem>>
      %dma_wait3A_186 = arith.constant 0 : i32
      %dma_wait3A_187 = tpu.memref_slice %arg7[%dma_wait3A_180, %dma_wait3A_186] : memref<112x96xi32, #tpu.memory_space<vmem>> -> memref<1x96xi32, #tpu.memory_space<vmem>>
      %dma_wait3A_188 = tpu.memref_squeeze %dma_wait3A_187 : memref<1x96xi32, #tpu.memory_space<vmem>> -> memref<96xi32, #tpu.memory_space<vmem>>
      %dma_wait3A_189 = arith.constant 0 : i32
      %dma_wait3A_190 = arith.constant 0 : i32
      %dma_wait3A_191 = tpu.memref_slice %arg11[%dma_wait3A_189, %dma_wait3A_190] : memref<10240x64xf32, #tpu.memory_space<vmem_shared>> -> memref<10240x64xf32, #tpu.memory_space<vmem_shared>>
      tpu.wait_indirect_dma semaphore(%arg13 : memref<!tpu.dma_semaphore, #tpu.memory_space<semaphore_mem>>) src(%dma_wait3A_191 : memref<10240x64xf32, #tpu.memory_space<vmem_shared>>) dst(%dma_wait3A_185 : memref<96x64xf32, #tpu.memory_space<vmem>>)
      %dma_start3A_192 = arith.constant 1 : i32
      %dma_start3A_193 = arith.constant 0 : i32
      %dma_start3A_194 = arith.constant 0 : i32
      %dma_start3A_195 = tpu.memref_slice %arg9[%dma_start3A_192, %dma_start3A_193, %dma_start3A_194] : memref<4x96x64xf32, #tpu.memory_space<vmem>> -> memref<1x96x64xf32, #tpu.memory_space<vmem>>
      %dma_start3A_196 = tpu.memref_squeeze %dma_start3A_195 : memref<1x96x64xf32, #tpu.memory_space<vmem>> -> memref<96x64xf32, #tpu.memory_space<vmem>>
      %dma_start3A_197 = arith.constant 0 : i32
      %dma_start3A_198 = tpu.memref_slice %arg8[%add3A_161, %dma_start3A_197] : memref<112x96xi32, #tpu.memory_space<vmem>> -> memref<1x96xi32, #tpu.memory_space<vmem>>
      %dma_start3A_199 = tpu.memref_squeeze %dma_start3A_198 : memref<1x96xi32, #tpu.memory_space<vmem>> -> memref<96xi32, #tpu.memory_space<vmem>>
      %dma_start3A_200 = arith.constant 0 : i32
      %dma_start3A_201 = arith.constant 0 : i32
      %dma_start3A_202 = tpu.memref_slice %arg10[%dma_start3A_200, %dma_start3A_201] : memref<10240x64xf32, #tpu.memory_space<vmem_shared>> -> memref<10240x64xf32, #tpu.memory_space<vmem_shared>>
      tpu.enqueue_indirect_dma source(%dma_start3A_196 : memref<96x64xf32, #tpu.memory_space<vmem>>) target(%dma_start3A_202 : memref<10240x64xf32, #tpu.memory_space<vmem_shared>>) offsets(%dma_start3A_199 : memref<96xi32, #tpu.memory_space<vmem>>) semaphore(%arg17 : memref<!tpu.dma_semaphore, #tpu.memory_space<semaphore_mem>>) {add = true}
      %mul3A_203 = arith.constant 4 : i32
      %mul3A_204 = arith.muli %mul3A_203, %scan3A_115 : i32
      %add3A_205 = arith.constant 2 : i32
      %add3A_206 = arith.addi %mul3A_204, %add3A_205 : i32
      %dma_wait3A_207 = arith.constant 0 : i32
      %dma_wait3A_208 = arith.constant 0 : i32
      %dma_wait3A_209 = arith.constant 0 : i32
      %dma_wait3A_210 = arith.constant 0 : i32
      %dma_wait3A_211 = tpu.memref_slice %arg9[%dma_wait3A_207, %dma_wait3A_209, %dma_wait3A_210] : memref<4x96x64xf32, #tpu.memory_space<vmem>> -> memref<1x96x64xf32, #tpu.memory_space<vmem>>
      %dma_wait3A_212 = tpu.memref_squeeze %dma_wait3A_211 : memref<1x96x64xf32, #tpu.memory_space<vmem>> -> memref<96x64xf32, #tpu.memory_space<vmem>>
      %dma_wait3A_213 = arith.constant 0 : i32
      %dma_wait3A_214 = tpu.memref_slice %arg8[%dma_wait3A_208, %dma_wait3A_213] : memref<112x96xi32, #tpu.memory_space<vmem>> -> memref<1x96xi32, #tpu.memory_space<vmem>>
      %dma_wait3A_215 = tpu.memref_squeeze %dma_wait3A_214 : memref<1x96xi32, #tpu.memory_space<vmem>> -> memref<96xi32, #tpu.memory_space<vmem>>
      %dma_wait3A_216 = arith.constant 0 : i32
      %dma_wait3A_217 = arith.constant 0 : i32
      %dma_wait3A_218 = tpu.memref_slice %arg10[%dma_wait3A_216, %dma_wait3A_217] : memref<10240x64xf32, #tpu.memory_space<vmem_shared>> -> memref<10240x64xf32, #tpu.memory_space<vmem_shared>>
      tpu.wait_indirect_dma semaphore(%arg16 : memref<!tpu.dma_semaphore, #tpu.memory_space<semaphore_mem>>) src(%dma_wait3A_212 : memref<96x64xf32, #tpu.memory_space<vmem>>) dst(%dma_wait3A_218 : memref<10240x64xf32, #tpu.memory_space<vmem_shared>>)
      %lt3A = arith.constant 27 : i32
      %lt3A_219 = arith.cmpi slt, %scan3A_115, %lt3A : i32
      %convert_element_type3A_220 = arith.extui %lt3A_219 : i1 to i32
      %cond3A_221 = arith.constant 0 : i32
      %cond3A_222 = arith.cmpi ne, %convert_element_type3A_220, %cond3A_221 : i32
      scf.if %cond3A_222 {
        %add3A_290 = arith.constant 2 : i32
        %add3A_291 = arith.addi %add3A_206, %add3A_290 : i32
        %dma_start3A_292 = arith.constant 0 : i32
        %dma_start3A_293 = arith.constant 0 : i32
        %dma_start3A_294 = arith.constant 0 : i32
        %dma_start3A_295 = tpu.memref_slice %arg9[%dma_start3A_292, %dma_start3A_293, %dma_start3A_294] : memref<4x96x64xf32, #tpu.memory_space<vmem>> -> memref<1x96x64xf32, #tpu.memory_space<vmem>>
        %dma_start3A_296 = tpu.memref_squeeze %dma_start3A_295 : memref<1x96x64xf32, #tpu.memory_space<vmem>> -> memref<96x64xf32, #tpu.memory_space<vmem>>
        %dma_start3A_297 = arith.constant 0 : i32
        %dma_start3A_298 = tpu.memref_slice %arg7[%add3A_291, %dma_start3A_297] : memref<112x96xi32, #tpu.memory_space<vmem>> -> memref<1x96xi32, #tpu.memory_space<vmem>>
        %dma_start3A_299 = tpu.memref_squeeze %dma_start3A_298 : memref<1x96xi32, #tpu.memory_space<vmem>> -> memref<96xi32, #tpu.memory_space<vmem>>
        %dma_start3A_300 = arith.constant 0 : i32
        %dma_start3A_301 = arith.constant 0 : i32
        %dma_start3A_302 = tpu.memref_slice %arg11[%dma_start3A_300, %dma_start3A_301] : memref<10240x64xf32, #tpu.memory_space<vmem_shared>> -> memref<10240x64xf32, #tpu.memory_space<vmem_shared>>
        tpu.enqueue_indirect_dma source(%dma_start3A_302 : memref<10240x64xf32, #tpu.memory_space<vmem_shared>>) target(%dma_start3A_296 : memref<96x64xf32, #tpu.memory_space<vmem>>) offsets(%dma_start3A_299 : memref<96xi32, #tpu.memory_space<vmem>>) semaphore(%arg12 : memref<!tpu.dma_semaphore, #tpu.memory_space<semaphore_mem>>)
      } else {
      }
      %dma_wait3A_223 = arith.constant 0 : i32
      %dma_wait3A_224 = arith.constant 2 : i32
      %dma_wait3A_225 = arith.constant 0 : i32
      %dma_wait3A_226 = arith.constant 0 : i32
      %dma_wait3A_227 = tpu.memref_slice %arg9[%dma_wait3A_224, %dma_wait3A_225, %dma_wait3A_226] : memref<4x96x64xf32, #tpu.memory_space<vmem>> -> memref<1x96x64xf32, #tpu.memory_space<vmem>>
      %dma_wait3A_228 = tpu.memref_squeeze %dma_wait3A_227 : memref<1x96x64xf32, #tpu.memory_space<vmem>> -> memref<96x64xf32, #tpu.memory_space<vmem>>
      %dma_wait3A_229 = arith.constant 0 : i32
      %dma_wait3A_230 = tpu.memref_slice %arg7[%dma_wait3A_223, %dma_wait3A_229] : memref<112x96xi32, #tpu.memory_space<vmem>> -> memref<1x96xi32, #tpu.memory_space<vmem>>
      %dma_wait3A_231 = tpu.memref_squeeze %dma_wait3A_230 : memref<1x96xi32, #tpu.memory_space<vmem>> -> memref<96xi32, #tpu.memory_space<vmem>>
      %dma_wait3A_232 = arith.constant 0 : i32
      %dma_wait3A_233 = arith.constant 0 : i32
      %dma_wait3A_234 = tpu.memref_slice %arg11[%dma_wait3A_232, %dma_wait3A_233] : memref<10240x64xf32, #tpu.memory_space<vmem_shared>> -> memref<10240x64xf32, #tpu.memory_space<vmem_shared>>
      tpu.wait_indirect_dma semaphore(%arg14 : memref<!tpu.dma_semaphore, #tpu.memory_space<semaphore_mem>>) src(%dma_wait3A_234 : memref<10240x64xf32, #tpu.memory_space<vmem_shared>>) dst(%dma_wait3A_228 : memref<96x64xf32, #tpu.memory_space<vmem>>)
      %dma_start3A_235 = arith.constant 2 : i32
      %dma_start3A_236 = arith.constant 0 : i32
      %dma_start3A_237 = arith.constant 0 : i32
      %dma_start3A_238 = tpu.memref_slice %arg9[%dma_start3A_235, %dma_start3A_236, %dma_start3A_237] : memref<4x96x64xf32, #tpu.memory_space<vmem>> -> memref<1x96x64xf32, #tpu.memory_space<vmem>>
      %dma_start3A_239 = tpu.memref_squeeze %dma_start3A_238 : memref<1x96x64xf32, #tpu.memory_space<vmem>> -> memref<96x64xf32, #tpu.memory_space<vmem>>
      %dma_start3A_240 = arith.constant 0 : i32
      %dma_start3A_241 = tpu.memref_slice %arg8[%add3A_206, %dma_start3A_240] : memref<112x96xi32, #tpu.memory_space<vmem>> -> memref<1x96xi32, #tpu.memory_space<vmem>>
      %dma_start3A_242 = tpu.memref_squeeze %dma_start3A_241 : memref<1x96xi32, #tpu.memory_space<vmem>> -> memref<96xi32, #tpu.memory_space<vmem>>
      %dma_start3A_243 = arith.constant 0 : i32
      %dma_start3A_244 = arith.constant 0 : i32
      %dma_start3A_245 = tpu.memref_slice %arg10[%dma_start3A_243, %dma_start3A_244] : memref<10240x64xf32, #tpu.memory_space<vmem_shared>> -> memref<10240x64xf32, #tpu.memory_space<vmem_shared>>
      tpu.enqueue_indirect_dma source(%dma_start3A_239 : memref<96x64xf32, #tpu.memory_space<vmem>>) target(%dma_start3A_245 : memref<10240x64xf32, #tpu.memory_space<vmem_shared>>) offsets(%dma_start3A_242 : memref<96xi32, #tpu.memory_space<vmem>>) semaphore(%arg18 : memref<!tpu.dma_semaphore, #tpu.memory_space<semaphore_mem>>) {add = true}
      %mul3A_246 = arith.constant 4 : i32
      %mul3A_247 = arith.muli %mul3A_246, %scan3A_115 : i32
      %add3A_248 = arith.constant 3 : i32
      %add3A_249 = arith.addi %mul3A_247, %add3A_248 : i32
      %dma_wait3A_250 = arith.constant 1 : i32
      %dma_wait3A_251 = arith.constant 0 : i32
      %dma_wait3A_252 = arith.constant 0 : i32
      %dma_wait3A_253 = arith.constant 0 : i32
      %dma_wait3A_254 = tpu.memref_slice %arg9[%dma_wait3A_250, %dma_wait3A_252, %dma_wait3A_253] : memref<4x96x64xf32, #tpu.memory_space<vmem>> -> memref<1x96x64xf32, #tpu.memory_space<vmem>>
      %dma_wait3A_255 = tpu.memref_squeeze %dma_wait3A_254 : memref<1x96x64xf32, #tpu.memory_space<vmem>> -> memref<96x64xf32, #tpu.memory_space<vmem>>
      %dma_wait3A_256 = arith.constant 0 : i32
      %dma_wait3A_257 = tpu.memref_slice %arg8[%dma_wait3A_251, %dma_wait3A_256] : memref<112x96xi32, #tpu.memory_space<vmem>> -> memref<1x96xi32, #tpu.memory_space<vmem>>
      %dma_wait3A_258 = tpu.memref_squeeze %dma_wait3A_257 : memref<1x96xi32, #tpu.memory_space<vmem>> -> memref<96xi32, #tpu.memory_space<vmem>>
      %dma_wait3A_259 = arith.constant 0 : i32
      %dma_wait3A_260 = arith.constant 0 : i32
      %dma_wait3A_261 = tpu.memref_slice %arg10[%dma_wait3A_259, %dma_wait3A_260] : memref<10240x64xf32, #tpu.memory_space<vmem_shared>> -> memref<10240x64xf32, #tpu.memory_space<vmem_shared>>
      tpu.wait_indirect_dma semaphore(%arg17 : memref<!tpu.dma_semaphore, #tpu.memory_space<semaphore_mem>>) src(%dma_wait3A_255 : memref<96x64xf32, #tpu.memory_space<vmem>>) dst(%dma_wait3A_261 : memref<10240x64xf32, #tpu.memory_space<vmem_shared>>)
      %lt3A_262 = arith.constant 27 : i32
      %lt3A_263 = arith.cmpi slt, %scan3A_115, %lt3A_262 : i32
      %convert_element_type3A_264 = arith.extui %lt3A_263 : i1 to i32
      %cond3A_265 = arith.constant 0 : i32
      %cond3A_266 = arith.cmpi ne, %convert_element_type3A_264, %cond3A_265 : i32
      scf.if %cond3A_266 {
        %add3A_290 = arith.constant 2 : i32
        %add3A_291 = arith.addi %add3A_249, %add3A_290 : i32
        %dma_start3A_292 = arith.constant 1 : i32
        %dma_start3A_293 = arith.constant 0 : i32
        %dma_start3A_294 = arith.constant 0 : i32
        %dma_start3A_295 = tpu.memref_slice %arg9[%dma_start3A_292, %dma_start3A_293, %dma_start3A_294] : memref<4x96x64xf32, #tpu.memory_space<vmem>> -> memref<1x96x64xf32, #tpu.memory_space<vmem>>
        %dma_start3A_296 = tpu.memref_squeeze %dma_start3A_295 : memref<1x96x64xf32, #tpu.memory_space<vmem>> -> memref<96x64xf32, #tpu.memory_space<vmem>>
        %dma_start3A_297 = arith.constant 0 : i32
        %dma_start3A_298 = tpu.memref_slice %arg7[%add3A_291, %dma_start3A_297] : memref<112x96xi32, #tpu.memory_space<vmem>> -> memref<1x96xi32, #tpu.memory_space<vmem>>
        %dma_start3A_299 = tpu.memref_squeeze %dma_start3A_298 : memref<1x96xi32, #tpu.memory_space<vmem>> -> memref<96xi32, #tpu.memory_space<vmem>>
        %dma_start3A_300 = arith.constant 0 : i32
        %dma_start3A_301 = arith.constant 0 : i32
        %dma_start3A_302 = tpu.memref_slice %arg11[%dma_start3A_300, %dma_start3A_301] : memref<10240x64xf32, #tpu.memory_space<vmem_shared>> -> memref<10240x64xf32, #tpu.memory_space<vmem_shared>>
        tpu.enqueue_indirect_dma source(%dma_start3A_302 : memref<10240x64xf32, #tpu.memory_space<vmem_shared>>) target(%dma_start3A_296 : memref<96x64xf32, #tpu.memory_space<vmem>>) offsets(%dma_start3A_299 : memref<96xi32, #tpu.memory_space<vmem>>) semaphore(%arg13 : memref<!tpu.dma_semaphore, #tpu.memory_space<semaphore_mem>>)
      } else {
      }
      %dma_wait3A_267 = arith.constant 0 : i32
      %dma_wait3A_268 = arith.constant 3 : i32
      %dma_wait3A_269 = arith.constant 0 : i32
      %dma_wait3A_270 = arith.constant 0 : i32
      %dma_wait3A_271 = tpu.memref_slice %arg9[%dma_wait3A_268, %dma_wait3A_269, %dma_wait3A_270] : memref<4x96x64xf32, #tpu.memory_space<vmem>> -> memref<1x96x64xf32, #tpu.memory_space<vmem>>
      %dma_wait3A_272 = tpu.memref_squeeze %dma_wait3A_271 : memref<1x96x64xf32, #tpu.memory_space<vmem>> -> memref<96x64xf32, #tpu.memory_space<vmem>>
      %dma_wait3A_273 = arith.constant 0 : i32
      %dma_wait3A_274 = tpu.memref_slice %arg7[%dma_wait3A_267, %dma_wait3A_273] : memref<112x96xi32, #tpu.memory_space<vmem>> -> memref<1x96xi32, #tpu.memory_space<vmem>>
      %dma_wait3A_275 = tpu.memref_squeeze %dma_wait3A_274 : memref<1x96xi32, #tpu.memory_space<vmem>> -> memref<96xi32, #tpu.memory_space<vmem>>
      %dma_wait3A_276 = arith.constant 0 : i32
      %dma_wait3A_277 = arith.constant 0 : i32
      %dma_wait3A_278 = tpu.memref_slice %arg11[%dma_wait3A_276, %dma_wait3A_277] : memref<10240x64xf32, #tpu.memory_space<vmem_shared>> -> memref<10240x64xf32, #tpu.memory_space<vmem_shared>>
      tpu.wait_indirect_dma semaphore(%arg15 : memref<!tpu.dma_semaphore, #tpu.memory_space<semaphore_mem>>) src(%dma_wait3A_278 : memref<10240x64xf32, #tpu.memory_space<vmem_shared>>) dst(%dma_wait3A_272 : memref<96x64xf32, #tpu.memory_space<vmem>>)
      %dma_start3A_279 = arith.constant 3 : i32
      %dma_start3A_280 = arith.constant 0 : i32
      %dma_start3A_281 = arith.constant 0 : i32
      %dma_start3A_282 = tpu.memref_slice %arg9[%dma_start3A_279, %dma_start3A_280, %dma_start3A_281] : memref<4x96x64xf32, #tpu.memory_space<vmem>> -> memref<1x96x64xf32, #tpu.memory_space<vmem>>
      %dma_start3A_283 = tpu.memref_squeeze %dma_start3A_282 : memref<1x96x64xf32, #tpu.memory_space<vmem>> -> memref<96x64xf32, #tpu.memory_space<vmem>>
      %dma_start3A_284 = arith.constant 0 : i32
      %dma_start3A_285 = tpu.memref_slice %arg8[%add3A_249, %dma_start3A_284] : memref<112x96xi32, #tpu.memory_space<vmem>> -> memref<1x96xi32, #tpu.memory_space<vmem>>
      %dma_start3A_286 = tpu.memref_squeeze %dma_start3A_285 : memref<1x96xi32, #tpu.memory_space<vmem>> -> memref<96xi32, #tpu.memory_space<vmem>>
      %dma_start3A_287 = arith.constant 0 : i32
      %dma_start3A_288 = arith.constant 0 : i32
      %dma_start3A_289 = tpu.memref_slice %arg10[%dma_start3A_287, %dma_start3A_288] : memref<10240x64xf32, #tpu.memory_space<vmem_shared>> -> memref<10240x64xf32, #tpu.memory_space<vmem_shared>>
      tpu.enqueue_indirect_dma source(%dma_start3A_283 : memref<96x64xf32, #tpu.memory_space<vmem>>) target(%dma_start3A_289 : memref<10240x64xf32, #tpu.memory_space<vmem_shared>>) offsets(%dma_start3A_286 : memref<96xi32, #tpu.memory_space<vmem>>) semaphore(%arg19 : memref<!tpu.dma_semaphore, #tpu.memory_space<semaphore_mem>>) {add = true}
    }
    %scan3A_30 = arith.constant 28 : i32
    %dma_wait3A = arith.constant 2 : i32
    %dma_wait3A_31 = arith.constant 0 : i32
    %dma_wait3A_32 = arith.constant 0 : i32
    %dma_wait3A_33 = arith.constant 0 : i32
    %dma_wait3A_34 = tpu.memref_slice %arg9[%dma_wait3A, %dma_wait3A_32, %dma_wait3A_33] : memref<4x96x64xf32, #tpu.memory_space<vmem>> -> memref<1x96x64xf32, #tpu.memory_space<vmem>>
    %dma_wait3A_35 = tpu.memref_squeeze %dma_wait3A_34 : memref<1x96x64xf32, #tpu.memory_space<vmem>> -> memref<96x64xf32, #tpu.memory_space<vmem>>
    %dma_wait3A_36 = arith.constant 0 : i32
    %dma_wait3A_37 = tpu.memref_slice %arg8[%dma_wait3A_31, %dma_wait3A_36] : memref<112x96xi32, #tpu.memory_space<vmem>> -> memref<1x96xi32, #tpu.memory_space<vmem>>
    %dma_wait3A_38 = tpu.memref_squeeze %dma_wait3A_37 : memref<1x96xi32, #tpu.memory_space<vmem>> -> memref<96xi32, #tpu.memory_space<vmem>>
    %dma_wait3A_39 = arith.constant 0 : i32
    %dma_wait3A_40 = arith.constant 0 : i32
    %dma_wait3A_41 = tpu.memref_slice %arg10[%dma_wait3A_39, %dma_wait3A_40] : memref<10240x64xf32, #tpu.memory_space<vmem_shared>> -> memref<10240x64xf32, #tpu.memory_space<vmem_shared>>
    tpu.wait_indirect_dma semaphore(%arg18 : memref<!tpu.dma_semaphore, #tpu.memory_space<semaphore_mem>>) src(%dma_wait3A_35 : memref<96x64xf32, #tpu.memory_space<vmem>>) dst(%dma_wait3A_41 : memref<10240x64xf32, #tpu.memory_space<vmem_shared>>)
    %dma_wait3A_42 = arith.constant 3 : i32
    %dma_wait3A_43 = arith.constant 0 : i32
    %dma_wait3A_44 = arith.constant 0 : i32
    %dma_wait3A_45 = arith.constant 0 : i32
    %dma_wait3A_46 = tpu.memref_slice %arg9[%dma_wait3A_42, %dma_wait3A_44, %dma_wait3A_45] : memref<4x96x64xf32, #tpu.memory_space<vmem>> -> memref<1x96x64xf32, #tpu.memory_space<vmem>>
    %dma_wait3A_47 = tpu.memref_squeeze %dma_wait3A_46 : memref<1x96x64xf32, #tpu.memory_space<vmem>> -> memref<96x64xf32, #tpu.memory_space<vmem>>
    %dma_wait3A_48 = arith.constant 0 : i32
    %dma_wait3A_49 = tpu.memref_slice %arg8[%dma_wait3A_43, %dma_wait3A_48] : memref<112x96xi32, #tpu.memory_space<vmem>> -> memref<1x96xi32, #tpu.memory_space<vmem>>
    %dma_wait3A_50 = tpu.memref_squeeze %dma_wait3A_49 : memref<1x96xi32, #tpu.memory_space<vmem>> -> memref<96xi32, #tpu.memory_space<vmem>>
    %dma_wait3A_51 = arith.constant 0 : i32
    %dma_wait3A_52 = arith.constant 0 : i32
    %dma_wait3A_53 = tpu.memref_slice %arg10[%dma_wait3A_51, %dma_wait3A_52] : memref<10240x64xf32, #tpu.memory_space<vmem_shared>> -> memref<10240x64xf32, #tpu.memory_space<vmem_shared>>
    tpu.wait_indirect_dma semaphore(%arg19 : memref<!tpu.dma_semaphore, #tpu.memory_space<semaphore_mem>>) src(%dma_wait3A_47 : memref<96x64xf32, #tpu.memory_space<vmem>>) dst(%dma_wait3A_53 : memref<10240x64xf32, #tpu.memory_space<vmem_shared>>)
    %barrier3A_54 = arith.constant 0 : index
    tpu.barrier barrier_id(%barrier3A_54)
    %run_scoped3A_55 = arith.constant 0 : i32
    "tpu.region"() ({
      %run_scoped3A_115 = tpu.sem_alloc : memref<!tpu.dma_semaphore, #tpu.memory_space<semaphore_mem>>
      %dma_start3A_116 = arith.constant 0 : i32
      %dma_start3A_117 = arith.constant 0 : i32
      %dma_start3A_118 = arith.constant 0 : i32
      %dma_start3A_119 = tpu.memref_slice %arg6[%arg0, %dma_start3A_116, %dma_start3A_117, %dma_start3A_118] : memref<2x2x10240x64xf32, #tpu.memory_space<hbm>> -> memref<1x2x10240x64xf32, #tpu.memory_space<hbm>>
      %dma_start3A_120 = tpu.memref_squeeze %dma_start3A_119 : memref<1x2x10240x64xf32, #tpu.memory_space<hbm>> -> memref<2x10240x64xf32, #tpu.memory_space<hbm>>
      %dma_start3A_121 = arith.constant 0 : i32
      %dma_start3A_122 = arith.constant 0 : i32
      %dma_start3A_123 = tpu.memref_slice %dma_start3A_120[%run_scoped3A_55, %dma_start3A_121, %dma_start3A_122] : memref<2x10240x64xf32, #tpu.memory_space<hbm>> -> memref<1x10240x64xf32, #tpu.memory_space<hbm>>
      %dma_start3A_124 = tpu.memref_squeeze %dma_start3A_123 : memref<1x10240x64xf32, #tpu.memory_space<hbm>> -> memref<10240x64xf32, #tpu.memory_space<hbm>>
      %dma_start3A_125 = arith.constant 0 : i32
      %dma_start3A_126 = tpu.memref_slice %dma_start3A_124[%mul3A_2, %dma_start3A_125] : memref<10240x64xf32, #tpu.memory_space<hbm>> -> memref<640x64xf32, #tpu.memory_space<hbm>>
      %dma_start3A_127 = arith.constant 0 : i32
      %dma_start3A_128 = tpu.memref_slice %arg10[%mul3A_2, %dma_start3A_127] : memref<10240x64xf32, #tpu.memory_space<vmem_shared>> -> memref<640x64xf32, #tpu.memory_space<vmem_shared>>
      tpu.enqueue_dma source(%dma_start3A_128 : memref<640x64xf32, #tpu.memory_space<vmem_shared>>) target(%dma_start3A_126 : memref<640x64xf32, #tpu.memory_space<hbm>>) target_semaphore(%run_scoped3A_115 : memref<!tpu.dma_semaphore, #tpu.memory_space<semaphore_mem>>)
      %dma_wait3A_129 = arith.constant 0 : i32
      %dma_wait3A_130 = arith.constant 0 : i32
      %dma_wait3A_131 = arith.constant 0 : i32
      %dma_wait3A_132 = tpu.memref_slice %arg6[%arg0, %dma_wait3A_129, %dma_wait3A_130, %dma_wait3A_131] : memref<2x2x10240x64xf32, #tpu.memory_space<hbm>> -> memref<1x2x10240x64xf32, #tpu.memory_space<hbm>>
      %dma_wait3A_133 = tpu.memref_squeeze %dma_wait3A_132 : memref<1x2x10240x64xf32, #tpu.memory_space<hbm>> -> memref<2x10240x64xf32, #tpu.memory_space<hbm>>
      %dma_wait3A_134 = arith.constant 0 : i32
      %dma_wait3A_135 = arith.constant 0 : i32
      %dma_wait3A_136 = tpu.memref_slice %dma_wait3A_133[%run_scoped3A_55, %dma_wait3A_134, %dma_wait3A_135] : memref<2x10240x64xf32, #tpu.memory_space<hbm>> -> memref<1x10240x64xf32, #tpu.memory_space<hbm>>
      %dma_wait3A_137 = tpu.memref_squeeze %dma_wait3A_136 : memref<1x10240x64xf32, #tpu.memory_space<hbm>> -> memref<10240x64xf32, #tpu.memory_space<hbm>>
      %dma_wait3A_138 = arith.constant 0 : i32
      %dma_wait3A_139 = tpu.memref_slice %dma_wait3A_137[%mul3A_2, %dma_wait3A_138] : memref<10240x64xf32, #tpu.memory_space<hbm>> -> memref<640x64xf32, #tpu.memory_space<hbm>>
      %dma_wait3A_140 = arith.constant 0 : i32
      %dma_wait3A_141 = tpu.memref_slice %arg10[%mul3A_2, %dma_wait3A_140] : memref<10240x64xf32, #tpu.memory_space<vmem_shared>> -> memref<640x64xf32, #tpu.memory_space<vmem_shared>>
      tpu.wait_dma2 semaphore(%run_scoped3A_115 : memref<!tpu.dma_semaphore, #tpu.memory_space<semaphore_mem>>) src(%dma_wait3A_141 : memref<640x64xf32, #tpu.memory_space<vmem_shared>>) dst(%dma_wait3A_139 : memref<640x64xf32, #tpu.memory_space<hbm>>)
      tpu.yield
    }) : () -> ()
    %barrier3A_56 = arith.constant 0 : index
    tpu.barrier barrier_id(%barrier3A_56)
    %run_scoped3A_57 = arith.constant 1 : i32
    "tpu.region"() ({
      %run_scoped3A_115 = tpu.sem_alloc : memref<!tpu.dma_semaphore, #tpu.memory_space<semaphore_mem>>
      %dma_start3A_116 = arith.constant 0 : i32
      %dma_start3A_117 = tpu.memref_slice %arg11[%mul3A_2, %dma_start3A_116] : memref<10240x64xf32, #tpu.memory_space<vmem_shared>> -> memref<640x64xf32, #tpu.memory_space<vmem_shared>>
      %dma_start3A_118 = arith.constant 0 : i32
      %dma_start3A_119 = arith.constant 0 : i32
      %dma_start3A_120 = tpu.memref_slice %arg2[%run_scoped3A_57, %dma_start3A_118, %dma_start3A_119] : memref<2x10240x64xf32, #tpu.memory_space<hbm>> -> memref<1x10240x64xf32, #tpu.memory_space<hbm>>
      %dma_start3A_121 = tpu.memref_squeeze %dma_start3A_120 : memref<1x10240x64xf32, #tpu.memory_space<hbm>> -> memref<10240x64xf32, #tpu.memory_space<hbm>>
      %dma_start3A_122 = arith.constant 0 : i32
      %dma_start3A_123 = tpu.memref_slice %dma_start3A_121[%mul3A_2, %dma_start3A_122] : memref<10240x64xf32, #tpu.memory_space<hbm>> -> memref<640x64xf32, #tpu.memory_space<hbm>>
      tpu.enqueue_dma source(%dma_start3A_123 : memref<640x64xf32, #tpu.memory_space<hbm>>) target(%dma_start3A_117 : memref<640x64xf32, #tpu.memory_space<vmem_shared>>) target_semaphore(%run_scoped3A_115 : memref<!tpu.dma_semaphore, #tpu.memory_space<semaphore_mem>>)
      %dma_wait3A_124 = arith.constant 0 : i32
      %dma_wait3A_125 = tpu.memref_slice %arg11[%mul3A_2, %dma_wait3A_124] : memref<10240x64xf32, #tpu.memory_space<vmem_shared>> -> memref<640x64xf32, #tpu.memory_space<vmem_shared>>
      %dma_wait3A_126 = arith.constant 0 : i32
      %dma_wait3A_127 = arith.constant 0 : i32
      %dma_wait3A_128 = tpu.memref_slice %arg2[%run_scoped3A_57, %dma_wait3A_126, %dma_wait3A_127] : memref<2x10240x64xf32, #tpu.memory_space<hbm>> -> memref<1x10240x64xf32, #tpu.memory_space<hbm>>
      %dma_wait3A_129 = tpu.memref_squeeze %dma_wait3A_128 : memref<1x10240x64xf32, #tpu.memory_space<hbm>> -> memref<10240x64xf32, #tpu.memory_space<hbm>>
      %dma_wait3A_130 = arith.constant 0 : i32
      %dma_wait3A_131 = tpu.memref_slice %dma_wait3A_129[%mul3A_2, %dma_wait3A_130] : memref<10240x64xf32, #tpu.memory_space<hbm>> -> memref<640x64xf32, #tpu.memory_space<hbm>>
      tpu.wait_dma2 semaphore(%run_scoped3A_115 : memref<!tpu.dma_semaphore, #tpu.memory_space<semaphore_mem>>) src(%dma_wait3A_131 : memref<640x64xf32, #tpu.memory_space<hbm>>) dst(%dma_wait3A_125 : memref<640x64xf32, #tpu.memory_space<vmem_shared>>)
      tpu.yield
    }) : () -> ()
    "tpu.region"() ({
      %run_scoped3A_115 = tpu.sem_alloc : memref<!tpu.dma_semaphore, #tpu.memory_space<semaphore_mem>>
      %dma_start3A_116 = arith.constant 0 : i32
      %dma_start3A_117 = tpu.memref_slice %arg10[%mul3A_2, %dma_start3A_116] : memref<10240x64xf32, #tpu.memory_space<vmem_shared>> -> memref<640x64xf32, #tpu.memory_space<vmem_shared>>
      %dma_start3A_118 = arith.constant 0 : i32
      %dma_start3A_119 = tpu.memref_slice %arg5[%mul3A_2, %dma_start3A_118] : memref<10240x64xf32, #tpu.memory_space<hbm>> -> memref<640x64xf32, #tpu.memory_space<hbm>>
      tpu.enqueue_dma source(%dma_start3A_119 : memref<640x64xf32, #tpu.memory_space<hbm>>) target(%dma_start3A_117 : memref<640x64xf32, #tpu.memory_space<vmem_shared>>) target_semaphore(%run_scoped3A_115 : memref<!tpu.dma_semaphore, #tpu.memory_space<semaphore_mem>>)
      %dma_wait3A_120 = arith.constant 0 : i32
      %dma_wait3A_121 = tpu.memref_slice %arg10[%mul3A_2, %dma_wait3A_120] : memref<10240x64xf32, #tpu.memory_space<vmem_shared>> -> memref<640x64xf32, #tpu.memory_space<vmem_shared>>
      %dma_wait3A_122 = arith.constant 0 : i32
      %dma_wait3A_123 = tpu.memref_slice %arg5[%mul3A_2, %dma_wait3A_122] : memref<10240x64xf32, #tpu.memory_space<hbm>> -> memref<640x64xf32, #tpu.memory_space<hbm>>
      tpu.wait_dma2 semaphore(%run_scoped3A_115 : memref<!tpu.dma_semaphore, #tpu.memory_space<semaphore_mem>>) src(%dma_wait3A_123 : memref<640x64xf32, #tpu.memory_space<hbm>>) dst(%dma_wait3A_121 : memref<640x64xf32, #tpu.memory_space<vmem_shared>>)
      tpu.yield
    }) : () -> ()
    %barrier3A_58 = arith.constant 0 : index
    tpu.barrier barrier_id(%barrier3A_58)
    %dma_start3A_59 = arith.constant 0 : i32
    %dma_start3A_60 = arith.constant 0 : i32
    %dma_start3A_61 = arith.constant 0 : i32
    %dma_start3A_62 = arith.constant 0 : i32
    %dma_start3A_63 = tpu.memref_slice %arg9[%dma_start3A_60, %dma_start3A_61, %dma_start3A_62] : memref<4x96x64xf32, #tpu.memory_space<vmem>> -> memref<1x96x64xf32, #tpu.memory_space<vmem>>
    %dma_start3A_64 = tpu.memref_squeeze %dma_start3A_63 : memref<1x96x64xf32, #tpu.memory_space<vmem>> -> memref<96x64xf32, #tpu.memory_space<vmem>>
    %dma_start3A_65 = arith.constant 0 : i32
    %dma_start3A_66 = tpu.memref_slice %arg7[%dma_start3A_59, %dma_start3A_65] : memref<112x96xi32, #tpu.memory_space<vmem>> -> memref<1x96xi32, #tpu.memory_space<vmem>>
    %dma_start3A_67 = tpu.memref_squeeze %dma_start3A_66 : memref<1x96xi32, #tpu.memory_space<vmem>> -> memref<96xi32, #tpu.memory_space<vmem>>
    %dma_start3A_68 = arith.constant 0 : i32
    %dma_start3A_69 = arith.constant 0 : i32
    %dma_start3A_70 = tpu.memref_slice %arg11[%dma_start3A_68, %dma_start3A_69] : memref<10240x64xf32, #tpu.memory_space<vmem_shared>> -> memref<10240x64xf32, #tpu.memory_space<vmem_shared>>
    tpu.enqueue_indirect_dma source(%dma_start3A_70 : memref<10240x64xf32, #tpu.memory_space<vmem_shared>>) target(%dma_start3A_64 : memref<96x64xf32, #tpu.memory_space<vmem>>) offsets(%dma_start3A_67 : memref<96xi32, #tpu.memory_space<vmem>>) semaphore(%arg12 : memref<!tpu.dma_semaphore, #tpu.memory_space<semaphore_mem>>)
    %dma_start3A_71 = arith.constant 1 : i32
    %dma_start3A_72 = arith.constant 1 : i32
    %dma_start3A_73 = arith.constant 0 : i32
    %dma_start3A_74 = arith.constant 0 : i32
    %dma_start3A_75 = tpu.memref_slice %arg9[%dma_start3A_72, %dma_start3A_73, %dma_start3A_74] : memref<4x96x64xf32, #tpu.memory_space<vmem>> -> memref<1x96x64xf32, #tpu.memory_space<vmem>>
    %dma_start3A_76 = tpu.memref_squeeze %dma_start3A_75 : memref<1x96x64xf32, #tpu.memory_space<vmem>> -> memref<96x64xf32, #tpu.memory_space<vmem>>
    %dma_start3A_77 = arith.constant 0 : i32
    %dma_start3A_78 = tpu.memref_slice %arg7[%dma_start3A_71, %dma_start3A_77] : memref<112x96xi32, #tpu.memory_space<vmem>> -> memref<1x96xi32, #tpu.memory_space<vmem>>
    %dma_start3A_79 = tpu.memref_squeeze %dma_start3A_78 : memref<1x96xi32, #tpu.memory_space<vmem>> -> memref<96xi32, #tpu.memory_space<vmem>>
    %dma_start3A_80 = arith.constant 0 : i32
    %dma_start3A_81 = arith.constant 0 : i32
    %dma_start3A_82 = tpu.memref_slice %arg11[%dma_start3A_80, %dma_start3A_81] : memref<10240x64xf32, #tpu.memory_space<vmem_shared>> -> memref<10240x64xf32, #tpu.memory_space<vmem_shared>>
    tpu.enqueue_indirect_dma source(%dma_start3A_82 : memref<10240x64xf32, #tpu.memory_space<vmem_shared>>) target(%dma_start3A_76 : memref<96x64xf32, #tpu.memory_space<vmem>>) offsets(%dma_start3A_79 : memref<96xi32, #tpu.memory_space<vmem>>) semaphore(%arg13 : memref<!tpu.dma_semaphore, #tpu.memory_space<semaphore_mem>>)
    %scan3A_83 = arith.constant 0 : i32
    %scan3A_84 = arith.constant 0 : i32
    %scan3A_85 = arith.constant 28 : i32
    %scan3A_86 = arith.addi %scan3A_84, %scan3A_85 : i32
    %scan3A_87 = arith.constant 1 : i32
    scf.for %scan3A_115 = %scan3A_84 to %scan3A_86 step %scan3A_87  : i32 {
      %mul3A_116 = arith.constant 4 : i32
      %mul3A_117 = arith.muli %mul3A_116, %scan3A_115 : i32
      %add3A_118 = arith.constant 0 : i32
      %add3A_119 = arith.addi %mul3A_117, %add3A_118 : i32
      %ge3A = arith.constant 1 : i32
      %ge3A_120 = arith.cmpi sge, %scan3A_115, %ge3A : i32
      %convert_element_type3A = arith.extui %ge3A_120 : i1 to i32
      %cond3A = arith.constant 0 : i32
      %cond3A_121 = arith.cmpi ne, %convert_element_type3A, %cond3A : i32
      scf.if %cond3A_121 {
        %dma_wait3A_290 = arith.constant 2 : i32
        %dma_wait3A_291 = arith.constant 0 : i32
        %dma_wait3A_292 = arith.constant 0 : i32
        %dma_wait3A_293 = arith.constant 0 : i32
        %dma_wait3A_294 = tpu.memref_slice %arg9[%dma_wait3A_290, %dma_wait3A_292, %dma_wait3A_293] : memref<4x96x64xf32, #tpu.memory_space<vmem>> -> memref<1x96x64xf32, #tpu.memory_space<vmem>>
        %dma_wait3A_295 = tpu.memref_squeeze %dma_wait3A_294 : memref<1x96x64xf32, #tpu.memory_space<vmem>> -> memref<96x64xf32, #tpu.memory_space<vmem>>
        %dma_wait3A_296 = arith.constant 0 : i32
        %dma_wait3A_297 = tpu.memref_slice %arg8[%dma_wait3A_291, %dma_wait3A_296] : memref<112x96xi32, #tpu.memory_space<vmem>> -> memref<1x96xi32, #tpu.memory_space<vmem>>
        %dma_wait3A_298 = tpu.memref_squeeze %dma_wait3A_297 : memref<1x96xi32, #tpu.memory_space<vmem>> -> memref<96xi32, #tpu.memory_space<vmem>>
        %dma_wait3A_299 = arith.constant 0 : i32
        %dma_wait3A_300 = arith.constant 0 : i32
        %dma_wait3A_301 = tpu.memref_slice %arg10[%dma_wait3A_299, %dma_wait3A_300] : memref<10240x64xf32, #tpu.memory_space<vmem_shared>> -> memref<10240x64xf32, #tpu.memory_space<vmem_shared>>
        tpu.wait_indirect_dma semaphore(%arg18 : memref<!tpu.dma_semaphore, #tpu.memory_space<semaphore_mem>>) src(%dma_wait3A_295 : memref<96x64xf32, #tpu.memory_space<vmem>>) dst(%dma_wait3A_301 : memref<10240x64xf32, #tpu.memory_space<vmem_shared>>)
      } else {
      }
      %add3A_122 = arith.constant 2 : i32
      %add3A_123 = arith.addi %add3A_119, %add3A_122 : i32
      %dma_start3A_124 = arith.constant 2 : i32
      %dma_start3A_125 = arith.constant 0 : i32
      %dma_start3A_126 = arith.constant 0 : i32
      %dma_start3A_127 = tpu.memref_slice %arg9[%dma_start3A_124, %dma_start3A_125, %dma_start3A_126] : memref<4x96x64xf32, #tpu.memory_space<vmem>> -> memref<1x96x64xf32, #tpu.memory_space<vmem>>
      %dma_start3A_128 = tpu.memref_squeeze %dma_start3A_127 : memref<1x96x64xf32, #tpu.memory_space<vmem>> -> memref<96x64xf32, #tpu.memory_space<vmem>>
      %dma_start3A_129 = arith.constant 0 : i32
      %dma_start3A_130 = tpu.memref_slice %arg7[%add3A_123, %dma_start3A_129] : memref<112x96xi32, #tpu.memory_space<vmem>> -> memref<1x96xi32, #tpu.memory_space<vmem>>
      %dma_start3A_131 = tpu.memref_squeeze %dma_start3A_130 : memref<1x96xi32, #tpu.memory_space<vmem>> -> memref<96xi32, #tpu.memory_space<vmem>>
      %dma_start3A_132 = arith.constant 0 : i32
      %dma_start3A_133 = arith.constant 0 : i32
      %dma_start3A_134 = tpu.memref_slice %arg11[%dma_start3A_132, %dma_start3A_133] : memref<10240x64xf32, #tpu.memory_space<vmem_shared>> -> memref<10240x64xf32, #tpu.memory_space<vmem_shared>>
      tpu.enqueue_indirect_dma source(%dma_start3A_134 : memref<10240x64xf32, #tpu.memory_space<vmem_shared>>) target(%dma_start3A_128 : memref<96x64xf32, #tpu.memory_space<vmem>>) offsets(%dma_start3A_131 : memref<96xi32, #tpu.memory_space<vmem>>) semaphore(%arg14 : memref<!tpu.dma_semaphore, #tpu.memory_space<semaphore_mem>>)
      %dma_wait3A_135 = arith.constant 0 : i32
      %dma_wait3A_136 = arith.constant 0 : i32
      %dma_wait3A_137 = arith.constant 0 : i32
      %dma_wait3A_138 = arith.constant 0 : i32
      %dma_wait3A_139 = tpu.memref_slice %arg9[%dma_wait3A_136, %dma_wait3A_137, %dma_wait3A_138] : memref<4x96x64xf32, #tpu.memory_space<vmem>> -> memref<1x96x64xf32, #tpu.memory_space<vmem>>
      %dma_wait3A_140 = tpu.memref_squeeze %dma_wait3A_139 : memref<1x96x64xf32, #tpu.memory_space<vmem>> -> memref<96x64xf32, #tpu.memory_space<vmem>>
      %dma_wait3A_141 = arith.constant 0 : i32
      %dma_wait3A_142 = tpu.memref_slice %arg7[%dma_wait3A_135, %dma_wait3A_141] : memref<112x96xi32, #tpu.memory_space<vmem>> -> memref<1x96xi32, #tpu.memory_space<vmem>>
      %dma_wait3A_143 = tpu.memref_squeeze %dma_wait3A_142 : memref<1x96xi32, #tpu.memory_space<vmem>> -> memref<96xi32, #tpu.memory_space<vmem>>
      %dma_wait3A_144 = arith.constant 0 : i32
      %dma_wait3A_145 = arith.constant 0 : i32
      %dma_wait3A_146 = tpu.memref_slice %arg11[%dma_wait3A_144, %dma_wait3A_145] : memref<10240x64xf32, #tpu.memory_space<vmem_shared>> -> memref<10240x64xf32, #tpu.memory_space<vmem_shared>>
      tpu.wait_indirect_dma semaphore(%arg12 : memref<!tpu.dma_semaphore, #tpu.memory_space<semaphore_mem>>) src(%dma_wait3A_146 : memref<10240x64xf32, #tpu.memory_space<vmem_shared>>) dst(%dma_wait3A_140 : memref<96x64xf32, #tpu.memory_space<vmem>>)
      %dma_start3A_147 = arith.constant 0 : i32
      %dma_start3A_148 = arith.constant 0 : i32
      %dma_start3A_149 = arith.constant 0 : i32
      %dma_start3A_150 = tpu.memref_slice %arg9[%dma_start3A_147, %dma_start3A_148, %dma_start3A_149] : memref<4x96x64xf32, #tpu.memory_space<vmem>> -> memref<1x96x64xf32, #tpu.memory_space<vmem>>
      %dma_start3A_151 = tpu.memref_squeeze %dma_start3A_150 : memref<1x96x64xf32, #tpu.memory_space<vmem>> -> memref<96x64xf32, #tpu.memory_space<vmem>>
      %dma_start3A_152 = arith.constant 0 : i32
      %dma_start3A_153 = tpu.memref_slice %arg8[%add3A_119, %dma_start3A_152] : memref<112x96xi32, #tpu.memory_space<vmem>> -> memref<1x96xi32, #tpu.memory_space<vmem>>
      %dma_start3A_154 = tpu.memref_squeeze %dma_start3A_153 : memref<1x96xi32, #tpu.memory_space<vmem>> -> memref<96xi32, #tpu.memory_space<vmem>>
      %dma_start3A_155 = arith.constant 0 : i32
      %dma_start3A_156 = arith.constant 0 : i32
      %dma_start3A_157 = tpu.memref_slice %arg10[%dma_start3A_155, %dma_start3A_156] : memref<10240x64xf32, #tpu.memory_space<vmem_shared>> -> memref<10240x64xf32, #tpu.memory_space<vmem_shared>>
      tpu.enqueue_indirect_dma source(%dma_start3A_151 : memref<96x64xf32, #tpu.memory_space<vmem>>) target(%dma_start3A_157 : memref<10240x64xf32, #tpu.memory_space<vmem_shared>>) offsets(%dma_start3A_154 : memref<96xi32, #tpu.memory_space<vmem>>) semaphore(%arg16 : memref<!tpu.dma_semaphore, #tpu.memory_space<semaphore_mem>>) {add = true}
      %mul3A_158 = arith.constant 4 : i32
      %mul3A_159 = arith.muli %mul3A_158, %scan3A_115 : i32
      %add3A_160 = arith.constant 1 : i32
      %add3A_161 = arith.addi %mul3A_159, %add3A_160 : i32
      %ge3A_162 = arith.constant 1 : i32
      %ge3A_163 = arith.cmpi sge, %scan3A_115, %ge3A_162 : i32
      %convert_element_type3A_164 = arith.extui %ge3A_163 : i1 to i32
      %cond3A_165 = arith.constant 0 : i32
      %cond3A_166 = arith.cmpi ne, %convert_element_type3A_164, %cond3A_165 : i32
      scf.if %cond3A_166 {
        %dma_wait3A_290 = arith.constant 3 : i32
        %dma_wait3A_291 = arith.constant 0 : i32
        %dma_wait3A_292 = arith.constant 0 : i32
        %dma_wait3A_293 = arith.constant 0 : i32
        %dma_wait3A_294 = tpu.memref_slice %arg9[%dma_wait3A_290, %dma_wait3A_292, %dma_wait3A_293] : memref<4x96x64xf32, #tpu.memory_space<vmem>> -> memref<1x96x64xf32, #tpu.memory_space<vmem>>
        %dma_wait3A_295 = tpu.memref_squeeze %dma_wait3A_294 : memref<1x96x64xf32, #tpu.memory_space<vmem>> -> memref<96x64xf32, #tpu.memory_space<vmem>>
        %dma_wait3A_296 = arith.constant 0 : i32
        %dma_wait3A_297 = tpu.memref_slice %arg8[%dma_wait3A_291, %dma_wait3A_296] : memref<112x96xi32, #tpu.memory_space<vmem>> -> memref<1x96xi32, #tpu.memory_space<vmem>>
        %dma_wait3A_298 = tpu.memref_squeeze %dma_wait3A_297 : memref<1x96xi32, #tpu.memory_space<vmem>> -> memref<96xi32, #tpu.memory_space<vmem>>
        %dma_wait3A_299 = arith.constant 0 : i32
        %dma_wait3A_300 = arith.constant 0 : i32
        %dma_wait3A_301 = tpu.memref_slice %arg10[%dma_wait3A_299, %dma_wait3A_300] : memref<10240x64xf32, #tpu.memory_space<vmem_shared>> -> memref<10240x64xf32, #tpu.memory_space<vmem_shared>>
        tpu.wait_indirect_dma semaphore(%arg19 : memref<!tpu.dma_semaphore, #tpu.memory_space<semaphore_mem>>) src(%dma_wait3A_295 : memref<96x64xf32, #tpu.memory_space<vmem>>) dst(%dma_wait3A_301 : memref<10240x64xf32, #tpu.memory_space<vmem_shared>>)
      } else {
      }
      %add3A_167 = arith.constant 2 : i32
      %add3A_168 = arith.addi %add3A_161, %add3A_167 : i32
      %dma_start3A_169 = arith.constant 3 : i32
      %dma_start3A_170 = arith.constant 0 : i32
      %dma_start3A_171 = arith.constant 0 : i32
      %dma_start3A_172 = tpu.memref_slice %arg9[%dma_start3A_169, %dma_start3A_170, %dma_start3A_171] : memref<4x96x64xf32, #tpu.memory_space<vmem>> -> memref<1x96x64xf32, #tpu.memory_space<vmem>>
      %dma_start3A_173 = tpu.memref_squeeze %dma_start3A_172 : memref<1x96x64xf32, #tpu.memory_space<vmem>> -> memref<96x64xf32, #tpu.memory_space<vmem>>
      %dma_start3A_174 = arith.constant 0 : i32
      %dma_start3A_175 = tpu.memref_slice %arg7[%add3A_168, %dma_start3A_174] : memref<112x96xi32, #tpu.memory_space<vmem>> -> memref<1x96xi32, #tpu.memory_space<vmem>>
      %dma_start3A_176 = tpu.memref_squeeze %dma_start3A_175 : memref<1x96xi32, #tpu.memory_space<vmem>> -> memref<96xi32, #tpu.memory_space<vmem>>
      %dma_start3A_177 = arith.constant 0 : i32
      %dma_start3A_178 = arith.constant 0 : i32
      %dma_start3A_179 = tpu.memref_slice %arg11[%dma_start3A_177, %dma_start3A_178] : memref<10240x64xf32, #tpu.memory_space<vmem_shared>> -> memref<10240x64xf32, #tpu.memory_space<vmem_shared>>
      tpu.enqueue_indirect_dma source(%dma_start3A_179 : memref<10240x64xf32, #tpu.memory_space<vmem_shared>>) target(%dma_start3A_173 : memref<96x64xf32, #tpu.memory_space<vmem>>) offsets(%dma_start3A_176 : memref<96xi32, #tpu.memory_space<vmem>>) semaphore(%arg15 : memref<!tpu.dma_semaphore, #tpu.memory_space<semaphore_mem>>)
      %dma_wait3A_180 = arith.constant 0 : i32
      %dma_wait3A_181 = arith.constant 1 : i32
      %dma_wait3A_182 = arith.constant 0 : i32
      %dma_wait3A_183 = arith.constant 0 : i32
      %dma_wait3A_184 = tpu.memref_slice %arg9[%dma_wait3A_181, %dma_wait3A_182, %dma_wait3A_183] : memref<4x96x64xf32, #tpu.memory_space<vmem>> -> memref<1x96x64xf32, #tpu.memory_space<vmem>>
      %dma_wait3A_185 = tpu.memref_squeeze %dma_wait3A_184 : memref<1x96x64xf32, #tpu.memory_space<vmem>> -> memref<96x64xf32, #tpu.memory_space<vmem>>
      %dma_wait3A_186 = arith.constant 0 : i32
      %dma_wait3A_187 = tpu.memref_slice %arg7[%dma_wait3A_180, %dma_wait3A_186] : memref<112x96xi32, #tpu.memory_space<vmem>> -> memref<1x96xi32, #tpu.memory_space<vmem>>
      %dma_wait3A_188 = tpu.memref_squeeze %dma_wait3A_187 : memref<1x96xi32, #tpu.memory_space<vmem>> -> memref<96xi32, #tpu.memory_space<vmem>>
      %dma_wait3A_189 = arith.constant 0 : i32
      %dma_wait3A_190 = arith.constant 0 : i32
      %dma_wait3A_191 = tpu.memref_slice %arg11[%dma_wait3A_189, %dma_wait3A_190] : memref<10240x64xf32, #tpu.memory_space<vmem_shared>> -> memref<10240x64xf32, #tpu.memory_space<vmem_shared>>
      tpu.wait_indirect_dma semaphore(%arg13 : memref<!tpu.dma_semaphore, #tpu.memory_space<semaphore_mem>>) src(%dma_wait3A_191 : memref<10240x64xf32, #tpu.memory_space<vmem_shared>>) dst(%dma_wait3A_185 : memref<96x64xf32, #tpu.memory_space<vmem>>)
      %dma_start3A_192 = arith.constant 1 : i32
      %dma_start3A_193 = arith.constant 0 : i32
      %dma_start3A_194 = arith.constant 0 : i32
      %dma_start3A_195 = tpu.memref_slice %arg9[%dma_start3A_192, %dma_start3A_193, %dma_start3A_194] : memref<4x96x64xf32, #tpu.memory_space<vmem>> -> memref<1x96x64xf32, #tpu.memory_space<vmem>>
      %dma_start3A_196 = tpu.memref_squeeze %dma_start3A_195 : memref<1x96x64xf32, #tpu.memory_space<vmem>> -> memref<96x64xf32, #tpu.memory_space<vmem>>
      %dma_start3A_197 = arith.constant 0 : i32
      %dma_start3A_198 = tpu.memref_slice %arg8[%add3A_161, %dma_start3A_197] : memref<112x96xi32, #tpu.memory_space<vmem>> -> memref<1x96xi32, #tpu.memory_space<vmem>>
      %dma_start3A_199 = tpu.memref_squeeze %dma_start3A_198 : memref<1x96xi32, #tpu.memory_space<vmem>> -> memref<96xi32, #tpu.memory_space<vmem>>
      %dma_start3A_200 = arith.constant 0 : i32
      %dma_start3A_201 = arith.constant 0 : i32
      %dma_start3A_202 = tpu.memref_slice %arg10[%dma_start3A_200, %dma_start3A_201] : memref<10240x64xf32, #tpu.memory_space<vmem_shared>> -> memref<10240x64xf32, #tpu.memory_space<vmem_shared>>
      tpu.enqueue_indirect_dma source(%dma_start3A_196 : memref<96x64xf32, #tpu.memory_space<vmem>>) target(%dma_start3A_202 : memref<10240x64xf32, #tpu.memory_space<vmem_shared>>) offsets(%dma_start3A_199 : memref<96xi32, #tpu.memory_space<vmem>>) semaphore(%arg17 : memref<!tpu.dma_semaphore, #tpu.memory_space<semaphore_mem>>) {add = true}
      %mul3A_203 = arith.constant 4 : i32
      %mul3A_204 = arith.muli %mul3A_203, %scan3A_115 : i32
      %add3A_205 = arith.constant 2 : i32
      %add3A_206 = arith.addi %mul3A_204, %add3A_205 : i32
      %dma_wait3A_207 = arith.constant 0 : i32
      %dma_wait3A_208 = arith.constant 0 : i32
      %dma_wait3A_209 = arith.constant 0 : i32
      %dma_wait3A_210 = arith.constant 0 : i32
      %dma_wait3A_211 = tpu.memref_slice %arg9[%dma_wait3A_207, %dma_wait3A_209, %dma_wait3A_210] : memref<4x96x64xf32, #tpu.memory_space<vmem>> -> memref<1x96x64xf32, #tpu.memory_space<vmem>>
      %dma_wait3A_212 = tpu.memref_squeeze %dma_wait3A_211 : memref<1x96x64xf32, #tpu.memory_space<vmem>> -> memref<96x64xf32, #tpu.memory_space<vmem>>
      %dma_wait3A_213 = arith.constant 0 : i32
      %dma_wait3A_214 = tpu.memref_slice %arg8[%dma_wait3A_208, %dma_wait3A_213] : memref<112x96xi32, #tpu.memory_space<vmem>> -> memref<1x96xi32, #tpu.memory_space<vmem>>
      %dma_wait3A_215 = tpu.memref_squeeze %dma_wait3A_214 : memref<1x96xi32, #tpu.memory_space<vmem>> -> memref<96xi32, #tpu.memory_space<vmem>>
      %dma_wait3A_216 = arith.constant 0 : i32
      %dma_wait3A_217 = arith.constant 0 : i32
      %dma_wait3A_218 = tpu.memref_slice %arg10[%dma_wait3A_216, %dma_wait3A_217] : memref<10240x64xf32, #tpu.memory_space<vmem_shared>> -> memref<10240x64xf32, #tpu.memory_space<vmem_shared>>
      tpu.wait_indirect_dma semaphore(%arg16 : memref<!tpu.dma_semaphore, #tpu.memory_space<semaphore_mem>>) src(%dma_wait3A_212 : memref<96x64xf32, #tpu.memory_space<vmem>>) dst(%dma_wait3A_218 : memref<10240x64xf32, #tpu.memory_space<vmem_shared>>)
      %lt3A = arith.constant 27 : i32
      %lt3A_219 = arith.cmpi slt, %scan3A_115, %lt3A : i32
      %convert_element_type3A_220 = arith.extui %lt3A_219 : i1 to i32
      %cond3A_221 = arith.constant 0 : i32
      %cond3A_222 = arith.cmpi ne, %convert_element_type3A_220, %cond3A_221 : i32
      scf.if %cond3A_222 {
        %add3A_290 = arith.constant 2 : i32
        %add3A_291 = arith.addi %add3A_206, %add3A_290 : i32
        %dma_start3A_292 = arith.constant 0 : i32
        %dma_start3A_293 = arith.constant 0 : i32
        %dma_start3A_294 = arith.constant 0 : i32
        %dma_start3A_295 = tpu.memref_slice %arg9[%dma_start3A_292, %dma_start3A_293, %dma_start3A_294] : memref<4x96x64xf32, #tpu.memory_space<vmem>> -> memref<1x96x64xf32, #tpu.memory_space<vmem>>
        %dma_start3A_296 = tpu.memref_squeeze %dma_start3A_295 : memref<1x96x64xf32, #tpu.memory_space<vmem>> -> memref<96x64xf32, #tpu.memory_space<vmem>>
        %dma_start3A_297 = arith.constant 0 : i32
        %dma_start3A_298 = tpu.memref_slice %arg7[%add3A_291, %dma_start3A_297] : memref<112x96xi32, #tpu.memory_space<vmem>> -> memref<1x96xi32, #tpu.memory_space<vmem>>
        %dma_start3A_299 = tpu.memref_squeeze %dma_start3A_298 : memref<1x96xi32, #tpu.memory_space<vmem>> -> memref<96xi32, #tpu.memory_space<vmem>>
        %dma_start3A_300 = arith.constant 0 : i32
        %dma_start3A_301 = arith.constant 0 : i32
        %dma_start3A_302 = tpu.memref_slice %arg11[%dma_start3A_300, %dma_start3A_301] : memref<10240x64xf32, #tpu.memory_space<vmem_shared>> -> memref<10240x64xf32, #tpu.memory_space<vmem_shared>>
        tpu.enqueue_indirect_dma source(%dma_start3A_302 : memref<10240x64xf32, #tpu.memory_space<vmem_shared>>) target(%dma_start3A_296 : memref<96x64xf32, #tpu.memory_space<vmem>>) offsets(%dma_start3A_299 : memref<96xi32, #tpu.memory_space<vmem>>) semaphore(%arg12 : memref<!tpu.dma_semaphore, #tpu.memory_space<semaphore_mem>>)
      } else {
      }
      %dma_wait3A_223 = arith.constant 0 : i32
      %dma_wait3A_224 = arith.constant 2 : i32
      %dma_wait3A_225 = arith.constant 0 : i32
      %dma_wait3A_226 = arith.constant 0 : i32
      %dma_wait3A_227 = tpu.memref_slice %arg9[%dma_wait3A_224, %dma_wait3A_225, %dma_wait3A_226] : memref<4x96x64xf32, #tpu.memory_space<vmem>> -> memref<1x96x64xf32, #tpu.memory_space<vmem>>
      %dma_wait3A_228 = tpu.memref_squeeze %dma_wait3A_227 : memref<1x96x64xf32, #tpu.memory_space<vmem>> -> memref<96x64xf32, #tpu.memory_space<vmem>>
      %dma_wait3A_229 = arith.constant 0 : i32
      %dma_wait3A_230 = tpu.memref_slice %arg7[%dma_wait3A_223, %dma_wait3A_229] : memref<112x96xi32, #tpu.memory_space<vmem>> -> memref<1x96xi32, #tpu.memory_space<vmem>>
      %dma_wait3A_231 = tpu.memref_squeeze %dma_wait3A_230 : memref<1x96xi32, #tpu.memory_space<vmem>> -> memref<96xi32, #tpu.memory_space<vmem>>
      %dma_wait3A_232 = arith.constant 0 : i32
      %dma_wait3A_233 = arith.constant 0 : i32
      %dma_wait3A_234 = tpu.memref_slice %arg11[%dma_wait3A_232, %dma_wait3A_233] : memref<10240x64xf32, #tpu.memory_space<vmem_shared>> -> memref<10240x64xf32, #tpu.memory_space<vmem_shared>>
      tpu.wait_indirect_dma semaphore(%arg14 : memref<!tpu.dma_semaphore, #tpu.memory_space<semaphore_mem>>) src(%dma_wait3A_234 : memref<10240x64xf32, #tpu.memory_space<vmem_shared>>) dst(%dma_wait3A_228 : memref<96x64xf32, #tpu.memory_space<vmem>>)
      %dma_start3A_235 = arith.constant 2 : i32
      %dma_start3A_236 = arith.constant 0 : i32
      %dma_start3A_237 = arith.constant 0 : i32
      %dma_start3A_238 = tpu.memref_slice %arg9[%dma_start3A_235, %dma_start3A_236, %dma_start3A_237] : memref<4x96x64xf32, #tpu.memory_space<vmem>> -> memref<1x96x64xf32, #tpu.memory_space<vmem>>
      %dma_start3A_239 = tpu.memref_squeeze %dma_start3A_238 : memref<1x96x64xf32, #tpu.memory_space<vmem>> -> memref<96x64xf32, #tpu.memory_space<vmem>>
      %dma_start3A_240 = arith.constant 0 : i32
      %dma_start3A_241 = tpu.memref_slice %arg8[%add3A_206, %dma_start3A_240] : memref<112x96xi32, #tpu.memory_space<vmem>> -> memref<1x96xi32, #tpu.memory_space<vmem>>
      %dma_start3A_242 = tpu.memref_squeeze %dma_start3A_241 : memref<1x96xi32, #tpu.memory_space<vmem>> -> memref<96xi32, #tpu.memory_space<vmem>>
      %dma_start3A_243 = arith.constant 0 : i32
      %dma_start3A_244 = arith.constant 0 : i32
      %dma_start3A_245 = tpu.memref_slice %arg10[%dma_start3A_243, %dma_start3A_244] : memref<10240x64xf32, #tpu.memory_space<vmem_shared>> -> memref<10240x64xf32, #tpu.memory_space<vmem_shared>>
      tpu.enqueue_indirect_dma source(%dma_start3A_239 : memref<96x64xf32, #tpu.memory_space<vmem>>) target(%dma_start3A_245 : memref<10240x64xf32, #tpu.memory_space<vmem_shared>>) offsets(%dma_start3A_242 : memref<96xi32, #tpu.memory_space<vmem>>) semaphore(%arg18 : memref<!tpu.dma_semaphore, #tpu.memory_space<semaphore_mem>>) {add = true}
      %mul3A_246 = arith.constant 4 : i32
      %mul3A_247 = arith.muli %mul3A_246, %scan3A_115 : i32
      %add3A_248 = arith.constant 3 : i32
      %add3A_249 = arith.addi %mul3A_247, %add3A_248 : i32
      %dma_wait3A_250 = arith.constant 1 : i32
      %dma_wait3A_251 = arith.constant 0 : i32
      %dma_wait3A_252 = arith.constant 0 : i32
      %dma_wait3A_253 = arith.constant 0 : i32
      %dma_wait3A_254 = tpu.memref_slice %arg9[%dma_wait3A_250, %dma_wait3A_252, %dma_wait3A_253] : memref<4x96x64xf32, #tpu.memory_space<vmem>> -> memref<1x96x64xf32, #tpu.memory_space<vmem>>
      %dma_wait3A_255 = tpu.memref_squeeze %dma_wait3A_254 : memref<1x96x64xf32, #tpu.memory_space<vmem>> -> memref<96x64xf32, #tpu.memory_space<vmem>>
      %dma_wait3A_256 = arith.constant 0 : i32
      %dma_wait3A_257 = tpu.memref_slice %arg8[%dma_wait3A_251, %dma_wait3A_256] : memref<112x96xi32, #tpu.memory_space<vmem>> -> memref<1x96xi32, #tpu.memory_space<vmem>>
      %dma_wait3A_258 = tpu.memref_squeeze %dma_wait3A_257 : memref<1x96xi32, #tpu.memory_space<vmem>> -> memref<96xi32, #tpu.memory_space<vmem>>
      %dma_wait3A_259 = arith.constant 0 : i32
      %dma_wait3A_260 = arith.constant 0 : i32
      %dma_wait3A_261 = tpu.memref_slice %arg10[%dma_wait3A_259, %dma_wait3A_260] : memref<10240x64xf32, #tpu.memory_space<vmem_shared>> -> memref<10240x64xf32, #tpu.memory_space<vmem_shared>>
      tpu.wait_indirect_dma semaphore(%arg17 : memref<!tpu.dma_semaphore, #tpu.memory_space<semaphore_mem>>) src(%dma_wait3A_255 : memref<96x64xf32, #tpu.memory_space<vmem>>) dst(%dma_wait3A_261 : memref<10240x64xf32, #tpu.memory_space<vmem_shared>>)
      %lt3A_262 = arith.constant 27 : i32
      %lt3A_263 = arith.cmpi slt, %scan3A_115, %lt3A_262 : i32
      %convert_element_type3A_264 = arith.extui %lt3A_263 : i1 to i32
      %cond3A_265 = arith.constant 0 : i32
      %cond3A_266 = arith.cmpi ne, %convert_element_type3A_264, %cond3A_265 : i32
      scf.if %cond3A_266 {
        %add3A_290 = arith.constant 2 : i32
        %add3A_291 = arith.addi %add3A_249, %add3A_290 : i32
        %dma_start3A_292 = arith.constant 1 : i32
        %dma_start3A_293 = arith.constant 0 : i32
        %dma_start3A_294 = arith.constant 0 : i32
        %dma_start3A_295 = tpu.memref_slice %arg9[%dma_start3A_292, %dma_start3A_293, %dma_start3A_294] : memref<4x96x64xf32, #tpu.memory_space<vmem>> -> memref<1x96x64xf32, #tpu.memory_space<vmem>>
        %dma_start3A_296 = tpu.memref_squeeze %dma_start3A_295 : memref<1x96x64xf32, #tpu.memory_space<vmem>> -> memref<96x64xf32, #tpu.memory_space<vmem>>
        %dma_start3A_297 = arith.constant 0 : i32
        %dma_start3A_298 = tpu.memref_slice %arg7[%add3A_291, %dma_start3A_297] : memref<112x96xi32, #tpu.memory_space<vmem>> -> memref<1x96xi32, #tpu.memory_space<vmem>>
        %dma_start3A_299 = tpu.memref_squeeze %dma_start3A_298 : memref<1x96xi32, #tpu.memory_space<vmem>> -> memref<96xi32, #tpu.memory_space<vmem>>
        %dma_start3A_300 = arith.constant 0 : i32
        %dma_start3A_301 = arith.constant 0 : i32
        %dma_start3A_302 = tpu.memref_slice %arg11[%dma_start3A_300, %dma_start3A_301] : memref<10240x64xf32, #tpu.memory_space<vmem_shared>> -> memref<10240x64xf32, #tpu.memory_space<vmem_shared>>
        tpu.enqueue_indirect_dma source(%dma_start3A_302 : memref<10240x64xf32, #tpu.memory_space<vmem_shared>>) target(%dma_start3A_296 : memref<96x64xf32, #tpu.memory_space<vmem>>) offsets(%dma_start3A_299 : memref<96xi32, #tpu.memory_space<vmem>>) semaphore(%arg13 : memref<!tpu.dma_semaphore, #tpu.memory_space<semaphore_mem>>)
      } else {
      }
      %dma_wait3A_267 = arith.constant 0 : i32
      %dma_wait3A_268 = arith.constant 3 : i32
      %dma_wait3A_269 = arith.constant 0 : i32
      %dma_wait3A_270 = arith.constant 0 : i32
      %dma_wait3A_271 = tpu.memref_slice %arg9[%dma_wait3A_268, %dma_wait3A_269, %dma_wait3A_270] : memref<4x96x64xf32, #tpu.memory_space<vmem>> -> memref<1x96x64xf32, #tpu.memory_space<vmem>>
      %dma_wait3A_272 = tpu.memref_squeeze %dma_wait3A_271 : memref<1x96x64xf32, #tpu.memory_space<vmem>> -> memref<96x64xf32, #tpu.memory_space<vmem>>
      %dma_wait3A_273 = arith.constant 0 : i32
      %dma_wait3A_274 = tpu.memref_slice %arg7[%dma_wait3A_267, %dma_wait3A_273] : memref<112x96xi32, #tpu.memory_space<vmem>> -> memref<1x96xi32, #tpu.memory_space<vmem>>
      %dma_wait3A_275 = tpu.memref_squeeze %dma_wait3A_274 : memref<1x96xi32, #tpu.memory_space<vmem>> -> memref<96xi32, #tpu.memory_space<vmem>>
      %dma_wait3A_276 = arith.constant 0 : i32
      %dma_wait3A_277 = arith.constant 0 : i32
      %dma_wait3A_278 = tpu.memref_slice %arg11[%dma_wait3A_276, %dma_wait3A_277] : memref<10240x64xf32, #tpu.memory_space<vmem_shared>> -> memref<10240x64xf32, #tpu.memory_space<vmem_shared>>
      tpu.wait_indirect_dma semaphore(%arg15 : memref<!tpu.dma_semaphore, #tpu.memory_space<semaphore_mem>>) src(%dma_wait3A_278 : memref<10240x64xf32, #tpu.memory_space<vmem_shared>>) dst(%dma_wait3A_272 : memref<96x64xf32, #tpu.memory_space<vmem>>)
      %dma_start3A_279 = arith.constant 3 : i32
      %dma_start3A_280 = arith.constant 0 : i32
      %dma_start3A_281 = arith.constant 0 : i32
      %dma_start3A_282 = tpu.memref_slice %arg9[%dma_start3A_279, %dma_start3A_280, %dma_start3A_281] : memref<4x96x64xf32, #tpu.memory_space<vmem>> -> memref<1x96x64xf32, #tpu.memory_space<vmem>>
      %dma_start3A_283 = tpu.memref_squeeze %dma_start3A_282 : memref<1x96x64xf32, #tpu.memory_space<vmem>> -> memref<96x64xf32, #tpu.memory_space<vmem>>
      %dma_start3A_284 = arith.constant 0 : i32
      %dma_start3A_285 = tpu.memref_slice %arg8[%add3A_249, %dma_start3A_284] : memref<112x96xi32, #tpu.memory_space<vmem>> -> memref<1x96xi32, #tpu.memory_space<vmem>>
      %dma_start3A_286 = tpu.memref_squeeze %dma_start3A_285 : memref<1x96xi32, #tpu.memory_space<vmem>> -> memref<96xi32, #tpu.memory_space<vmem>>
      %dma_start3A_287 = arith.constant 0 : i32
      %dma_start3A_288 = arith.constant 0 : i32
      %dma_start3A_289 = tpu.memref_slice %arg10[%dma_start3A_287, %dma_start3A_288] : memref<10240x64xf32, #tpu.memory_space<vmem_shared>> -> memref<10240x64xf32, #tpu.memory_space<vmem_shared>>
      tpu.enqueue_indirect_dma source(%dma_start3A_283 : memref<96x64xf32, #tpu.memory_space<vmem>>) target(%dma_start3A_289 : memref<10240x64xf32, #tpu.memory_space<vmem_shared>>) offsets(%dma_start3A_286 : memref<96xi32, #tpu.memory_space<vmem>>) semaphore(%arg19 : memref<!tpu.dma_semaphore, #tpu.memory_space<semaphore_mem>>) {add = true}
    }
    %scan3A_88 = arith.constant 28 : i32
    %dma_wait3A_89 = arith.constant 2 : i32
    %dma_wait3A_90 = arith.constant 0 : i32
    %dma_wait3A_91 = arith.constant 0 : i32
    %dma_wait3A_92 = arith.constant 0 : i32
    %dma_wait3A_93 = tpu.memref_slice %arg9[%dma_wait3A_89, %dma_wait3A_91, %dma_wait3A_92] : memref<4x96x64xf32, #tpu.memory_space<vmem>> -> memref<1x96x64xf32, #tpu.memory_space<vmem>>
    %dma_wait3A_94 = tpu.memref_squeeze %dma_wait3A_93 : memref<1x96x64xf32, #tpu.memory_space<vmem>> -> memref<96x64xf32, #tpu.memory_space<vmem>>
    %dma_wait3A_95 = arith.constant 0 : i32
    %dma_wait3A_96 = tpu.memref_slice %arg8[%dma_wait3A_90, %dma_wait3A_95] : memref<112x96xi32, #tpu.memory_space<vmem>> -> memref<1x96xi32, #tpu.memory_space<vmem>>
    %dma_wait3A_97 = tpu.memref_squeeze %dma_wait3A_96 : memref<1x96xi32, #tpu.memory_space<vmem>> -> memref<96xi32, #tpu.memory_space<vmem>>
    %dma_wait3A_98 = arith.constant 0 : i32
    %dma_wait3A_99 = arith.constant 0 : i32
    %dma_wait3A_100 = tpu.memref_slice %arg10[%dma_wait3A_98, %dma_wait3A_99] : memref<10240x64xf32, #tpu.memory_space<vmem_shared>> -> memref<10240x64xf32, #tpu.memory_space<vmem_shared>>
    tpu.wait_indirect_dma semaphore(%arg18 : memref<!tpu.dma_semaphore, #tpu.memory_space<semaphore_mem>>) src(%dma_wait3A_94 : memref<96x64xf32, #tpu.memory_space<vmem>>) dst(%dma_wait3A_100 : memref<10240x64xf32, #tpu.memory_space<vmem_shared>>)
    %dma_wait3A_101 = arith.constant 3 : i32
    %dma_wait3A_102 = arith.constant 0 : i32
    %dma_wait3A_103 = arith.constant 0 : i32
    %dma_wait3A_104 = arith.constant 0 : i32
    %dma_wait3A_105 = tpu.memref_slice %arg9[%dma_wait3A_101, %dma_wait3A_103, %dma_wait3A_104] : memref<4x96x64xf32, #tpu.memory_space<vmem>> -> memref<1x96x64xf32, #tpu.memory_space<vmem>>
    %dma_wait3A_106 = tpu.memref_squeeze %dma_wait3A_105 : memref<1x96x64xf32, #tpu.memory_space<vmem>> -> memref<96x64xf32, #tpu.memory_space<vmem>>
    %dma_wait3A_107 = arith.constant 0 : i32
    %dma_wait3A_108 = tpu.memref_slice %arg8[%dma_wait3A_102, %dma_wait3A_107] : memref<112x96xi32, #tpu.memory_space<vmem>> -> memref<1x96xi32, #tpu.memory_space<vmem>>
    %dma_wait3A_109 = tpu.memref_squeeze %dma_wait3A_108 : memref<1x96xi32, #tpu.memory_space<vmem>> -> memref<96xi32, #tpu.memory_space<vmem>>
    %dma_wait3A_110 = arith.constant 0 : i32
    %dma_wait3A_111 = arith.constant 0 : i32
    %dma_wait3A_112 = tpu.memref_slice %arg10[%dma_wait3A_110, %dma_wait3A_111] : memref<10240x64xf32, #tpu.memory_space<vmem_shared>> -> memref<10240x64xf32, #tpu.memory_space<vmem_shared>>
    tpu.wait_indirect_dma semaphore(%arg19 : memref<!tpu.dma_semaphore, #tpu.memory_space<semaphore_mem>>) src(%dma_wait3A_106 : memref<96x64xf32, #tpu.memory_space<vmem>>) dst(%dma_wait3A_112 : memref<10240x64xf32, #tpu.memory_space<vmem_shared>>)
    %barrier3A_113 = arith.constant 0 : index
    tpu.barrier barrier_id(%barrier3A_113)
    %run_scoped3A_114 = arith.constant 1 : i32
    "tpu.region"() ({
      %run_scoped3A_115 = tpu.sem_alloc : memref<!tpu.dma_semaphore, #tpu.memory_space<semaphore_mem>>
      %dma_start3A_116 = arith.constant 0 : i32
      %dma_start3A_117 = arith.constant 0 : i32
      %dma_start3A_118 = arith.constant 0 : i32
      %dma_start3A_119 = tpu.memref_slice %arg6[%arg0, %dma_start3A_116, %dma_start3A_117, %dma_start3A_118] : memref<2x2x10240x64xf32, #tpu.memory_space<hbm>> -> memref<1x2x10240x64xf32, #tpu.memory_space<hbm>>
      %dma_start3A_120 = tpu.memref_squeeze %dma_start3A_119 : memref<1x2x10240x64xf32, #tpu.memory_space<hbm>> -> memref<2x10240x64xf32, #tpu.memory_space<hbm>>
      %dma_start3A_121 = arith.constant 0 : i32
      %dma_start3A_122 = arith.constant 0 : i32
      %dma_start3A_123 = tpu.memref_slice %dma_start3A_120[%run_scoped3A_114, %dma_start3A_121, %dma_start3A_122] : memref<2x10240x64xf32, #tpu.memory_space<hbm>> -> memref<1x10240x64xf32, #tpu.memory_space<hbm>>
      %dma_start3A_124 = tpu.memref_squeeze %dma_start3A_123 : memref<1x10240x64xf32, #tpu.memory_space<hbm>> -> memref<10240x64xf32, #tpu.memory_space<hbm>>
      %dma_start3A_125 = arith.constant 0 : i32
      %dma_start3A_126 = tpu.memref_slice %dma_start3A_124[%mul3A_2, %dma_start3A_125] : memref<10240x64xf32, #tpu.memory_space<hbm>> -> memref<640x64xf32, #tpu.memory_space<hbm>>
      %dma_start3A_127 = arith.constant 0 : i32
      %dma_start3A_128 = tpu.memref_slice %arg10[%mul3A_2, %dma_start3A_127] : memref<10240x64xf32, #tpu.memory_space<vmem_shared>> -> memref<640x64xf32, #tpu.memory_space<vmem_shared>>
      tpu.enqueue_dma source(%dma_start3A_128 : memref<640x64xf32, #tpu.memory_space<vmem_shared>>) target(%dma_start3A_126 : memref<640x64xf32, #tpu.memory_space<hbm>>) target_semaphore(%run_scoped3A_115 : memref<!tpu.dma_semaphore, #tpu.memory_space<semaphore_mem>>)
      %dma_wait3A_129 = arith.constant 0 : i32
      %dma_wait3A_130 = arith.constant 0 : i32
      %dma_wait3A_131 = arith.constant 0 : i32
      %dma_wait3A_132 = tpu.memref_slice %arg6[%arg0, %dma_wait3A_129, %dma_wait3A_130, %dma_wait3A_131] : memref<2x2x10240x64xf32, #tpu.memory_space<hbm>> -> memref<1x2x10240x64xf32, #tpu.memory_space<hbm>>
      %dma_wait3A_133 = tpu.memref_squeeze %dma_wait3A_132 : memref<1x2x10240x64xf32, #tpu.memory_space<hbm>> -> memref<2x10240x64xf32, #tpu.memory_space<hbm>>
      %dma_wait3A_134 = arith.constant 0 : i32
      %dma_wait3A_135 = arith.constant 0 : i32
      %dma_wait3A_136 = tpu.memref_slice %dma_wait3A_133[%run_scoped3A_114, %dma_wait3A_134, %dma_wait3A_135] : memref<2x10240x64xf32, #tpu.memory_space<hbm>> -> memref<1x10240x64xf32, #tpu.memory_space<hbm>>
      %dma_wait3A_137 = tpu.memref_squeeze %dma_wait3A_136 : memref<1x10240x64xf32, #tpu.memory_space<hbm>> -> memref<10240x64xf32, #tpu.memory_space<hbm>>
      %dma_wait3A_138 = arith.constant 0 : i32
      %dma_wait3A_139 = tpu.memref_slice %dma_wait3A_137[%mul3A_2, %dma_wait3A_138] : memref<10240x64xf32, #tpu.memory_space<hbm>> -> memref<640x64xf32, #tpu.memory_space<hbm>>
      %dma_wait3A_140 = arith.constant 0 : i32
      %dma_wait3A_141 = tpu.memref_slice %arg10[%mul3A_2, %dma_wait3A_140] : memref<10240x64xf32, #tpu.memory_space<vmem_shared>> -> memref<640x64xf32, #tpu.memory_space<vmem_shared>>
      tpu.wait_dma2 semaphore(%run_scoped3A_115 : memref<!tpu.dma_semaphore, #tpu.memory_space<semaphore_mem>>) src(%dma_wait3A_141 : memref<640x64xf32, #tpu.memory_space<vmem_shared>>) dst(%dma_wait3A_139 : memref<640x64xf32, #tpu.memory_space<hbm>>)
      tpu.yield
    }) : () -> ()
    return
  }
}

#map = affine_map<(d0, d1) -> (0, 0, 0)>
#map1 = affine_map<(d0, d1) -> (0, 0)>
#map2 = affine_map<(d0, d1) -> (0, 0, 0, 0)>
module attributes {stable_mosaic.version = 14 : i64} {
  func.func @body(%arg0: i32, %arg1: i32, %arg2: memref<2x10240x64xf32, #tpu.memory_space<hbm>>, %arg3: memref<32x112x96xi32, #tpu.memory_space<hbm>>, %arg4: memref<32x112x96xi32, #tpu.memory_space<hbm>>, %arg5: memref<10240x64xf32, #tpu.memory_space<hbm>>, %arg6: memref<2x2x10240x64xf32, #tpu.memory_space<hbm>>, %arg7: memref<112x96xi32, #tpu.memory_space<vmem>>, %arg8: memref<112x96xi32, #tpu.memory_space<vmem>>, %arg9: memref<4x96x64xf32, #tpu.memory_space<vmem>>, %arg10: memref<10240x64xf32, #tpu.memory_space<vmem_shared>>, %arg11: memref<10240x64xf32, #tpu.memory_space<vmem_shared>>, %arg12: memref<!tpu.dma_semaphore, #tpu.memory_space<semaphore_mem>>, %arg13: memref<!tpu.dma_semaphore, #tpu.memory_space<semaphore_mem>>, %arg14: memref<!tpu.dma_semaphore, #tpu.memory_space<semaphore_mem>>, %arg15: memref<!tpu.dma_semaphore, #tpu.memory_space<semaphore_mem>>, %arg16: memref<!tpu.dma_semaphore, #tpu.memory_space<semaphore_mem>>, %arg17: memref<!tpu.dma_semaphore, #tpu.memory_space<semaphore_mem>>, %arg18: memref<!tpu.dma_semaphore, #tpu.memory_space<semaphore_mem>>, %arg19: memref<!tpu.dma_semaphore, #tpu.memory_space<semaphore_mem>>) attributes {dimension_semantics = [#tpu.dimension_semantics<core_parallel>, #tpu.dimension_semantics<subcore_parallel>], iteration_bounds = array<i64: 2, 16>, scalar_prefetch = 0 : i64, scratch_operands = 13 : i64, tpu.core_type = #tpu.core_type<sc_vector_subcore>, window_params = [{transform_indices = #map}, {transform_indices = #map}, {transform_indices = #map}, {transform_indices = #map1}, {transform_indices = #map2}]} {
    %mul3A = arith.constant 16 : i32
    %mul3A_0 = arith.muli %arg0, %mul3A : i32
    %add3A = arith.addi %mul3A_0, %arg1 : i32
    %mul3A_1 = arith.constant 640 : i32
    %mul3A_2 = arith.muli %arg1, %mul3A_1 : i32
    "tpu.region"() ({
      %run_scoped3A_115 = tpu.sem_alloc : memref<!tpu.dma_semaphore, #tpu.memory_space<semaphore_mem>>
      %dma_start3A_116 = arith.constant 0 : i32
      %dma_start3A_117 = arith.constant 0 : i32
      %dma_start3A_118 = tpu.memref_slice %arg3[%add3A, %dma_start3A_116, %dma_start3A_117] : memref<32x112x96xi32, #tpu.memory_space<hbm>> -> memref<1x112x96xi32, #tpu.memory_space<hbm>>
      %dma_start3A_119 = tpu.memref_squeeze %dma_start3A_118 : memref<1x112x96xi32, #tpu.memory_space<hbm>> -> memref<112x96xi32, #tpu.memory_space<hbm>>
      %dma_start3A_120 = arith.constant 0 : i32
      %dma_start3A_121 = arith.constant 0 : i32
      %dma_start3A_122 = tpu.memref_slice %arg3[%add3A, %dma_start3A_120, %dma_start3A_121] : memref<32x112x96xi32, #tpu.memory_space<hbm>> -> memref<1x112x96xi32, #tpu.memory_space<hbm>>
      %dma_start3A_123 = tpu.memref_squeeze %dma_start3A_122 : memref<1x112x96xi32, #tpu.memory_space<hbm>> -> memref<112x96xi32, #tpu.memory_space<hbm>>
      tpu.enqueue_dma source(%dma_start3A_123 : memref<112x96xi32, #tpu.memory_space<hbm>>) target(%arg7 : memref<112x96xi32, #tpu.memory_space<vmem>>) target_semaphore(%run_scoped3A_115 : memref<!tpu.dma_semaphore, #tpu.memory_space<semaphore_mem>>)
      %dma_wait3A_124 = arith.constant 0 : i32
      %dma_wait3A_125 = arith.constant 0 : i32
      %dma_wait3A_126 = tpu.memref_slice %arg3[%add3A, %dma_wait3A_124, %dma_wait3A_125] : memref<32x112x96xi32, #tpu.memory_space<hbm>> -> memref<1x112x96xi32, #tpu.memory_space<hbm>>
      %dma_wait3A_127 = tpu.memref_squeeze %dma_wait3A_126 : memref<1x112x96xi32, #tpu.memory_space<hbm>> -> memref<112x96xi32, #tpu.memory_space<hbm>>
      %dma_wait3A_128 = arith.constant 0 : i32
      %dma_wait3A_129 = arith.constant 0 : i32
      %dma_wait3A_130 = tpu.memref_slice %arg3[%add3A, %dma_wait3A_128, %dma_wait3A_129] : memref<32x112x96xi32, #tpu.memory_space<hbm>> -> memref<1x112x96xi32, #tpu.memory_space<hbm>>
      %dma_wait3A_131 = tpu.memref_squeeze %dma_wait3A_130 : memref<1x112x96xi32, #tpu.memory_space<hbm>> -> memref<112x96xi32, #tpu.memory_space<hbm>>
      tpu.wait_dma2 semaphore(%run_scoped3A_115 : memref<!tpu.dma_semaphore, #tpu.memory_space<semaphore_mem>>) src(%dma_wait3A_131 : memref<112x96xi32, #tpu.memory_space<hbm>>) dst(%arg7 : memref<112x96xi32, #tpu.memory_space<vmem>>)
      tpu.yield
    }) : () -> ()
    "tpu.region"() ({
      %run_scoped3A_115 = tpu.sem_alloc : memref<!tpu.dma_semaphore, #tpu.memory_space<semaphore_mem>>
      %dma_start3A_116 = arith.constant 0 : i32
      %dma_start3A_117 = arith.constant 0 : i32
      %dma_start3A_118 = tpu.memref_slice %arg4[%add3A, %dma_start3A_116, %dma_start3A_117] : memref<32x112x96xi32, #tpu.memory_space<hbm>> -> memref<1x112x96xi32, #tpu.memory_space<hbm>>
      %dma_start3A_119 = tpu.memref_squeeze %dma_start3A_118 : memref<1x112x96xi32, #tpu.memory_space<hbm>> -> memref<112x96xi32, #tpu.memory_space<hbm>>
      %dma_start3A_120 = arith.constant 0 : i32
      %dma_start3A_121 = arith.constant 0 : i32
      %dma_start3A_122 = tpu.memref_slice %arg4[%add3A, %dma_start3A_120, %dma_start3A_121] : memref<32x112x96xi32, #tpu.memory_space<hbm>> -> memref<1x112x96xi32, #tpu.memory_space<hbm>>
      %dma_start3A_123 = tpu.memref_squeeze %dma_start3A_122 : memref<1x112x96xi32, #tpu.memory_space<hbm>> -> memref<112x96xi32, #tpu.memory_space<hbm>>
      tpu.enqueue_dma source(%dma_start3A_123 : memref<112x96xi32, #tpu.memory_space<hbm>>) target(%arg8 : memref<112x96xi32, #tpu.memory_space<vmem>>) target_semaphore(%run_scoped3A_115 : memref<!tpu.dma_semaphore, #tpu.memory_space<semaphore_mem>>)
      %dma_wait3A_124 = arith.constant 0 : i32
      %dma_wait3A_125 = arith.constant 0 : i32
      %dma_wait3A_126 = tpu.memref_slice %arg4[%add3A, %dma_wait3A_124, %dma_wait3A_125] : memref<32x112x96xi32, #tpu.memory_space<hbm>> -> memref<1x112x96xi32, #tpu.memory_space<hbm>>
      %dma_wait3A_127 = tpu.memref_squeeze %dma_wait3A_126 : memref<1x112x96xi32, #tpu.memory_space<hbm>> -> memref<112x96xi32, #tpu.memory_space<hbm>>
      %dma_wait3A_128 = arith.constant 0 : i32
      %dma_wait3A_129 = arith.constant 0 : i32
      %dma_wait3A_130 = tpu.memref_slice %arg4[%add3A, %dma_wait3A_128, %dma_wait3A_129] : memref<32x112x96xi32, #tpu.memory_space<hbm>> -> memref<1x112x96xi32, #tpu.memory_space<hbm>>
      %dma_wait3A_131 = tpu.memref_squeeze %dma_wait3A_130 : memref<1x112x96xi32, #tpu.memory_space<hbm>> -> memref<112x96xi32, #tpu.memory_space<hbm>>
      tpu.wait_dma2 semaphore(%run_scoped3A_115 : memref<!tpu.dma_semaphore, #tpu.memory_space<semaphore_mem>>) src(%dma_wait3A_131 : memref<112x96xi32, #tpu.memory_space<hbm>>) dst(%arg8 : memref<112x96xi32, #tpu.memory_space<vmem>>)
      tpu.yield
    }) : () -> ()
    %run_scoped3A = arith.constant 0 : i32
    "tpu.region"() ({
      %run_scoped3A_115 = tpu.sem_alloc : memref<!tpu.dma_semaphore, #tpu.memory_space<semaphore_mem>>
      %dma_start3A_116 = arith.constant 0 : i32
      %dma_start3A_117 = tpu.memref_slice %arg11[%mul3A_2, %dma_start3A_116] : memref<10240x64xf32, #tpu.memory_space<vmem_shared>> -> memref<640x64xf32, #tpu.memory_space<vmem_shared>>
      %dma_start3A_118 = arith.constant 0 : i32
      %dma_start3A_119 = arith.constant 0 : i32
      %dma_start3A_120 = tpu.memref_slice %arg2[%run_scoped3A, %dma_start3A_118, %dma_start3A_119] : memref<2x10240x64xf32, #tpu.memory_space<hbm>> -> memref<1x10240x64xf32, #tpu.memory_space<hbm>>
      %dma_start3A_121 = tpu.memref_squeeze %dma_start3A_120 : memref<1x10240x64xf32, #tpu.memory_space<hbm>> -> memref<10240x64xf32, #tpu.memory_space<hbm>>
      %dma_start3A_122 = arith.constant 0 : i32
      %dma_start3A_123 = tpu.memref_slice %dma_start3A_121[%mul3A_2, %dma_start3A_122] : memref<10240x64xf32, #tpu.memory_space<hbm>> -> memref<640x64xf32, #tpu.memory_space<hbm>>
      tpu.enqueue_dma source(%dma_start3A_123 : memref<640x64xf32, #tpu.memory_space<hbm>>) target(%dma_start3A_117 : memref<640x64xf32, #tpu.memory_space<vmem_shared>>) target_semaphore(%run_scoped3A_115 : memref<!tpu.dma_semaphore, #tpu.memory_space<semaphore_mem>>)
      %dma_wait3A_124 = arith.constant 0 : i32
      %dma_wait3A_125 = tpu.memref_slice %arg11[%mul3A_2, %dma_wait3A_124] : memref<10240x64xf32, #tpu.memory_space<vmem_shared>> -> memref<640x64xf32, #tpu.memory_space<vmem_shared>>
      %dma_wait3A_126 = arith.constant 0 : i32
      %dma_wait3A_127 = arith.constant 0 : i32
      %dma_wait3A_128 = tpu.memref_slice %arg2[%run_scoped3A, %dma_wait3A_126, %dma_wait3A_127] : memref<2x10240x64xf32, #tpu.memory_space<hbm>> -> memref<1x10240x64xf32, #tpu.memory_space<hbm>>
      %dma_wait3A_129 = tpu.memref_squeeze %dma_wait3A_128 : memref<1x10240x64xf32, #tpu.memory_space<hbm>> -> memref<10240x64xf32, #tpu.memory_space<hbm>>
      %dma_wait3A_130 = arith.constant 0 : i32
      %dma_wait3A_131 = tpu.memref_slice %dma_wait3A_129[%mul3A_2, %dma_wait3A_130] : memref<10240x64xf32, #tpu.memory_space<hbm>> -> memref<640x64xf32, #tpu.memory_space<hbm>>
      tpu.wait_dma2 semaphore(%run_scoped3A_115 : memref<!tpu.dma_semaphore, #tpu.memory_space<semaphore_mem>>) src(%dma_wait3A_131 : memref<640x64xf32, #tpu.memory_space<hbm>>) dst(%dma_wait3A_125 : memref<640x64xf32, #tpu.memory_space<vmem_shared>>)
      tpu.yield
    }) : () -> ()
    "tpu.region"() ({
      %run_scoped3A_115 = tpu.sem_alloc : memref<!tpu.dma_semaphore, #tpu.memory_space<semaphore_mem>>
      %dma_start3A_116 = arith.constant 0 : i32
      %dma_start3A_117 = tpu.memref_slice %arg10[%mul3A_2, %dma_start3A_116] : memref<10240x64xf32, #tpu.memory_space<vmem_shared>> -> memref<640x64xf32, #tpu.memory_space<vmem_shared>>
      %dma_start3A_118 = arith.constant 0 : i32
      %dma_start3A_119 = tpu.memref_slice %arg5[%mul3A_2, %dma_start3A_118] : memref<10240x64xf32, #tpu.memory_space<hbm>> -> memref<640x64xf32, #tpu.memory_space<hbm>>
      tpu.enqueue_dma source(%dma_start3A_119 : memref<640x64xf32, #tpu.memory_space<hbm>>) target(%dma_start3A_117 : memref<640x64xf32, #tpu.memory_space<vmem_shared>>) target_semaphore(%run_scoped3A_115 : memref<!tpu.dma_semaphore, #tpu.memory_space<semaphore_mem>>)
      %dma_wait3A_120 = arith.constant 0 : i32
      %dma_wait3A_121 = tpu.memref_slice %arg10[%mul3A_2, %dma_wait3A_120] : memref<10240x64xf32, #tpu.memory_space<vmem_shared>> -> memref<640x64xf32, #tpu.memory_space<vmem_shared>>
      %dma_wait3A_122 = arith.constant 0 : i32
      %dma_wait3A_123 = tpu.memref_slice %arg5[%mul3A_2, %dma_wait3A_122] : memref<10240x64xf32, #tpu.memory_space<hbm>> -> memref<640x64xf32, #tpu.memory_space<hbm>>
      tpu.wait_dma2 semaphore(%run_scoped3A_115 : memref<!tpu.dma_semaphore, #tpu.memory_space<semaphore_mem>>) src(%dma_wait3A_123 : memref<640x64xf32, #tpu.memory_space<hbm>>) dst(%dma_wait3A_121 : memref<640x64xf32, #tpu.memory_space<vmem_shared>>)
      tpu.yield
    }) : () -> ()
    %barrier3A = arith.constant 0 : index
    tpu.barrier barrier_id(%barrier3A)
    %dma_start3A = arith.constant 0 : i32
    %dma_start3A_3 = arith.constant 0 : i32
    %dma_start3A_4 = arith.constant 0 : i32
    %dma_start3A_5 = arith.constant 0 : i32
    %dma_start3A_6 = tpu.memref_slice %arg9[%dma_start3A_3, %dma_start3A_4, %dma_start3A_5] : memref<4x96x64xf32, #tpu.memory_space<vmem>> -> memref<1x96x64xf32, #tpu.memory_space<vmem>>
    %dma_start3A_7 = tpu.memref_squeeze %dma_start3A_6 : memref<1x96x64xf32, #tpu.memory_space<vmem>> -> memref<96x64xf32, #tpu.memory_space<vmem>>
    %dma_start3A_8 = arith.constant 0 : i32
    %dma_start3A_9 = tpu.memref_slice %arg7[%dma_start3A, %dma_start3A_8] : memref<112x96xi32, #tpu.memory_space<vmem>> -> memref<1x96xi32, #tpu.memory_space<vmem>>
    %dma_start3A_10 = tpu.memref_squeeze %dma_start3A_9 : memref<1x96xi32, #tpu.memory_space<vmem>> -> memref<96xi32, #tpu.memory_space<vmem>>
    %dma_start3A_11 = arith.constant 0 : i32
    %dma_start3A_12 = arith.constant 0 : i32
    %dma_start3A_13 = tpu.memref_slice %arg11[%dma_start3A_11, %dma_start3A_12] : memref<10240x64xf32, #tpu.memory_space<vmem_shared>> -> memref<10240x64xf32, #tpu.memory_space<vmem_shared>>
    tpu.enqueue_indirect_dma source(%dma_start3A_13 : memref<10240x64xf32, #tpu.memory_space<vmem_shared>>) target(%dma_start3A_7 : memref<96x64xf32, #tpu.memory_space<vmem>>) offsets(%dma_start3A_10 : memref<96xi32, #tpu.memory_space<vmem>>) semaphore(%arg12 : memref<!tpu.dma_semaphore, #tpu.memory_space<semaphore_mem>>)
    %dma_start3A_14 = arith.constant 1 : i32
    %dma_start3A_15 = arith.constant 1 : i32
    %dma_start3A_16 = arith.constant 0 : i32
    %dma_start3A_17 = arith.constant 0 : i32
    %dma_start3A_18 = tpu.memref_slice %arg9[%dma_start3A_15, %dma_start3A_16, %dma_start3A_17] : memref<4x96x64xf32, #tpu.memory_space<vmem>> -> memref<1x96x64xf32, #tpu.memory_space<vmem>>
    %dma_start3A_19 = tpu.memref_squeeze %dma_start3A_18 : memref<1x96x64xf32, #tpu.memory_space<vmem>> -> memref<96x64xf32, #tpu.memory_space<vmem>>
    %dma_start3A_20 = arith.constant 0 : i32
    %dma_start3A_21 = tpu.memref_slice %arg7[%dma_start3A_14, %dma_start3A_20] : memref<112x96xi32, #tpu.memory_space<vmem>> -> memref<1x96xi32, #tpu.memory_space<vmem>>
    %dma_start3A_22 = tpu.memref_squeeze %dma_start3A_21 : memref<1x96xi32, #tpu.memory_space<vmem>> -> memref<96xi32, #tpu.memory_space<vmem>>
    %dma_start3A_23 = arith.constant 0 : i32
    %dma_start3A_24 = arith.constant 0 : i32
    %dma_start3A_25 = tpu.memref_slice %arg11[%dma_start3A_23, %dma_start3A_24] : memref<10240x64xf32, #tpu.memory_space<vmem_shared>> -> memref<10240x64xf32, #tpu.memory_space<vmem_shared>>
    tpu.enqueue_indirect_dma source(%dma_start3A_25 : memref<10240x64xf32, #tpu.memory_space<vmem_shared>>) target(%dma_start3A_19 : memref<96x64xf32, #tpu.memory_space<vmem>>) offsets(%dma_start3A_22 : memref<96xi32, #tpu.memory_space<vmem>>) semaphore(%arg13 : memref<!tpu.dma_semaphore, #tpu.memory_space<semaphore_mem>>)
    %scan3A = arith.constant 0 : i32
    %scan3A_26 = arith.constant 0 : i32
    %scan3A_27 = arith.constant 28 : i32
    %scan3A_28 = arith.addi %scan3A_26, %scan3A_27 : i32
    %scan3A_29 = arith.constant 1 : i32
    scf.for %scan3A_115 = %scan3A_26 to %scan3A_28 step %scan3A_29  : i32 {
      %mul3A_116 = arith.constant 4 : i32
      %mul3A_117 = arith.muli %mul3A_116, %scan3A_115 : i32
      %add3A_118 = arith.constant 0 : i32
      %add3A_119 = arith.addi %mul3A_117, %add3A_118 : i32
      %ge3A = arith.constant 1 : i32
      %ge3A_120 = arith.cmpi sge, %scan3A_115, %ge3A : i32
      %convert_element_type3A = arith.extui %ge3A_120 : i1 to i32
      %cond3A = arith.constant 0 : i32
      %cond3A_121 = arith.cmpi ne, %convert_element_type3A, %cond3A : i32
      scf.if %cond3A_121 {
        %dma_wait3A_290 = arith.constant 2 : i32
        %dma_wait3A_291 = arith.constant 0 : i32
        %dma_wait3A_292 = arith.constant 0 : i32
        %dma_wait3A_293 = arith.constant 0 : i32
        %dma_wait3A_294 = tpu.memref_slice %arg9[%dma_wait3A_290, %dma_wait3A_292, %dma_wait3A_293] : memref<4x96x64xf32, #tpu.memory_space<vmem>> -> memref<1x96x64xf32, #tpu.memory_space<vmem>>
        %dma_wait3A_295 = tpu.memref_squeeze %dma_wait3A_294 : memref<1x96x64xf32, #tpu.memory_space<vmem>> -> memref<96x64xf32, #tpu.memory_space<vmem>>
        %dma_wait3A_296 = arith.constant 0 : i32
        %dma_wait3A_297 = tpu.memref_slice %arg8[%dma_wait3A_291, %dma_wait3A_296] : memref<112x96xi32, #tpu.memory_space<vmem>> -> memref<1x96xi32, #tpu.memory_space<vmem>>
        %dma_wait3A_298 = tpu.memref_squeeze %dma_wait3A_297 : memref<1x96xi32, #tpu.memory_space<vmem>> -> memref<96xi32, #tpu.memory_space<vmem>>
        %dma_wait3A_299 = arith.constant 0 : i32
        %dma_wait3A_300 = arith.constant 0 : i32
        %dma_wait3A_301 = tpu.memref_slice %arg10[%dma_wait3A_299, %dma_wait3A_300] : memref<10240x64xf32, #tpu.memory_space<vmem_shared>> -> memref<10240x64xf32, #tpu.memory_space<vmem_shared>>
        tpu.wait_indirect_dma semaphore(%arg18 : memref<!tpu.dma_semaphore, #tpu.memory_space<semaphore_mem>>) src(%dma_wait3A_295 : memref<96x64xf32, #tpu.memory_space<vmem>>) dst(%dma_wait3A_301 : memref<10240x64xf32, #tpu.memory_space<vmem_shared>>)
      } else {
      }
      %add3A_122 = arith.constant 2 : i32
      %add3A_123 = arith.addi %add3A_119, %add3A_122 : i32
      %dma_start3A_124 = arith.constant 2 : i32
      %dma_start3A_125 = arith.constant 0 : i32
      %dma_start3A_126 = arith.constant 0 : i32
      %dma_start3A_127 = tpu.memref_slice %arg9[%dma_start3A_124, %dma_start3A_125, %dma_start3A_126] : memref<4x96x64xf32, #tpu.memory_space<vmem>> -> memref<1x96x64xf32, #tpu.memory_space<vmem>>
      %dma_start3A_128 = tpu.memref_squeeze %dma_start3A_127 : memref<1x96x64xf32, #tpu.memory_space<vmem>> -> memref<96x64xf32, #tpu.memory_space<vmem>>
      %dma_start3A_129 = arith.constant 0 : i32
      %dma_start3A_130 = tpu.memref_slice %arg7[%add3A_123, %dma_start3A_129] : memref<112x96xi32, #tpu.memory_space<vmem>> -> memref<1x96xi32, #tpu.memory_space<vmem>>
      %dma_start3A_131 = tpu.memref_squeeze %dma_start3A_130 : memref<1x96xi32, #tpu.memory_space<vmem>> -> memref<96xi32, #tpu.memory_space<vmem>>
      %dma_start3A_132 = arith.constant 0 : i32
      %dma_start3A_133 = arith.constant 0 : i32
      %dma_start3A_134 = tpu.memref_slice %arg11[%dma_start3A_132, %dma_start3A_133] : memref<10240x64xf32, #tpu.memory_space<vmem_shared>> -> memref<10240x64xf32, #tpu.memory_space<vmem_shared>>
      tpu.enqueue_indirect_dma source(%dma_start3A_134 : memref<10240x64xf32, #tpu.memory_space<vmem_shared>>) target(%dma_start3A_128 : memref<96x64xf32, #tpu.memory_space<vmem>>) offsets(%dma_start3A_131 : memref<96xi32, #tpu.memory_space<vmem>>) semaphore(%arg14 : memref<!tpu.dma_semaphore, #tpu.memory_space<semaphore_mem>>)
      %dma_wait3A_135 = arith.constant 0 : i32
      %dma_wait3A_136 = arith.constant 0 : i32
      %dma_wait3A_137 = arith.constant 0 : i32
      %dma_wait3A_138 = arith.constant 0 : i32
      %dma_wait3A_139 = tpu.memref_slice %arg9[%dma_wait3A_136, %dma_wait3A_137, %dma_wait3A_138] : memref<4x96x64xf32, #tpu.memory_space<vmem>> -> memref<1x96x64xf32, #tpu.memory_space<vmem>>
      %dma_wait3A_140 = tpu.memref_squeeze %dma_wait3A_139 : memref<1x96x64xf32, #tpu.memory_space<vmem>> -> memref<96x64xf32, #tpu.memory_space<vmem>>
      %dma_wait3A_141 = arith.constant 0 : i32
      %dma_wait3A_142 = tpu.memref_slice %arg7[%dma_wait3A_135, %dma_wait3A_141] : memref<112x96xi32, #tpu.memory_space<vmem>> -> memref<1x96xi32, #tpu.memory_space<vmem>>
      %dma_wait3A_143 = tpu.memref_squeeze %dma_wait3A_142 : memref<1x96xi32, #tpu.memory_space<vmem>> -> memref<96xi32, #tpu.memory_space<vmem>>
      %dma_wait3A_144 = arith.constant 0 : i32
      %dma_wait3A_145 = arith.constant 0 : i32
      %dma_wait3A_146 = tpu.memref_slice %arg11[%dma_wait3A_144, %dma_wait3A_145] : memref<10240x64xf32, #tpu.memory_space<vmem_shared>> -> memref<10240x64xf32, #tpu.memory_space<vmem_shared>>
      tpu.wait_indirect_dma semaphore(%arg12 : memref<!tpu.dma_semaphore, #tpu.memory_space<semaphore_mem>>) src(%dma_wait3A_146 : memref<10240x64xf32, #tpu.memory_space<vmem_shared>>) dst(%dma_wait3A_140 : memref<96x64xf32, #tpu.memory_space<vmem>>)
      %dma_start3A_147 = arith.constant 0 : i32
      %dma_start3A_148 = arith.constant 0 : i32
      %dma_start3A_149 = arith.constant 0 : i32
      %dma_start3A_150 = tpu.memref_slice %arg9[%dma_start3A_147, %dma_start3A_148, %dma_start3A_149] : memref<4x96x64xf32, #tpu.memory_space<vmem>> -> memref<1x96x64xf32, #tpu.memory_space<vmem>>
      %dma_start3A_151 = tpu.memref_squeeze %dma_start3A_150 : memref<1x96x64xf32, #tpu.memory_space<vmem>> -> memref<96x64xf32, #tpu.memory_space<vmem>>
      %dma_start3A_152 = arith.constant 0 : i32
      %dma_start3A_153 = tpu.memref_slice %arg8[%add3A_119, %dma_start3A_152] : memref<112x96xi32, #tpu.memory_space<vmem>> -> memref<1x96xi32, #tpu.memory_space<vmem>>
      %dma_start3A_154 = tpu.memref_squeeze %dma_start3A_153 : memref<1x96xi32, #tpu.memory_space<vmem>> -> memref<96xi32, #tpu.memory_space<vmem>>
      %dma_start3A_155 = arith.constant 0 : i32
      %dma_start3A_156 = arith.constant 0 : i32
      %dma_start3A_157 = tpu.memref_slice %arg10[%dma_start3A_155, %dma_start3A_156] : memref<10240x64xf32, #tpu.memory_space<vmem_shared>> -> memref<10240x64xf32, #tpu.memory_space<vmem_shared>>
      tpu.enqueue_indirect_dma source(%dma_start3A_151 : memref<96x64xf32, #tpu.memory_space<vmem>>) target(%dma_start3A_157 : memref<10240x64xf32, #tpu.memory_space<vmem_shared>>) offsets(%dma_start3A_154 : memref<96xi32, #tpu.memory_space<vmem>>) semaphore(%arg16 : memref<!tpu.dma_semaphore, #tpu.memory_space<semaphore_mem>>) {add = true}
      %mul3A_158 = arith.constant 4 : i32
      %mul3A_159 = arith.muli %mul3A_158, %scan3A_115 : i32
      %add3A_160 = arith.constant 1 : i32
      %add3A_161 = arith.addi %mul3A_159, %add3A_160 : i32
      %ge3A_162 = arith.constant 1 : i32
      %ge3A_163 = arith.cmpi sge, %scan3A_115, %ge3A_162 : i32
      %convert_element_type3A_164 = arith.extui %ge3A_163 : i1 to i32
      %cond3A_165 = arith.constant 0 : i32
      %cond3A_166 = arith.cmpi ne, %convert_element_type3A_164, %cond3A_165 : i32
      scf.if %cond3A_166 {
        %dma_wait3A_290 = arith.constant 3 : i32
        %dma_wait3A_291 = arith.constant 0 : i32
        %dma_wait3A_292 = arith.constant 0 : i32
        %dma_wait3A_293 = arith.constant 0 : i32
        %dma_wait3A_294 = tpu.memref_slice %arg9[%dma_wait3A_290, %dma_wait3A_292, %dma_wait3A_293] : memref<4x96x64xf32, #tpu.memory_space<vmem>> -> memref<1x96x64xf32, #tpu.memory_space<vmem>>
        %dma_wait3A_295 = tpu.memref_squeeze %dma_wait3A_294 : memref<1x96x64xf32, #tpu.memory_space<vmem>> -> memref<96x64xf32, #tpu.memory_space<vmem>>
        %dma_wait3A_296 = arith.constant 0 : i32
        %dma_wait3A_297 = tpu.memref_slice %arg8[%dma_wait3A_291, %dma_wait3A_296] : memref<112x96xi32, #tpu.memory_space<vmem>> -> memref<1x96xi32, #tpu.memory_space<vmem>>
        %dma_wait3A_298 = tpu.memref_squeeze %dma_wait3A_297 : memref<1x96xi32, #tpu.memory_space<vmem>> -> memref<96xi32, #tpu.memory_space<vmem>>
        %dma_wait3A_299 = arith.constant 0 : i32
        %dma_wait3A_300 = arith.constant 0 : i32
        %dma_wait3A_301 = tpu.memref_slice %arg10[%dma_wait3A_299, %dma_wait3A_300] : memref<10240x64xf32, #tpu.memory_space<vmem_shared>> -> memref<10240x64xf32, #tpu.memory_space<vmem_shared>>
        tpu.wait_indirect_dma semaphore(%arg19 : memref<!tpu.dma_semaphore, #tpu.memory_space<semaphore_mem>>) src(%dma_wait3A_295 : memref<96x64xf32, #tpu.memory_space<vmem>>) dst(%dma_wait3A_301 : memref<10240x64xf32, #tpu.memory_space<vmem_shared>>)
      } else {
      }
      %add3A_167 = arith.constant 2 : i32
      %add3A_168 = arith.addi %add3A_161, %add3A_167 : i32
      %dma_start3A_169 = arith.constant 3 : i32
      %dma_start3A_170 = arith.constant 0 : i32
      %dma_start3A_171 = arith.constant 0 : i32
      %dma_start3A_172 = tpu.memref_slice %arg9[%dma_start3A_169, %dma_start3A_170, %dma_start3A_171] : memref<4x96x64xf32, #tpu.memory_space<vmem>> -> memref<1x96x64xf32, #tpu.memory_space<vmem>>
      %dma_start3A_173 = tpu.memref_squeeze %dma_start3A_172 : memref<1x96x64xf32, #tpu.memory_space<vmem>> -> memref<96x64xf32, #tpu.memory_space<vmem>>
      %dma_start3A_174 = arith.constant 0 : i32
      %dma_start3A_175 = tpu.memref_slice %arg7[%add3A_168, %dma_start3A_174] : memref<112x96xi32, #tpu.memory_space<vmem>> -> memref<1x96xi32, #tpu.memory_space<vmem>>
      %dma_start3A_176 = tpu.memref_squeeze %dma_start3A_175 : memref<1x96xi32, #tpu.memory_space<vmem>> -> memref<96xi32, #tpu.memory_space<vmem>>
      %dma_start3A_177 = arith.constant 0 : i32
      %dma_start3A_178 = arith.constant 0 : i32
      %dma_start3A_179 = tpu.memref_slice %arg11[%dma_start3A_177, %dma_start3A_178] : memref<10240x64xf32, #tpu.memory_space<vmem_shared>> -> memref<10240x64xf32, #tpu.memory_space<vmem_shared>>
      tpu.enqueue_indirect_dma source(%dma_start3A_179 : memref<10240x64xf32, #tpu.memory_space<vmem_shared>>) target(%dma_start3A_173 : memref<96x64xf32, #tpu.memory_space<vmem>>) offsets(%dma_start3A_176 : memref<96xi32, #tpu.memory_space<vmem>>) semaphore(%arg15 : memref<!tpu.dma_semaphore, #tpu.memory_space<semaphore_mem>>)
      %dma_wait3A_180 = arith.constant 0 : i32
      %dma_wait3A_181 = arith.constant 1 : i32
      %dma_wait3A_182 = arith.constant 0 : i32
      %dma_wait3A_183 = arith.constant 0 : i32
      %dma_wait3A_184 = tpu.memref_slice %arg9[%dma_wait3A_181, %dma_wait3A_182, %dma_wait3A_183] : memref<4x96x64xf32, #tpu.memory_space<vmem>> -> memref<1x96x64xf32, #tpu.memory_space<vmem>>
      %dma_wait3A_185 = tpu.memref_squeeze %dma_wait3A_184 : memref<1x96x64xf32, #tpu.memory_space<vmem>> -> memref<96x64xf32, #tpu.memory_space<vmem>>
      %dma_wait3A_186 = arith.constant 0 : i32
      %dma_wait3A_187 = tpu.memref_slice %arg7[%dma_wait3A_180, %dma_wait3A_186] : memref<112x96xi32, #tpu.memory_space<vmem>> -> memref<1x96xi32, #tpu.memory_space<vmem>>
      %dma_wait3A_188 = tpu.memref_squeeze %dma_wait3A_187 : memref<1x96xi32, #tpu.memory_space<vmem>> -> memref<96xi32, #tpu.memory_space<vmem>>
      %dma_wait3A_189 = arith.constant 0 : i32
      %dma_wait3A_190 = arith.constant 0 : i32
      %dma_wait3A_191 = tpu.memref_slice %arg11[%dma_wait3A_189, %dma_wait3A_190] : memref<10240x64xf32, #tpu.memory_space<vmem_shared>> -> memref<10240x64xf32, #tpu.memory_space<vmem_shared>>
      tpu.wait_indirect_dma semaphore(%arg13 : memref<!tpu.dma_semaphore, #tpu.memory_space<semaphore_mem>>) src(%dma_wait3A_191 : memref<10240x64xf32, #tpu.memory_space<vmem_shared>>) dst(%dma_wait3A_185 : memref<96x64xf32, #tpu.memory_space<vmem>>)
      %dma_start3A_192 = arith.constant 1 : i32
      %dma_start3A_193 = arith.constant 0 : i32
      %dma_start3A_194 = arith.constant 0 : i32
      %dma_start3A_195 = tpu.memref_slice %arg9[%dma_start3A_192, %dma_start3A_193, %dma_start3A_194] : memref<4x96x64xf32, #tpu.memory_space<vmem>> -> memref<1x96x64xf32, #tpu.memory_space<vmem>>
      %dma_start3A_196 = tpu.memref_squeeze %dma_start3A_195 : memref<1x96x64xf32, #tpu.memory_space<vmem>> -> memref<96x64xf32, #tpu.memory_space<vmem>>
      %dma_start3A_197 = arith.constant 0 : i32
      %dma_start3A_198 = tpu.memref_slice %arg8[%add3A_161, %dma_start3A_197] : memref<112x96xi32, #tpu.memory_space<vmem>> -> memref<1x96xi32, #tpu.memory_space<vmem>>
      %dma_start3A_199 = tpu.memref_squeeze %dma_start3A_198 : memref<1x96xi32, #tpu.memory_space<vmem>> -> memref<96xi32, #tpu.memory_space<vmem>>
      %dma_start3A_200 = arith.constant 0 : i32
      %dma_start3A_201 = arith.constant 0 : i32
      %dma_start3A_202 = tpu.memref_slice %arg10[%dma_start3A_200, %dma_start3A_201] : memref<10240x64xf32, #tpu.memory_space<vmem_shared>> -> memref<10240x64xf32, #tpu.memory_space<vmem_shared>>
      tpu.enqueue_indirect_dma source(%dma_start3A_196 : memref<96x64xf32, #tpu.memory_space<vmem>>) target(%dma_start3A_202 : memref<10240x64xf32, #tpu.memory_space<vmem_shared>>) offsets(%dma_start3A_199 : memref<96xi32, #tpu.memory_space<vmem>>) semaphore(%arg17 : memref<!tpu.dma_semaphore, #tpu.memory_space<semaphore_mem>>) {add = true}
      %mul3A_203 = arith.constant 4 : i32
      %mul3A_204 = arith.muli %mul3A_203, %scan3A_115 : i32
      %add3A_205 = arith.constant 2 : i32
      %add3A_206 = arith.addi %mul3A_204, %add3A_205 : i32
      %dma_wait3A_207 = arith.constant 0 : i32
      %dma_wait3A_208 = arith.constant 0 : i32
      %dma_wait3A_209 = arith.constant 0 : i32
      %dma_wait3A_210 = arith.constant 0 : i32
      %dma_wait3A_211 = tpu.memref_slice %arg9[%dma_wait3A_207, %dma_wait3A_209, %dma_wait3A_210] : memref<4x96x64xf32, #tpu.memory_space<vmem>> -> memref<1x96x64xf32, #tpu.memory_space<vmem>>
      %dma_wait3A_212 = tpu.memref_squeeze %dma_wait3A_211 : memref<1x96x64xf32, #tpu.memory_space<vmem>> -> memref<96x64xf32, #tpu.memory_space<vmem>>
      %dma_wait3A_213 = arith.constant 0 : i32
      %dma_wait3A_214 = tpu.memref_slice %arg8[%dma_wait3A_208, %dma_wait3A_213] : memref<112x96xi32, #tpu.memory_space<vmem>> -> memref<1x96xi32, #tpu.memory_space<vmem>>
      %dma_wait3A_215 = tpu.memref_squeeze %dma_wait3A_214 : memref<1x96xi32, #tpu.memory_space<vmem>> -> memref<96xi32, #tpu.memory_space<vmem>>
      %dma_wait3A_216 = arith.constant 0 : i32
      %dma_wait3A_217 = arith.constant 0 : i32
      %dma_wait3A_218 = tpu.memref_slice %arg10[%dma_wait3A_216, %dma_wait3A_217] : memref<10240x64xf32, #tpu.memory_space<vmem_shared>> -> memref<10240x64xf32, #tpu.memory_space<vmem_shared>>
      tpu.wait_indirect_dma semaphore(%arg16 : memref<!tpu.dma_semaphore, #tpu.memory_space<semaphore_mem>>) src(%dma_wait3A_212 : memref<96x64xf32, #tpu.memory_space<vmem>>) dst(%dma_wait3A_218 : memref<10240x64xf32, #tpu.memory_space<vmem_shared>>)
      %lt3A = arith.constant 27 : i32
      %lt3A_219 = arith.cmpi slt, %scan3A_115, %lt3A : i32
      %convert_element_type3A_220 = arith.extui %lt3A_219 : i1 to i32
      %cond3A_221 = arith.constant 0 : i32
      %cond3A_222 = arith.cmpi ne, %convert_element_type3A_220, %cond3A_221 : i32
      scf.if %cond3A_222 {
        %add3A_290 = arith.constant 2 : i32
        %add3A_291 = arith.addi %add3A_206, %add3A_290 : i32
        %dma_start3A_292 = arith.constant 0 : i32
        %dma_start3A_293 = arith.constant 0 : i32
        %dma_start3A_294 = arith.constant 0 : i32
        %dma_start3A_295 = tpu.memref_slice %arg9[%dma_start3A_292, %dma_start3A_293, %dma_start3A_294] : memref<4x96x64xf32, #tpu.memory_space<vmem>> -> memref<1x96x64xf32, #tpu.memory_space<vmem>>
        %dma_start3A_296 = tpu.memref_squeeze %dma_start3A_295 : memref<1x96x64xf32, #tpu.memory_space<vmem>> -> memref<96x64xf32, #tpu.memory_space<vmem>>
        %dma_start3A_297 = arith.constant 0 : i32
        %dma_start3A_298 = tpu.memref_slice %arg7[%add3A_291, %dma_start3A_297] : memref<112x96xi32, #tpu.memory_space<vmem>> -> memref<1x96xi32, #tpu.memory_space<vmem>>
        %dma_start3A_299 = tpu.memref_squeeze %dma_start3A_298 : memref<1x96xi32, #tpu.memory_space<vmem>> -> memref<96xi32, #tpu.memory_space<vmem>>
        %dma_start3A_300 = arith.constant 0 : i32
        %dma_start3A_301 = arith.constant 0 : i32
        %dma_start3A_302 = tpu.memref_slice %arg11[%dma_start3A_300, %dma_start3A_301] : memref<10240x64xf32, #tpu.memory_space<vmem_shared>> -> memref<10240x64xf32, #tpu.memory_space<vmem_shared>>
        tpu.enqueue_indirect_dma source(%dma_start3A_302 : memref<10240x64xf32, #tpu.memory_space<vmem_shared>>) target(%dma_start3A_296 : memref<96x64xf32, #tpu.memory_space<vmem>>) offsets(%dma_start3A_299 : memref<96xi32, #tpu.memory_space<vmem>>) semaphore(%arg12 : memref<!tpu.dma_semaphore, #tpu.memory_space<semaphore_mem>>)
      } else {
      }
      %dma_wait3A_223 = arith.constant 0 : i32
      %dma_wait3A_224 = arith.constant 2 : i32
      %dma_wait3A_225 = arith.constant 0 : i32
      %dma_wait3A_226 = arith.constant 0 : i32
      %dma_wait3A_227 = tpu.memref_slice %arg9[%dma_wait3A_224, %dma_wait3A_225, %dma_wait3A_226] : memref<4x96x64xf32, #tpu.memory_space<vmem>> -> memref<1x96x64xf32, #tpu.memory_space<vmem>>
      %dma_wait3A_228 = tpu.memref_squeeze %dma_wait3A_227 : memref<1x96x64xf32, #tpu.memory_space<vmem>> -> memref<96x64xf32, #tpu.memory_space<vmem>>
      %dma_wait3A_229 = arith.constant 0 : i32
      %dma_wait3A_230 = tpu.memref_slice %arg7[%dma_wait3A_223, %dma_wait3A_229] : memref<112x96xi32, #tpu.memory_space<vmem>> -> memref<1x96xi32, #tpu.memory_space<vmem>>
      %dma_wait3A_231 = tpu.memref_squeeze %dma_wait3A_230 : memref<1x96xi32, #tpu.memory_space<vmem>> -> memref<96xi32, #tpu.memory_space<vmem>>
      %dma_wait3A_232 = arith.constant 0 : i32
      %dma_wait3A_233 = arith.constant 0 : i32
      %dma_wait3A_234 = tpu.memref_slice %arg11[%dma_wait3A_232, %dma_wait3A_233] : memref<10240x64xf32, #tpu.memory_space<vmem_shared>> -> memref<10240x64xf32, #tpu.memory_space<vmem_shared>>
      tpu.wait_indirect_dma semaphore(%arg14 : memref<!tpu.dma_semaphore, #tpu.memory_space<semaphore_mem>>) src(%dma_wait3A_234 : memref<10240x64xf32, #tpu.memory_space<vmem_shared>>) dst(%dma_wait3A_228 : memref<96x64xf32, #tpu.memory_space<vmem>>)
      %dma_start3A_235 = arith.constant 2 : i32
      %dma_start3A_236 = arith.constant 0 : i32
      %dma_start3A_237 = arith.constant 0 : i32
      %dma_start3A_238 = tpu.memref_slice %arg9[%dma_start3A_235, %dma_start3A_236, %dma_start3A_237] : memref<4x96x64xf32, #tpu.memory_space<vmem>> -> memref<1x96x64xf32, #tpu.memory_space<vmem>>
      %dma_start3A_239 = tpu.memref_squeeze %dma_start3A_238 : memref<1x96x64xf32, #tpu.memory_space<vmem>> -> memref<96x64xf32, #tpu.memory_space<vmem>>
      %dma_start3A_240 = arith.constant 0 : i32
      %dma_start3A_241 = tpu.memref_slice %arg8[%add3A_206, %dma_start3A_240] : memref<112x96xi32, #tpu.memory_space<vmem>> -> memref<1x96xi32, #tpu.memory_space<vmem>>
      %dma_start3A_242 = tpu.memref_squeeze %dma_start3A_241 : memref<1x96xi32, #tpu.memory_space<vmem>> -> memref<96xi32, #tpu.memory_space<vmem>>
      %dma_start3A_243 = arith.constant 0 : i32
      %dma_start3A_244 = arith.constant 0 : i32
      %dma_start3A_245 = tpu.memref_slice %arg10[%dma_start3A_243, %dma_start3A_244] : memref<10240x64xf32, #tpu.memory_space<vmem_shared>> -> memref<10240x64xf32, #tpu.memory_space<vmem_shared>>
      tpu.enqueue_indirect_dma source(%dma_start3A_239 : memref<96x64xf32, #tpu.memory_space<vmem>>) target(%dma_start3A_245 : memref<10240x64xf32, #tpu.memory_space<vmem_shared>>) offsets(%dma_start3A_242 : memref<96xi32, #tpu.memory_space<vmem>>) semaphore(%arg18 : memref<!tpu.dma_semaphore, #tpu.memory_space<semaphore_mem>>) {add = true}
      %mul3A_246 = arith.constant 4 : i32
      %mul3A_247 = arith.muli %mul3A_246, %scan3A_115 : i32
      %add3A_248 = arith.constant 3 : i32
      %add3A_249 = arith.addi %mul3A_247, %add3A_248 : i32
      %dma_wait3A_250 = arith.constant 1 : i32
      %dma_wait3A_251 = arith.constant 0 : i32
      %dma_wait3A_252 = arith.constant 0 : i32
      %dma_wait3A_253 = arith.constant 0 : i32
      %dma_wait3A_254 = tpu.memref_slice %arg9[%dma_wait3A_250, %dma_wait3A_252, %dma_wait3A_253] : memref<4x96x64xf32, #tpu.memory_space<vmem>> -> memref<1x96x64xf32, #tpu.memory_space<vmem>>
      %dma_wait3A_255 = tpu.memref_squeeze %dma_wait3A_254 : memref<1x96x64xf32, #tpu.memory_space<vmem>> -> memref<96x64xf32, #tpu.memory_space<vmem>>
      %dma_wait3A_256 = arith.constant 0 : i32
      %dma_wait3A_257 = tpu.memref_slice %arg8[%dma_wait3A_251, %dma_wait3A_256] : memref<112x96xi32, #tpu.memory_space<vmem>> -> memref<1x96xi32, #tpu.memory_space<vmem>>
      %dma_wait3A_258 = tpu.memref_squeeze %dma_wait3A_257 : memref<1x96xi32, #tpu.memory_space<vmem>> -> memref<96xi32, #tpu.memory_space<vmem>>
      %dma_wait3A_259 = arith.constant 0 : i32
      %dma_wait3A_260 = arith.constant 0 : i32
      %dma_wait3A_261 = tpu.memref_slice %arg10[%dma_wait3A_259, %dma_wait3A_260] : memref<10240x64xf32, #tpu.memory_space<vmem_shared>> -> memref<10240x64xf32, #tpu.memory_space<vmem_shared>>
      tpu.wait_indirect_dma semaphore(%arg17 : memref<!tpu.dma_semaphore, #tpu.memory_space<semaphore_mem>>) src(%dma_wait3A_255 : memref<96x64xf32, #tpu.memory_space<vmem>>) dst(%dma_wait3A_261 : memref<10240x64xf32, #tpu.memory_space<vmem_shared>>)
      %lt3A_262 = arith.constant 27 : i32
      %lt3A_263 = arith.cmpi slt, %scan3A_115, %lt3A_262 : i32
      %convert_element_type3A_264 = arith.extui %lt3A_263 : i1 to i32
      %cond3A_265 = arith.constant 0 : i32
      %cond3A_266 = arith.cmpi ne, %convert_element_type3A_264, %cond3A_265 : i32
      scf.if %cond3A_266 {
        %add3A_290 = arith.constant 2 : i32
        %add3A_291 = arith.addi %add3A_249, %add3A_290 : i32
        %dma_start3A_292 = arith.constant 1 : i32
        %dma_start3A_293 = arith.constant 0 : i32
        %dma_start3A_294 = arith.constant 0 : i32
        %dma_start3A_295 = tpu.memref_slice %arg9[%dma_start3A_292, %dma_start3A_293, %dma_start3A_294] : memref<4x96x64xf32, #tpu.memory_space<vmem>> -> memref<1x96x64xf32, #tpu.memory_space<vmem>>
        %dma_start3A_296 = tpu.memref_squeeze %dma_start3A_295 : memref<1x96x64xf32, #tpu.memory_space<vmem>> -> memref<96x64xf32, #tpu.memory_space<vmem>>
        %dma_start3A_297 = arith.constant 0 : i32
        %dma_start3A_298 = tpu.memref_slice %arg7[%add3A_291, %dma_start3A_297] : memref<112x96xi32, #tpu.memory_space<vmem>> -> memref<1x96xi32, #tpu.memory_space<vmem>>
        %dma_start3A_299 = tpu.memref_squeeze %dma_start3A_298 : memref<1x96xi32, #tpu.memory_space<vmem>> -> memref<96xi32, #tpu.memory_space<vmem>>
        %dma_start3A_300 = arith.constant 0 : i32
        %dma_start3A_301 = arith.constant 0 : i32
        %dma_start3A_302 = tpu.memref_slice %arg11[%dma_start3A_300, %dma_start3A_301] : memref<10240x64xf32, #tpu.memory_space<vmem_shared>> -> memref<10240x64xf32, #tpu.memory_space<vmem_shared>>
        tpu.enqueue_indirect_dma source(%dma_start3A_302 : memref<10240x64xf32, #tpu.memory_space<vmem_shared>>) target(%dma_start3A_296 : memref<96x64xf32, #tpu.memory_space<vmem>>) offsets(%dma_start3A_299 : memref<96xi32, #tpu.memory_space<vmem>>) semaphore(%arg13 : memref<!tpu.dma_semaphore, #tpu.memory_space<semaphore_mem>>)
      } else {
      }
      %dma_wait3A_267 = arith.constant 0 : i32
      %dma_wait3A_268 = arith.constant 3 : i32
      %dma_wait3A_269 = arith.constant 0 : i32
      %dma_wait3A_270 = arith.constant 0 : i32
      %dma_wait3A_271 = tpu.memref_slice %arg9[%dma_wait3A_268, %dma_wait3A_269, %dma_wait3A_270] : memref<4x96x64xf32, #tpu.memory_space<vmem>> -> memref<1x96x64xf32, #tpu.memory_space<vmem>>
      %dma_wait3A_272 = tpu.memref_squeeze %dma_wait3A_271 : memref<1x96x64xf32, #tpu.memory_space<vmem>> -> memref<96x64xf32, #tpu.memory_space<vmem>>
      %dma_wait3A_273 = arith.constant 0 : i32
      %dma_wait3A_274 = tpu.memref_slice %arg7[%dma_wait3A_267, %dma_wait3A_273] : memref<112x96xi32, #tpu.memory_space<vmem>> -> memref<1x96xi32, #tpu.memory_space<vmem>>
      %dma_wait3A_275 = tpu.memref_squeeze %dma_wait3A_274 : memref<1x96xi32, #tpu.memory_space<vmem>> -> memref<96xi32, #tpu.memory_space<vmem>>
      %dma_wait3A_276 = arith.constant 0 : i32
      %dma_wait3A_277 = arith.constant 0 : i32
      %dma_wait3A_278 = tpu.memref_slice %arg11[%dma_wait3A_276, %dma_wait3A_277] : memref<10240x64xf32, #tpu.memory_space<vmem_shared>> -> memref<10240x64xf32, #tpu.memory_space<vmem_shared>>
      tpu.wait_indirect_dma semaphore(%arg15 : memref<!tpu.dma_semaphore, #tpu.memory_space<semaphore_mem>>) src(%dma_wait3A_278 : memref<10240x64xf32, #tpu.memory_space<vmem_shared>>) dst(%dma_wait3A_272 : memref<96x64xf32, #tpu.memory_space<vmem>>)
      %dma_start3A_279 = arith.constant 3 : i32
      %dma_start3A_280 = arith.constant 0 : i32
      %dma_start3A_281 = arith.constant 0 : i32
      %dma_start3A_282 = tpu.memref_slice %arg9[%dma_start3A_279, %dma_start3A_280, %dma_start3A_281] : memref<4x96x64xf32, #tpu.memory_space<vmem>> -> memref<1x96x64xf32, #tpu.memory_space<vmem>>
      %dma_start3A_283 = tpu.memref_squeeze %dma_start3A_282 : memref<1x96x64xf32, #tpu.memory_space<vmem>> -> memref<96x64xf32, #tpu.memory_space<vmem>>
      %dma_start3A_284 = arith.constant 0 : i32
      %dma_start3A_285 = tpu.memref_slice %arg8[%add3A_249, %dma_start3A_284] : memref<112x96xi32, #tpu.memory_space<vmem>> -> memref<1x96xi32, #tpu.memory_space<vmem>>
      %dma_start3A_286 = tpu.memref_squeeze %dma_start3A_285 : memref<1x96xi32, #tpu.memory_space<vmem>> -> memref<96xi32, #tpu.memory_space<vmem>>
      %dma_start3A_287 = arith.constant 0 : i32
      %dma_start3A_288 = arith.constant 0 : i32
      %dma_start3A_289 = tpu.memref_slice %arg10[%dma_start3A_287, %dma_start3A_288] : memref<10240x64xf32, #tpu.memory_space<vmem_shared>> -> memref<10240x64xf32, #tpu.memory_space<vmem_shared>>
      tpu.enqueue_indirect_dma source(%dma_start3A_283 : memref<96x64xf32, #tpu.memory_space<vmem>>) target(%dma_start3A_289 : memref<10240x64xf32, #tpu.memory_space<vmem_shared>>) offsets(%dma_start3A_286 : memref<96xi32, #tpu.memory_space<vmem>>) semaphore(%arg19 : memref<!tpu.dma_semaphore, #tpu.memory_space<semaphore_mem>>) {add = true}
    }
    %scan3A_30 = arith.constant 28 : i32
    %dma_wait3A = arith.constant 2 : i32
    %dma_wait3A_31 = arith.constant 0 : i32
    %dma_wait3A_32 = arith.constant 0 : i32
    %dma_wait3A_33 = arith.constant 0 : i32
    %dma_wait3A_34 = tpu.memref_slice %arg9[%dma_wait3A, %dma_wait3A_32, %dma_wait3A_33] : memref<4x96x64xf32, #tpu.memory_space<vmem>> -> memref<1x96x64xf32, #tpu.memory_space<vmem>>
    %dma_wait3A_35 = tpu.memref_squeeze %dma_wait3A_34 : memref<1x96x64xf32, #tpu.memory_space<vmem>> -> memref<96x64xf32, #tpu.memory_space<vmem>>
    %dma_wait3A_36 = arith.constant 0 : i32
    %dma_wait3A_37 = tpu.memref_slice %arg8[%dma_wait3A_31, %dma_wait3A_36] : memref<112x96xi32, #tpu.memory_space<vmem>> -> memref<1x96xi32, #tpu.memory_space<vmem>>
    %dma_wait3A_38 = tpu.memref_squeeze %dma_wait3A_37 : memref<1x96xi32, #tpu.memory_space<vmem>> -> memref<96xi32, #tpu.memory_space<vmem>>
    %dma_wait3A_39 = arith.constant 0 : i32
    %dma_wait3A_40 = arith.constant 0 : i32
    %dma_wait3A_41 = tpu.memref_slice %arg10[%dma_wait3A_39, %dma_wait3A_40] : memref<10240x64xf32, #tpu.memory_space<vmem_shared>> -> memref<10240x64xf32, #tpu.memory_space<vmem_shared>>
    tpu.wait_indirect_dma semaphore(%arg18 : memref<!tpu.dma_semaphore, #tpu.memory_space<semaphore_mem>>) src(%dma_wait3A_35 : memref<96x64xf32, #tpu.memory_space<vmem>>) dst(%dma_wait3A_41 : memref<10240x64xf32, #tpu.memory_space<vmem_shared>>)
    %dma_wait3A_42 = arith.constant 3 : i32
    %dma_wait3A_43 = arith.constant 0 : i32
    %dma_wait3A_44 = arith.constant 0 : i32
    %dma_wait3A_45 = arith.constant 0 : i32
    %dma_wait3A_46 = tpu.memref_slice %arg9[%dma_wait3A_42, %dma_wait3A_44, %dma_wait3A_45] : memref<4x96x64xf32, #tpu.memory_space<vmem>> -> memref<1x96x64xf32, #tpu.memory_space<vmem>>
    %dma_wait3A_47 = tpu.memref_squeeze %dma_wait3A_46 : memref<1x96x64xf32, #tpu.memory_space<vmem>> -> memref<96x64xf32, #tpu.memory_space<vmem>>
    %dma_wait3A_48 = arith.constant 0 : i32
    %dma_wait3A_49 = tpu.memref_slice %arg8[%dma_wait3A_43, %dma_wait3A_48] : memref<112x96xi32, #tpu.memory_space<vmem>> -> memref<1x96xi32, #tpu.memory_space<vmem>>
    %dma_wait3A_50 = tpu.memref_squeeze %dma_wait3A_49 : memref<1x96xi32, #tpu.memory_space<vmem>> -> memref<96xi32, #tpu.memory_space<vmem>>
    %dma_wait3A_51 = arith.constant 0 : i32
    %dma_wait3A_52 = arith.constant 0 : i32
    %dma_wait3A_53 = tpu.memref_slice %arg10[%dma_wait3A_51, %dma_wait3A_52] : memref<10240x64xf32, #tpu.memory_space<vmem_shared>> -> memref<10240x64xf32, #tpu.memory_space<vmem_shared>>
    tpu.wait_indirect_dma semaphore(%arg19 : memref<!tpu.dma_semaphore, #tpu.memory_space<semaphore_mem>>) src(%dma_wait3A_47 : memref<96x64xf32, #tpu.memory_space<vmem>>) dst(%dma_wait3A_53 : memref<10240x64xf32, #tpu.memory_space<vmem_shared>>)
    %barrier3A_54 = arith.constant 0 : index
    tpu.barrier barrier_id(%barrier3A_54)
    %run_scoped3A_55 = arith.constant 0 : i32
    "tpu.region"() ({
      %run_scoped3A_115 = tpu.sem_alloc : memref<!tpu.dma_semaphore, #tpu.memory_space<semaphore_mem>>
      %dma_start3A_116 = arith.constant 0 : i32
      %dma_start3A_117 = arith.constant 0 : i32
      %dma_start3A_118 = arith.constant 0 : i32
      %dma_start3A_119 = tpu.memref_slice %arg6[%arg0, %dma_start3A_116, %dma_start3A_117, %dma_start3A_118] : memref<2x2x10240x64xf32, #tpu.memory_space<hbm>> -> memref<1x2x10240x64xf32, #tpu.memory_space<hbm>>
      %dma_start3A_120 = tpu.memref_squeeze %dma_start3A_119 : memref<1x2x10240x64xf32, #tpu.memory_space<hbm>> -> memref<2x10240x64xf32, #tpu.memory_space<hbm>>
      %dma_start3A_121 = arith.constant 0 : i32
      %dma_start3A_122 = arith.constant 0 : i32
      %dma_start3A_123 = tpu.memref_slice %dma_start3A_120[%run_scoped3A_55, %dma_start3A_121, %dma_start3A_122] : memref<2x10240x64xf32, #tpu.memory_space<hbm>> -> memref<1x10240x64xf32, #tpu.memory_space<hbm>>
      %dma_start3A_124 = tpu.memref_squeeze %dma_start3A_123 : memref<1x10240x64xf32, #tpu.memory_space<hbm>> -> memref<10240x64xf32, #tpu.memory_space<hbm>>
      %dma_start3A_125 = arith.constant 0 : i32
      %dma_start3A_126 = tpu.memref_slice %dma_start3A_124[%mul3A_2, %dma_start3A_125] : memref<10240x64xf32, #tpu.memory_space<hbm>> -> memref<640x64xf32, #tpu.memory_space<hbm>>
      %dma_start3A_127 = arith.constant 0 : i32
      %dma_start3A_128 = tpu.memref_slice %arg10[%mul3A_2, %dma_start3A_127] : memref<10240x64xf32, #tpu.memory_space<vmem_shared>> -> memref<640x64xf32, #tpu.memory_space<vmem_shared>>
      tpu.enqueue_dma source(%dma_start3A_128 : memref<640x64xf32, #tpu.memory_space<vmem_shared>>) target(%dma_start3A_126 : memref<640x64xf32, #tpu.memory_space<hbm>>) target_semaphore(%run_scoped3A_115 : memref<!tpu.dma_semaphore, #tpu.memory_space<semaphore_mem>>)
      %dma_wait3A_129 = arith.constant 0 : i32
      %dma_wait3A_130 = arith.constant 0 : i32
      %dma_wait3A_131 = arith.constant 0 : i32
      %dma_wait3A_132 = tpu.memref_slice %arg6[%arg0, %dma_wait3A_129, %dma_wait3A_130, %dma_wait3A_131] : memref<2x2x10240x64xf32, #tpu.memory_space<hbm>> -> memref<1x2x10240x64xf32, #tpu.memory_space<hbm>>
      %dma_wait3A_133 = tpu.memref_squeeze %dma_wait3A_132 : memref<1x2x10240x64xf32, #tpu.memory_space<hbm>> -> memref<2x10240x64xf32, #tpu.memory_space<hbm>>
      %dma_wait3A_134 = arith.constant 0 : i32
      %dma_wait3A_135 = arith.constant 0 : i32
      %dma_wait3A_136 = tpu.memref_slice %dma_wait3A_133[%run_scoped3A_55, %dma_wait3A_134, %dma_wait3A_135] : memref<2x10240x64xf32, #tpu.memory_space<hbm>> -> memref<1x10240x64xf32, #tpu.memory_space<hbm>>
      %dma_wait3A_137 = tpu.memref_squeeze %dma_wait3A_136 : memref<1x10240x64xf32, #tpu.memory_space<hbm>> -> memref<10240x64xf32, #tpu.memory_space<hbm>>
      %dma_wait3A_138 = arith.constant 0 : i32
      %dma_wait3A_139 = tpu.memref_slice %dma_wait3A_137[%mul3A_2, %dma_wait3A_138] : memref<10240x64xf32, #tpu.memory_space<hbm>> -> memref<640x64xf32, #tpu.memory_space<hbm>>
      %dma_wait3A_140 = arith.constant 0 : i32
      %dma_wait3A_141 = tpu.memref_slice %arg10[%mul3A_2, %dma_wait3A_140] : memref<10240x64xf32, #tpu.memory_space<vmem_shared>> -> memref<640x64xf32, #tpu.memory_space<vmem_shared>>
      tpu.wait_dma2 semaphore(%run_scoped3A_115 : memref<!tpu.dma_semaphore, #tpu.memory_space<semaphore_mem>>) src(%dma_wait3A_141 : memref<640x64xf32, #tpu.memory_space<vmem_shared>>) dst(%dma_wait3A_139 : memref<640x64xf32, #tpu.memory_space<hbm>>)
      tpu.yield
    }) : () -> ()
    %barrier3A_56 = arith.constant 0 : index
    tpu.barrier barrier_id(%barrier3A_56)
    %run_scoped3A_57 = arith.constant 1 : i32
    "tpu.region"() ({
      %run_scoped3A_115 = tpu.sem_alloc : memref<!tpu.dma_semaphore, #tpu.memory_space<semaphore_mem>>
      %dma_start3A_116 = arith.constant 0 : i32
      %dma_start3A_117 = tpu.memref_slice %arg11[%mul3A_2, %dma_start3A_116] : memref<10240x64xf32, #tpu.memory_space<vmem_shared>> -> memref<640x64xf32, #tpu.memory_space<vmem_shared>>
      %dma_start3A_118 = arith.constant 0 : i32
      %dma_start3A_119 = arith.constant 0 : i32
      %dma_start3A_120 = tpu.memref_slice %arg2[%run_scoped3A_57, %dma_start3A_118, %dma_start3A_119] : memref<2x10240x64xf32, #tpu.memory_space<hbm>> -> memref<1x10240x64xf32, #tpu.memory_space<hbm>>
      %dma_start3A_121 = tpu.memref_squeeze %dma_start3A_120 : memref<1x10240x64xf32, #tpu.memory_space<hbm>> -> memref<10240x64xf32, #tpu.memory_space<hbm>>
      %dma_start3A_122 = arith.constant 0 : i32
      %dma_start3A_123 = tpu.memref_slice %dma_start3A_121[%mul3A_2, %dma_start3A_122] : memref<10240x64xf32, #tpu.memory_space<hbm>> -> memref<640x64xf32, #tpu.memory_space<hbm>>
      tpu.enqueue_dma source(%dma_start3A_123 : memref<640x64xf32, #tpu.memory_space<hbm>>) target(%dma_start3A_117 : memref<640x64xf32, #tpu.memory_space<vmem_shared>>) target_semaphore(%run_scoped3A_115 : memref<!tpu.dma_semaphore, #tpu.memory_space<semaphore_mem>>)
      %dma_wait3A_124 = arith.constant 0 : i32
      %dma_wait3A_125 = tpu.memref_slice %arg11[%mul3A_2, %dma_wait3A_124] : memref<10240x64xf32, #tpu.memory_space<vmem_shared>> -> memref<640x64xf32, #tpu.memory_space<vmem_shared>>
      %dma_wait3A_126 = arith.constant 0 : i32
      %dma_wait3A_127 = arith.constant 0 : i32
      %dma_wait3A_128 = tpu.memref_slice %arg2[%run_scoped3A_57, %dma_wait3A_126, %dma_wait3A_127] : memref<2x10240x64xf32, #tpu.memory_space<hbm>> -> memref<1x10240x64xf32, #tpu.memory_space<hbm>>
      %dma_wait3A_129 = tpu.memref_squeeze %dma_wait3A_128 : memref<1x10240x64xf32, #tpu.memory_space<hbm>> -> memref<10240x64xf32, #tpu.memory_space<hbm>>
      %dma_wait3A_130 = arith.constant 0 : i32
      %dma_wait3A_131 = tpu.memref_slice %dma_wait3A_129[%mul3A_2, %dma_wait3A_130] : memref<10240x64xf32, #tpu.memory_space<hbm>> -> memref<640x64xf32, #tpu.memory_space<hbm>>
      tpu.wait_dma2 semaphore(%run_scoped3A_115 : memref<!tpu.dma_semaphore, #tpu.memory_space<semaphore_mem>>) src(%dma_wait3A_131 : memref<640x64xf32, #tpu.memory_space<hbm>>) dst(%dma_wait3A_125 : memref<640x64xf32, #tpu.memory_space<vmem_shared>>)
      tpu.yield
    }) : () -> ()
    "tpu.region"() ({
      %run_scoped3A_115 = tpu.sem_alloc : memref<!tpu.dma_semaphore, #tpu.memory_space<semaphore_mem>>
      %dma_start3A_116 = arith.constant 0 : i32
      %dma_start3A_117 = tpu.memref_slice %arg10[%mul3A_2, %dma_start3A_116] : memref<10240x64xf32, #tpu.memory_space<vmem_shared>> -> memref<640x64xf32, #tpu.memory_space<vmem_shared>>
      %dma_start3A_118 = arith.constant 0 : i32
      %dma_start3A_119 = tpu.memref_slice %arg5[%mul3A_2, %dma_start3A_118] : memref<10240x64xf32, #tpu.memory_space<hbm>> -> memref<640x64xf32, #tpu.memory_space<hbm>>
      tpu.enqueue_dma source(%dma_start3A_119 : memref<640x64xf32, #tpu.memory_space<hbm>>) target(%dma_start3A_117 : memref<640x64xf32, #tpu.memory_space<vmem_shared>>) target_semaphore(%run_scoped3A_115 : memref<!tpu.dma_semaphore, #tpu.memory_space<semaphore_mem>>)
      %dma_wait3A_120 = arith.constant 0 : i32
      %dma_wait3A_121 = tpu.memref_slice %arg10[%mul3A_2, %dma_wait3A_120] : memref<10240x64xf32, #tpu.memory_space<vmem_shared>> -> memref<640x64xf32, #tpu.memory_space<vmem_shared>>
      %dma_wait3A_122 = arith.constant 0 : i32
      %dma_wait3A_123 = tpu.memref_slice %arg5[%mul3A_2, %dma_wait3A_122] : memref<10240x64xf32, #tpu.memory_space<hbm>> -> memref<640x64xf32, #tpu.memory_space<hbm>>
      tpu.wait_dma2 semaphore(%run_scoped3A_115 : memref<!tpu.dma_semaphore, #tpu.memory_space<semaphore_mem>>) src(%dma_wait3A_123 : memref<640x64xf32, #tpu.memory_space<hbm>>) dst(%dma_wait3A_121 : memref<640x64xf32, #tpu.memory_space<vmem_shared>>)
      tpu.yield
    }) : () -> ()
    %barrier3A_58 = arith.constant 0 : index
    tpu.barrier barrier_id(%barrier3A_58)
    %dma_start3A_59 = arith.constant 0 : i32
    %dma_start3A_60 = arith.constant 0 : i32
    %dma_start3A_61 = arith.constant 0 : i32
    %dma_start3A_62 = arith.constant 0 : i32
    %dma_start3A_63 = tpu.memref_slice %arg9[%dma_start3A_60, %dma_start3A_61, %dma_start3A_62] : memref<4x96x64xf32, #tpu.memory_space<vmem>> -> memref<1x96x64xf32, #tpu.memory_space<vmem>>
    %dma_start3A_64 = tpu.memref_squeeze %dma_start3A_63 : memref<1x96x64xf32, #tpu.memory_space<vmem>> -> memref<96x64xf32, #tpu.memory_space<vmem>>
    %dma_start3A_65 = arith.constant 0 : i32
    %dma_start3A_66 = tpu.memref_slice %arg7[%dma_start3A_59, %dma_start3A_65] : memref<112x96xi32, #tpu.memory_space<vmem>> -> memref<1x96xi32, #tpu.memory_space<vmem>>
    %dma_start3A_67 = tpu.memref_squeeze %dma_start3A_66 : memref<1x96xi32, #tpu.memory_space<vmem>> -> memref<96xi32, #tpu.memory_space<vmem>>
    %dma_start3A_68 = arith.constant 0 : i32
    %dma_start3A_69 = arith.constant 0 : i32
    %dma_start3A_70 = tpu.memref_slice %arg11[%dma_start3A_68, %dma_start3A_69] : memref<10240x64xf32, #tpu.memory_space<vmem_shared>> -> memref<10240x64xf32, #tpu.memory_space<vmem_shared>>
    tpu.enqueue_indirect_dma source(%dma_start3A_70 : memref<10240x64xf32, #tpu.memory_space<vmem_shared>>) target(%dma_start3A_64 : memref<96x64xf32, #tpu.memory_space<vmem>>) offsets(%dma_start3A_67 : memref<96xi32, #tpu.memory_space<vmem>>) semaphore(%arg12 : memref<!tpu.dma_semaphore, #tpu.memory_space<semaphore_mem>>)
    %dma_start3A_71 = arith.constant 1 : i32
    %dma_start3A_72 = arith.constant 1 : i32
    %dma_start3A_73 = arith.constant 0 : i32
    %dma_start3A_74 = arith.constant 0 : i32
    %dma_start3A_75 = tpu.memref_slice %arg9[%dma_start3A_72, %dma_start3A_73, %dma_start3A_74] : memref<4x96x64xf32, #tpu.memory_space<vmem>> -> memref<1x96x64xf32, #tpu.memory_space<vmem>>
    %dma_start3A_76 = tpu.memref_squeeze %dma_start3A_75 : memref<1x96x64xf32, #tpu.memory_space<vmem>> -> memref<96x64xf32, #tpu.memory_space<vmem>>
    %dma_start3A_77 = arith.constant 0 : i32
    %dma_start3A_78 = tpu.memref_slice %arg7[%dma_start3A_71, %dma_start3A_77] : memref<112x96xi32, #tpu.memory_space<vmem>> -> memref<1x96xi32, #tpu.memory_space<vmem>>
    %dma_start3A_79 = tpu.memref_squeeze %dma_start3A_78 : memref<1x96xi32, #tpu.memory_space<vmem>> -> memref<96xi32, #tpu.memory_space<vmem>>
    %dma_start3A_80 = arith.constant 0 : i32
    %dma_start3A_81 = arith.constant 0 : i32
    %dma_start3A_82 = tpu.memref_slice %arg11[%dma_start3A_80, %dma_start3A_81] : memref<10240x64xf32, #tpu.memory_space<vmem_shared>> -> memref<10240x64xf32, #tpu.memory_space<vmem_shared>>
    tpu.enqueue_indirect_dma source(%dma_start3A_82 : memref<10240x64xf32, #tpu.memory_space<vmem_shared>>) target(%dma_start3A_76 : memref<96x64xf32, #tpu.memory_space<vmem>>) offsets(%dma_start3A_79 : memref<96xi32, #tpu.memory_space<vmem>>) semaphore(%arg13 : memref<!tpu.dma_semaphore, #tpu.memory_space<semaphore_mem>>)
    %scan3A_83 = arith.constant 0 : i32
    %scan3A_84 = arith.constant 0 : i32
    %scan3A_85 = arith.constant 28 : i32
    %scan3A_86 = arith.addi %scan3A_84, %scan3A_85 : i32
    %scan3A_87 = arith.constant 1 : i32
    scf.for %scan3A_115 = %scan3A_84 to %scan3A_86 step %scan3A_87  : i32 {
      %mul3A_116 = arith.constant 4 : i32
      %mul3A_117 = arith.muli %mul3A_116, %scan3A_115 : i32
      %add3A_118 = arith.constant 0 : i32
      %add3A_119 = arith.addi %mul3A_117, %add3A_118 : i32
      %ge3A = arith.constant 1 : i32
      %ge3A_120 = arith.cmpi sge, %scan3A_115, %ge3A : i32
      %convert_element_type3A = arith.extui %ge3A_120 : i1 to i32
      %cond3A = arith.constant 0 : i32
      %cond3A_121 = arith.cmpi ne, %convert_element_type3A, %cond3A : i32
      scf.if %cond3A_121 {
        %dma_wait3A_290 = arith.constant 2 : i32
        %dma_wait3A_291 = arith.constant 0 : i32
        %dma_wait3A_292 = arith.constant 0 : i32
        %dma_wait3A_293 = arith.constant 0 : i32
        %dma_wait3A_294 = tpu.memref_slice %arg9[%dma_wait3A_290, %dma_wait3A_292, %dma_wait3A_293] : memref<4x96x64xf32, #tpu.memory_space<vmem>> -> memref<1x96x64xf32, #tpu.memory_space<vmem>>
        %dma_wait3A_295 = tpu.memref_squeeze %dma_wait3A_294 : memref<1x96x64xf32, #tpu.memory_space<vmem>> -> memref<96x64xf32, #tpu.memory_space<vmem>>
        %dma_wait3A_296 = arith.constant 0 : i32
        %dma_wait3A_297 = tpu.memref_slice %arg8[%dma_wait3A_291, %dma_wait3A_296] : memref<112x96xi32, #tpu.memory_space<vmem>> -> memref<1x96xi32, #tpu.memory_space<vmem>>
        %dma_wait3A_298 = tpu.memref_squeeze %dma_wait3A_297 : memref<1x96xi32, #tpu.memory_space<vmem>> -> memref<96xi32, #tpu.memory_space<vmem>>
        %dma_wait3A_299 = arith.constant 0 : i32
        %dma_wait3A_300 = arith.constant 0 : i32
        %dma_wait3A_301 = tpu.memref_slice %arg10[%dma_wait3A_299, %dma_wait3A_300] : memref<10240x64xf32, #tpu.memory_space<vmem_shared>> -> memref<10240x64xf32, #tpu.memory_space<vmem_shared>>
        tpu.wait_indirect_dma semaphore(%arg18 : memref<!tpu.dma_semaphore, #tpu.memory_space<semaphore_mem>>) src(%dma_wait3A_295 : memref<96x64xf32, #tpu.memory_space<vmem>>) dst(%dma_wait3A_301 : memref<10240x64xf32, #tpu.memory_space<vmem_shared>>)
      } else {
      }
      %add3A_122 = arith.constant 2 : i32
      %add3A_123 = arith.addi %add3A_119, %add3A_122 : i32
      %dma_start3A_124 = arith.constant 2 : i32
      %dma_start3A_125 = arith.constant 0 : i32
      %dma_start3A_126 = arith.constant 0 : i32
      %dma_start3A_127 = tpu.memref_slice %arg9[%dma_start3A_124, %dma_start3A_125, %dma_start3A_126] : memref<4x96x64xf32, #tpu.memory_space<vmem>> -> memref<1x96x64xf32, #tpu.memory_space<vmem>>
      %dma_start3A_128 = tpu.memref_squeeze %dma_start3A_127 : memref<1x96x64xf32, #tpu.memory_space<vmem>> -> memref<96x64xf32, #tpu.memory_space<vmem>>
      %dma_start3A_129 = arith.constant 0 : i32
      %dma_start3A_130 = tpu.memref_slice %arg7[%add3A_123, %dma_start3A_129] : memref<112x96xi32, #tpu.memory_space<vmem>> -> memref<1x96xi32, #tpu.memory_space<vmem>>
      %dma_start3A_131 = tpu.memref_squeeze %dma_start3A_130 : memref<1x96xi32, #tpu.memory_space<vmem>> -> memref<96xi32, #tpu.memory_space<vmem>>
      %dma_start3A_132 = arith.constant 0 : i32
      %dma_start3A_133 = arith.constant 0 : i32
      %dma_start3A_134 = tpu.memref_slice %arg11[%dma_start3A_132, %dma_start3A_133] : memref<10240x64xf32, #tpu.memory_space<vmem_shared>> -> memref<10240x64xf32, #tpu.memory_space<vmem_shared>>
      tpu.enqueue_indirect_dma source(%dma_start3A_134 : memref<10240x64xf32, #tpu.memory_space<vmem_shared>>) target(%dma_start3A_128 : memref<96x64xf32, #tpu.memory_space<vmem>>) offsets(%dma_start3A_131 : memref<96xi32, #tpu.memory_space<vmem>>) semaphore(%arg14 : memref<!tpu.dma_semaphore, #tpu.memory_space<semaphore_mem>>)
      %dma_wait3A_135 = arith.constant 0 : i32
      %dma_wait3A_136 = arith.constant 0 : i32
      %dma_wait3A_137 = arith.constant 0 : i32
      %dma_wait3A_138 = arith.constant 0 : i32
      %dma_wait3A_139 = tpu.memref_slice %arg9[%dma_wait3A_136, %dma_wait3A_137, %dma_wait3A_138] : memref<4x96x64xf32, #tpu.memory_space<vmem>> -> memref<1x96x64xf32, #tpu.memory_space<vmem>>
      %dma_wait3A_140 = tpu.memref_squeeze %dma_wait3A_139 : memref<1x96x64xf32, #tpu.memory_space<vmem>> -> memref<96x64xf32, #tpu.memory_space<vmem>>
      %dma_wait3A_141 = arith.constant 0 : i32
      %dma_wait3A_142 = tpu.memref_slice %arg7[%dma_wait3A_135, %dma_wait3A_141] : memref<112x96xi32, #tpu.memory_space<vmem>> -> memref<1x96xi32, #tpu.memory_space<vmem>>
      %dma_wait3A_143 = tpu.memref_squeeze %dma_wait3A_142 : memref<1x96xi32, #tpu.memory_space<vmem>> -> memref<96xi32, #tpu.memory_space<vmem>>
      %dma_wait3A_144 = arith.constant 0 : i32
      %dma_wait3A_145 = arith.constant 0 : i32
      %dma_wait3A_146 = tpu.memref_slice %arg11[%dma_wait3A_144, %dma_wait3A_145] : memref<10240x64xf32, #tpu.memory_space<vmem_shared>> -> memref<10240x64xf32, #tpu.memory_space<vmem_shared>>
      tpu.wait_indirect_dma semaphore(%arg12 : memref<!tpu.dma_semaphore, #tpu.memory_space<semaphore_mem>>) src(%dma_wait3A_146 : memref<10240x64xf32, #tpu.memory_space<vmem_shared>>) dst(%dma_wait3A_140 : memref<96x64xf32, #tpu.memory_space<vmem>>)
      %dma_start3A_147 = arith.constant 0 : i32
      %dma_start3A_148 = arith.constant 0 : i32
      %dma_start3A_149 = arith.constant 0 : i32
      %dma_start3A_150 = tpu.memref_slice %arg9[%dma_start3A_147, %dma_start3A_148, %dma_start3A_149] : memref<4x96x64xf32, #tpu.memory_space<vmem>> -> memref<1x96x64xf32, #tpu.memory_space<vmem>>
      %dma_start3A_151 = tpu.memref_squeeze %dma_start3A_150 : memref<1x96x64xf32, #tpu.memory_space<vmem>> -> memref<96x64xf32, #tpu.memory_space<vmem>>
      %dma_start3A_152 = arith.constant 0 : i32
      %dma_start3A_153 = tpu.memref_slice %arg8[%add3A_119, %dma_start3A_152] : memref<112x96xi32, #tpu.memory_space<vmem>> -> memref<1x96xi32, #tpu.memory_space<vmem>>
      %dma_start3A_154 = tpu.memref_squeeze %dma_start3A_153 : memref<1x96xi32, #tpu.memory_space<vmem>> -> memref<96xi32, #tpu.memory_space<vmem>>
      %dma_start3A_155 = arith.constant 0 : i32
      %dma_start3A_156 = arith.constant 0 : i32
      %dma_start3A_157 = tpu.memref_slice %arg10[%dma_start3A_155, %dma_start3A_156] : memref<10240x64xf32, #tpu.memory_space<vmem_shared>> -> memref<10240x64xf32, #tpu.memory_space<vmem_shared>>
      tpu.enqueue_indirect_dma source(%dma_start3A_151 : memref<96x64xf32, #tpu.memory_space<vmem>>) target(%dma_start3A_157 : memref<10240x64xf32, #tpu.memory_space<vmem_shared>>) offsets(%dma_start3A_154 : memref<96xi32, #tpu.memory_space<vmem>>) semaphore(%arg16 : memref<!tpu.dma_semaphore, #tpu.memory_space<semaphore_mem>>) {add = true}
      %mul3A_158 = arith.constant 4 : i32
      %mul3A_159 = arith.muli %mul3A_158, %scan3A_115 : i32
      %add3A_160 = arith.constant 1 : i32
      %add3A_161 = arith.addi %mul3A_159, %add3A_160 : i32
      %ge3A_162 = arith.constant 1 : i32
      %ge3A_163 = arith.cmpi sge, %scan3A_115, %ge3A_162 : i32
      %convert_element_type3A_164 = arith.extui %ge3A_163 : i1 to i32
      %cond3A_165 = arith.constant 0 : i32
      %cond3A_166 = arith.cmpi ne, %convert_element_type3A_164, %cond3A_165 : i32
      scf.if %cond3A_166 {
        %dma_wait3A_290 = arith.constant 3 : i32
        %dma_wait3A_291 = arith.constant 0 : i32
        %dma_wait3A_292 = arith.constant 0 : i32
        %dma_wait3A_293 = arith.constant 0 : i32
        %dma_wait3A_294 = tpu.memref_slice %arg9[%dma_wait3A_290, %dma_wait3A_292, %dma_wait3A_293] : memref<4x96x64xf32, #tpu.memory_space<vmem>> -> memref<1x96x64xf32, #tpu.memory_space<vmem>>
        %dma_wait3A_295 = tpu.memref_squeeze %dma_wait3A_294 : memref<1x96x64xf32, #tpu.memory_space<vmem>> -> memref<96x64xf32, #tpu.memory_space<vmem>>
        %dma_wait3A_296 = arith.constant 0 : i32
        %dma_wait3A_297 = tpu.memref_slice %arg8[%dma_wait3A_291, %dma_wait3A_296] : memref<112x96xi32, #tpu.memory_space<vmem>> -> memref<1x96xi32, #tpu.memory_space<vmem>>
        %dma_wait3A_298 = tpu.memref_squeeze %dma_wait3A_297 : memref<1x96xi32, #tpu.memory_space<vmem>> -> memref<96xi32, #tpu.memory_space<vmem>>
        %dma_wait3A_299 = arith.constant 0 : i32
        %dma_wait3A_300 = arith.constant 0 : i32
        %dma_wait3A_301 = tpu.memref_slice %arg10[%dma_wait3A_299, %dma_wait3A_300] : memref<10240x64xf32, #tpu.memory_space<vmem_shared>> -> memref<10240x64xf32, #tpu.memory_space<vmem_shared>>
        tpu.wait_indirect_dma semaphore(%arg19 : memref<!tpu.dma_semaphore, #tpu.memory_space<semaphore_mem>>) src(%dma_wait3A_295 : memref<96x64xf32, #tpu.memory_space<vmem>>) dst(%dma_wait3A_301 : memref<10240x64xf32, #tpu.memory_space<vmem_shared>>)
      } else {
      }
      %add3A_167 = arith.constant 2 : i32
      %add3A_168 = arith.addi %add3A_161, %add3A_167 : i32
      %dma_start3A_169 = arith.constant 3 : i32
      %dma_start3A_170 = arith.constant 0 : i32
      %dma_start3A_171 = arith.constant 0 : i32
      %dma_start3A_172 = tpu.memref_slice %arg9[%dma_start3A_169, %dma_start3A_170, %dma_start3A_171] : memref<4x96x64xf32, #tpu.memory_space<vmem>> -> memref<1x96x64xf32, #tpu.memory_space<vmem>>
      %dma_start3A_173 = tpu.memref_squeeze %dma_start3A_172 : memref<1x96x64xf32, #tpu.memory_space<vmem>> -> memref<96x64xf32, #tpu.memory_space<vmem>>
      %dma_start3A_174 = arith.constant 0 : i32
      %dma_start3A_175 = tpu.memref_slice %arg7[%add3A_168, %dma_start3A_174] : memref<112x96xi32, #tpu.memory_space<vmem>> -> memref<1x96xi32, #tpu.memory_space<vmem>>
      %dma_start3A_176 = tpu.memref_squeeze %dma_start3A_175 : memref<1x96xi32, #tpu.memory_space<vmem>> -> memref<96xi32, #tpu.memory_space<vmem>>
      %dma_start3A_177 = arith.constant 0 : i32
      %dma_start3A_178 = arith.constant 0 : i32
      %dma_start3A_179 = tpu.memref_slice %arg11[%dma_start3A_177, %dma_start3A_178] : memref<10240x64xf32, #tpu.memory_space<vmem_shared>> -> memref<10240x64xf32, #tpu.memory_space<vmem_shared>>
      tpu.enqueue_indirect_dma source(%dma_start3A_179 : memref<10240x64xf32, #tpu.memory_space<vmem_shared>>) target(%dma_start3A_173 : memref<96x64xf32, #tpu.memory_space<vmem>>) offsets(%dma_start3A_176 : memref<96xi32, #tpu.memory_space<vmem>>) semaphore(%arg15 : memref<!tpu.dma_semaphore, #tpu.memory_space<semaphore_mem>>)
      %dma_wait3A_180 = arith.constant 0 : i32
      %dma_wait3A_181 = arith.constant 1 : i32
      %dma_wait3A_182 = arith.constant 0 : i32
      %dma_wait3A_183 = arith.constant 0 : i32
      %dma_wait3A_184 = tpu.memref_slice %arg9[%dma_wait3A_181, %dma_wait3A_182, %dma_wait3A_183] : memref<4x96x64xf32, #tpu.memory_space<vmem>> -> memref<1x96x64xf32, #tpu.memory_space<vmem>>
      %dma_wait3A_185 = tpu.memref_squeeze %dma_wait3A_184 : memref<1x96x64xf32, #tpu.memory_space<vmem>> -> memref<96x64xf32, #tpu.memory_space<vmem>>
      %dma_wait3A_186 = arith.constant 0 : i32
      %dma_wait3A_187 = tpu.memref_slice %arg7[%dma_wait3A_180, %dma_wait3A_186] : memref<112x96xi32, #tpu.memory_space<vmem>> -> memref<1x96xi32, #tpu.memory_space<vmem>>
      %dma_wait3A_188 = tpu.memref_squeeze %dma_wait3A_187 : memref<1x96xi32, #tpu.memory_space<vmem>> -> memref<96xi32, #tpu.memory_space<vmem>>
      %dma_wait3A_189 = arith.constant 0 : i32
      %dma_wait3A_190 = arith.constant 0 : i32
      %dma_wait3A_191 = tpu.memref_slice %arg11[%dma_wait3A_189, %dma_wait3A_190] : memref<10240x64xf32, #tpu.memory_space<vmem_shared>> -> memref<10240x64xf32, #tpu.memory_space<vmem_shared>>
      tpu.wait_indirect_dma semaphore(%arg13 : memref<!tpu.dma_semaphore, #tpu.memory_space<semaphore_mem>>) src(%dma_wait3A_191 : memref<10240x64xf32, #tpu.memory_space<vmem_shared>>) dst(%dma_wait3A_185 : memref<96x64xf32, #tpu.memory_space<vmem>>)
      %dma_start3A_192 = arith.constant 1 : i32
      %dma_start3A_193 = arith.constant 0 : i32
      %dma_start3A_194 = arith.constant 0 : i32
      %dma_start3A_195 = tpu.memref_slice %arg9[%dma_start3A_192, %dma_start3A_193, %dma_start3A_194] : memref<4x96x64xf32, #tpu.memory_space<vmem>> -> memref<1x96x64xf32, #tpu.memory_space<vmem>>
      %dma_start3A_196 = tpu.memref_squeeze %dma_start3A_195 : memref<1x96x64xf32, #tpu.memory_space<vmem>> -> memref<96x64xf32, #tpu.memory_space<vmem>>
      %dma_start3A_197 = arith.constant 0 : i32
      %dma_start3A_198 = tpu.memref_slice %arg8[%add3A_161, %dma_start3A_197] : memref<112x96xi32, #tpu.memory_space<vmem>> -> memref<1x96xi32, #tpu.memory_space<vmem>>
      %dma_start3A_199 = tpu.memref_squeeze %dma_start3A_198 : memref<1x96xi32, #tpu.memory_space<vmem>> -> memref<96xi32, #tpu.memory_space<vmem>>
      %dma_start3A_200 = arith.constant 0 : i32
      %dma_start3A_201 = arith.constant 0 : i32
      %dma_start3A_202 = tpu.memref_slice %arg10[%dma_start3A_200, %dma_start3A_201] : memref<10240x64xf32, #tpu.memory_space<vmem_shared>> -> memref<10240x64xf32, #tpu.memory_space<vmem_shared>>
      tpu.enqueue_indirect_dma source(%dma_start3A_196 : memref<96x64xf32, #tpu.memory_space<vmem>>) target(%dma_start3A_202 : memref<10240x64xf32, #tpu.memory_space<vmem_shared>>) offsets(%dma_start3A_199 : memref<96xi32, #tpu.memory_space<vmem>>) semaphore(%arg17 : memref<!tpu.dma_semaphore, #tpu.memory_space<semaphore_mem>>) {add = true}
      %mul3A_203 = arith.constant 4 : i32
      %mul3A_204 = arith.muli %mul3A_203, %scan3A_115 : i32
      %add3A_205 = arith.constant 2 : i32
      %add3A_206 = arith.addi %mul3A_204, %add3A_205 : i32
      %dma_wait3A_207 = arith.constant 0 : i32
      %dma_wait3A_208 = arith.constant 0 : i32
      %dma_wait3A_209 = arith.constant 0 : i32
      %dma_wait3A_210 = arith.constant 0 : i32
      %dma_wait3A_211 = tpu.memref_slice %arg9[%dma_wait3A_207, %dma_wait3A_209, %dma_wait3A_210] : memref<4x96x64xf32, #tpu.memory_space<vmem>> -> memref<1x96x64xf32, #tpu.memory_space<vmem>>
      %dma_wait3A_212 = tpu.memref_squeeze %dma_wait3A_211 : memref<1x96x64xf32, #tpu.memory_space<vmem>> -> memref<96x64xf32, #tpu.memory_space<vmem>>
      %dma_wait3A_213 = arith.constant 0 : i32
      %dma_wait3A_214 = tpu.memref_slice %arg8[%dma_wait3A_208, %dma_wait3A_213] : memref<112x96xi32, #tpu.memory_space<vmem>> -> memref<1x96xi32, #tpu.memory_space<vmem>>
      %dma_wait3A_215 = tpu.memref_squeeze %dma_wait3A_214 : memref<1x96xi32, #tpu.memory_space<vmem>> -> memref<96xi32, #tpu.memory_space<vmem>>
      %dma_wait3A_216 = arith.constant 0 : i32
      %dma_wait3A_217 = arith.constant 0 : i32
      %dma_wait3A_218 = tpu.memref_slice %arg10[%dma_wait3A_216, %dma_wait3A_217] : memref<10240x64xf32, #tpu.memory_space<vmem_shared>> -> memref<10240x64xf32, #tpu.memory_space<vmem_shared>>
      tpu.wait_indirect_dma semaphore(%arg16 : memref<!tpu.dma_semaphore, #tpu.memory_space<semaphore_mem>>) src(%dma_wait3A_212 : memref<96x64xf32, #tpu.memory_space<vmem>>) dst(%dma_wait3A_218 : memref<10240x64xf32, #tpu.memory_space<vmem_shared>>)
      %lt3A = arith.constant 27 : i32
      %lt3A_219 = arith.cmpi slt, %scan3A_115, %lt3A : i32
      %convert_element_type3A_220 = arith.extui %lt3A_219 : i1 to i32
      %cond3A_221 = arith.constant 0 : i32
      %cond3A_222 = arith.cmpi ne, %convert_element_type3A_220, %cond3A_221 : i32
      scf.if %cond3A_222 {
        %add3A_290 = arith.constant 2 : i32
        %add3A_291 = arith.addi %add3A_206, %add3A_290 : i32
        %dma_start3A_292 = arith.constant 0 : i32
        %dma_start3A_293 = arith.constant 0 : i32
        %dma_start3A_294 = arith.constant 0 : i32
        %dma_start3A_295 = tpu.memref_slice %arg9[%dma_start3A_292, %dma_start3A_293, %dma_start3A_294] : memref<4x96x64xf32, #tpu.memory_space<vmem>> -> memref<1x96x64xf32, #tpu.memory_space<vmem>>
        %dma_start3A_296 = tpu.memref_squeeze %dma_start3A_295 : memref<1x96x64xf32, #tpu.memory_space<vmem>> -> memref<96x64xf32, #tpu.memory_space<vmem>>
        %dma_start3A_297 = arith.constant 0 : i32
        %dma_start3A_298 = tpu.memref_slice %arg7[%add3A_291, %dma_start3A_297] : memref<112x96xi32, #tpu.memory_space<vmem>> -> memref<1x96xi32, #tpu.memory_space<vmem>>
        %dma_start3A_299 = tpu.memref_squeeze %dma_start3A_298 : memref<1x96xi32, #tpu.memory_space<vmem>> -> memref<96xi32, #tpu.memory_space<vmem>>
        %dma_start3A_300 = arith.constant 0 : i32
        %dma_start3A_301 = arith.constant 0 : i32
        %dma_start3A_302 = tpu.memref_slice %arg11[%dma_start3A_300, %dma_start3A_301] : memref<10240x64xf32, #tpu.memory_space<vmem_shared>> -> memref<10240x64xf32, #tpu.memory_space<vmem_shared>>
        tpu.enqueue_indirect_dma source(%dma_start3A_302 : memref<10240x64xf32, #tpu.memory_space<vmem_shared>>) target(%dma_start3A_296 : memref<96x64xf32, #tpu.memory_space<vmem>>) offsets(%dma_start3A_299 : memref<96xi32, #tpu.memory_space<vmem>>) semaphore(%arg12 : memref<!tpu.dma_semaphore, #tpu.memory_space<semaphore_mem>>)
      } else {
      }
      %dma_wait3A_223 = arith.constant 0 : i32
      %dma_wait3A_224 = arith.constant 2 : i32
      %dma_wait3A_225 = arith.constant 0 : i32
      %dma_wait3A_226 = arith.constant 0 : i32
      %dma_wait3A_227 = tpu.memref_slice %arg9[%dma_wait3A_224, %dma_wait3A_225, %dma_wait3A_226] : memref<4x96x64xf32, #tpu.memory_space<vmem>> -> memref<1x96x64xf32, #tpu.memory_space<vmem>>
      %dma_wait3A_228 = tpu.memref_squeeze %dma_wait3A_227 : memref<1x96x64xf32, #tpu.memory_space<vmem>> -> memref<96x64xf32, #tpu.memory_space<vmem>>
      %dma_wait3A_229 = arith.constant 0 : i32
      %dma_wait3A_230 = tpu.memref_slice %arg7[%dma_wait3A_223, %dma_wait3A_229] : memref<112x96xi32, #tpu.memory_space<vmem>> -> memref<1x96xi32, #tpu.memory_space<vmem>>
      %dma_wait3A_231 = tpu.memref_squeeze %dma_wait3A_230 : memref<1x96xi32, #tpu.memory_space<vmem>> -> memref<96xi32, #tpu.memory_space<vmem>>
      %dma_wait3A_232 = arith.constant 0 : i32
      %dma_wait3A_233 = arith.constant 0 : i32
      %dma_wait3A_234 = tpu.memref_slice %arg11[%dma_wait3A_232, %dma_wait3A_233] : memref<10240x64xf32, #tpu.memory_space<vmem_shared>> -> memref<10240x64xf32, #tpu.memory_space<vmem_shared>>
      tpu.wait_indirect_dma semaphore(%arg14 : memref<!tpu.dma_semaphore, #tpu.memory_space<semaphore_mem>>) src(%dma_wait3A_234 : memref<10240x64xf32, #tpu.memory_space<vmem_shared>>) dst(%dma_wait3A_228 : memref<96x64xf32, #tpu.memory_space<vmem>>)
      %dma_start3A_235 = arith.constant 2 : i32
      %dma_start3A_236 = arith.constant 0 : i32
      %dma_start3A_237 = arith.constant 0 : i32
      %dma_start3A_238 = tpu.memref_slice %arg9[%dma_start3A_235, %dma_start3A_236, %dma_start3A_237] : memref<4x96x64xf32, #tpu.memory_space<vmem>> -> memref<1x96x64xf32, #tpu.memory_space<vmem>>
      %dma_start3A_239 = tpu.memref_squeeze %dma_start3A_238 : memref<1x96x64xf32, #tpu.memory_space<vmem>> -> memref<96x64xf32, #tpu.memory_space<vmem>>
      %dma_start3A_240 = arith.constant 0 : i32
      %dma_start3A_241 = tpu.memref_slice %arg8[%add3A_206, %dma_start3A_240] : memref<112x96xi32, #tpu.memory_space<vmem>> -> memref<1x96xi32, #tpu.memory_space<vmem>>
      %dma_start3A_242 = tpu.memref_squeeze %dma_start3A_241 : memref<1x96xi32, #tpu.memory_space<vmem>> -> memref<96xi32, #tpu.memory_space<vmem>>
      %dma_start3A_243 = arith.constant 0 : i32
      %dma_start3A_244 = arith.constant 0 : i32
      %dma_start3A_245 = tpu.memref_slice %arg10[%dma_start3A_243, %dma_start3A_244] : memref<10240x64xf32, #tpu.memory_space<vmem_shared>> -> memref<10240x64xf32, #tpu.memory_space<vmem_shared>>
      tpu.enqueue_indirect_dma source(%dma_start3A_239 : memref<96x64xf32, #tpu.memory_space<vmem>>) target(%dma_start3A_245 : memref<10240x64xf32, #tpu.memory_space<vmem_shared>>) offsets(%dma_start3A_242 : memref<96xi32, #tpu.memory_space<vmem>>) semaphore(%arg18 : memref<!tpu.dma_semaphore, #tpu.memory_space<semaphore_mem>>) {add = true}
      %mul3A_246 = arith.constant 4 : i32
      %mul3A_247 = arith.muli %mul3A_246, %scan3A_115 : i32
      %add3A_248 = arith.constant 3 : i32
      %add3A_249 = arith.addi %mul3A_247, %add3A_248 : i32
      %dma_wait3A_250 = arith.constant 1 : i32
      %dma_wait3A_251 = arith.constant 0 : i32
      %dma_wait3A_252 = arith.constant 0 : i32
      %dma_wait3A_253 = arith.constant 0 : i32
      %dma_wait3A_254 = tpu.memref_slice %arg9[%dma_wait3A_250, %dma_wait3A_252, %dma_wait3A_253] : memref<4x96x64xf32, #tpu.memory_space<vmem>> -> memref<1x96x64xf32, #tpu.memory_space<vmem>>
      %dma_wait3A_255 = tpu.memref_squeeze %dma_wait3A_254 : memref<1x96x64xf32, #tpu.memory_space<vmem>> -> memref<96x64xf32, #tpu.memory_space<vmem>>
      %dma_wait3A_256 = arith.constant 0 : i32
      %dma_wait3A_257 = tpu.memref_slice %arg8[%dma_wait3A_251, %dma_wait3A_256] : memref<112x96xi32, #tpu.memory_space<vmem>> -> memref<1x96xi32, #tpu.memory_space<vmem>>
      %dma_wait3A_258 = tpu.memref_squeeze %dma_wait3A_257 : memref<1x96xi32, #tpu.memory_space<vmem>> -> memref<96xi32, #tpu.memory_space<vmem>>
      %dma_wait3A_259 = arith.constant 0 : i32
      %dma_wait3A_260 = arith.constant 0 : i32
      %dma_wait3A_261 = tpu.memref_slice %arg10[%dma_wait3A_259, %dma_wait3A_260] : memref<10240x64xf32, #tpu.memory_space<vmem_shared>> -> memref<10240x64xf32, #tpu.memory_space<vmem_shared>>
      tpu.wait_indirect_dma semaphore(%arg17 : memref<!tpu.dma_semaphore, #tpu.memory_space<semaphore_mem>>) src(%dma_wait3A_255 : memref<96x64xf32, #tpu.memory_space<vmem>>) dst(%dma_wait3A_261 : memref<10240x64xf32, #tpu.memory_space<vmem_shared>>)
      %lt3A_262 = arith.constant 27 : i32
      %lt3A_263 = arith.cmpi slt, %scan3A_115, %lt3A_262 : i32
      %convert_element_type3A_264 = arith.extui %lt3A_263 : i1 to i32
      %cond3A_265 = arith.constant 0 : i32
      %cond3A_266 = arith.cmpi ne, %convert_element_type3A_264, %cond3A_265 : i32
      scf.if %cond3A_266 {
        %add3A_290 = arith.constant 2 : i32
        %add3A_291 = arith.addi %add3A_249, %add3A_290 : i32
        %dma_start3A_292 = arith.constant 1 : i32
        %dma_start3A_293 = arith.constant 0 : i32
        %dma_start3A_294 = arith.constant 0 : i32
        %dma_start3A_295 = tpu.memref_slice %arg9[%dma_start3A_292, %dma_start3A_293, %dma_start3A_294] : memref<4x96x64xf32, #tpu.memory_space<vmem>> -> memref<1x96x64xf32, #tpu.memory_space<vmem>>
        %dma_start3A_296 = tpu.memref_squeeze %dma_start3A_295 : memref<1x96x64xf32, #tpu.memory_space<vmem>> -> memref<96x64xf32, #tpu.memory_space<vmem>>
        %dma_start3A_297 = arith.constant 0 : i32
        %dma_start3A_298 = tpu.memref_slice %arg7[%add3A_291, %dma_start3A_297] : memref<112x96xi32, #tpu.memory_space<vmem>> -> memref<1x96xi32, #tpu.memory_space<vmem>>
        %dma_start3A_299 = tpu.memref_squeeze %dma_start3A_298 : memref<1x96xi32, #tpu.memory_space<vmem>> -> memref<96xi32, #tpu.memory_space<vmem>>
        %dma_start3A_300 = arith.constant 0 : i32
        %dma_start3A_301 = arith.constant 0 : i32
        %dma_start3A_302 = tpu.memref_slice %arg11[%dma_start3A_300, %dma_start3A_301] : memref<10240x64xf32, #tpu.memory_space<vmem_shared>> -> memref<10240x64xf32, #tpu.memory_space<vmem_shared>>
        tpu.enqueue_indirect_dma source(%dma_start3A_302 : memref<10240x64xf32, #tpu.memory_space<vmem_shared>>) target(%dma_start3A_296 : memref<96x64xf32, #tpu.memory_space<vmem>>) offsets(%dma_start3A_299 : memref<96xi32, #tpu.memory_space<vmem>>) semaphore(%arg13 : memref<!tpu.dma_semaphore, #tpu.memory_space<semaphore_mem>>)
      } else {
      }
      %dma_wait3A_267 = arith.constant 0 : i32
      %dma_wait3A_268 = arith.constant 3 : i32
      %dma_wait3A_269 = arith.constant 0 : i32
      %dma_wait3A_270 = arith.constant 0 : i32
      %dma_wait3A_271 = tpu.memref_slice %arg9[%dma_wait3A_268, %dma_wait3A_269, %dma_wait3A_270] : memref<4x96x64xf32, #tpu.memory_space<vmem>> -> memref<1x96x64xf32, #tpu.memory_space<vmem>>
      %dma_wait3A_272 = tpu.memref_squeeze %dma_wait3A_271 : memref<1x96x64xf32, #tpu.memory_space<vmem>> -> memref<96x64xf32, #tpu.memory_space<vmem>>
      %dma_wait3A_273 = arith.constant 0 : i32
      %dma_wait3A_274 = tpu.memref_slice %arg7[%dma_wait3A_267, %dma_wait3A_273] : memref<112x96xi32, #tpu.memory_space<vmem>> -> memref<1x96xi32, #tpu.memory_space<vmem>>
      %dma_wait3A_275 = tpu.memref_squeeze %dma_wait3A_274 : memref<1x96xi32, #tpu.memory_space<vmem>> -> memref<96xi32, #tpu.memory_space<vmem>>
      %dma_wait3A_276 = arith.constant 0 : i32
      %dma_wait3A_277 = arith.constant 0 : i32
      %dma_wait3A_278 = tpu.memref_slice %arg11[%dma_wait3A_276, %dma_wait3A_277] : memref<10240x64xf32, #tpu.memory_space<vmem_shared>> -> memref<10240x64xf32, #tpu.memory_space<vmem_shared>>
      tpu.wait_indirect_dma semaphore(%arg15 : memref<!tpu.dma_semaphore, #tpu.memory_space<semaphore_mem>>) src(%dma_wait3A_278 : memref<10240x64xf32, #tpu.memory_space<vmem_shared>>) dst(%dma_wait3A_272 : memref<96x64xf32, #tpu.memory_space<vmem>>)
      %dma_start3A_279 = arith.constant 3 : i32
      %dma_start3A_280 = arith.constant 0 : i32
      %dma_start3A_281 = arith.constant 0 : i32
      %dma_start3A_282 = tpu.memref_slice %arg9[%dma_start3A_279, %dma_start3A_280, %dma_start3A_281] : memref<4x96x64xf32, #tpu.memory_space<vmem>> -> memref<1x96x64xf32, #tpu.memory_space<vmem>>
      %dma_start3A_283 = tpu.memref_squeeze %dma_start3A_282 : memref<1x96x64xf32, #tpu.memory_space<vmem>> -> memref<96x64xf32, #tpu.memory_space<vmem>>
      %dma_start3A_284 = arith.constant 0 : i32
      %dma_start3A_285 = tpu.memref_slice %arg8[%add3A_249, %dma_start3A_284] : memref<112x96xi32, #tpu.memory_space<vmem>> -> memref<1x96xi32, #tpu.memory_space<vmem>>
      %dma_start3A_286 = tpu.memref_squeeze %dma_start3A_285 : memref<1x96xi32, #tpu.memory_space<vmem>> -> memref<96xi32, #tpu.memory_space<vmem>>
      %dma_start3A_287 = arith.constant 0 : i32
      %dma_start3A_288 = arith.constant 0 : i32
      %dma_start3A_289 = tpu.memref_slice %arg10[%dma_start3A_287, %dma_start3A_288] : memref<10240x64xf32, #tpu.memory_space<vmem_shared>> -> memref<10240x64xf32, #tpu.memory_space<vmem_shared>>
      tpu.enqueue_indirect_dma source(%dma_start3A_283 : memref<96x64xf32, #tpu.memory_space<vmem>>) target(%dma_start3A_289 : memref<10240x64xf32, #tpu.memory_space<vmem_shared>>) offsets(%dma_start3A_286 : memref<96xi32, #tpu.memory_space<vmem>>) semaphore(%arg19 : memref<!tpu.dma_semaphore, #tpu.memory_space<semaphore_mem>>) {add = true}
    }
    %scan3A_88 = arith.constant 28 : i32
    %dma_wait3A_89 = arith.constant 2 : i32
    %dma_wait3A_90 = arith.constant 0 : i32
    %dma_wait3A_91 = arith.constant 0 : i32
    %dma_wait3A_92 = arith.constant 0 : i32
    %dma_wait3A_93 = tpu.memref_slice %arg9[%dma_wait3A_89, %dma_wait3A_91, %dma_wait3A_92] : memref<4x96x64xf32, #tpu.memory_space<vmem>> -> memref<1x96x64xf32, #tpu.memory_space<vmem>>
    %dma_wait3A_94 = tpu.memref_squeeze %dma_wait3A_93 : memref<1x96x64xf32, #tpu.memory_space<vmem>> -> memref<96x64xf32, #tpu.memory_space<vmem>>
    %dma_wait3A_95 = arith.constant 0 : i32
    %dma_wait3A_96 = tpu.memref_slice %arg8[%dma_wait3A_90, %dma_wait3A_95] : memref<112x96xi32, #tpu.memory_space<vmem>> -> memref<1x96xi32, #tpu.memory_space<vmem>>
    %dma_wait3A_97 = tpu.memref_squeeze %dma_wait3A_96 : memref<1x96xi32, #tpu.memory_space<vmem>> -> memref<96xi32, #tpu.memory_space<vmem>>
    %dma_wait3A_98 = arith.constant 0 : i32
    %dma_wait3A_99 = arith.constant 0 : i32
    %dma_wait3A_100 = tpu.memref_slice %arg10[%dma_wait3A_98, %dma_wait3A_99] : memref<10240x64xf32, #tpu.memory_space<vmem_shared>> -> memref<10240x64xf32, #tpu.memory_space<vmem_shared>>
    tpu.wait_indirect_dma semaphore(%arg18 : memref<!tpu.dma_semaphore, #tpu.memory_space<semaphore_mem>>) src(%dma_wait3A_94 : memref<96x64xf32, #tpu.memory_space<vmem>>) dst(%dma_wait3A_100 : memref<10240x64xf32, #tpu.memory_space<vmem_shared>>)
    %dma_wait3A_101 = arith.constant 3 : i32
    %dma_wait3A_102 = arith.constant 0 : i32
    %dma_wait3A_103 = arith.constant 0 : i32
    %dma_wait3A_104 = arith.constant 0 : i32
    %dma_wait3A_105 = tpu.memref_slice %arg9[%dma_wait3A_101, %dma_wait3A_103, %dma_wait3A_104] : memref<4x96x64xf32, #tpu.memory_space<vmem>> -> memref<1x96x64xf32, #tpu.memory_space<vmem>>
    %dma_wait3A_106 = tpu.memref_squeeze %dma_wait3A_105 : memref<1x96x64xf32, #tpu.memory_space<vmem>> -> memref<96x64xf32, #tpu.memory_space<vmem>>
    %dma_wait3A_107 = arith.constant 0 : i32
    %dma_wait3A_108 = tpu.memref_slice %arg8[%dma_wait3A_102, %dma_wait3A_107] : memref<112x96xi32, #tpu.memory_space<vmem>> -> memref<1x96xi32, #tpu.memory_space<vmem>>
    %dma_wait3A_109 = tpu.memref_squeeze %dma_wait3A_108 : memref<1x96xi32, #tpu.memory_space<vmem>> -> memref<96xi32, #tpu.memory_space<vmem>>
    %dma_wait3A_110 = arith.constant 0 : i32
    %dma_wait3A_111 = arith.constant 0 : i32
    %dma_wait3A_112 = tpu.memref_slice %arg10[%dma_wait3A_110, %dma_wait3A_111] : memref<10240x64xf32, #tpu.memory_space<vmem_shared>> -> memref<10240x64xf32, #tpu.memory_space<vmem_shared>>
    tpu.wait_indirect_dma semaphore(%arg19 : memref<!tpu.dma_semaphore, #tpu.memory_space<semaphore_mem>>) src(%dma_wait3A_106 : memref<96x64xf32, #tpu.memory_space<vmem>>) dst(%dma_wait3A_112 : memref<10240x64xf32, #tpu.memory_space<vmem_shared>>)
    %barrier3A_113 = arith.constant 0 : index
    tpu.barrier barrier_id(%barrier3A_113)
    %run_scoped3A_114 = arith.constant 1 : i32
    "tpu.region"() ({
      %run_scoped3A_115 = tpu.sem_alloc : memref<!tpu.dma_semaphore, #tpu.memory_space<semaphore_mem>>
      %dma_start3A_116 = arith.constant 0 : i32
      %dma_start3A_117 = arith.constant 0 : i32
      %dma_start3A_118 = arith.constant 0 : i32
      %dma_start3A_119 = tpu.memref_slice %arg6[%arg0, %dma_start3A_116, %dma_start3A_117, %dma_start3A_118] : memref<2x2x10240x64xf32, #tpu.memory_space<hbm>> -> memref<1x2x10240x64xf32, #tpu.memory_space<hbm>>
      %dma_start3A_120 = tpu.memref_squeeze %dma_start3A_119 : memref<1x2x10240x64xf32, #tpu.memory_space<hbm>> -> memref<2x10240x64xf32, #tpu.memory_space<hbm>>
      %dma_start3A_121 = arith.constant 0 : i32
      %dma_start3A_122 = arith.constant 0 : i32
      %dma_start3A_123 = tpu.memref_slice %dma_start3A_120[%run_scoped3A_114, %dma_start3A_121, %dma_start3A_122] : memref<2x10240x64xf32, #tpu.memory_space<hbm>> -> memref<1x10240x64xf32, #tpu.memory_space<hbm>>
      %dma_start3A_124 = tpu.memref_squeeze %dma_start3A_123 : memref<1x10240x64xf32, #tpu.memory_space<hbm>> -> memref<10240x64xf32, #tpu.memory_space<hbm>>
      %dma_start3A_125 = arith.constant 0 : i32
      %dma_start3A_126 = tpu.memref_slice %dma_start3A_124[%mul3A_2, %dma_start3A_125] : memref<10240x64xf32, #tpu.memory_space<hbm>> -> memref<640x64xf32, #tpu.memory_space<hbm>>
      %dma_start3A_127 = arith.constant 0 : i32
      %dma_start3A_128 = tpu.memref_slice %arg10[%mul3A_2, %dma_start3A_127] : memref<10240x64xf32, #tpu.memory_space<vmem_shared>> -> memref<640x64xf32, #tpu.memory_space<vmem_shared>>
      tpu.enqueue_dma source(%dma_start3A_128 : memref<640x64xf32, #tpu.memory_space<vmem_shared>>) target(%dma_start3A_126 : memref<640x64xf32, #tpu.memory_space<hbm>>) target_semaphore(%run_scoped3A_115 : memref<!tpu.dma_semaphore, #tpu.memory_space<semaphore_mem>>)
      %dma_wait3A_129 = arith.constant 0 : i32
      %dma_wait3A_130 = arith.constant 0 : i32
      %dma_wait3A_131 = arith.constant 0 : i32
      %dma_wait3A_132 = tpu.memref_slice %arg6[%arg0, %dma_wait3A_129, %dma_wait3A_130, %dma_wait3A_131] : memref<2x2x10240x64xf32, #tpu.memory_space<hbm>> -> memref<1x2x10240x64xf32, #tpu.memory_space<hbm>>
      %dma_wait3A_133 = tpu.memref_squeeze %dma_wait3A_132 : memref<1x2x10240x64xf32, #tpu.memory_space<hbm>> -> memref<2x10240x64xf32, #tpu.memory_space<hbm>>
      %dma_wait3A_134 = arith.constant 0 : i32
      %dma_wait3A_135 = arith.constant 0 : i32
      %dma_wait3A_136 = tpu.memref_slice %dma_wait3A_133[%run_scoped3A_114, %dma_wait3A_134, %dma_wait3A_135] : memref<2x10240x64xf32, #tpu.memory_space<hbm>> -> memref<1x10240x64xf32, #tpu.memory_space<hbm>>
      %dma_wait3A_137 = tpu.memref_squeeze %dma_wait3A_136 : memref<1x10240x64xf32, #tpu.memory_space<hbm>> -> memref<10240x64xf32, #tpu.memory_space<hbm>>
      %dma_wait3A_138 = arith.constant 0 : i32
      %dma_wait3A_139 = tpu.memref_slice %dma_wait3A_137[%mul3A_2, %dma_wait3A_138] : memref<10240x64xf32, #tpu.memory_space<hbm>> -> memref<640x64xf32, #tpu.memory_space<hbm>>
      %dma_wait3A_140 = arith.constant 0 : i32
      %dma_wait3A_141 = tpu.memref_slice %arg10[%mul3A_2, %dma_wait3A_140] : memref<10240x64xf32, #tpu.memory_space<vmem_shared>> -> memref<640x64xf32, #tpu.memory_space<vmem_shared>>
      tpu.wait_dma2 semaphore(%run_scoped3A_115 : memref<!tpu.dma_semaphore, #tpu.memory_space<semaphore_mem>>) src(%dma_wait3A_141 : memref<640x64xf32, #tpu.memory_space<vmem_shared>>) dst(%dma_wait3A_139 : memref<640x64xf32, #tpu.memory_space<hbm>>)
      tpu.yield
    }) : () -> ()
    return
  }
}

module attributes {stable_mosaic.version = 14 : i64} {
  func.func @_h0_body(%arg0: i32, %arg1: memref<512x128xf32, #tpu.memory_space<vmem>>, %arg2: memref<128x128xf32, #tpu.memory_space<vmem>>, %arg3: memref<1x128xf32, #tpu.memory_space<vmem>>, %arg4: memref<512x128xf32, #tpu.memory_space<vmem>>) attributes {dimension_semantics = [#tpu.dimension_semantics<arbitrary>], iteration_bounds = array<i64: 20>, scalar_prefetch = 0 : i64, scratch_operands = 0 : i64, tpu.core_type = #tpu.core_type<tc>, window_params = [{transform_indices = @transform_0, window_bounds = array<i64: 512, 128>}, {pipeline_mode = #tpu.pipeline_mode<synchronous>, transform_indices = @transform_1, window_bounds = array<i64: 128, 128>}, {pipeline_mode = #tpu.pipeline_mode<synchronous>, transform_indices = @transform_2, window_bounds = array<i64: 1, 128>}, {transform_indices = @transform_3, window_bounds = array<i64: 512, 128>}]} {
    %get3A = arith.constant 0 : index
    %get3A_0 = arith.constant 0 : index
    %get3A_1 = vector.load %arg1[%get3A, %get3A_0] : memref<512x128xf32, #tpu.memory_space<vmem>>, vector<512x128xf32>
    %get3A_2 = arith.constant 0 : index
    %get3A_3 = arith.constant 0 : index
    %get3A_4 = vector.load %arg2[%get3A_2, %get3A_3] : memref<128x128xf32, #tpu.memory_space<vmem>>, vector<128x128xf32>
    %dot_general3A = arith.constant dense<0.000000e+00> : vector<512x128xf32>
    %dot_general3A_5 = tpu.matmul %get3A_1, %get3A_4, %dot_general3A {dimension_numbers = #tpu.dot_dimension_numbers<[1], [0], [0], [1], [0, 0, 1, 1], [], []>, transpose_lhs_hint = false} : vector<512x128xf32>, vector<128x128xf32>, vector<512x128xf32> -> vector<512x128xf32>
    %get3A_6 = arith.constant 0 : index
    %get3A_7 = arith.constant 0 : index
    %get3A_8 = vector.load %arg3[%get3A_6, %get3A_7] : memref<1x128xf32, #tpu.memory_space<vmem>>, vector<1x128xf32>
    %add3A = vector.broadcast %get3A_8 : vector<1x128xf32> to vector<512x128xf32>
    %add3A_9 = arith.addf %dot_general3A_5, %add3A : vector<512x128xf32>
    %swap3A = arith.constant 0 : index
    %swap3A_10 = arith.constant 0 : index
    %swap3A_11 = vector.load %arg4[%swap3A, %swap3A_10] : memref<512x128xf32, #tpu.memory_space<vmem>>, vector<512x128xf32>
    tpu.vector_store %arg4[%swap3A, %swap3A_10], %add3A_9 {strides = array<i32>} : memref<512x128xf32, #tpu.memory_space<vmem>>, vector<512x128xf32>,
    return
  }
  func.func @transform_0(%arg0: i32) -> (i32, i32) {
    %c0_i32 = arith.constant 0 : i32
    %c0_i32_0 = arith.constant 0 : i32
    return %arg0, %c0_i32 : i32, i32
  }
  func.func @transform_1(%arg0: i32) -> (i32, i32) {
    %c0_i32 = arith.constant 0 : i32
    %c0_i32_0 = arith.constant 0 : i32
    %c0_i32_1 = arith.constant 0 : i32
    return %c0_i32, %c0_i32_0 : i32, i32
  }
  func.func @transform_2(%arg0: i32) -> (i32, i32) {
    %c0_i32 = arith.constant 0 : i32
    %c0_i32_0 = arith.constant 0 : i32
    %c0_i32_1 = arith.constant 0 : i32
    return %c0_i32, %c0_i32_0 : i32, i32
  }
  func.func @transform_3(%arg0: i32) -> (i32, i32) {
    %c0_i32 = arith.constant 0 : i32
    %c0_i32_0 = arith.constant 0 : i32
    return %arg0, %c0_i32 : i32, i32
  }
}

module attributes {stable_mosaic.version = 14 : i64} {
  func.func @_u1_body(%arg0: i32, %arg1: memref<512x128xf32, #tpu.memory_space<vmem>>, %arg2: memref<2x1x512x64xf32, #tpu.memory_space<vmem>>, %arg3: memref<128x128xf32, #tpu.memory_space<vmem>>, %arg4: memref<2x512x64xf32, #tpu.memory_space<vmem>>, %arg5: memref<512x128xf32, #tpu.memory_space<vmem>>) attributes {dimension_semantics = [#tpu.dimension_semantics<arbitrary>], iteration_bounds = array<i64: 20>, scalar_prefetch = 0 : i64, scratch_operands = 0 : i64, tpu.core_type = #tpu.core_type<tc>, window_params = [{transform_indices = @transform_0, window_bounds = array<i64: 512, 128>}, {transform_indices = @transform_1, window_bounds = array<i64: 2, 1, 512, 64>}, {pipeline_mode = #tpu.pipeline_mode<synchronous>, transform_indices = @transform_2, window_bounds = array<i64: 128, 128>}, {transform_indices = @transform_3, window_bounds = array<i64: 2, 512, 64>}, {transform_indices = @transform_4, window_bounds = array<i64: 512, 128>}]} {
    %get3A = arith.constant 0 : index
    %get3A_0 = arith.constant 0 : index
    %get3A_1 = arith.constant 0 : index
    %get3A_2 = arith.constant 0 : index
    %get3A_3 = vector.load %arg2[%get3A, %get3A_0, %get3A_1, %get3A_2] : memref<2x1x512x64xf32, #tpu.memory_space<vmem>>, vector<1x1x512x64xf32>
    %get3A_4 = vector.shape_cast %get3A_3 : vector<1x1x512x64xf32> to vector<512x64xf32>
    %slice3A = vector.extract_strided_slice %get3A_4 {offsets = [0, 0], sizes = [512, 1], strides = [1, 1]} : vector<512x64xf32> to vector<512x1xf32>
    %get3A_5 = arith.constant 1 : index
    %get3A_6 = arith.constant 0 : index
    %get3A_7 = arith.constant 0 : index
    %get3A_8 = arith.constant 0 : index
    %get3A_9 = vector.load %arg2[%get3A_5, %get3A_6, %get3A_7, %get3A_8] : memref<2x1x512x64xf32, #tpu.memory_space<vmem>>, vector<1x1x512x64xf32>
    %get3A_10 = vector.shape_cast %get3A_9 : vector<1x1x512x64xf32> to vector<512x64xf32>
    %slice3A_11 = vector.extract_strided_slice %get3A_10 {offsets = [0, 0], sizes = [512, 1], strides = [1, 1]} : vector<512x64xf32> to vector<512x1xf32>
    %add3A = arith.addf %slice3A, %slice3A_11 : vector<512x1xf32>
    %add3A_12 = arith.constant 1.000000e+00 : f32
    %add3A_13 = vector.broadcast %add3A_12 : f32 to vector<512x1xf32>
    %add3A_14 = arith.addf %add3A, %add3A_13 : vector<512x1xf32>
    %rsqrt3A = math.rsqrt %add3A_14 : vector<512x1xf32>
    %mul3A = arith.constant 512 : i32
    %mul3A_15 = arith.muli %arg0, %mul3A : i32
    %iota3A = tpu.iota {dimensions = array<i32: 0>} : vector<512x1xi32>
    %add3A_16 = vector.broadcast %mul3A_15 : i32 to vector<512x1xi32>
    %add3A_17 = arith.addi %add3A_16, %iota3A : vector<512x1xi32>
    %lt3A = arith.constant 10000 : i32
    %lt3A_18 = vector.broadcast %lt3A : i32 to vector<512x1xi32>
    %lt3A_19 = arith.cmpi slt, %add3A_17, %lt3A_18 : vector<512x1xi32>
    %jit3A = arith.constant 0.000000e+00 : f32
    %broadcast_in_dim3A = vector.broadcast %jit3A : f32 to vector<512x1xf32>
    %select_n3A = arith.select %lt3A_19, %rsqrt3A, %broadcast_in_dim3A : vector<512x1xi1>, vector<512x1xf32>
    %broadcast_in_dim3A_20 = vector.shape_cast %select_n3A : vector<512x1xf32> to vector<512x1xf32>
    %broadcast_in_dim3A_21 = vector.broadcast %broadcast_in_dim3A_20 : vector<512x1xf32> to vector<512x128xf32>
    %swap3A = arith.constant 0 : index
    %swap3A_22 = arith.constant 0 : index
    %swap3A_23 = vector.load %arg5[%swap3A, %swap3A_22] : memref<512x128xf32, #tpu.memory_space<vmem>>, vector<512x128xf32>
    tpu.vector_store %arg5[%swap3A, %swap3A_22], %broadcast_in_dim3A_21 {strides = array<i32>} : memref<512x128xf32, #tpu.memory_space<vmem>>, vector<512x128xf32>,
    %get3A_24 = arith.constant 0 : index
    %get3A_25 = arith.constant 0 : index
    %get3A_26 = vector.load %arg1[%get3A_24, %get3A_25] : memref<512x128xf32, #tpu.memory_space<vmem>>, vector<512x128xf32>
    %get3A_27 = arith.constant 0 : index
    %get3A_28 = arith.constant 0 : index
    %get3A_29 = vector.load %arg3[%get3A_27, %get3A_28] : memref<128x128xf32, #tpu.memory_space<vmem>>, vector<128x128xf32>
    %dot_general3A = arith.constant dense<0.000000e+00> : vector<512x128xf32>
    %dot_general3A_30 = tpu.matmul %get3A_26, %get3A_29, %dot_general3A {dimension_numbers = #tpu.dot_dimension_numbers<[1], [0], [0], [1], [0, 0, 1, 1], [], []>, transpose_lhs_hint = false} : vector<512x128xf32>, vector<128x128xf32>, vector<512x128xf32> -> vector<512x128xf32>
    %mul3A_31 = arith.mulf %dot_general3A_30, %broadcast_in_dim3A_21 : vector<512x128xf32>
    %slice3A_32 = vector.extract_strided_slice %mul3A_31 {offsets = [0, 0], sizes = [512, 64], strides = [1, 1]} : vector<512x128xf32> to vector<512x64xf32>
    %swap3A_33 = arith.constant 0 : index
    %swap3A_34 = arith.constant 0 : index
    %swap3A_35 = arith.constant 0 : index
    %swap3A_36 = vector.load %arg4[%swap3A_33, %swap3A_34, %swap3A_35] : memref<2x512x64xf32, #tpu.memory_space<vmem>>, vector<1x512x64xf32>
    %swap3A_37 = vector.shape_cast %swap3A_36 : vector<1x512x64xf32> to vector<512x64xf32>
    %swap3A_38 = vector.shape_cast %slice3A_32 : vector<512x64xf32> to vector<1x512x64xf32>
    tpu.vector_store %arg4[%swap3A_33, %swap3A_34, %swap3A_35], %swap3A_38 {strides = array<i32>} : memref<2x512x64xf32, #tpu.memory_space<vmem>>, vector<1x512x64xf32>,
    %slice3A_39 = vector.extract_strided_slice %mul3A_31 {offsets = [0, 64], sizes = [512, 64], strides = [1, 1]} : vector<512x128xf32> to vector<512x64xf32>
    %swap3A_40 = arith.constant 1 : index
    %swap3A_41 = arith.constant 0 : index
    %swap3A_42 = arith.constant 0 : index
    %swap3A_43 = vector.load %arg4[%swap3A_40, %swap3A_41, %swap3A_42] : memref<2x512x64xf32, #tpu.memory_space<vmem>>, vector<1x512x64xf32>
    %swap3A_44 = vector.shape_cast %swap3A_43 : vector<1x512x64xf32> to vector<512x64xf32>
    %swap3A_45 = vector.shape_cast %slice3A_39 : vector<512x64xf32> to vector<1x512x64xf32>
    tpu.vector_store %arg4[%swap3A_40, %swap3A_41, %swap3A_42], %swap3A_45 {strides = array<i32>} : memref<2x512x64xf32, #tpu.memory_space<vmem>>, vector<1x512x64xf32>,
    return
  }
  func.func @transform_0(%arg0: i32) -> (i32, i32) {
    %c0_i32 = arith.constant 0 : i32
    %c0_i32_0 = arith.constant 0 : i32
    return %arg0, %c0_i32 : i32, i32
  }
  func.func @transform_1(%arg0: i32) -> (i32, i32, i32, i32) {
    %c0_i32 = arith.constant 0 : i32
    %c0_i32_0 = arith.constant 0 : i32
    %c0_i32_1 = arith.constant 0 : i32
    %c0_i32_2 = arith.constant 0 : i32
    return %c0_i32, %c0_i32_0, %arg0, %c0_i32_1 : i32, i32, i32, i32
  }
  func.func @transform_2(%arg0: i32) -> (i32, i32) {
    %c0_i32 = arith.constant 0 : i32
    %c0_i32_0 = arith.constant 0 : i32
    %c0_i32_1 = arith.constant 0 : i32
    return %c0_i32, %c0_i32_0 : i32, i32
  }
  func.func @transform_3(%arg0: i32) -> (i32, i32, i32) {
    %c0_i32 = arith.constant 0 : i32
    %c0_i32_0 = arith.constant 0 : i32
    %c0_i32_1 = arith.constant 0 : i32
    return %c0_i32, %arg0, %c0_i32_0 : i32, i32, i32
  }
  func.func @transform_4(%arg0: i32) -> (i32, i32) {
    %c0_i32 = arith.constant 0 : i32
    %c0_i32_0 = arith.constant 0 : i32
    return %arg0, %c0_i32 : i32, i32
  }
}

module attributes {stable_mosaic.version = 14 : i64} {
  func.func @_mid_body(%arg0: i32, %arg1: memref<2x2x512x64xf32, #tpu.memory_space<vmem>>, %arg2: memref<2x512x64xf32, #tpu.memory_space<vmem>>, %arg3: memref<512x128xf32, #tpu.memory_space<vmem>>, %arg4: memref<1x128xf32, #tpu.memory_space<vmem>>, %arg5: memref<128x128xf32, #tpu.memory_space<vmem>>, %arg6: memref<2x512x64xf32, #tpu.memory_space<vmem>>) attributes {dimension_semantics = [#tpu.dimension_semantics<arbitrary>], iteration_bounds = array<i64: 20>, scalar_prefetch = 0 : i64, scratch_operands = 0 : i64, tpu.core_type = #tpu.core_type<tc>, window_params = [{transform_indices = @transform_0, window_bounds = array<i64: 2, 2, 512, 64>}, {transform_indices = @transform_1, window_bounds = array<i64: 2, 512, 64>}, {transform_indices = @transform_2, window_bounds = array<i64: 512, 128>}, {pipeline_mode = #tpu.pipeline_mode<synchronous>, transform_indices = @transform_3, window_bounds = array<i64: 1, 128>}, {pipeline_mode = #tpu.pipeline_mode<synchronous>, transform_indices = @transform_4, window_bounds = array<i64: 128, 128>}, {transform_indices = @transform_5, window_bounds = array<i64: 2, 512, 64>}]} {
    %get3A = arith.constant 0 : index
    %get3A_0 = arith.constant 0 : index
    %get3A_1 = arith.constant 0 : index
    %get3A_2 = arith.constant 0 : index
    %get3A_3 = vector.load %arg1[%get3A, %get3A_0, %get3A_1, %get3A_2] : memref<2x2x512x64xf32, #tpu.memory_space<vmem>>, vector<1x1x512x64xf32>
    %get3A_4 = vector.shape_cast %get3A_3 : vector<1x1x512x64xf32> to vector<512x64xf32>
    %get3A_5 = arith.constant 1 : index
    %get3A_6 = arith.constant 0 : index
    %get3A_7 = arith.constant 0 : index
    %get3A_8 = arith.constant 0 : index
    %get3A_9 = vector.load %arg1[%get3A_5, %get3A_6, %get3A_7, %get3A_8] : memref<2x2x512x64xf32, #tpu.memory_space<vmem>>, vector<1x1x512x64xf32>
    %get3A_10 = vector.shape_cast %get3A_9 : vector<1x1x512x64xf32> to vector<512x64xf32>
    %add3A = arith.addf %get3A_4, %get3A_10 : vector<512x64xf32>
    %get3A_11 = arith.constant 0 : index
    %get3A_12 = arith.constant 0 : index
    %get3A_13 = arith.constant 0 : index
    %get3A_14 = vector.load %arg2[%get3A_11, %get3A_12, %get3A_13] : memref<2x512x64xf32, #tpu.memory_space<vmem>>, vector<1x512x64xf32>
    %get3A_15 = vector.shape_cast %get3A_14 : vector<1x512x64xf32> to vector<512x64xf32>
    %add3A_16 = arith.addf %add3A, %get3A_15 : vector<512x64xf32>
    %get3A_17 = arith.constant 0 : index
    %get3A_18 = arith.constant 1 : index
    %get3A_19 = arith.constant 0 : index
    %get3A_20 = arith.constant 0 : index
    %get3A_21 = vector.load %arg1[%get3A_17, %get3A_18, %get3A_19, %get3A_20] : memref<2x2x512x64xf32, #tpu.memory_space<vmem>>, vector<1x1x512x64xf32>
    %get3A_22 = vector.shape_cast %get3A_21 : vector<1x1x512x64xf32> to vector<512x64xf32>
    %get3A_23 = arith.constant 1 : index
    %get3A_24 = arith.constant 1 : index
    %get3A_25 = arith.constant 0 : index
    %get3A_26 = arith.constant 0 : index
    %get3A_27 = vector.load %arg1[%get3A_23, %get3A_24, %get3A_25, %get3A_26] : memref<2x2x512x64xf32, #tpu.memory_space<vmem>>, vector<1x1x512x64xf32>
    %get3A_28 = vector.shape_cast %get3A_27 : vector<1x1x512x64xf32> to vector<512x64xf32>
    %add3A_29 = arith.addf %get3A_22, %get3A_28 : vector<512x64xf32>
    %get3A_30 = arith.constant 1 : index
    %get3A_31 = arith.constant 0 : index
    %get3A_32 = arith.constant 0 : index
    %get3A_33 = vector.load %arg2[%get3A_30, %get3A_31, %get3A_32] : memref<2x512x64xf32, #tpu.memory_space<vmem>>, vector<1x512x64xf32>
    %get3A_34 = vector.shape_cast %get3A_33 : vector<1x512x64xf32> to vector<512x64xf32>
    %add3A_35 = arith.addf %add3A_29, %get3A_34 : vector<512x64xf32>
    %concatenate3A = tpu.concatenate %add3A_16, %add3A_35 in 1 : vector<512x64xf32>, vector<512x64xf32> -> vector<512x128xf32>
    %get3A_36 = arith.constant 0 : index
    %get3A_37 = arith.constant 0 : index
    %get3A_38 = vector.load %arg3[%get3A_36, %get3A_37] : memref<512x128xf32, #tpu.memory_space<vmem>>, vector<512x128xf32>
    %mul3A = arith.mulf %concatenate3A, %get3A_38 : vector<512x128xf32>
    %get3A_39 = arith.constant 0 : index
    %get3A_40 = arith.constant 0 : index
    %get3A_41 = vector.load %arg4[%get3A_39, %get3A_40] : memref<1x128xf32, #tpu.memory_space<vmem>>, vector<1x128xf32>
    %add3A_42 = vector.broadcast %get3A_41 : vector<1x128xf32> to vector<512x128xf32>
    %add3A_43 = arith.addf %mul3A, %add3A_42 : vector<512x128xf32>
    %max3A = arith.constant 0.000000e+00 : f32
    %max3A_44 = vector.broadcast %max3A : f32 to vector<512x128xf32>
    %max3A_45 = arith.maximumf %add3A_43, %max3A_44 : vector<512x128xf32>
    %get3A_46 = arith.constant 0 : index
    %get3A_47 = arith.constant 0 : index
    %get3A_48 = vector.load %arg5[%get3A_46, %get3A_47] : memref<128x128xf32, #tpu.memory_space<vmem>>, vector<128x128xf32>
    %dot_general3A = arith.constant dense<0.000000e+00> : vector<512x128xf32>
    %dot_general3A_49 = tpu.matmul %max3A_45, %get3A_48, %dot_general3A {dimension_numbers = #tpu.dot_dimension_numbers<[1], [0], [0], [1], [0, 0, 1, 1], [], []>, transpose_lhs_hint = false} : vector<512x128xf32>, vector<128x128xf32>, vector<512x128xf32> -> vector<512x128xf32>
    %get3A_50 = arith.constant 0 : index
    %get3A_51 = arith.constant 0 : index
    %get3A_52 = vector.load %arg3[%get3A_50, %get3A_51] : memref<512x128xf32, #tpu.memory_space<vmem>>, vector<512x128xf32>
    %mul3A_53 = arith.mulf %dot_general3A_49, %get3A_52 : vector<512x128xf32>
    %slice3A = vector.extract_strided_slice %mul3A_53 {offsets = [0, 0], sizes = [512, 64], strides = [1, 1]} : vector<512x128xf32> to vector<512x64xf32>
    %swap3A = arith.constant 0 : index
    %swap3A_54 = arith.constant 0 : index
    %swap3A_55 = arith.constant 0 : index
    %swap3A_56 = vector.load %arg6[%swap3A, %swap3A_54, %swap3A_55] : memref<2x512x64xf32, #tpu.memory_space<vmem>>, vector<1x512x64xf32>
    %swap3A_57 = vector.shape_cast %swap3A_56 : vector<1x512x64xf32> to vector<512x64xf32>
    %swap3A_58 = vector.shape_cast %slice3A : vector<512x64xf32> to vector<1x512x64xf32>
    tpu.vector_store %arg6[%swap3A, %swap3A_54, %swap3A_55], %swap3A_58 {strides = array<i32>} : memref<2x512x64xf32, #tpu.memory_space<vmem>>, vector<1x512x64xf32>,
    %slice3A_59 = vector.extract_strided_slice %mul3A_53 {offsets = [0, 64], sizes = [512, 64], strides = [1, 1]} : vector<512x128xf32> to vector<512x64xf32>
    %swap3A_60 = arith.constant 1 : index
    %swap3A_61 = arith.constant 0 : index
    %swap3A_62 = arith.constant 0 : index
    %swap3A_63 = vector.load %arg6[%swap3A_60, %swap3A_61, %swap3A_62] : memref<2x512x64xf32, #tpu.memory_space<vmem>>, vector<1x512x64xf32>
    %swap3A_64 = vector.shape_cast %swap3A_63 : vector<1x512x64xf32> to vector<512x64xf32>
    %swap3A_65 = vector.shape_cast %slice3A_59 : vector<512x64xf32> to vector<1x512x64xf32>
    tpu.vector_store %arg6[%swap3A_60, %swap3A_61, %swap3A_62], %swap3A_65 {strides = array<i32>} : memref<2x512x64xf32, #tpu.memory_space<vmem>>, vector<1x512x64xf32>,
    return
  }
  func.func @transform_0(%arg0: i32) -> (i32, i32, i32, i32) {
    %c0_i32 = arith.constant 0 : i32
    %c0_i32_0 = arith.constant 0 : i32
    %c0_i32_1 = arith.constant 0 : i32
    %c0_i32_2 = arith.constant 0 : i32
    return %c0_i32, %c0_i32_0, %arg0, %c0_i32_1 : i32, i32, i32, i32
  }
  func.func @transform_1(%arg0: i32) -> (i32, i32, i32) {
    %c0_i32 = arith.constant 0 : i32
    %c0_i32_0 = arith.constant 0 : i32
    %c0_i32_1 = arith.constant 0 : i32
    return %c0_i32, %arg0, %c0_i32_0 : i32, i32, i32
  }
  func.func @transform_2(%arg0: i32) -> (i32, i32) {
    %c0_i32 = arith.constant 0 : i32
    %c0_i32_0 = arith.constant 0 : i32
    return %arg0, %c0_i32 : i32, i32
  }
  func.func @transform_3(%arg0: i32) -> (i32, i32) {
    %c0_i32 = arith.constant 0 : i32
    %c0_i32_0 = arith.constant 0 : i32
    %c0_i32_1 = arith.constant 0 : i32
    return %c0_i32, %c0_i32_0 : i32, i32
  }
  func.func @transform_4(%arg0: i32) -> (i32, i32) {
    %c0_i32 = arith.constant 0 : i32
    %c0_i32_0 = arith.constant 0 : i32
    %c0_i32_1 = arith.constant 0 : i32
    return %c0_i32, %c0_i32_0 : i32, i32
  }
  func.func @transform_5(%arg0: i32) -> (i32, i32, i32) {
    %c0_i32 = arith.constant 0 : i32
    %c0_i32_0 = arith.constant 0 : i32
    %c0_i32_1 = arith.constant 0 : i32
    return %c0_i32, %arg0, %c0_i32_0 : i32, i32, i32
  }
}

module attributes {stable_mosaic.version = 14 : i64} {
  func.func @_fin_body(%arg0: i32, %arg1: memref<2x2x512x64xf32, #tpu.memory_space<vmem>>, %arg2: memref<2x512x64xf32, #tpu.memory_space<vmem>>, %arg3: memref<512x128xf32, #tpu.memory_space<vmem>>, %arg4: memref<1x128xf32, #tpu.memory_space<vmem>>, %arg5: memref<128x128xf32, #tpu.memory_space<vmem>>, %arg6: memref<1x128xf32, #tpu.memory_space<vmem>>, %arg7: memref<128x64xf32, #tpu.memory_space<vmem>>, %arg8: memref<1x64xf32, #tpu.memory_space<vmem>>, %arg9: memref<1x64xf32, #tpu.memory_space<vmem>>, %arg10: memref<8x128xf32, #tpu.memory_space<vmem>>) attributes {dimension_semantics = [#tpu.dimension_semantics<arbitrary>], iteration_bounds = array<i64: 20>, scalar_prefetch = 0 : i64, scratch_operands = 1 : i64, tpu.core_type = #tpu.core_type<tc>, window_params = [{transform_indices = @transform_0, window_bounds = array<i64: 2, 2, 512, 64>}, {transform_indices = @transform_1, window_bounds = array<i64: 2, 512, 64>}, {transform_indices = @transform_2, window_bounds = array<i64: 512, 128>}, {pipeline_mode = #tpu.pipeline_mode<synchronous>, transform_indices = @transform_3, window_bounds = array<i64: 1, 128>}, {pipeline_mode = #tpu.pipeline_mode<synchronous>, transform_indices = @transform_4, window_bounds = array<i64: 128, 128>}, {pipeline_mode = #tpu.pipeline_mode<synchronous>, transform_indices = @transform_5, window_bounds = array<i64: 1, 128>}, {pipeline_mode = #tpu.pipeline_mode<synchronous>, transform_indices = @transform_6, window_bounds = array<i64: 128, 64>}, {pipeline_mode = #tpu.pipeline_mode<synchronous>, transform_indices = @transform_7, window_bounds = array<i64: 1, 64>}, {pipeline_mode = #tpu.pipeline_mode<synchronous>, transform_indices = @transform_8, window_bounds = array<i64: 1, 64>}]} {
    %eq3A = arith.constant 0 : i32
    %eq3A_0 = arith.cmpi eq, %arg0, %eq3A : i32
    %convert_element_type3A = arith.extui %eq3A_0 : i1 to i32
    %cond3A = arith.constant 0 : i32
    %cond3A_1 = arith.cmpi ne, %convert_element_type3A, %cond3A : i32
    scf.if %cond3A_1 {
      %broadcast_in_dim3A_69 = arith.constant 0.000000e+00 : f32
      %broadcast_in_dim3A_70 = vector.broadcast %broadcast_in_dim3A_69 : f32 to vector<8x128xf32>
      %swap3A_71 = arith.constant 0 : index
      %swap3A_72 = arith.constant 0 : index
      %swap3A_73 = vector.load %arg10[%swap3A_71, %swap3A_72] : memref<8x128xf32, #tpu.memory_space<vmem>>, vector<8x128xf32>
      tpu.vector_store %arg10[%swap3A_71, %swap3A_72], %broadcast_in_dim3A_70 {strides = array<i32>} : memref<8x128xf32, #tpu.memory_space<vmem>>, vector<8x128xf32>,
    } else {
    }
    %get3A = arith.constant 0 : index
    %get3A_2 = arith.constant 0 : index
    %get3A_3 = arith.constant 0 : index
    %get3A_4 = arith.constant 0 : index
    %get3A_5 = vector.load %arg1[%get3A, %get3A_2, %get3A_3, %get3A_4] : memref<2x2x512x64xf32, #tpu.memory_space<vmem>>, vector<1x1x512x64xf32>
    %get3A_6 = vector.shape_cast %get3A_5 : vector<1x1x512x64xf32> to vector<512x64xf32>
    %get3A_7 = arith.constant 1 : index
    %get3A_8 = arith.constant 0 : index
    %get3A_9 = arith.constant 0 : index
    %get3A_10 = arith.constant 0 : index
    %get3A_11 = vector.load %arg1[%get3A_7, %get3A_8, %get3A_9, %get3A_10] : memref<2x2x512x64xf32, #tpu.memory_space<vmem>>, vector<1x1x512x64xf32>
    %get3A_12 = vector.shape_cast %get3A_11 : vector<1x1x512x64xf32> to vector<512x64xf32>
    %add3A = arith.addf %get3A_6, %get3A_12 : vector<512x64xf32>
    %get3A_13 = arith.constant 0 : index
    %get3A_14 = arith.constant 0 : index
    %get3A_15 = arith.constant 0 : index
    %get3A_16 = vector.load %arg2[%get3A_13, %get3A_14, %get3A_15] : memref<2x512x64xf32, #tpu.memory_space<vmem>>, vector<1x512x64xf32>
    %get3A_17 = vector.shape_cast %get3A_16 : vector<1x512x64xf32> to vector<512x64xf32>
    %add3A_18 = arith.addf %add3A, %get3A_17 : vector<512x64xf32>
    %get3A_19 = arith.constant 0 : index
    %get3A_20 = arith.constant 1 : index
    %get3A_21 = arith.constant 0 : index
    %get3A_22 = arith.constant 0 : index
    %get3A_23 = vector.load %arg1[%get3A_19, %get3A_20, %get3A_21, %get3A_22] : memref<2x2x512x64xf32, #tpu.memory_space<vmem>>, vector<1x1x512x64xf32>
    %get3A_24 = vector.shape_cast %get3A_23 : vector<1x1x512x64xf32> to vector<512x64xf32>
    %get3A_25 = arith.constant 1 : index
    %get3A_26 = arith.constant 1 : index
    %get3A_27 = arith.constant 0 : index
    %get3A_28 = arith.constant 0 : index
    %get3A_29 = vector.load %arg1[%get3A_25, %get3A_26, %get3A_27, %get3A_28] : memref<2x2x512x64xf32, #tpu.memory_space<vmem>>, vector<1x1x512x64xf32>
    %get3A_30 = vector.shape_cast %get3A_29 : vector<1x1x512x64xf32> to vector<512x64xf32>
    %add3A_31 = arith.addf %get3A_24, %get3A_30 : vector<512x64xf32>
    %get3A_32 = arith.constant 1 : index
    %get3A_33 = arith.constant 0 : index
    %get3A_34 = arith.constant 0 : index
    %get3A_35 = vector.load %arg2[%get3A_32, %get3A_33, %get3A_34] : memref<2x512x64xf32, #tpu.memory_space<vmem>>, vector<1x512x64xf32>
    %get3A_36 = vector.shape_cast %get3A_35 : vector<1x512x64xf32> to vector<512x64xf32>
    %add3A_37 = arith.addf %add3A_31, %get3A_36 : vector<512x64xf32>
    %concatenate3A = tpu.concatenate %add3A_18, %add3A_37 in 1 : vector<512x64xf32>, vector<512x64xf32> -> vector<512x128xf32>
    %get3A_38 = arith.constant 0 : index
    %get3A_39 = arith.constant 0 : index
    %get3A_40 = vector.load %arg3[%get3A_38, %get3A_39] : memref<512x128xf32, #tpu.memory_space<vmem>>, vector<512x128xf32>
    %mul3A = arith.mulf %concatenate3A, %get3A_40 : vector<512x128xf32>
    %get3A_41 = arith.constant 0 : index
    %get3A_42 = arith.constant 0 : index
    %get3A_43 = vector.load %arg4[%get3A_41, %get3A_42] : memref<1x128xf32, #tpu.memory_space<vmem>>, vector<1x128xf32>
    %add3A_44 = vector.broadcast %get3A_43 : vector<1x128xf32> to vector<512x128xf32>
    %add3A_45 = arith.addf %mul3A, %add3A_44 : vector<512x128xf32>
    %max3A = arith.constant 0.000000e+00 : f32
    %max3A_46 = vector.broadcast %max3A : f32 to vector<512x128xf32>
    %max3A_47 = arith.maximumf %add3A_45, %max3A_46 : vector<512x128xf32>
    %mul3A_48 = arith.constant 512 : i32
    %mul3A_49 = arith.muli %arg0, %mul3A_48 : i32
    %iota3A = tpu.iota {dimensions = array<i32: 0>} : vector<512x1xi32>
    %add3A_50 = vector.broadcast %mul3A_49 : i32 to vector<512x1xi32>
    %add3A_51 = arith.addi %add3A_50, %iota3A : vector<512x1xi32>
    %lt3A = arith.constant 10000 : i32
    %lt3A_52 = vector.broadcast %lt3A : i32 to vector<512x1xi32>
    %lt3A_53 = arith.cmpi slt, %add3A_51, %lt3A_52 : vector<512x1xi32>
    %jit3A = arith.constant 0.000000e+00 : f32
    %broadcast_in_dim3A = vector.shape_cast %lt3A_53 : vector<512x1xi1> to vector<512x1xi1>
    %broadcast_in_dim3A_54 = vector.broadcast %broadcast_in_dim3A : vector<512x1xi1> to vector<512x128xi1>
    %broadcast_in_dim3A_55 = vector.broadcast %jit3A : f32 to vector<512x128xf32>
    %select_n3A = arith.select %broadcast_in_dim3A_54, %max3A_47, %broadcast_in_dim3A_55 : vector<512x128xi1>, vector<512x128xf32>
    %get3A_56 = arith.constant 0 : index
    %get3A_57 = arith.constant 0 : index
    %get3A_58 = vector.load %arg10[%get3A_56, %get3A_57] : memref<8x128xf32, #tpu.memory_space<vmem>>, vector<1x128xf32>
    %reduce_sum3A = arith.constant dense<0.000000e+00> : vector<128xf32>
    %reduce_sum3A_59 = vector.multi_reduction <add>, %select_n3A, %reduce_sum3A [0] : vector<512x128xf32> to vector<128xf32>
    %broadcast_in_dim3A_60 = vector.shape_cast %reduce_sum3A_59 : vector<128xf32> to vector<1x128xf32>
    %add3A_61 = arith.addf %get3A_58, %broadcast_in_dim3A_60 : vector<1x128xf32>
    %swap3A = arith.constant 0 : index
    %swap3A_62 = arith.constant 0 : index
    %swap3A_63 = vector.load %arg10[%swap3A, %swap3A_62] : memref<8x128xf32, #tpu.memory_space<vmem>>, vector<1x128xf32>
    tpu.vector_store %arg10[%swap3A, %swap3A_62], %add3A_61 {strides = array<i32>} : memref<8x128xf32, #tpu.memory_space<vmem>>, vector<1x128xf32>,
    %eq3A_64 = arith.constant 19 : i32
    %eq3A_65 = arith.cmpi eq, %arg0, %eq3A_64 : i32
    %convert_element_type3A_66 = arith.extui %eq3A_65 : i1 to i32
    %cond3A_67 = arith.constant 0 : i32
    %cond3A_68 = arith.cmpi ne, %convert_element_type3A_66, %cond3A_67 : i32
    scf.if %cond3A_68 {
      %get3A_69 = arith.constant 0 : index
      %get3A_70 = arith.constant 0 : index
      %get3A_71 = vector.load %arg10[%get3A_69, %get3A_70] : memref<8x128xf32, #tpu.memory_space<vmem>>, vector<1x128xf32>
      %mul3A_72 = arith.constant 9.99999974E-5 : f32
      %mul3A_73 = vector.broadcast %mul3A_72 : f32 to vector<1x128xf32>
      %mul3A_74 = arith.mulf %get3A_71, %mul3A_73 : vector<1x128xf32>
      %get3A_75 = arith.constant 0 : index
      %get3A_76 = arith.constant 0 : index
      %get3A_77 = vector.load %arg5[%get3A_75, %get3A_76] : memref<128x128xf32, #tpu.memory_space<vmem>>, vector<128x128xf32>
      %dot_general3A = arith.constant dense<0.000000e+00> : vector<1x128xf32>
      %dot_general3A_78 = tpu.matmul %mul3A_74, %get3A_77, %dot_general3A {dimension_numbers = #tpu.dot_dimension_numbers<[1], [0], [0], [1], [0, 0, 1, 1], [], []>, transpose_lhs_hint = false} : vector<1x128xf32>, vector<128x128xf32>, vector<1x128xf32> -> vector<1x128xf32>
      %get3A_79 = arith.constant 0 : index
      %get3A_80 = arith.constant 0 : index
      %get3A_81 = vector.load %arg6[%get3A_79, %get3A_80] : memref<1x128xf32, #tpu.memory_space<vmem>>, vector<1x128xf32>
      %add3A_82 = arith.addf %dot_general3A_78, %get3A_81 : vector<1x128xf32>
      %max3A_83 = arith.constant 0.000000e+00 : f32
      %max3A_84 = vector.broadcast %max3A_83 : f32 to vector<1x128xf32>
      %max3A_85 = arith.maximumf %add3A_82, %max3A_84 : vector<1x128xf32>
      %get3A_86 = arith.constant 0 : index
      %get3A_87 = arith.constant 0 : index
      %get3A_88 = vector.load %arg7[%get3A_86, %get3A_87] : memref<128x64xf32, #tpu.memory_space<vmem>>, vector<128x64xf32>
      %dot_general3A_89 = arith.constant dense<0.000000e+00> : vector<1x64xf32>
      %dot_general3A_90 = tpu.matmul %max3A_85, %get3A_88, %dot_general3A_89 {dimension_numbers = #tpu.dot_dimension_numbers<[1], [0], [0], [1], [0, 0, 1, 1], [], []>, transpose_lhs_hint = false} : vector<1x128xf32>, vector<128x64xf32>, vector<1x64xf32> -> vector<1x64xf32>
      %get3A_91 = arith.constant 0 : index
      %get3A_92 = arith.constant 0 : index
      %get3A_93 = vector.load %arg8[%get3A_91, %get3A_92] : memref<1x64xf32, #tpu.memory_space<vmem>>, vector<1x64xf32>
      %add3A_94 = arith.addf %dot_general3A_90, %get3A_93 : vector<1x64xf32>
      %swap3A_95 = arith.constant 0 : index
      %swap3A_96 = arith.constant 0 : index
      %swap3A_97 = vector.load %arg9[%swap3A_95, %swap3A_96] : memref<1x64xf32, #tpu.memory_space<vmem>>, vector<1x64xf32>
      tpu.vector_store %arg9[%swap3A_95, %swap3A_96], %add3A_94 {strides = array<i32>} : memref<1x64xf32, #tpu.memory_space<vmem>>, vector<1x64xf32>,
    } else {
    }
    return
  }
  func.func @transform_0(%arg0: i32) -> (i32, i32, i32, i32) {
    %c0_i32 = arith.constant 0 : i32
    %c0_i32_0 = arith.constant 0 : i32
    %c0_i32_1 = arith.constant 0 : i32
    %c0_i32_2 = arith.constant 0 : i32
    return %c0_i32, %c0_i32_0, %arg0, %c0_i32_1 : i32, i32, i32, i32
  }
  func.func @transform_1(%arg0: i32) -> (i32, i32, i32) {
    %c0_i32 = arith.constant 0 : i32
    %c0_i32_0 = arith.constant 0 : i32
    %c0_i32_1 = arith.constant 0 : i32
    return %c0_i32, %arg0, %c0_i32_0 : i32, i32, i32
  }
  func.func @transform_2(%arg0: i32) -> (i32, i32) {
    %c0_i32 = arith.constant 0 : i32
    %c0_i32_0 = arith.constant 0 : i32
    return %arg0, %c0_i32 : i32, i32
  }
  func.func @transform_3(%arg0: i32) -> (i32, i32) {
    %c0_i32 = arith.constant 0 : i32
    %c0_i32_0 = arith.constant 0 : i32
    %c0_i32_1 = arith.constant 0 : i32
    return %c0_i32, %c0_i32_0 : i32, i32
  }
  func.func @transform_4(%arg0: i32) -> (i32, i32) {
    %c0_i32 = arith.constant 0 : i32
    %c0_i32_0 = arith.constant 0 : i32
    %c0_i32_1 = arith.constant 0 : i32
    return %c0_i32, %c0_i32_0 : i32, i32
  }
  func.func @transform_5(%arg0: i32) -> (i32, i32) {
    %c0_i32 = arith.constant 0 : i32
    %c0_i32_0 = arith.constant 0 : i32
    %c0_i32_1 = arith.constant 0 : i32
    return %c0_i32, %c0_i32_0 : i32, i32
  }
  func.func @transform_6(%arg0: i32) -> (i32, i32) {
    %c0_i32 = arith.constant 0 : i32
    %c0_i32_0 = arith.constant 0 : i32
    %c0_i32_1 = arith.constant 0 : i32
    return %c0_i32, %c0_i32_0 : i32, i32
  }
  func.func @transform_7(%arg0: i32) -> (i32, i32) {
    %c0_i32 = arith.constant 0 : i32
    %c0_i32_0 = arith.constant 0 : i32
    %c0_i32_1 = arith.constant 0 : i32
    return %c0_i32, %c0_i32_0 : i32, i32
  }
  func.func @transform_8(%arg0: i32) -> (i32, i32) {
    %c0_i32 = arith.constant 0 : i32
    %c0_i32_0 = arith.constant 0 : i32
    %c0_i32_1 = arith.constant 0 : i32
    return %c0_i32, %c0_i32_0 : i32, i32
  }
}

</mosaic_0001>

<sc_bundles>
// kernel: kernel.11.cloned.1.call-start
scs
__scs_entry_jumppad:
0x0: {  	(pc) =	sbr.rel $0x88, $3  }
0x1: {  	(tag) =	ssettag $0x0;
	lr =	simm.s32 $0x1  }
0x2: {  	[smem:$0x3F93] =	sst lr;
	_ =	strace $0xD0000000  }
0x3: {  	_ = 	snop  }
0x4: {  	_ = 	snop  }
0x5: {  	_ = 	snop  }
0x6: {  	_ = 	snop  }
0x7: {  	_ = 	snop  }
__scs_overlays_trampoline_lowered:
0x8: {  	[smem:$0x3FA2] =	sst s0  }
0x9: {  	[smem:$0x3FA3] =	sst s1  }
0xa: {  	[smem:$0x3FA4] =	sst s2  }
0xb: {  	[smem:$0x3FA5] =	sst s3  }
0xc: {  	[smem:$0x3FA6] =	sst s4  }
0xd: {  	[smem:$0x3FA7] =	sst s5  }
0xe: {  	[smem:$0x3FA8] =	sst s6  }
0xf: {  	[smem:$0x3FA9] =	sst s7  }
0x10: {  	[smem:$0x3FAA] =	sst s8  }
0x11: {  	[smem:$0x3FAB] =	sst s9;
	s0 =	simm.s32 @!p0 $0x0  }
0x12: {  	s1 =	sld [smem:$0x3F91];
	s0 =	simm.s32 @p0 $0x1  }
0x13: {  	[smem:$0x3FAC] =	sst s0;
	s0 =	simm.s32 @!p1 $0x0  }
0x14: {  	s2 =	sld [smem:$0x3F90];
	s0 =	simm.s32 @p1 $0x1  }
0x15: {  	[smem:$0x3FAD] =	sst s0;
	s0 =	simm.s32 @!p2 $0x0  }
0x16: {  	s3 =	sld [smem:$0x3FDB];
	s0 =	simm.s32 @p2 $0x1  }
0x17: {  	s4 =	simm.s32 $0x1BF5;
	[smem:$0x3FAF] =	sst s0  }
0x18: {  	s0 =	sld [smem:$0x3F92];
	_ =	swait.ge [sflag:s4], $0x0  }
0x19: {  	s7 =	sld [smem:$0x3F93]  }
0x1a: {  	s8 =	sadd.s32 $0xFFFFE003, lr  }
0x1b: {  	s9 =	sadd.s32 $0xFFFFFEF7, lr;
	s5 =	simm.s32 $0xFFFFFFFF;
	p2 =	slt.u32 s8, $0xFFFFF086  }
0x1c: {  	p1 =	slt.u32 s9, $0xF7A;
	s5 =	simm.s32 @!p2 $0x0  }
0x1d: {  	s5 =	simm.s32 @p1 $0x1;
	p0 =	seq.s32 s7, s2  }
0x1e: {  	s7 =	smul.u32 @!p0 $0xF7A, s2;
	p2 =	seq.s32 @!p0 s5, $0x0  }
0x1f: {  	s9 =	smul.u32 $0xF7A, s1;
	s8 =	simm.s32 @!p0 $0x1BF5;
	p2 =	por !p2, p0  }
0x20: {  	[sflag:s8] =	ssyncset.s32 @!p0 $0xFFFFF086;
	s6 =	sadd.s32 @!p0 s3, s7;
	s7 =	simm.s32 @!p0 $0x108  }
0x21: {  	s3 =	sadd.s32 s3, s9;
	s6 =	sadd.s32 @!p0 $0x88, s6;
	s7 =	simm.s32 @p2 $0x1082  }
0x22: {  	[simem:s7], [sflag:s8] =	dma.local @!p0 [hbm:s6], $0xF7A  }
0x23: {  	s9 =	sor.u32 $0xD0000000, s2;
	s6 =	simm.s32 $0x108;
	_ =	swait.ge @!p0 [sflag:s8], $0x0  }
0x24: {  	s3 =	sadd.s32 $0x88, s3;
	s6 =	simm.s32 @!p1 $0x1082;
	[sflag:s4] =	ssyncset.s32 $0xFFFFF086  }
0x25: {  	[simem:s6], [sflag:s4] =	dma.local [hbm:s3], $0xF7A  }
0x26: {  	[smem:$0x3F93] =	sst s1;
	(tag) =	ssettag s2;
	_ =	strace s9  }
0x27: {  	s1 =	sld [smem:$0x3FA3]  }
0x28: {  	s2 =	sld [smem:$0x3FA4]  }
0x29: {  	s4 =	sld [smem:$0x3FA6]  }
0x2a: {  	p0 =	seq.s32 s5, $0x0;
	s5 =	sld [smem:$0x3FA7]  }
0x2b: {  	s6 =	sld [smem:$0x3FA8]  }
0x2c: {  	s7 =	sld [smem:$0x3FA9]  }
0x2d: {  	s3 =	simm.s32 $0x108;
	s8 =	sld [smem:$0x3FAA]  }
0x2e: {  	s3 =	simm.s32 @!p0 $0x1082;
	s9 =	sld [smem:$0x3FAB]  }
0x2f: {  	lr =	sadd.s32 s0, s3;
	s0 =	sld [smem:$0x3FA2]  }
0x30: {  	s3 =	sld [smem:$0x3FA5]  }
0x31: {  	[smem:$0x3FAE] =	sst s10  }
0x32: {  	s10 =	sld [smem:$0x3FAC];
	_ =	sdelay $0x3  }
0x33: {  	p0 =	seq.s32 s10, $0x1;
	s10 =	sld [smem:$0x3FAE];
	_ =	sdelay $0x3  }
0x34: {  	[smem:$0x3FAE] =	sst s10  }
0x35: {  	s10 =	sld [smem:$0x3FAD];
	_ =	sdelay $0x3  }
0x36: {  	p1 =	seq.s32 s10, $0x1;
	s10 =	sld [smem:$0x3FAE];
	_ =	sdelay $0x3  }
0x37: {  	[smem:$0x3FAE] =	sst s10  }
0x38: {  	s10 =	sld [smem:$0x3FAF]  }
0x39: {  	_ = 	snop;
	(pc) =	sbr.ind lr, $3  }
0x3a: {  	_ = 	snop  }
0x3b: {  	_ = 	snop  }
0x3c: {  	p2 =	seq.s32 s10, $0x1;
	s10 =	sld [smem:$0x3FAE]  }
0x3d: {  	_ =	shalt  }
0x3e: {  	_ =	shalt  }
0x3f: {  	_ =	shalt  }
0x40: {  	_ =	shalt  }
0x41: {  	_ =	shalt  }
0x42: {  	_ =	shalt  }
0x43: {  	_ =	shalt  }
0x44: {  	_ =	shalt  }
0x45: {  	_ =	shalt  }
0x46: {  	_ =	shalt  }
0x47: {  	_ =	shalt  }
0x48: {  	_ =	shalt  }
0x49: {  	_ =	shalt  }
0x4a: {  	_ =	shalt  }
0x4b: {  	_ =	shalt  }
0x4c: {  	_ =	shalt  }
0x4d: {  	_ =	shalt  }
0x4e: {  	_ =	shalt  }
0x4f: {  	_ =	shalt  }
0x50: {  	_ =	shalt  }
0x51: {  	_ =	shalt  }
0x52: {  	_ =	shalt  }
0x53: {  	_ =	shalt  }
0x54: {  	_ =	shalt  }
0x55: {  	_ =	shalt  }
0x56: {  	_ =	shalt  }
0x57: {  	_ =	shalt  }
0x58: {  	_ =	shalt  }
0x59: {  	_ =	shalt  }
0x5a: {  	_ =	shalt  }
0x5b: {  	_ =	shalt  }
0x5c: {  	_ =	shalt  }
0x5d: {  	_ =	shalt  }
0x5e: {  	_ =	shalt  }
0x5f: {  	_ =	shalt  }
0x60: {  	_ =	shalt  }
0x61: {  	_ =	shalt  }
0x62: {  	_ =	shalt  }
0x63: {  	_ =	shalt  }
0x64: {  	_ =	shalt  }
0x65: {  	_ =	shalt  }
0x66: {  	_ =	shalt  }
0x67: {  	_ =	shalt  }
0x68: {  	_ =	shalt  }
0x69: {  	_ =	shalt  }
0x6a: {  	_ =	shalt  }
0x6b: {  	_ =	shalt  }
0x6c: {  	_ =	shalt  }
0x6d: {  	_ =	shalt  }
0x6e: {  	_ =	shalt  }
0x6f: {  	_ =	shalt  }
0x70: {  	_ =	shalt  }
0x71: {  	_ =	shalt  }
0x72: {  	_ =	shalt  }
0x73: {  	_ =	shalt  }
0x74: {  	_ =	shalt  }
0x75: {  	_ =	shalt  }
0x76: {  	_ =	shalt  }
0x77: {  	_ =	shalt  }
0x78: {  	_ =	shalt  }
0x79: {  	_ =	shalt  }
0x7a: {  	_ =	shalt  }
0x7b: {  	_ =	shalt  }
0x7c: {  	_ =	shalt  }
0x7d: {  	_ =	shalt  }
0x7e: {  	_ =	shalt  }
0x7f: {  	_ =	shalt  }
0x80: {  	_ =	shalt  }
0x81: {  	_ =	shalt  }
0x82: {  	_ =	shalt  }
0x83: {  	_ =	shalt  }
0x84: {  	_ =	shalt  }
0x85: {  	_ =	shalt  }
0x86: {  	_ =	shalt  }
0x87: {  	_ =	shalt  }
.Lfunc_end0:
.L_simem_size_0:
called_computation_lowered:
.L_overlay_start_0:
0x88: {  	s2 =	sld [smem:$0x3FD9]  }
0x89: {  	s3 =	sld [smem:$0x3FFE];
	_ =	sdelay $0x1  }
0x8a: {  	s1 =	srdreg.scid  }
0x8b: {  	s0 =	sand.u32 $0x1, s1  }
0x8c: {  	s16 =	sshll.u32 s0, $0xA;
	s2 =	sadd.s32 s3, s2  }
0x8d: {  	s2 =	sadd.s32 s2, s16  }
0x8e: {  	[smem:$0x3FBA] =	sst s2  }
0x8f: {  	_ = 	snop  }
0x90: {  	(tm) =	ssettm $0x1  }
0x91: {  	s17 =	sld [smem:$0x3FFB];
	_ =	sdelay $0x3  }
0x92: {  	_ =	strace s17  }
0x93: {  	s2 =	sld [smem:$0x3FFC];
	_ =	sdelay $0x3  }
0x94: {  	_ =	strace s2  }
0x95: {  	s2 =	sld [smem:$0x3FFD];
	_ =	sdelay $0x3  }
0x96: {  	_ =	strace s2  }
0x97: {  	_ =	strace $0x8FFFFFFF  }
0x98: {  	s18 =	sld [smem:$0x3FDB];
	_ =	sdelay $0x1  }
0x99: {  	s19 =	simm.s32 $_scs_section_size  }
0x9a: {  	s4 =	simm.s32 $_size__tile_overlayer_lowered;
	s5 =	simm.s32 $_tile_overlayer_lowered  }
0x9b: {  	s22 =	simm.s32 $0x1BFF;
	s21 =	sshll.u32 s5, $0x1;
	s2 =	sadd.s32 s19, s18  }
0x9c: {  	s6 =	simm.s32 $0x0;
	s20 =	sshll.u32 s4, $0x1;
	s4 =	sadd.s32 s21, s2  }
0x9d: {  	[timem:s6], [sflag:s22] =	dma.local [hbm:s4], s20  }
0x9e: {  	_ =	swait.ge [sflag:s22], s20  }
0x9f: {  	s3 =	ssub.s32 $0x0, s20;
	[sflag:s22] =	ssyncset.done $0x0  }
0xa0: {  	[sflag:s22] =	ssyncadd.s32 s3;
	_ =	sdelay $0x1  }
0xa1: {  	s23 =	simm.s32 $0x1B8B  }
0xa2: {  	_ =	swait.ge [sflag:s23], $0x1  }
0xa3: {  	[sflag:s23] =	ssyncset.done $0x0  }
0xa4: {  	s25 =	simm.s32 $0x1B8E;
	s24 =	sld [smem:$0x3FFE];
	[sflag:s23] =	ssyncadd.s32 $0xFFFFFFFF  }
0xa5: {  	s26 =	simm.s32 $execute0_lowered;
	[smem:$0x3FD2] =	sst s25  }
0xa6: {  	s4 =	sshll.u32 s26, $0x1;
	_ =	strace $0x80000046;
	[dreg:$0x1] =	wrdreg $0xFFFFFFFF  }
0xa7: {  	s28 =	simm.s32 $_size_execute0_lowered;
	s2 =	sadd.s32 s2, s4;
	[dreg:$0x0] =	wrdreg $0x0  }
0xa8: {  	s4 =	sshll.u32 s28, $0x1;
	[dreg:$0x2] =	wrdreg s2  }
0xa9: {  	[dreg:$0x3] =	wrdreg s4  }
0xaa: {  	[dreg:$0x4] =	wrdreg $0xC0  }
0xab: {  	_ =	task [dreg:s6], $0x5FFFF  }
0xac: {  	[dreg:$0x1] =	wrdreg $0xFFFFFFFF  }
0xad: {  	[dreg:$0x0] =	wrdreg $0x60  }
0xae: {  	[dreg:$0x2] =	wrdreg s24  }
0xaf: {  	[dreg:$0x3] =	wrdreg $0x42000  }
0xb0: {  	[dreg:$0x4] =	wrdreg $0x9  }
0xb1: {  	_ =	task.clear_ibuf [dreg:s6], $0x5FFFF;
	_ =	strace $0x90000046  }
0xb2: {  	s29 =	simm.s32 $0x9;
	_ =	strace $0x80000048  }
0xb3: {  	_ =	swait.ge [sflag:s29], $0x1  }
0xb4: {  	[sflag:s29] =	ssyncadd.s32 $0xFFFFFFFF  }
0xb5: {  	_ =	strace $0x90000048  }
0xb6: {  	_ =	sfence  }
0xb7: {  	s30 =	sld [smem:$0x0];
	_ =	sdelay $0x2  }
0xb8: {  	s31 =	sshll.u32 s1, $0xD;
	s1 =	sshrl.u32 s1, $0x2  }
0xb9: {  	s3 =	sand.u32 $0x4000, s31;
	s1 =	sadd.s32 s1, s30  }
0xba: {  	s0 =	sor.u32 s3, s0;
	s1 =	sshll.u32 s1, $0x11  }
0xbb: {  	s0 =	sor.u32 s1, s0  }
0xbc: {  	s0 =	sadd.s32 $0x8F2B, s0  }
0xbd: {  	[sflag:s0] =	ssyncadd.remote.s32 $0x1  }
0xbe: {  	_ =	sfence.sel $0xFFFF  }
0xbf: {  	[dreg:$0x0] =	wrdreg $0xFFFFFFFF;
	(pc) =	sbr.abs _section_cstart, $3  }
0xc0: {  	[dreg:$0x1] =	wrdreg $0xFFFFFFFF  }
0xc1: {  	_ =	task.clear_ibuf [dreg:s6], $0x2FFFF;
	_ =	strace $0x9FFFFFFF  }
0xc2: {  	(tm) =	ssettm $0x7FFFFFFF  }
0xc3: {  	_ =	shalt  }
tec
execute0_lowered:
.L_overlay_start_1:
0x0: {  	(tag) =	ssettag $0x1  }
0x1: {  	s5 =	rddreg [dreg:$0x0]  }
0x2: {  	s1 =	rddreg [dreg:$0x1]  }
0x3: {  	s2 =	srdreg.scid;
	s0 =	rddreg [dreg:$0x2]  }
0x4: {  	s3 =	simm.s32 $0x0;
	s12 =	simm.s32 $0x60;
	s13 =	simm.s32 $0xC0  }
0x5: {  	s14 =	simm.s32 $0x1;
	s4 =	sand.u32 $0x1, s2;
	s2 =	stileid.u32  }
0x6: {  	[smem:$0x7FF] =	sst s3;
	s6 =	sshll.u32 s4, $0x4;
	s7 =	smul.u32 $0xA000, s2  }
0x7: {  	_ =	strace $0x80000047;
	s8 =	smul.u32 $0x14000, s4;
	s9 =	ssub.s32 $0x2, s4  }
0x8: {  	s4 =	sadd.s32 $0x21600, s5;
	s31 =	sshll.u32 s2, $0x6;
	s6 =	sor.u32 s2, s6  }
0x9: {  	s11 =	sshrl.u32 s9, $0x1;
	s6 =	smul.u32 $0x540, s6;
	s15 =	sshrl.u32 s7, $0x3  }
0xa: {  	s8 =	sadd.s32 s8, s5;
	s9 =	ssub.s32 s9, s11;
	s30 =	sadd.s32 s7, s1  }
0xb: {  	s10 =	sadd.s32 s15, s5;
	s16 =	sadd.s32 $0x21A00, s8;
	s7 =	smax.u32 s9, $0x1  }
0xc: {  	s8 =	simm.s32 $0x2;
	s9 =	simm.s32 $0x2A00;
	s11 =	sshrl.u32 s30, $0x3  }
0xd: {  	s6 =	sadd.s32 s6, s5;
	s15 =	sadd.s32 s15, s16;
	s16 =	simm.s32 $0x0  }
0xe: {  	s5 =	sadd.s32 $0x2E00, s6;
	s6 =	sadd.s32 $0xD600, s10;
	s10 =	sor.u32 $0x1C02, s31  }
.LBB2_1:
0xf: {  	[tilespmem:s3], [sflag:$0x2] =	stream.linear.gather [hbm4b:s5+s3], $0x2A00, $0x38;
	[tilespmem:$0xE200] =	vst v63  }
0x10: {  	_ =	swait.ge [sflag:s8], $0x2A00  }
0x11: {  	[sflag:s8] =	ssyncset.done $0x0  }
0x12: {  	[sflag:s8] =	ssyncadd.s32 $0xFFFFD600  }
0x13: {  	[tilespmem:s9], [sflag:$0x2] =	stream.linear.gather [hbm4b:s4+s3], $0x1800, $0x38;
	[tilespmem:$0xE200] =	vst v63  }
0x14: {  	_ =	swait.ge [sflag:s8], $0x1800  }
0x15: {  	[sflag:s8] =	ssyncset.done $0x0  }
0x16: {  	[sflag:s8] =	ssyncadd.s32 $0xFFFFE800  }
0x17: {  	[spmem:s11], [sflag:s10] =	dma.local [hbm:s6], $0x1400  }
0x18: {  	_ =	swait.ge [sflag:s8], $0x1400  }
0x19: {  	[sflag:s8] =	ssyncset.done $0x0  }
0x1a: {  	[sflag:s8] =	ssyncadd.s32 $0xFFFFEC00  }
0x1b: {  	[bflag:$0x0] =	sbarrier.arrive $0xFFFF  }
0x1c: {  	[spmem:s1] =	stream.indirect.scatter.add.f32 [tilespmem:s9], [sflag:$0x1], $0x40, s3, s12, $0xb8;
	[tilespmem:$0xE200] =	vst v63  }
0x1d: {  	_ = 	snop  }
0x1e: {  	[spmem:s1] =	stream.indirect.scatter.add.f32 [tilespmem:s9], [sflag:$0x1], $0x40, s12, s12, $0xb8;
	[tilespmem:$0xE200] =	vst v63  }
0x1f: {  	_ = 	snop  }
0x20: {  	[spmem:s1] =	stream.indirect.scatter.add.f32 [tilespmem:s9], [sflag:$0x1], $0x40, s13, s12, $0xb8;
	[tilespmem:$0xE200] =	vst v63  }
0x21: {  	_ =	swait.ge [sflag:s14], $0x1800  }
0x22: {  	[sflag:s14] =	ssyncset.done $0x0  }
0x23: {  	s17 =	simm.s32 $0x600;
	s18 =	simm.s32 $0x120;
	[sflag:s14] =	ssyncadd.s32 $0xFFFFE800  }
.LBB2_2:
0x24: {  	[spmem:s1] =	stream.indirect.scatter.add.f32 [tilespmem:s9], [sflag:$0x1], $0x40, s18, s12, $0xb8;
	[tilespmem:$0xE200] =	vst v63  }
0x25: {  	s18 =	smov.u32 s17;
	p0 =	sne.s32 s17, $0xA680  }
.Ltmp0:
0x26: {  	s17 =	sadd.s32 $0x180, s17;
	(pc) =	sbr.rel @p0 .LBB2_2-.Ltmp0, $4  }
0x27: {  	_ = 	snop  }
0x28: {  	_ =	swait.ge [sflag:s14], $0x1800  }
0x29: {  	[sflag:s14] =	ssyncset.done $0x0  }
0x2a: {  	s18 =	sshra.s32 s18, $0x2;
	[sflag:s14] =	ssyncadd.s32 $0xFFFFE800  }
0x2b: {  	[spmem:s1] =	stream.indirect.scatter.add.f32 [tilespmem:s9], [sflag:$0x1], $0x40, s18, s12, $0xb8;
	[tilespmem:$0xE200] =	vst v63  }
0x2c: {  	_ =	swait.ge [sflag:s14], $0x1800  }
0x2d: {  	[sflag:s14] =	ssyncset.done $0x0  }
0x2e: {  	[sflag:s14] =	ssyncadd.s32 $0xFFFFE800  }
0x2f: {  	_ =	swait.ge [sflag:s14], $0x1800  }
0x30: {  	[sflag:s14] =	ssyncset.done $0x0  }
0x31: {  	[sflag:s14] =	ssyncadd.s32 $0xFFFFE800  }
0x32: {  	_ =	swait.ge [sflag:s14], $0x1800  }
0x33: {  	s16 =	sadd.s32 $0x1, s16;
	[sflag:s14] =	ssyncset.done $0x0  }
0x34: {  	p0 =	sne.s32 s16, s7;
	[sflag:s14] =	ssyncadd.s32 $0xFFFFE800  }
.Ltmp1:
0x35: {  	[bflag:$0x0] =	sbarrier.arrive $0xFFFF;
	(pc) =	sbr.rel @p0 .LBB2_1-.Ltmp1, $4  }
0x36: {  	[hbm:s15], [sflag:s10] =	dma.local [spmem:s11], $0x1400  }
0x37: {  	_ =	swait.ge [sflag:s8], $0x1400  }
0x38: {  	[sflag:s8] =	ssyncset.done $0x0  }
0x39: {  	[sflag:s8] =	ssyncadd.s32 $0xFFFFEC00  }
0x3a: {  	_ =	sfence.sel $0x180000  }
0x3b: {  	[bflag:$0x0] =	sbarrier.arrive $0xFFFF  }
0x3c: {  	p0 =	sne.s32 s2, $0x0;
	_ =	strace $0x90000047  }
0x3d: {  	s0 =	sadd.s32 @!p0 $0x100000, s0;
	[bflag:$0x2] =	sbarrier.arrive $0xFFFF  }
0x3e: {  	[sflag:s0] =	ssyncadd.tile.s32 @!p0 $0x1;
	_ =	shalt  }
.Lfunc_end2:
_tile_overlayer_lowered:
.L_overlay_start_2:
0x3f: {  	(tag) =	ssettag $0x2  }
0x40: {  	s0 =	rddreg [dreg:$0x0];
	s2 =	stileid.u32  }
0x41: {  	s1 =	rddreg [dreg:$0x1];
	p0 =	sne.s32 s2, $0x0  }
0x42: {  	s3 =	rddreg [dreg:$0x2];
	[bflag:$0x3] =	sbarrier.arrive $0xFFFF;
	s2 =	simm.s32 @!p0 $0x1C02  }
0x43: {  	[timem:s3], [sflag:s2] =	dma.local @!p0 [hbm:s0], s1  }
0x44: {  	s0 =	simm.s32 @!p0 $0x2  }
0x45: {  	_ =	swait.ge @!p0 [sflag:s0], s1  }
0x46: {  	s1 =	ssub.s32 @!p0 $0x0, s1;
	[sflag:s0] =	ssyncset.done @!p0 $0x0  }
0x47: {  	[sflag:s0] =	ssyncadd.s32 @!p0 s1  }
0x48: {  	[bflag:$0x3] =	sbarrier.arrive $0xFFFF  }
0x49: {  	_ =	shalt  }

// kernel: kernel.14.cloned.1.call-start
scs
__scs_entry_jumppad:
0x0: {  	(pc) =	sbr.rel $0x88, $3  }
0x1: {  	(tag) =	ssettag $0x0;
	lr =	simm.s32 $0x1  }
0x2: {  	[smem:$0x3F93] =	sst lr;
	_ =	strace $0xD0000000  }
0x3: {  	_ = 	snop  }
0x4: {  	_ = 	snop  }
0x5: {  	_ = 	snop  }
0x6: {  	_ = 	snop  }
0x7: {  	_ = 	snop  }
__scs_overlays_trampoline_lowered:
0x8: {  	[smem:$0x3FA2] =	sst s0  }
0x9: {  	[smem:$0x3FA3] =	sst s1  }
0xa: {  	[smem:$0x3FA4] =	sst s2  }
0xb: {  	[smem:$0x3FA5] =	sst s3  }
0xc: {  	[smem:$0x3FA6] =	sst s4  }
0xd: {  	[smem:$0x3FA7] =	sst s5  }
0xe: {  	[smem:$0x3FA8] =	sst s6  }
0xf: {  	[smem:$0x3FA9] =	sst s7  }
0x10: {  	[smem:$0x3FAA] =	sst s8  }
0x11: {  	[smem:$0x3FAB] =	sst s9;
	s0 =	simm.s32 @!p0 $0x0  }
0x12: {  	s1 =	sld [smem:$0x3F91];
	s0 =	simm.s32 @p0 $0x1  }
0x13: {  	[smem:$0x3FAC] =	sst s0;
	s0 =	simm.s32 @!p1 $0x0  }
0x14: {  	s2 =	sld [smem:$0x3F90];
	s0 =	simm.s32 @p1 $0x1  }
0x15: {  	[smem:$0x3FAD] =	sst s0;
	s0 =	simm.s32 @!p2 $0x0  }
0x16: {  	s3 =	sld [smem:$0x3FDB];
	s0 =	simm.s32 @p2 $0x1  }
0x17: {  	s4 =	simm.s32 $0x1BF5;
	[smem:$0x3FAF] =	sst s0  }
0x18: {  	s0 =	sld [smem:$0x3F92];
	_ =	swait.ge [sflag:s4], $0x0  }
0x19: {  	s7 =	sld [smem:$0x3F93]  }
0x1a: {  	s8 =	sadd.s32 $0xFFFFE003, lr  }
0x1b: {  	s9 =	sadd.s32 $0xFFFFFEF7, lr;
	s5 =	simm.s32 $0xFFFFFFFF;
	p2 =	slt.u32 s8, $0xFFFFF086  }
0x1c: {  	p1 =	slt.u32 s9, $0xF7A;
	s5 =	simm.s32 @!p2 $0x0  }
0x1d: {  	s5 =	simm.s32 @p1 $0x1;
	p0 =	seq.s32 s7, s2  }
0x1e: {  	s7 =	smul.u32 @!p0 $0xF7A, s2;
	p2 =	seq.s32 @!p0 s5, $0x0  }
0x1f: {  	s9 =	smul.u32 $0xF7A, s1;
	s8 =	simm.s32 @!p0 $0x1BF5;
	p2 =	por !p2, p0  }
0x20: {  	[sflag:s8] =	ssyncset.s32 @!p0 $0xFFFFF086;
	s6 =	sadd.s32 @!p0 s3, s7;
	s7 =	simm.s32 @!p0 $0x108  }
0x21: {  	s3 =	sadd.s32 s3, s9;
	s6 =	sadd.s32 @!p0 $0x88, s6;
	s7 =	simm.s32 @p2 $0x1082  }
0x22: {  	[simem:s7], [sflag:s8] =	dma.local @!p0 [hbm:s6], $0xF7A  }
0x23: {  	s9 =	sor.u32 $0xD0000000, s2;
	s6 =	simm.s32 $0x108;
	_ =	swait.ge @!p0 [sflag:s8], $0x0  }
0x24: {  	s3 =	sadd.s32 $0x88, s3;
	s6 =	simm.s32 @!p1 $0x1082;
	[sflag:s4] =	ssyncset.s32 $0xFFFFF086  }
0x25: {  	[simem:s6], [sflag:s4] =	dma.local [hbm:s3], $0xF7A  }
0x26: {  	[smem:$0x3F93] =	sst s1;
	(tag) =	ssettag s2;
	_ =	strace s9  }
0x27: {  	s1 =	sld [smem:$0x3FA3]  }
0x28: {  	s2 =	sld [smem:$0x3FA4]  }
0x29: {  	s4 =	sld [smem:$0x3FA6]  }
0x2a: {  	p0 =	seq.s32 s5, $0x0;
	s5 =	sld [smem:$0x3FA7]  }
0x2b: {  	s6 =	sld [smem:$0x3FA8]  }
0x2c: {  	s7 =	sld [smem:$0x3FA9]  }
0x2d: {  	s3 =	simm.s32 $0x108;
	s8 =	sld [smem:$0x3FAA]  }
0x2e: {  	s3 =	simm.s32 @!p0 $0x1082;
	s9 =	sld [smem:$0x3FAB]  }
0x2f: {  	lr =	sadd.s32 s0, s3;
	s0 =	sld [smem:$0x3FA2]  }
0x30: {  	s3 =	sld [smem:$0x3FA5]  }
0x31: {  	[smem:$0x3FAE] =	sst s10  }
0x32: {  	s10 =	sld [smem:$0x3FAC];
	_ =	sdelay $0x3  }
0x33: {  	p0 =	seq.s32 s10, $0x1;
	s10 =	sld [smem:$0x3FAE];
	_ =	sdelay $0x3  }
0x34: {  	[smem:$0x3FAE] =	sst s10  }
0x35: {  	s10 =	sld [smem:$0x3FAD];
	_ =	sdelay $0x3  }
0x36: {  	p1 =	seq.s32 s10, $0x1;
	s10 =	sld [smem:$0x3FAE];
	_ =	sdelay $0x3  }
0x37: {  	[smem:$0x3FAE] =	sst s10  }
0x38: {  	s10 =	sld [smem:$0x3FAF]  }
0x39: {  	_ = 	snop;
	(pc) =	sbr.ind lr, $3  }
0x3a: {  	_ = 	snop  }
0x3b: {  	_ = 	snop  }
0x3c: {  	p2 =	seq.s32 s10, $0x1;
	s10 =	sld [smem:$0x3FAE]  }
0x3d: {  	_ =	shalt  }
0x3e: {  	_ =	shalt  }
0x3f: {  	_ =	shalt  }
0x40: {  	_ =	shalt  }
0x41: {  	_ =	shalt  }
0x42: {  	_ =	shalt  }
0x43: {  	_ =	shalt  }
0x44: {  	_ =	shalt  }
0x45: {  	_ =	shalt  }
0x46: {  	_ =	shalt  }
0x47: {  	_ =	shalt  }
0x48: {  	_ =	shalt  }
0x49: {  	_ =	shalt  }
0x4a: {  	_ =	shalt  }
0x4b: {  	_ =	shalt  }
0x4c: {  	_ =	shalt  }
0x4d: {  	_ =	shalt  }
0x4e: {  	_ =	shalt  }
0x4f: {  	_ =	shalt  }
0x50: {  	_ =	shalt  }
0x51: {  	_ =	shalt  }
0x52: {  	_ =	shalt  }
0x53: {  	_ =	shalt  }
0x54: {  	_ =	shalt  }
0x55: {  	_ =	shalt  }
0x56: {  	_ =	shalt  }
0x57: {  	_ =	shalt  }
0x58: {  	_ =	shalt  }
0x59: {  	_ =	shalt  }
0x5a: {  	_ =	shalt  }
0x5b: {  	_ =	shalt  }
0x5c: {  	_ =	shalt  }
0x5d: {  	_ =	shalt  }
0x5e: {  	_ =	shalt  }
0x5f: {  	_ =	shalt  }
0x60: {  	_ =	shalt  }
0x61: {  	_ =	shalt  }
0x62: {  	_ =	shalt  }
0x63: {  	_ =	shalt  }
0x64: {  	_ =	shalt  }
0x65: {  	_ =	shalt  }
0x66: {  	_ =	shalt  }
0x67: {  	_ =	shalt  }
0x68: {  	_ =	shalt  }
0x69: {  	_ =	shalt  }
0x6a: {  	_ =	shalt  }
0x6b: {  	_ =	shalt  }
0x6c: {  	_ =	shalt  }
0x6d: {  	_ =	shalt  }
0x6e: {  	_ =	shalt  }
0x6f: {  	_ =	shalt  }
0x70: {  	_ =	shalt  }
0x71: {  	_ =	shalt  }
0x72: {  	_ =	shalt  }
0x73: {  	_ =	shalt  }
0x74: {  	_ =	shalt  }
0x75: {  	_ =	shalt  }
0x76: {  	_ =	shalt  }
0x77: {  	_ =	shalt  }
0x78: {  	_ =	shalt  }
0x79: {  	_ =	shalt  }
0x7a: {  	_ =	shalt  }
0x7b: {  	_ =	shalt  }
0x7c: {  	_ =	shalt  }
0x7d: {  	_ =	shalt  }
0x7e: {  	_ =	shalt  }
0x7f: {  	_ =	shalt  }
0x80: {  	_ =	shalt  }
0x81: {  	_ =	shalt  }
0x82: {  	_ =	shalt  }
0x83: {  	_ =	shalt  }
0x84: {  	_ =	shalt  }
0x85: {  	_ =	shalt  }
0x86: {  	_ =	shalt  }
0x87: {  	_ =	shalt  }
.Lfunc_end0:
.L_simem_size_0:
called_computation.1_lowered:
.L_overlay_start_0:
0x88: {  	s2 =	sld [smem:$0x3FD9]  }
0x89: {  	s3 =	sld [smem:$0x3FFE];
	_ =	sdelay $0x1  }
0x8a: {  	s1 =	srdreg.scid  }
0x8b: {  	s0 =	sand.u32 $0x1, s1  }
0x8c: {  	s16 =	sshll.u32 s0, $0xA;
	s2 =	sadd.s32 s3, s2  }
0x8d: {  	s2 =	sadd.s32 s2, s16  }
0x8e: {  	[smem:$0x3FBA] =	sst s2  }
0x8f: {  	_ = 	snop  }
0x90: {  	(tm) =	ssettm $0x1  }
0x91: {  	s17 =	sld [smem:$0x3FFB];
	_ =	sdelay $0x3  }
0x92: {  	_ =	strace s17  }
0x93: {  	s2 =	sld [smem:$0x3FFC];
	_ =	sdelay $0x3  }
0x94: {  	_ =	strace s2  }
0x95: {  	s2 =	sld [smem:$0x3FFD];
	_ =	sdelay $0x3  }
0x96: {  	_ =	strace s2  }
0x97: {  	_ =	strace $0x8FFFFFFF  }
0x98: {  	s18 =	sld [smem:$0x3FDB];
	_ =	sdelay $0x1  }
0x99: {  	s19 =	simm.s32 $_scs_section_size  }
0x9a: {  	s4 =	simm.s32 $_size__tile_overlayer_lowered;
	s5 =	simm.s32 $_tile_overlayer_lowered  }
0x9b: {  	s22 =	simm.s32 $0x1BFF;
	s21 =	sshll.u32 s5, $0x1;
	s2 =	sadd.s32 s19, s18  }
0x9c: {  	s6 =	simm.s32 $0x0;
	s20 =	sshll.u32 s4, $0x1;
	s4 =	sadd.s32 s21, s2  }
0x9d: {  	[timem:s6], [sflag:s22] =	dma.local [hbm:s4], s20  }
0x9e: {  	_ =	swait.ge [sflag:s22], s20  }
0x9f: {  	s3 =	ssub.s32 $0x0, s20;
	[sflag:s22] =	ssyncset.done $0x0  }
0xa0: {  	[sflag:s22] =	ssyncadd.s32 s3;
	_ =	sdelay $0x1  }
0xa1: {  	s23 =	simm.s32 $0x1B8B  }
0xa2: {  	_ =	swait.ge [sflag:s23], $0x1  }
0xa3: {  	[sflag:s23] =	ssyncset.done $0x0  }
0xa4: {  	s25 =	simm.s32 $0x1B8E;
	s24 =	sld [smem:$0x3FFE];
	[sflag:s23] =	ssyncadd.s32 $0xFFFFFFFF  }
0xa5: {  	s26 =	simm.s32 $execute0_lowered;
	[smem:$0x3FD2] =	sst s25  }
0xa6: {  	s4 =	sshll.u32 s26, $0x1;
	_ =	strace $0x80000049;
	[dreg:$0x1] =	wrdreg $0xFFFFFFFF  }
0xa7: {  	s28 =	simm.s32 $_size_execute0_lowered;
	s2 =	sadd.s32 s2, s4;
	[dreg:$0x0] =	wrdreg $0x0  }
0xa8: {  	s4 =	sshll.u32 s28, $0x1;
	[dreg:$0x2] =	wrdreg s2  }
0xa9: {  	[dreg:$0x3] =	wrdreg s4  }
0xaa: {  	[dreg:$0x4] =	wrdreg $0xC0  }
0xab: {  	_ =	task [dreg:s6], $0x5FFFF  }
0xac: {  	[dreg:$0x1] =	wrdreg $0xFFFFFFFF  }
0xad: {  	[dreg:$0x0] =	wrdreg $0x60  }
0xae: {  	[dreg:$0x2] =	wrdreg s24  }
0xaf: {  	[dreg:$0x3] =	wrdreg $0x154000  }
0xb0: {  	[dreg:$0x4] =	wrdreg $0xB4000  }
0xb1: {  	[dreg:$0x5] =	wrdreg $0x9  }
0xb2: {  	_ =	task.clear_ibuf [dreg:s6], $0x6FFFF;
	_ =	strace $0x90000049  }
0xb3: {  	s29 =	simm.s32 $0x9;
	_ =	strace $0x8000004B  }
0xb4: {  	_ =	swait.ge [sflag:s29], $0x1  }
0xb5: {  	[sflag:s29] =	ssyncadd.s32 $0xFFFFFFFF  }
0xb6: {  	_ =	strace $0x9000004B  }
0xb7: {  	_ =	sfence  }
0xb8: {  	s30 =	sld [smem:$0x0];
	_ =	sdelay $0x2  }
0xb9: {  	s31 =	sshll.u32 s1, $0xD;
	s1 =	sshrl.u32 s1, $0x2  }
0xba: {  	s3 =	sand.u32 $0x4000, s31;
	s1 =	sadd.s32 s1, s30  }
0xbb: {  	s0 =	sor.u32 s3, s0;
	s1 =	sshll.u32 s1, $0x11  }
0xbc: {  	s0 =	sor.u32 s1, s0  }
0xbd: {  	s0 =	sadd.s32 $0x8F2B, s0  }
0xbe: {  	[sflag:s0] =	ssyncadd.remote.s32 $0x1  }
0xbf: {  	_ =	sfence.sel $0xFFFF  }
0xc0: {  	[dreg:$0x0] =	wrdreg $0xFFFFFFFF;
	(pc) =	sbr.abs _section_cstart, $3  }
0xc1: {  	[dreg:$0x1] =	wrdreg $0xFFFFFFFF  }
0xc2: {  	_ =	task.clear_ibuf [dreg:s6], $0x2FFFF;
	_ =	strace $0x9FFFFFFF  }
0xc3: {  	(tm) =	ssettm $0x7FFFFFFF  }
tec
execute0_lowered:
.L_overlay_start_1:
0x0: {  	(tag) =	ssettag $0x1  }
0x1: {  	s1 =	rddreg [dreg:$0x0]  }
0x2: {  	s0 =	srdreg.scid;
	s2 =	rddreg [dreg:$0x1]  }
0x3: {  	s11 =	stileid.u32;
	s3 =	rddreg [dreg:$0x2]  }
0x4: {  	s12 =	simm.s32 $0x9;
	s13 =	simm.s32 $0x2A00;
	s17 =	simm.s32 $0x60  }
0x5: {  	s18 =	simm.s32 $0x5400;
	s19 =	simm.s32 $0x6C00;
	s21 =	simm.s32 $0x8400  }
0x6: {  	s22 =	simm.s32 $0x1;
	s29 =	simm.s32 $0x5;
	s31 =	simm.s32 $0x3  }
0x7: {  	s28 =	simm.s32 $0x0;
	s0 =	sand.u32 $0x1, s0;
	s6 =	smul.u32 $0xA000, s11  }
0x8: {  	s26 =	sshll.u32 s11, $0x6;
	s4 =	sshll.u32 s0, $0x4;
	s7 =	smul.u32 $0x28000, s0  }
0x9: {  	s0 =	ssub.s32 $0x2, s0;
	s14 =	sor.u32 $0x1C09, s26;
	s26 =	simm.s32 $0x2  }
0xa: {  	s5 =	sor.u32 s11, s4;
	s4 =	simm.s32 $0x0;
	s20 =	sshrl.u32 s6, $0x3  }
0xb: {  	s9 =	sshrl.u32 s0, $0x1;
	s24 =	sadd.s32 s6, s2;
	s6 =	sadd.s32 s6, s3  }
0xc: {  	s11 =	simm.s32 $0x8;
	s5 =	smul.u32 $0x540, s5;
	[smem:$0x7FF] =	sst s4  }
0xd: {  	s10 =	sadd.s32 s20, s1;
	s7 =	sadd.s32 s7, s1;
	s0 =	ssub.s32 s0, s9  }
0xe: {  	s15 =	sshrl.u32 s24, $0x3;
	s16 =	sshrl.u32 s6, $0x3;
	s24 =	simm.s32 $0x9C00  }
0xf: {  	s6 =	smov.u32 s20;
	_ =	strace $0x8000004A;
	s25 =	sadd.s32 $0x21600, s10  }
0x10: {  	s9 =	sadd.s32 $0xD600, s10;
	s7 =	sadd.s32 $0xA4200, s7;
	[dreg:$0x6] =	wrdreg s25  }
0x11: {  	s0 =	smax.u32 s0, $0x1;
	s10 =	simm.s32 $0x7;
	[dreg:$0x7] =	wrdreg s7  }
0x12: {  	s8 =	sadd.s32 s5, s1;
	s1 =	sadd.s32 $0x35600, s1;
	[dreg:$0x8] =	wrdreg s0  }
0x13: {  	s5 =	simm.s32 $0x2A60;
	s0 =	simm.s32 $0x6;
	s23 =	sadd.s32 $0x49A00, s8  }
0x14: {  	s7 =	simm.s32 $0x4;
	s8 =	sadd.s32 $0x2E00, s8;
	[dreg:$0x4] =	wrdreg s23  }
0x15: {  	s30 =	sadd.s32 s20, s1;
	s20 =	simm.s32 $0x29A0;
	[dreg:$0x5] =	wrdreg s8  }
0x16: {  	[dreg:$0x9] =	wrdreg s30;
	s8 =	simm.s32 $0x2B20;
	s23 =	simm.s32 $0x53A0  }
.LBB2_1:
0x17: {  	s1 =	rddreg [dreg:$0x4]  }
0x18: {  	[tilespmem:s4], [sflag:$0x9] =	stream.linear.gather [hbm4b:s1+s4], $0x2A00, $0x38;
	[tilespmem:$0x1F400] =	vst v63  }
0x19: {  	_ =	swait.ge [sflag:s12], $0x2A00  }
0x1a: {  	[sflag:s12] =	ssyncset.done $0x0  }
0x1b: {  	s25 =	rddreg [dreg:$0x5];
	[sflag:s12] =	ssyncadd.s32 $0xFFFFD600  }
0x1c: {  	[tilespmem:s13], [sflag:$0x9] =	stream.linear.gather [hbm4b:s25+s4], $0x2A00, $0x38;
	[tilespmem:$0x1F400] =	vst v63  }
0x1d: {  	_ =	swait.ge [sflag:s12], $0x2A00  }
0x1e: {  	[sflag:s12] =	ssyncset.done $0x0  }
0x1f: {  	s25 =	rddreg [dreg:$0x6];
	[sflag:s12] =	ssyncadd.s32 $0xFFFFD600  }
0x20: {  	[spmem:s15], [sflag:s14] =	dma.local [hbm:s25], $0x1400  }
0x21: {  	_ =	swait.ge [sflag:s12], $0x1400  }
0x22: {  	[sflag:s12] =	ssyncset.done $0x0  }
0x23: {  	[sflag:s12] =	ssyncadd.s32 $0xFFFFEC00  }
0x24: {  	[spmem:s16], [sflag:s14] =	dma.local [hbm:s9], $0x1400  }
0x25: {  	_ =	swait.ge [sflag:s12], $0x1400  }
0x26: {  	[sflag:s12] =	ssyncset.done $0x0  }
0x27: {  	[sflag:s12] =	ssyncadd.s32 $0xFFFFEC00  }
0x28: {  	[bflag:$0x0] =	sbarrier.arrive $0xFFFF  }
0x29: {  	[tilespmem:s18], [sflag:$0x1] =	stream.indirect.gather [spmem:s2], $0x40, s4, s17, $0xb8;
	[tilespmem:$0x1F400] =	vst v63  }
0x2a: {  	_ = 	snop  }
0x2b: {  	[tilespmem:s19], [sflag:$0x2] =	stream.indirect.gather [spmem:s2], $0x40, s17, s17, $0xb8;
	[tilespmem:$0x1F400] =	vst v63  }
0x2c: {  	s25 =	simm.s32 $0xC0  }
0x2d: {  	[tilespmem:s21], [sflag:$0x3] =	stream.indirect.gather [spmem:s2], $0x40, s25, s17, $0xb8;
	[tilespmem:$0x1F400] =	vst v63  }
0x2e: {  	_ =	swait.ge [sflag:s22], $0x1800  }
0x2f: {  	[sflag:s22] =	ssyncset.done $0x0  }
0x30: {  	[sflag:s22] =	ssyncadd.s32 $0xFFFFE800  }
0x31: {  	[spmem:s3] =	stream.indirect.scatter.add.f32 [tilespmem:s18], [sflag:$0x5], $0x40, s13, s17, $0xb8;
	[tilespmem:$0x1F400] =	vst v63  }
0x32: {  	s25 =	simm.s32 $0x120  }
0x33: {  	[tilespmem:s24], [sflag:$0x4] =	stream.indirect.gather [spmem:s2], $0x40, s25, s17, $0xb8;
	[tilespmem:$0x1F400] =	vst v63  }
0x34: {  	_ =	swait.ge [sflag:s26], $0x1800  }
0x35: {  	[sflag:s26] =	ssyncset.done $0x0  }
0x36: {  	[sflag:s26] =	ssyncadd.s32 $0xFFFFE800  }
0x37: {  	[spmem:s3] =	stream.indirect.scatter.add.f32 [tilespmem:s19], [sflag:$0x6], $0x40, s5, s17, $0xb8;
	[tilespmem:$0x1F400] =	vst v63  }
0x38: {  	_ =	swait.ge [sflag:s29], $0x1800  }
0x39: {  	[sflag:s29] =	ssyncset.done $0x0  }
0x3a: {  	s25 =	simm.s32 $0x180;
	[sflag:s29] =	ssyncadd.s32 $0xFFFFE800  }
0x3b: {  	[tilespmem:s18], [sflag:$0x1] =	stream.indirect.gather [spmem:s2], $0x40, s25, s17, $0xb8;
	[tilespmem:$0x1F400] =	vst v63  }
0x3c: {  	_ =	swait.ge [sflag:s31], $0x1800  }
0x3d: {  	[sflag:s31] =	ssyncset.done $0x0  }
0x3e: {  	s25 =	simm.s32 $0x2AC0;
	[sflag:s31] =	ssyncadd.s32 $0xFFFFE800  }
0x3f: {  	[spmem:s3] =	stream.indirect.scatter.add.f32 [tilespmem:s21], [sflag:$0x7], $0x40, s25, s17, $0xb8;
	[tilespmem:$0x1F400] =	vst v63  }
0x40: {  	_ =	swait.ge [sflag:s0], $0x1800  }
0x41: {  	[sflag:s0] =	ssyncset.done $0x0  }
0x42: {  	s25 =	simm.s32 $0x1E0;
	[sflag:s0] =	ssyncadd.s32 $0xFFFFE800  }
0x43: {  	[tilespmem:s19], [sflag:$0x2] =	stream.indirect.gather [spmem:s2], $0x40, s25, s17, $0xb8;
	[tilespmem:$0x1F400] =	vst v63  }
0x44: {  	_ =	swait.ge [sflag:s7], $0x1800  }
0x45: {  	[sflag:s7] =	ssyncset.done $0x0  }
0x46: {  	[sflag:s7] =	ssyncadd.s32 $0xFFFFE800  }
0x47: {  	[spmem:s3] =	stream.indirect.scatter.add.f32 [tilespmem:s24], [sflag:$0x8], $0x40, s8, s17, $0xb8;
	[tilespmem:$0x1F400] =	vst v63  }
0x48: {  	_ =	swait.ge [sflag:s10], $0x1800  }
0x49: {  	[sflag:s10] =	ssyncset.done $0x0  }
0x4a: {  	s25 =	simm.s32 $0x240;
	[sflag:s10] =	ssyncadd.s32 $0xFFFFE800  }
0x4b: {  	[tilespmem:s21], [sflag:$0x3] =	stream.indirect.gather [spmem:s2], $0x40, s25, s17, $0xb8;
	[tilespmem:$0x1F400] =	vst v63  }
0x4c: {  	_ =	swait.ge [sflag:s22], $0x1800  }
0x4d: {  	[sflag:s22] =	ssyncset.done $0x0  }
0x4e: {  	s25 =	simm.s32 $0x2B80;
	[sflag:s22] =	ssyncadd.s32 $0xFFFFE800  }
0x4f: {  	[spmem:s3] =	stream.indirect.scatter.add.f32 [tilespmem:s18], [sflag:$0x5], $0x40, s25, s17, $0xb8;
	[tilespmem:$0x1F400] =	vst v63  }
0x50: {  	_ =	swait.ge [sflag:s11], $0x1800  }
0x51: {  	[sflag:s11] =	ssyncset.done $0x0  }
0x52: {  	s25 =	simm.s32 $0x2A0;
	[sflag:s11] =	ssyncadd.s32 $0xFFFFE800  }
0x53: {  	[tilespmem:s24], [sflag:$0x4] =	stream.indirect.gather [spmem:s2], $0x40, s25, s17, $0xb8;
	[tilespmem:$0x1F400] =	vst v63  }
0x54: {  	_ =	swait.ge [sflag:s26], $0x1800  }
0x55: {  	[sflag:s26] =	ssyncset.done $0x0  }
0x56: {  	s25 =	simm.s32 $0x2BE0;
	[sflag:s26] =	ssyncadd.s32 $0xFFFFE800  }
0x57: {  	[spmem:s3] =	stream.indirect.scatter.add.f32 [tilespmem:s19], [sflag:$0x6], $0x40, s25, s17, $0xb8;
	[tilespmem:$0x1F400] =	vst v63  }
0x58: {  	_ =	swait.ge [sflag:s29], $0x1800  }
0x59: {  	[sflag:s29] =	ssyncset.done $0x0  }
0x5a: {  	s25 =	simm.s32 $0x300;
	[sflag:s29] =	ssyncadd.s32 $0xFFFFE800  }
0x5b: {  	[tilespmem:s18], [sflag:$0x1] =	stream.indirect.gather [spmem:s2], $0x40, s25, s17, $0xb8;
	[tilespmem:$0x1F400] =	vst v63  }
0x5c: {  	_ =	swait.ge [sflag:s31], $0x1800  }
0x5d: {  	[sflag:s31] =	ssyncset.done $0x0  }
0x5e: {  	s25 =	simm.s32 $0x2C40;
	[sflag:s31] =	ssyncadd.s32 $0xFFFFE800  }
0x5f: {  	[spmem:s3] =	stream.indirect.scatter.add.f32 [tilespmem:s21], [sflag:$0x7], $0x40, s25, s17, $0xb8;
	[tilespmem:$0x1F400] =	vst v63  }
0x60: {  	_ =	swait.ge [sflag:s0], $0x1800  }
0x61: {  	[sflag:s0] =	ssyncset.done $0x0  }
0x62: {  	s25 =	simm.s32 $0x360;
	[sflag:s0] =	ssyncadd.s32 $0xFFFFE800  }
0x63: {  	[tilespmem:s19], [sflag:$0x2] =	stream.indirect.gather [spmem:s2], $0x40, s25, s17, $0xb8;
	[tilespmem:$0x1F400] =	vst v63  }
0x64: {  	_ =	swait.ge [sflag:s7], $0x1800  }
0x65: {  	[sflag:s7] =	ssyncset.done $0x0  }
0x66: {  	s30 =	simm.s32 $0x600;
	s1 =	simm.s32 $0x2CA0;
	[sflag:s7] =	ssyncadd.s32 $0xFFFFE800  }
.LBB2_2:
0x67: {  	[spmem:s3] =	stream.indirect.scatter.add.f32 [tilespmem:s24], [sflag:$0x8], $0x40, s1, s17, $0xb8;
	[tilespmem:$0x1F400] =	vst v63  }
0x68: {  	s1 =	smov.u32 s30;
	s30 =	sadd.s32 $0x600, s30;
	_ =	swait.ge [sflag:s10], $0x1800  }
0x69: {  	s1 =	sshra.s32 s1, $0x2;
	p0 =	sne.s32 s30, $0x9C00;
	[sflag:s10] =	ssyncset.done $0x0  }
0x6a: {  	s25 =	sadd.s32 $0x240, s1;
	[sflag:s10] =	ssyncadd.s32 $0xFFFFE800  }
0x6b: {  	[tilespmem:s21], [sflag:$0x3] =	stream.indirect.gather [spmem:s2], $0x40, s25, s17, $0xb8;
	[tilespmem:$0x1F400] =	vst v63  }
0x6c: {  	_ =	swait.ge [sflag:s22], $0x1800  }
0x6d: {  	[sflag:s22] =	ssyncset.done $0x0  }
0x6e: {  	s25 =	sadd.s32 $0x2B80, s1;
	[sflag:s22] =	ssyncadd.s32 $0xFFFFE800  }
0x6f: {  	[spmem:s3] =	stream.indirect.scatter.add.f32 [tilespmem:s18], [sflag:$0x5], $0x40, s25, s17, $0xb8;
	[tilespmem:$0x1F400] =	vst v63  }
0x70: {  	_ =	swait.ge [sflag:s11], $0x1800  }
0x71: {  	[sflag:s11] =	ssyncset.done $0x0  }
0x72: {  	s25 =	sadd.s32 $0x2A0, s1;
	[sflag:s11] =	ssyncadd.s32 $0xFFFFE800  }
0x73: {  	[tilespmem:s24], [sflag:$0x4] =	stream.indirect.gather [spmem:s2], $0x40, s25, s17, $0xb8;
	[tilespmem:$0x1F400] =	vst v63  }
0x74: {  	_ =	swait.ge [sflag:s26], $0x1800  }
0x75: {  	[sflag:s26] =	ssyncset.done $0x0  }
0x76: {  	s25 =	sadd.s32 $0x2BE0, s1;
	[sflag:s26] =	ssyncadd.s32 $0xFFFFE800  }
0x77: {  	[spmem:s3] =	stream.indirect.scatter.add.f32 [tilespmem:s19], [sflag:$0x6], $0x40, s25, s17, $0xb8;
	[tilespmem:$0x1F400] =	vst v63  }
0x78: {  	_ =	swait.ge [sflag:s29], $0x1800  }
0x79: {  	[sflag:s29] =	ssyncset.done $0x0  }
0x7a: {  	s25 =	sadd.s32 $0x300, s1;
	[sflag:s29] =	ssyncadd.s32 $0xFFFFE800  }
0x7b: {  	[tilespmem:s18], [sflag:$0x1] =	stream.indirect.gather [spmem:s2], $0x40, s25, s17, $0xb8;
	[tilespmem:$0x1F400] =	vst v63  }
0x7c: {  	_ =	swait.ge [sflag:s31], $0x1800  }
0x7d: {  	[sflag:s31] =	ssyncset.done $0x0  }
0x7e: {  	s25 =	sadd.s32 $0x2C40, s1;
	[sflag:s31] =	ssyncadd.s32 $0xFFFFE800  }
0x7f: {  	[spmem:s3] =	stream.indirect.scatter.add.f32 [tilespmem:s21], [sflag:$0x7], $0x40, s25, s17, $0xb8;
	[tilespmem:$0x1F400] =	vst v63  }
0x80: {  	_ =	swait.ge [sflag:s0], $0x1800  }
0x81: {  	[sflag:s0] =	ssyncset.done $0x0  }
.Ltmp0:
0x82: {  	s25 =	sadd.s32 $0x360, s1;
	[sflag:s0] =	ssyncadd.s32 $0xFFFFE800;
	(pc) =	sbr.rel @p0 .LBB2_2-.Ltmp0, $4  }
0x83: {  	[tilespmem:s19], [sflag:$0x2] =	stream.indirect.gather [spmem:s2], $0x40, s25, s17, $0xb8;
	[tilespmem:$0x1F400] =	vst v63  }
0x84: {  	_ =	swait.ge [sflag:s7], $0x1800  }
0x85: {  	[sflag:s7] =	ssyncset.done $0x0  }
0x86: {  	s1 =	sadd.s32 $0x2CA0, s1;
	[sflag:s7] =	ssyncadd.s32 $0xFFFFE800  }
0x87: {  	[spmem:s3] =	stream.indirect.scatter.add.f32 [tilespmem:s24], [sflag:$0x8], $0x40, s1, s17, $0xb8;
	[tilespmem:$0x1F400] =	vst v63  }
0x88: {  	_ =	swait.ge [sflag:s10], $0x1800  }
0x89: {  	s1 =	sshra.s32 s30, $0x2;
	[sflag:s10] =	ssyncset.done $0x0  }
0x8a: {  	s25 =	sadd.s32 $0x240, s1;
	[sflag:s10] =	ssyncadd.s32 $0xFFFFE800  }
0x8b: {  	[tilespmem:s21], [sflag:$0x3] =	stream.indirect.gather [spmem:s2], $0x40, s25, s17, $0xb8;
	[tilespmem:$0x1F400] =	vst v63  }
0x8c: {  	_ =	swait.ge [sflag:s22], $0x1800  }
0x8d: {  	[sflag:s22] =	ssyncset.done $0x0  }
0x8e: {  	s25 =	sadd.s32 $0x2B80, s1;
	[sflag:s22] =	ssyncadd.s32 $0xFFFFE800  }
0x8f: {  	[spmem:s3] =	stream.indirect.scatter.add.f32 [tilespmem:s18], [sflag:$0x5], $0x40, s25, s17, $0xb8;
	[tilespmem:$0x1F400] =	vst v63  }
0x90: {  	_ =	swait.ge [sflag:s11], $0x1800  }
0x91: {  	[sflag:s11] =	ssyncset.done $0x0  }
0x92: {  	[sflag:s11] =	ssyncadd.s32 $0xFFFFE800  }
0x93: {  	[tilespmem:s24], [sflag:$0x4] =	stream.indirect.gather [spmem:s2], $0x40, s20, s17, $0xb8;
	[tilespmem:$0x1F400] =	vst v63  }
0x94: {  	_ =	swait.ge [sflag:s26], $0x1800  }
0x95: {  	[sflag:s26] =	ssyncset.done $0x0  }
0x96: {  	s25 =	sadd.s32 $0x2BE0, s1;
	[sflag:s26] =	ssyncadd.s32 $0xFFFFE800  }
0x97: {  	[spmem:s3] =	stream.indirect.scatter.add.f32 [tilespmem:s19], [sflag:$0x6], $0x40, s25, s17, $0xb8;
	[tilespmem:$0x1F400] =	vst v63  }
0x98: {  	_ =	swait.ge [sflag:s29], $0x1800  }
0x99: {  	[sflag:s29] =	ssyncset.done $0x0  }
0x9a: {  	[sflag:s29] =	ssyncadd.s32 $0xFFFFE800  }
0x9b: {  	_ =	swait.ge [sflag:s31], $0x1800  }
0x9c: {  	[sflag:s31] =	ssyncset.done $0x0  }
0x9d: {  	s1 =	sadd.s32 $0x2C40, s1;
	[sflag:s31] =	ssyncadd.s32 $0xFFFFE800  }
0x9e: {  	[spmem:s3] =	stream.indirect.scatter.add.f32 [tilespmem:s21], [sflag:$0x7], $0x40, s1, s17, $0xb8;
	[tilespmem:$0x1F400] =	vst v63  }
0x9f: {  	_ =	swait.ge [sflag:s0], $0x1800  }
0xa0: {  	[sflag:s0] =	ssyncset.done $0x0  }
0xa1: {  	[sflag:s0] =	ssyncadd.s32 $0xFFFFE800  }
0xa2: {  	_ =	swait.ge [sflag:s7], $0x1800  }
0xa3: {  	[sflag:s7] =	ssyncset.done $0x0  }
0xa4: {  	[sflag:s7] =	ssyncadd.s32 $0xFFFFE800  }
0xa5: {  	[spmem:s3] =	stream.indirect.scatter.add.f32 [tilespmem:s24], [sflag:$0x8], $0x40, s23, s17, $0xb8;
	[tilespmem:$0x1F400] =	vst v63  }
0xa6: {  	_ =	swait.ge [sflag:s10], $0x1800  }
0xa7: {  	[sflag:s10] =	ssyncset.done $0x0  }
0xa8: {  	[sflag:s10] =	ssyncadd.s32 $0xFFFFE800  }
0xa9: {  	_ =	swait.ge [sflag:s11], $0x1800  }
0xaa: {  	[sflag:s11] =	ssyncset.done $0x0  }
0xab: {  	[sflag:s11] =	ssyncadd.s32 $0xFFFFE800  }
0xac: {  	[bflag:$0x0] =	sbarrier.arrive $0xFFFF  }
0xad: {  	s25 =	rddreg [dreg:$0x7]  }
0xae: {  	s30 =	sadd.s32 s6, s25  }
0xaf: {  	[hbm:s30], [sflag:s14] =	dma.local [spmem:s16], $0x1400  }
0xb0: {  	_ =	swait.ge [sflag:s12], $0x1400  }
0xb1: {  	[sflag:s12] =	ssyncset.done $0x0  }
0xb2: {  	[sflag:s12] =	ssyncadd.s32 $0xFFFFEC00  }
0xb3: {  	[bflag:$0x0] =	sbarrier.arrive $0xFFFF  }
0xb4: {  	s25 =	rddreg [dreg:$0x9]  }
0xb5: {  	[spmem:s15], [sflag:s14] =	dma.local [hbm:s25], $0x1400  }
0xb6: {  	_ =	swait.ge [sflag:s12], $0x1400  }
0xb7: {  	[sflag:s12] =	ssyncset.done $0x0  }
0xb8: {  	[sflag:s12] =	ssyncadd.s32 $0xFFFFEC00  }
0xb9: {  	[spmem:s16], [sflag:s14] =	dma.local [hbm:s9], $0x1400  }
0xba: {  	_ =	swait.ge [sflag:s12], $0x1400  }
0xbb: {  	[sflag:s12] =	ssyncset.done $0x0  }
0xbc: {  	[sflag:s12] =	ssyncadd.s32 $0xFFFFEC00  }
0xbd: {  	s25 =	simm.s32 $0x0;
	[bflag:$0x0] =	sbarrier.arrive $0xFFFF  }
0xbe: {  	[tilespmem:s18], [sflag:$0x1] =	stream.indirect.gather [spmem:s2], $0x40, s25, s17, $0xb8;
	[tilespmem:$0x1F400] =	vst v63  }
0xbf: {  	_ = 	snop  }
0xc0: {  	[tilespmem:s19], [sflag:$0x2] =	stream.indirect.gather [spmem:s2], $0x40, s17, s17, $0xb8;
	[tilespmem:$0x1F400] =	vst v63  }
0xc1: {  	s25 =	simm.s32 $0xC0  }
0xc2: {  	[tilespmem:s21], [sflag:$0x3] =	stream.indirect.gather [spmem:s2], $0x40, s25, s17, $0xb8;
	[tilespmem:$0x1F400] =	vst v63  }
0xc3: {  	_ =	swait.ge [sflag:s22], $0x1800  }
0xc4: {  	[sflag:s22] =	ssyncset.done $0x0  }
0xc5: {  	[sflag:s22] =	ssyncadd.s32 $0xFFFFE800  }
0xc6: {  	[spmem:s3] =	stream.indirect.scatter.add.f32 [tilespmem:s18], [sflag:$0x5], $0x40, s13, s17, $0xb8;
	[tilespmem:$0x1F400] =	vst v63  }
0xc7: {  	s25 =	simm.s32 $0x120  }
0xc8: {  	[tilespmem:s24], [sflag:$0x4] =	stream.indirect.gather [spmem:s2], $0x40, s25, s17, $0xb8;
	[tilespmem:$0x1F400] =	vst v63  }
0xc9: {  	_ =	swait.ge [sflag:s26], $0x1800  }
0xca: {  	[sflag:s26] =	ssyncset.done $0x0  }
0xcb: {  	[sflag:s26] =	ssyncadd.s32 $0xFFFFE800  }
0xcc: {  	[spmem:s3] =	stream.indirect.scatter.add.f32 [tilespmem:s19], [sflag:$0x6], $0x40, s5, s17, $0xb8;
	[tilespmem:$0x1F400] =	vst v63  }
0xcd: {  	_ =	swait.ge [sflag:s29], $0x1800  }
0xce: {  	[sflag:s29] =	ssyncset.done $0x0  }
0xcf: {  	s5 =	simm.s32 $0x180;
	[sflag:s29] =	ssyncadd.s32 $0xFFFFE800  }
0xd0: {  	[tilespmem:s18], [sflag:$0x1] =	stream.indirect.gather [spmem:s2], $0x40, s5, s17, $0xb8;
	[tilespmem:$0x1F400] =	vst v63  }
0xd1: {  	_ =	swait.ge [sflag:s31], $0x1800  }
0xd2: {  	[sflag:s31] =	ssyncset.done $0x0  }
0xd3: {  	s25 =	simm.s32 $0x2AC0;
	[sflag:s31] =	ssyncadd.s32 $0xFFFFE800  }
0xd4: {  	[spmem:s3] =	stream.indirect.scatter.add.f32 [tilespmem:s21], [sflag:$0x7], $0x40, s25, s17, $0xb8;
	[tilespmem:$0x1F400] =	vst v63  }
0xd5: {  	_ =	swait.ge [sflag:s0], $0x1800  }
0xd6: {  	[sflag:s0] =	ssyncset.done $0x0  }
0xd7: {  	s5 =	simm.s32 $0x1E0;
	[sflag:s0] =	ssyncadd.s32 $0xFFFFE800  }
0xd8: {  	[tilespmem:s19], [sflag:$0x2] =	stream.indirect.gather [spmem:s2], $0x40, s5, s17, $0xb8;
	[tilespmem:$0x1F400] =	vst v63  }
0xd9: {  	_ =	swait.ge [sflag:s7], $0x1800  }
0xda: {  	[sflag:s7] =	ssyncset.done $0x0  }
0xdb: {  	[sflag:s7] =	ssyncadd.s32 $0xFFFFE800  }
0xdc: {  	[spmem:s3] =	stream.indirect.scatter.add.f32 [tilespmem:s24], [sflag:$0x8], $0x40, s8, s17, $0xb8;
	[tilespmem:$0x1F400] =	vst v63  }
0xdd: {  	_ =	swait.ge [sflag:s10], $0x1800  }
0xde: {  	[sflag:s10] =	ssyncset.done $0x0  }
0xdf: {  	s25 =	simm.s32 $0x240;
	[sflag:s10] =	ssyncadd.s32 $0xFFFFE800  }
0xe0: {  	[tilespmem:s21], [sflag:$0x3] =	stream.indirect.gather [spmem:s2], $0x40, s25, s17, $0xb8;
	[tilespmem:$0x1F400] =	vst v63  }
0xe1: {  	_ =	swait.ge [sflag:s22], $0x1800  }
0xe2: {  	[sflag:s22] =	ssyncset.done $0x0  }
0xe3: {  	s5 =	simm.s32 $0x2B80;
	[sflag:s22] =	ssyncadd.s32 $0xFFFFE800  }
0xe4: {  	[spmem:s3] =	stream.indirect.scatter.add.f32 [tilespmem:s18], [sflag:$0x5], $0x40, s5, s17, $0xb8;
	[tilespmem:$0x1F400] =	vst v63  }
0xe5: {  	_ =	swait.ge [sflag:s11], $0x1800  }
0xe6: {  	[sflag:s11] =	ssyncset.done $0x0  }
0xe7: {  	s25 =	simm.s32 $0x2A0;
	[sflag:s11] =	ssyncadd.s32 $0xFFFFE800  }
0xe8: {  	[tilespmem:s24], [sflag:$0x4] =	stream.indirect.gather [spmem:s2], $0x40, s25, s17, $0xb8;
	[tilespmem:$0x1F400] =	vst v63  }
0xe9: {  	_ =	swait.ge [sflag:s26], $0x1800  }
0xea: {  	[sflag:s26] =	ssyncset.done $0x0  }
0xeb: {  	s5 =	simm.s32 $0x2BE0;
	[sflag:s26] =	ssyncadd.s32 $0xFFFFE800  }
0xec: {  	[spmem:s3] =	stream.indirect.scatter.add.f32 [tilespmem:s19], [sflag:$0x6], $0x40, s5, s17, $0xb8;
	[tilespmem:$0x1F400] =	vst v63  }
0xed: {  	_ =	swait.ge [sflag:s29], $0x1800  }
0xee: {  	[sflag:s29] =	ssyncset.done $0x0  }
0xef: {  	s25 =	simm.s32 $0x300;
	[sflag:s29] =	ssyncadd.s32 $0xFFFFE800  }
0xf0: {  	[tilespmem:s18], [sflag:$0x1] =	stream.indirect.gather [spmem:s2], $0x40, s25, s17, $0xb8;
	[tilespmem:$0x1F400] =	vst v63  }
0xf1: {  	_ =	swait.ge [sflag:s31], $0x1800  }
0xf2: {  	[sflag:s31] =	ssyncset.done $0x0  }
0xf3: {  	s5 =	simm.s32 $0x2C40;
	[sflag:s31] =	ssyncadd.s32 $0xFFFFE800  }
0xf4: {  	[spmem:s3] =	stream.indirect.scatter.add.f32 [tilespmem:s21], [sflag:$0x7], $0x40, s5, s17, $0xb8;
	[tilespmem:$0x1F400] =	vst v63  }
0xf5: {  	_ =	swait.ge [sflag:s0], $0x1800  }
0xf6: {  	[sflag:s0] =	ssyncset.done $0x0  }
0xf7: {  	s25 =	simm.s32 $0x360;
	[sflag:s0] =	ssyncadd.s32 $0xFFFFE800  }
0xf8: {  	[tilespmem:s19], [sflag:$0x2] =	stream.indirect.gather [spmem:s2], $0x40, s25, s17, $0xb8;
	[tilespmem:$0x1F400] =	vst v63  }
0xf9: {  	_ =	swait.ge [sflag:s7], $0x1800  }
0xfa: {  	[sflag:s7] =	ssyncset.done $0x0  }
0xfb: {  	s1 =	simm.s32 $0x600;
	s25 =	simm.s32 $0x2CA0;
	[sflag:s7] =	ssyncadd.s32 $0xFFFFE800  }
.LBB2_4:
0xfc: {  	[spmem:s3] =	stream.indirect.scatter.add.f32 [tilespmem:s24], [sflag:$0x8], $0x40, s25, s17, $0xb8;
	[tilespmem:$0x1F400] =	vst v63  }
0xfd: {  	s25 =	smov.u32 s1;
	s1 =	sadd.s32 $0x600, s1;
	_ =	swait.ge [sflag:s10], $0x1800  }
0xfe: {  	s25 =	sshra.s32 s25, $0x2;
	p0 =	sne.s32 s1, $0x9C00;
	[sflag:s10] =	ssyncset.done $0x0  }
0xff: {  	s5 =	sadd.s32 $0x240, s25;
	[sflag:s10] =	ssyncadd.s32 $0xFFFFE800  }
0x100: {  	[tilespmem:s21], [sflag:$0x3] =	stream.indirect.gather [spmem:s2], $0x40, s5, s17, $0xb8;
	[tilespmem:$0x1F400] =	vst v63  }
0x101: {  	_ =	swait.ge [sflag:s22], $0x1800  }
0x102: {  	[sflag:s22] =	ssyncset.done $0x0  }
0x103: {  	s5 =	sadd.s32 $0x2B80, s25;
	[sflag:s22] =	ssyncadd.s32 $0xFFFFE800  }
0x104: {  	[spmem:s3] =	stream.indirect.scatter.add.f32 [tilespmem:s18], [sflag:$0x5], $0x40, s5, s17, $0xb8;
	[tilespmem:$0x1F400] =	vst v63  }
0x105: {  	_ =	swait.ge [sflag:s11], $0x1800  }
0x106: {  	[sflag:s11] =	ssyncset.done $0x0  }
0x107: {  	s5 =	sadd.s32 $0x2A0, s25;
	[sflag:s11] =	ssyncadd.s32 $0xFFFFE800  }
0x108: {  	[tilespmem:s24], [sflag:$0x4] =	stream.indirect.gather [spmem:s2], $0x40, s5, s17, $0xb8;
	[tilespmem:$0x1F400] =	vst v63  }
0x109: {  	_ =	swait.ge [sflag:s26], $0x1800  }
0x10a: {  	[sflag:s26] =	ssyncset.done $0x0  }
0x10b: {  	s5 =	sadd.s32 $0x2BE0, s25;
	[sflag:s26] =	ssyncadd.s32 $0xFFFFE800  }
0x10c: {  	[spmem:s3] =	stream.indirect.scatter.add.f32 [tilespmem:s19], [sflag:$0x6], $0x40, s5, s17, $0xb8;
	[tilespmem:$0x1F400] =	vst v63  }
0x10d: {  	_ =	swait.ge [sflag:s29], $0x1800  }
0x10e: {  	[sflag:s29] =	ssyncset.done $0x0  }
0x10f: {  	s5 =	sadd.s32 $0x300, s25;
	[sflag:s29] =	ssyncadd.s32 $0xFFFFE800  }
0x110: {  	[tilespmem:s18], [sflag:$0x1] =	stream.indirect.gather [spmem:s2], $0x40, s5, s17, $0xb8;
	[tilespmem:$0x1F400] =	vst v63  }
0x111: {  	_ =	swait.ge [sflag:s31], $0x1800  }
0x112: {  	[sflag:s31] =	ssyncset.done $0x0  }
0x113: {  	s5 =	sadd.s32 $0x2C40, s25;
	[sflag:s31] =	ssyncadd.s32 $0xFFFFE800  }
0x114: {  	[spmem:s3] =	stream.indirect.scatter.add.f32 [tilespmem:s21], [sflag:$0x7], $0x40, s5, s17, $0xb8;
	[tilespmem:$0x1F400] =	vst v63  }
0x115: {  	_ =	swait.ge [sflag:s0], $0x1800  }
0x116: {  	[sflag:s0] =	ssyncset.done $0x0  }
.Ltmp1:
0x117: {  	s5 =	sadd.s32 $0x360, s25;
	[sflag:s0] =	ssyncadd.s32 $0xFFFFE800;
	(pc) =	sbr.rel @p0 .LBB2_4-.Ltmp1, $4  }
0x118: {  	[tilespmem:s19], [sflag:$0x2] =	stream.indirect.gather [spmem:s2], $0x40, s5, s17, $0xb8;
	[tilespmem:$0x1F400] =	vst v63  }
0x119: {  	_ =	swait.ge [sflag:s7], $0x1800  }
0x11a: {  	[sflag:s7] =	ssyncset.done $0x0  }
0x11b: {  	s25 =	sadd.s32 $0x2CA0, s25;
	[sflag:s7] =	ssyncadd.s32 $0xFFFFE800  }
0x11c: {  	[spmem:s3] =	stream.indirect.scatter.add.f32 [tilespmem:s24], [sflag:$0x8], $0x40, s25, s17, $0xb8;
	[tilespmem:$0x1F400] =	vst v63  }
0x11d: {  	_ =	swait.ge [sflag:s10], $0x1800  }
0x11e: {  	s1 =	sshra.s32 s1, $0x2;
	[sflag:s10] =	ssyncset.done $0x0  }
0x11f: {  	s5 =	sadd.s32 $0x240, s1;
	[sflag:s10] =	ssyncadd.s32 $0xFFFFE800  }
0x120: {  	[tilespmem:s21], [sflag:$0x3] =	stream.indirect.gather [spmem:s2], $0x40, s5, s17, $0xb8;
	[tilespmem:$0x1F400] =	vst v63  }
0x121: {  	_ =	swait.ge [sflag:s22], $0x1800  }
0x122: {  	[sflag:s22] =	ssyncset.done $0x0  }
0x123: {  	s25 =	sadd.s32 $0x2B80, s1;
	[sflag:s22] =	ssyncadd.s32 $0xFFFFE800  }
0x124: {  	[spmem:s3] =	stream.indirect.scatter.add.f32 [tilespmem:s18], [sflag:$0x5], $0x40, s25, s17, $0xb8;
	[tilespmem:$0x1F400] =	vst v63  }
0x125: {  	_ =	swait.ge [sflag:s11], $0x1800  }
0x126: {  	[sflag:s11] =	ssyncset.done $0x0  }
0x127: {  	[sflag:s11] =	ssyncadd.s32 $0xFFFFE800  }
0x128: {  	[tilespmem:s24], [sflag:$0x4] =	stream.indirect.gather [spmem:s2], $0x40, s20, s17, $0xb8;
	[tilespmem:$0x1F400] =	vst v63  }
0x129: {  	_ =	swait.ge [sflag:s26], $0x1800  }
0x12a: {  	[sflag:s26] =	ssyncset.done $0x0  }
0x12b: {  	s25 =	sadd.s32 $0x2BE0, s1;
	[sflag:s26] =	ssyncadd.s32 $0xFFFFE800  }
0x12c: {  	[spmem:s3] =	stream.indirect.scatter.add.f32 [tilespmem:s19], [sflag:$0x6], $0x40, s25, s17, $0xb8;
	[tilespmem:$0x1F400] =	vst v63  }
0x12d: {  	_ =	swait.ge [sflag:s29], $0x1800  }
0x12e: {  	[sflag:s29] =	ssyncset.done $0x0  }
0x12f: {  	[sflag:s29] =	ssyncadd.s32 $0xFFFFE800  }
0x130: {  	_ =	swait.ge [sflag:s31], $0x1800  }
0x131: {  	[sflag:s31] =	ssyncset.done $0x0  }
0x132: {  	s1 =	sadd.s32 $0x2C40, s1;
	[sflag:s31] =	ssyncadd.s32 $0xFFFFE800  }
0x133: {  	[spmem:s3] =	stream.indirect.scatter.add.f32 [tilespmem:s21], [sflag:$0x7], $0x40, s1, s17, $0xb8;
	[tilespmem:$0x1F400] =	vst v63  }
0x134: {  	_ =	swait.ge [sflag:s0], $0x1800  }
0x135: {  	[sflag:s0] =	ssyncset.done $0x0  }
0x136: {  	[sflag:s0] =	ssyncadd.s32 $0xFFFFE800  }
0x137: {  	_ =	swait.ge [sflag:s7], $0x1800  }
0x138: {  	[sflag:s7] =	ssyncset.done $0x0  }
0x139: {  	[sflag:s7] =	ssyncadd.s32 $0xFFFFE800  }
0x13a: {  	[spmem:s3] =	stream.indirect.scatter.add.f32 [tilespmem:s24], [sflag:$0x8], $0x40, s23, s17, $0xb8;
	[tilespmem:$0x1F400] =	vst v63  }
0x13b: {  	_ =	swait.ge [sflag:s10], $0x1800  }
0x13c: {  	[sflag:s10] =	ssyncset.done $0x0  }
0x13d: {  	[sflag:s10] =	ssyncadd.s32 $0xFFFFE800  }
0x13e: {  	_ =	swait.ge [sflag:s11], $0x1800  }
0x13f: {  	[sflag:s11] =	ssyncset.done $0x0  }
0x140: {  	[sflag:s11] =	ssyncadd.s32 $0xFFFFE800  }
0x141: {  	s25 =	sadd.s32 $0x14000, s30;
	[bflag:$0x0] =	sbarrier.arrive $0xFFFF  }
0x142: {  	[hbm:s25], [sflag:s14] =	dma.local [spmem:s16], $0x1400  }
0x143: {  	_ =	swait.ge [sflag:s12], $0x1400  }
0x144: {  	s28 =	sadd.s32 $0x1, s28;
	s30 =	rddreg [dreg:$0x8]  }
0x145: {  	p0 =	sne.s32 s28, s30  }
.Ltmp2:
0x146: {  	_ = 	snop;
	(pc) =	sbr.rel @p0 .LBB2_1-.Ltmp2, $3  }
0x147: {  	_ =	sdelay $0x1  }
0x148: {  	[sflag:s12] =	ssyncset.done $0x0  }
0x149: {  	s5 =	simm.s32 $0x2A60;
	[sflag:s12] =	ssyncadd.s32 $0xFFFFEC00  }
0x14a: {  	_ =	sfence.sel $0x180000  }
0x14b: {  	[bflag:$0x0] =	sbarrier.arrive $0xFFFF  }
0x14c: {  	_ =	strace $0x9000004A  }
0x14d: {  	s0 =	stileid.u32;
	[bflag:$0x2] =	sbarrier.arrive $0xFFFF  }
0x14e: {  	p0 =	sne.s32 s0, $0x0;
	s0 =	rddreg [dreg:$0x3]  }
0x14f: {  	s0 =	sadd.s32 @!p0 $0x100000, s0  }
0x150: {  	[sflag:s0] =	ssyncadd.tile.s32 @!p0 $0x1;
	_ =	shalt  }
.Lfunc_end2:
_tile_overlayer_lowered:
.L_overlay_start_2:
0x151: {  	(tag) =	ssettag $0x2  }
0x152: {  	s0 =	rddreg [dreg:$0x0];
	s2 =	stileid.u32  }
0x153: {  	s1 =	rddreg [dreg:$0x1];
	p0 =	sne.s32 s2, $0x0  }
0x154: {  	s3 =	rddreg [dreg:$0x2];
	[bflag:$0x3] =	sbarrier.arrive $0xFFFF;
	s2 =	simm.s32 @!p0 $0x1C09  }
0x155: {  	[timem:s3], [sflag:s2] =	dma.local @!p0 [hbm:s0], s1  }
0x156: {  	s0 =	simm.s32 @!p0 $0x9  }
0x157: {  	_ =	swait.ge @!p0 [sflag:s0], s1  }
0x158: {  	s1 =	ssub.s32 @!p0 $0x0, s1;
	[sflag:s0] =	ssyncset.done @!p0 $0x0  }
0x159: {  	[sflag:s0] =	ssyncadd.s32 @!p0 s1  }
0x15a: {  	[bflag:$0x3] =	sbarrier.arrive $0xFFFF  }
0x15b: {  	_ =	shalt  }

// kernel: kernel.17.cloned.1.call-start
scs
__scs_entry_jumppad:
0x0: {  	(pc) =	sbr.rel $0x88, $3  }
0x1: {  	(tag) =	ssettag $0x0;
	lr =	simm.s32 $0x1  }
0x2: {  	[smem:$0x3F93] =	sst lr;
	_ =	strace $0xD0000000  }
0x3: {  	_ = 	snop  }
0x4: {  	_ = 	snop  }
0x5: {  	_ = 	snop  }
0x6: {  	_ = 	snop  }
0x7: {  	_ = 	snop  }
__scs_overlays_trampoline_lowered:
0x8: {  	[smem:$0x3FA2] =	sst s0  }
0x9: {  	[smem:$0x3FA3] =	sst s1  }
0xa: {  	[smem:$0x3FA4] =	sst s2  }
0xb: {  	[smem:$0x3FA5] =	sst s3  }
0xc: {  	[smem:$0x3FA6] =	sst s4  }
0xd: {  	[smem:$0x3FA7] =	sst s5  }
0xe: {  	[smem:$0x3FA8] =	sst s6  }
0xf: {  	[smem:$0x3FA9] =	sst s7  }
0x10: {  	[smem:$0x3FAA] =	sst s8  }
0x11: {  	[smem:$0x3FAB] =	sst s9;
	s0 =	simm.s32 @!p0 $0x0  }
0x12: {  	s1 =	sld [smem:$0x3F91];
	s0 =	simm.s32 @p0 $0x1  }
0x13: {  	[smem:$0x3FAC] =	sst s0;
	s0 =	simm.s32 @!p1 $0x0  }
0x14: {  	s2 =	sld [smem:$0x3F90];
	s0 =	simm.s32 @p1 $0x1  }
0x15: {  	[smem:$0x3FAD] =	sst s0;
	s0 =	simm.s32 @!p2 $0x0  }
0x16: {  	s3 =	sld [smem:$0x3FDB];
	s0 =	simm.s32 @p2 $0x1  }
0x17: {  	s4 =	simm.s32 $0x1BF5;
	[smem:$0x3FAF] =	sst s0  }
0x18: {  	s0 =	sld [smem:$0x3F92];
	_ =	swait.ge [sflag:s4], $0x0  }
0x19: {  	s7 =	sld [smem:$0x3F93]  }
0x1a: {  	s8 =	sadd.s32 $0xFFFFE003, lr  }
0x1b: {  	s9 =	sadd.s32 $0xFFFFFEF7, lr;
	s5 =	simm.s32 $0xFFFFFFFF;
	p2 =	slt.u32 s8, $0xFFFFF086  }
0x1c: {  	p1 =	slt.u32 s9, $0xF7A;
	s5 =	simm.s32 @!p2 $0x0  }
0x1d: {  	s5 =	simm.s32 @p1 $0x1;
	p0 =	seq.s32 s7, s2  }
0x1e: {  	s7 =	smul.u32 @!p0 $0xF7A, s2;
	p2 =	seq.s32 @!p0 s5, $0x0  }
0x1f: {  	s9 =	smul.u32 $0xF7A, s1;
	s8 =	simm.s32 @!p0 $0x1BF5;
	p2 =	por !p2, p0  }
0x20: {  	[sflag:s8] =	ssyncset.s32 @!p0 $0xFFFFF086;
	s6 =	sadd.s32 @!p0 s3, s7;
	s7 =	simm.s32 @!p0 $0x108  }
0x21: {  	s3 =	sadd.s32 s3, s9;
	s6 =	sadd.s32 @!p0 $0x88, s6;
	s7 =	simm.s32 @p2 $0x1082  }
0x22: {  	[simem:s7], [sflag:s8] =	dma.local @!p0 [hbm:s6], $0xF7A  }
0x23: {  	s9 =	sor.u32 $0xD0000000, s2;
	s6 =	simm.s32 $0x108;
	_ =	swait.ge @!p0 [sflag:s8], $0x0  }
0x24: {  	s3 =	sadd.s32 $0x88, s3;
	s6 =	simm.s32 @!p1 $0x1082;
	[sflag:s4] =	ssyncset.s32 $0xFFFFF086  }
0x25: {  	[simem:s6], [sflag:s4] =	dma.local [hbm:s3], $0xF7A  }
0x26: {  	[smem:$0x3F93] =	sst s1;
	(tag) =	ssettag s2;
	_ =	strace s9  }
0x27: {  	s1 =	sld [smem:$0x3FA3]  }
0x28: {  	s2 =	sld [smem:$0x3FA4]  }
0x29: {  	s4 =	sld [smem:$0x3FA6]  }
0x2a: {  	p0 =	seq.s32 s5, $0x0;
	s5 =	sld [smem:$0x3FA7]  }
0x2b: {  	s6 =	sld [smem:$0x3FA8]  }
0x2c: {  	s7 =	sld [smem:$0x3FA9]  }
0x2d: {  	s3 =	simm.s32 $0x108;
	s8 =	sld [smem:$0x3FAA]  }
0x2e: {  	s3 =	simm.s32 @!p0 $0x1082;
	s9 =	sld [smem:$0x3FAB]  }
0x2f: {  	lr =	sadd.s32 s0, s3;
	s0 =	sld [smem:$0x3FA2]  }
0x30: {  	s3 =	sld [smem:$0x3FA5]  }
0x31: {  	[smem:$0x3FAE] =	sst s10  }
0x32: {  	s10 =	sld [smem:$0x3FAC];
	_ =	sdelay $0x3  }
0x33: {  	p0 =	seq.s32 s10, $0x1;
	s10 =	sld [smem:$0x3FAE];
	_ =	sdelay $0x3  }
0x34: {  	[smem:$0x3FAE] =	sst s10  }
0x35: {  	s10 =	sld [smem:$0x3FAD];
	_ =	sdelay $0x3  }
0x36: {  	p1 =	seq.s32 s10, $0x1;
	s10 =	sld [smem:$0x3FAE];
	_ =	sdelay $0x3  }
0x37: {  	[smem:$0x3FAE] =	sst s10  }
0x38: {  	s10 =	sld [smem:$0x3FAF]  }
0x39: {  	_ = 	snop;
	(pc) =	sbr.ind lr, $3  }
0x3a: {  	_ = 	snop  }
0x3b: {  	_ = 	snop  }
0x3c: {  	p2 =	seq.s32 s10, $0x1;
	s10 =	sld [smem:$0x3FAE]  }
0x3d: {  	_ =	shalt  }
0x3e: {  	_ =	shalt  }
0x3f: {  	_ =	shalt  }
0x40: {  	_ =	shalt  }
0x41: {  	_ =	shalt  }
0x42: {  	_ =	shalt  }
0x43: {  	_ =	shalt  }
0x44: {  	_ =	shalt  }
0x45: {  	_ =	shalt  }
0x46: {  	_ =	shalt  }
0x47: {  	_ =	shalt  }
0x48: {  	_ =	shalt  }
0x49: {  	_ =	shalt  }
0x4a: {  	_ =	shalt  }
0x4b: {  	_ =	shalt  }
0x4c: {  	_ =	shalt  }
0x4d: {  	_ =	shalt  }
0x4e: {  	_ =	shalt  }
0x4f: {  	_ =	shalt  }
0x50: {  	_ =	shalt  }
0x51: {  	_ =	shalt  }
0x52: {  	_ =	shalt  }
0x53: {  	_ =	shalt  }
0x54: {  	_ =	shalt  }
0x55: {  	_ =	shalt  }
0x56: {  	_ =	shalt  }
0x57: {  	_ =	shalt  }
0x58: {  	_ =	shalt  }
0x59: {  	_ =	shalt  }
0x5a: {  	_ =	shalt  }
0x5b: {  	_ =	shalt  }
0x5c: {  	_ =	shalt  }
0x5d: {  	_ =	shalt  }
0x5e: {  	_ =	shalt  }
0x5f: {  	_ =	shalt  }
0x60: {  	_ =	shalt  }
0x61: {  	_ =	shalt  }
0x62: {  	_ =	shalt  }
0x63: {  	_ =	shalt  }
0x64: {  	_ =	shalt  }
0x65: {  	_ =	shalt  }
0x66: {  	_ =	shalt  }
0x67: {  	_ =	shalt  }
0x68: {  	_ =	shalt  }
0x69: {  	_ =	shalt  }
0x6a: {  	_ =	shalt  }
0x6b: {  	_ =	shalt  }
0x6c: {  	_ =	shalt  }
0x6d: {  	_ =	shalt  }
0x6e: {  	_ =	shalt  }
0x6f: {  	_ =	shalt  }
0x70: {  	_ =	shalt  }
0x71: {  	_ =	shalt  }
0x72: {  	_ =	shalt  }
0x73: {  	_ =	shalt  }
0x74: {  	_ =	shalt  }
0x75: {  	_ =	shalt  }
0x76: {  	_ =	shalt  }
0x77: {  	_ =	shalt  }
0x78: {  	_ =	shalt  }
0x79: {  	_ =	shalt  }
0x7a: {  	_ =	shalt  }
0x7b: {  	_ =	shalt  }
0x7c: {  	_ =	shalt  }
0x7d: {  	_ =	shalt  }
0x7e: {  	_ =	shalt  }
0x7f: {  	_ =	shalt  }
0x80: {  	_ =	shalt  }
0x81: {  	_ =	shalt  }
0x82: {  	_ =	shalt  }
0x83: {  	_ =	shalt  }
0x84: {  	_ =	shalt  }
0x85: {  	_ =	shalt  }
0x86: {  	_ =	shalt  }
0x87: {  	_ =	shalt  }
.Lfunc_end0:
.L_simem_size_0:
called_computation.2_lowered:
.L_overlay_start_0:
0x88: {  	s2 =	sld [smem:$0x3FD9]  }
0x89: {  	s3 =	sld [smem:$0x3FFE];
	_ =	sdelay $0x1  }
0x8a: {  	s1 =	srdreg.scid  }
0x8b: {  	s0 =	sand.u32 $0x1, s1  }
0x8c: {  	s16 =	sshll.u32 s0, $0xA;
	s2 =	sadd.s32 s3, s2  }
0x8d: {  	s2 =	sadd.s32 s2, s16  }
0x8e: {  	[smem:$0x3FBA] =	sst s2  }
0x8f: {  	_ = 	snop  }
0x90: {  	(tm) =	ssettm $0x1  }
0x91: {  	s17 =	sld [smem:$0x3FFB];
	_ =	sdelay $0x3  }
0x92: {  	_ =	strace s17  }
0x93: {  	s2 =	sld [smem:$0x3FFC];
	_ =	sdelay $0x3  }
0x94: {  	_ =	strace s2  }
0x95: {  	s2 =	sld [smem:$0x3FFD];
	_ =	sdelay $0x3  }
0x96: {  	_ =	strace s2  }
0x97: {  	_ =	strace $0x8FFFFFFF  }
0x98: {  	s18 =	sld [smem:$0x3FDB];
	_ =	sdelay $0x1  }
0x99: {  	s19 =	simm.s32 $_scs_section_size  }
0x9a: {  	s4 =	simm.s32 $_size__tile_overlayer_lowered;
	s5 =	simm.s32 $_tile_overlayer_lowered  }
0x9b: {  	s22 =	simm.s32 $0x1BFF;
	s21 =	sshll.u32 s5, $0x1;
	s2 =	sadd.s32 s19, s18  }
0x9c: {  	s6 =	simm.s32 $0x0;
	s20 =	sshll.u32 s4, $0x1;
	s4 =	sadd.s32 s21, s2  }
0x9d: {  	[timem:s6], [sflag:s22] =	dma.local [hbm:s4], s20  }
0x9e: {  	_ =	swait.ge [sflag:s22], s20  }
0x9f: {  	s3 =	ssub.s32 $0x0, s20;
	[sflag:s22] =	ssyncset.done $0x0  }
0xa0: {  	[sflag:s22] =	ssyncadd.s32 s3;
	_ =	sdelay $0x1  }
0xa1: {  	s23 =	simm.s32 $0x1B8B  }
0xa2: {  	_ =	swait.ge [sflag:s23], $0x1  }
0xa3: {  	[sflag:s23] =	ssyncset.done $0x0  }
0xa4: {  	s25 =	simm.s32 $0x1B8E;
	s24 =	sld [smem:$0x3FFE];
	[sflag:s23] =	ssyncadd.s32 $0xFFFFFFFF  }
0xa5: {  	s26 =	simm.s32 $execute0_lowered;
	[smem:$0x3FD2] =	sst s25  }
0xa6: {  	s4 =	sshll.u32 s26, $0x1;
	_ =	strace $0x8000004C;
	[dreg:$0x1] =	wrdreg $0xFFFFFFFF  }
0xa7: {  	s28 =	simm.s32 $_size_execute0_lowered;
	s2 =	sadd.s32 s2, s4;
	[dreg:$0x0] =	wrdreg $0x0  }
0xa8: {  	s4 =	sshll.u32 s28, $0x1;
	[dreg:$0x2] =	wrdreg s2  }
0xa9: {  	[dreg:$0x3] =	wrdreg s4  }
0xaa: {  	[dreg:$0x4] =	wrdreg $0xC0  }
0xab: {  	_ =	task [dreg:s6], $0x5FFFF  }
0xac: {  	[dreg:$0x1] =	wrdreg $0xFFFFFFFF  }
0xad: {  	[dreg:$0x0] =	wrdreg $0x60  }
0xae: {  	[dreg:$0x2] =	wrdreg s24  }
0xaf: {  	[dreg:$0x3] =	wrdreg $0x154000  }
0xb0: {  	[dreg:$0x4] =	wrdreg $0xB4000  }
0xb1: {  	[dreg:$0x5] =	wrdreg $0x9  }
0xb2: {  	_ =	task.clear_ibuf [dreg:s6], $0x6FFFF;
	_ =	strace $0x9000004C  }
0xb3: {  	s29 =	simm.s32 $0x9;
	_ =	strace $0x8000004E  }
0xb4: {  	_ =	swait.ge [sflag:s29], $0x1  }
0xb5: {  	[sflag:s29] =	ssyncadd.s32 $0xFFFFFFFF  }
0xb6: {  	_ =	strace $0x9000004E  }
0xb7: {  	_ =	sfence  }
0xb8: {  	s30 =	sld [smem:$0x0];
	_ =	sdelay $0x2  }
0xb9: {  	s31 =	sshll.u32 s1, $0xD;
	s1 =	sshrl.u32 s1, $0x2  }
0xba: {  	s3 =	sand.u32 $0x4000, s31;
	s1 =	sadd.s32 s1, s30  }
0xbb: {  	s0 =	sor.u32 s3, s0;
	s1 =	sshll.u32 s1, $0x11  }
0xbc: {  	s0 =	sor.u32 s1, s0  }
0xbd: {  	s0 =	sadd.s32 $0x8F2B, s0  }
0xbe: {  	[sflag:s0] =	ssyncadd.remote.s32 $0x1  }
0xbf: {  	_ =	sfence.sel $0xFFFF  }
0xc0: {  	[dreg:$0x0] =	wrdreg $0xFFFFFFFF;
	(pc) =	sbr.abs _section_cstart, $3  }
0xc1: {  	[dreg:$0x1] =	wrdreg $0xFFFFFFFF  }
0xc2: {  	_ =	task.clear_ibuf [dreg:s6], $0x2FFFF;
	_ =	strace $0x9FFFFFFF  }
0xc3: {  	(tm) =	ssettm $0x7FFFFFFF  }
tec
execute0_lowered:
.L_overlay_start_1:
0x0: {  	(tag) =	ssettag $0x1  }
0x1: {  	s1 =	rddreg [dreg:$0x0]  }
0x2: {  	s0 =	srdreg.scid;
	s2 =	rddreg [dreg:$0x1]  }
0x3: {  	s11 =	stileid.u32;
	s3 =	rddreg [dreg:$0x2]  }
0x4: {  	s12 =	simm.s32 $0x9;
	s13 =	simm.s32 $0x2A00;
	s17 =	simm.s32 $0x60  }
0x5: {  	s18 =	simm.s32 $0x5400;
	s19 =	simm.s32 $0x6C00;
	s21 =	simm.s32 $0x8400  }
0x6: {  	s22 =	simm.s32 $0x1;
	s29 =	simm.s32 $0x5;
	s31 =	simm.s32 $0x3  }
0x7: {  	s28 =	simm.s32 $0x0;
	s0 =	sand.u32 $0x1, s0;
	s6 =	smul.u32 $0xA000, s11  }
0x8: {  	s26 =	sshll.u32 s11, $0x6;
	s4 =	sshll.u32 s0, $0x4;
	s7 =	smul.u32 $0x28000, s0  }
0x9: {  	s0 =	ssub.s32 $0x2, s0;
	s14 =	sor.u32 $0x1C09, s26;
	s26 =	simm.s32 $0x2  }
0xa: {  	s5 =	sor.u32 s11, s4;
	s4 =	simm.s32 $0x0;
	s20 =	sshrl.u32 s6, $0x3  }
0xb: {  	s9 =	sshrl.u32 s0, $0x1;
	s24 =	sadd.s32 s6, s2;
	s6 =	sadd.s32 s6, s3  }
0xc: {  	s11 =	simm.s32 $0x8;
	s5 =	smul.u32 $0x540, s5;
	[smem:$0x7FF] =	sst s4  }
0xd: {  	s10 =	sadd.s32 s20, s1;
	s7 =	sadd.s32 s7, s1;
	s0 =	ssub.s32 s0, s9  }
0xe: {  	s15 =	sshrl.u32 s24, $0x3;
	s16 =	sshrl.u32 s6, $0x3;
	s24 =	simm.s32 $0x9C00  }
0xf: {  	s6 =	smov.u32 s20;
	_ =	strace $0x8000004D;
	s25 =	sadd.s32 $0x21600, s10  }
0x10: {  	s9 =	sadd.s32 $0xD600, s10;
	s7 =	sadd.s32 $0xA4200, s7;
	[dreg:$0x6] =	wrdreg s25  }
0x11: {  	s0 =	smax.u32 s0, $0x1;
	s10 =	simm.s32 $0x7;
	[dreg:$0x7] =	wrdreg s7  }
0x12: {  	s8 =	sadd.s32 s5, s1;
	s1 =	sadd.s32 $0x35600, s1;
	[dreg:$0x8] =	wrdreg s0  }
0x13: {  	s5 =	simm.s32 $0x2A60;
	s0 =	simm.s32 $0x6;
	s23 =	sadd.s32 $0x49A00, s8  }
0x14: {  	s7 =	simm.s32 $0x4;
	s8 =	sadd.s32 $0x2E00, s8;
	[dreg:$0x4] =	wrdreg s23  }
0x15: {  	s30 =	sadd.s32 s20, s1;
	s20 =	simm.s32 $0x29A0;
	[dreg:$0x5] =	wrdreg s8  }
0x16: {  	[dreg:$0x9] =	wrdreg s30;
	s8 =	simm.s32 $0x2B20;
	s23 =	simm.s32 $0x53A0  }
.LBB2_1:
0x17: {  	s1 =	rddreg [dreg:$0x4]  }
0x18: {  	[tilespmem:s4], [sflag:$0x9] =	stream.linear.gather [hbm4b:s1+s4], $0x2A00, $0x38;
	[tilespmem:$0x1F400] =	vst v63  }
0x19: {  	_ =	swait.ge [sflag:s12], $0x2A00  }
0x1a: {  	[sflag:s12] =	ssyncset.done $0x0  }
0x1b: {  	s25 =	rddreg [dreg:$0x5];
	[sflag:s12] =	ssyncadd.s32 $0xFFFFD600  }
0x1c: {  	[tilespmem:s13], [sflag:$0x9] =	stream.linear.gather [hbm4b:s25+s4], $0x2A00, $0x38;
	[tilespmem:$0x1F400] =	vst v63  }
0x1d: {  	_ =	swait.ge [sflag:s12], $0x2A00  }
0x1e: {  	[sflag:s12] =	ssyncset.done $0x0  }
0x1f: {  	s25 =	rddreg [dreg:$0x6];
	[sflag:s12] =	ssyncadd.s32 $0xFFFFD600  }
0x20: {  	[spmem:s15], [sflag:s14] =	dma.local [hbm:s25], $0x1400  }
0x21: {  	_ =	swait.ge [sflag:s12], $0x1400  }
0x22: {  	[sflag:s12] =	ssyncset.done $0x0  }
0x23: {  	[sflag:s12] =	ssyncadd.s32 $0xFFFFEC00  }
0x24: {  	[spmem:s16], [sflag:s14] =	dma.local [hbm:s9], $0x1400  }
0x25: {  	_ =	swait.ge [sflag:s12], $0x1400  }
0x26: {  	[sflag:s12] =	ssyncset.done $0x0  }
0x27: {  	[sflag:s12] =	ssyncadd.s32 $0xFFFFEC00  }
0x28: {  	[bflag:$0x0] =	sbarrier.arrive $0xFFFF  }
0x29: {  	[tilespmem:s18], [sflag:$0x1] =	stream.indirect.gather [spmem:s2], $0x40, s4, s17, $0xb8;
	[tilespmem:$0x1F400] =	vst v63  }
0x2a: {  	_ = 	snop  }
0x2b: {  	[tilespmem:s19], [sflag:$0x2] =	stream.indirect.gather [spmem:s2], $0x40, s17, s17, $0xb8;
	[tilespmem:$0x1F400] =	vst v63  }
0x2c: {  	s25 =	simm.s32 $0xC0  }
0x2d: {  	[tilespmem:s21], [sflag:$0x3] =	stream.indirect.gather [spmem:s2], $0x40, s25, s17, $0xb8;
	[tilespmem:$0x1F400] =	vst v63  }
0x2e: {  	_ =	swait.ge [sflag:s22], $0x1800  }
0x2f: {  	[sflag:s22] =	ssyncset.done $0x0  }
0x30: {  	[sflag:s22] =	ssyncadd.s32 $0xFFFFE800  }
0x31: {  	[spmem:s3] =	stream.indirect.scatter.add.f32 [tilespmem:s18], [sflag:$0x5], $0x40, s13, s17, $0xb8;
	[tilespmem:$0x1F400] =	vst v63  }
0x32: {  	s25 =	simm.s32 $0x120  }
0x33: {  	[tilespmem:s24], [sflag:$0x4] =	stream.indirect.gather [spmem:s2], $0x40, s25, s17, $0xb8;
	[tilespmem:$0x1F400] =	vst v63  }
0x34: {  	_ =	swait.ge [sflag:s26], $0x1800  }
0x35: {  	[sflag:s26] =	ssyncset.done $0x0  }
0x36: {  	[sflag:s26] =	ssyncadd.s32 $0xFFFFE800  }
0x37: {  	[spmem:s3] =	stream.indirect.scatter.add.f32 [tilespmem:s19], [sflag:$0x6], $0x40, s5, s17, $0xb8;
	[tilespmem:$0x1F400] =	vst v63  }
0x38: {  	_ =	swait.ge [sflag:s29], $0x1800  }
0x39: {  	[sflag:s29] =	ssyncset.done $0x0  }
0x3a: {  	s25 =	simm.s32 $0x180;
	[sflag:s29] =	ssyncadd.s32 $0xFFFFE800  }
0x3b: {  	[tilespmem:s18], [sflag:$0x1] =	stream.indirect.gather [spmem:s2], $0x40, s25, s17, $0xb8;
	[tilespmem:$0x1F400] =	vst v63  }
0x3c: {  	_ =	swait.ge [sflag:s31], $0x1800  }
0x3d: {  	[sflag:s31] =	ssyncset.done $0x0  }
0x3e: {  	s25 =	simm.s32 $0x2AC0;
	[sflag:s31] =	ssyncadd.s32 $0xFFFFE800  }
0x3f: {  	[spmem:s3] =	stream.indirect.scatter.add.f32 [tilespmem:s21], [sflag:$0x7], $0x40, s25, s17, $0xb8;
	[tilespmem:$0x1F400] =	vst v63  }
0x40: {  	_ =	swait.ge [sflag:s0], $0x1800  }
0x41: {  	[sflag:s0] =	ssyncset.done $0x0  }
0x42: {  	s25 =	simm.s32 $0x1E0;
	[sflag:s0] =	ssyncadd.s32 $0xFFFFE800  }
0x43: {  	[tilespmem:s19], [sflag:$0x2] =	stream.indirect.gather [spmem:s2], $0x40, s25, s17, $0xb8;
	[tilespmem:$0x1F400] =	vst v63  }
0x44: {  	_ =	swait.ge [sflag:s7], $0x1800  }
0x45: {  	[sflag:s7] =	ssyncset.done $0x0  }
0x46: {  	[sflag:s7] =	ssyncadd.s32 $0xFFFFE800  }
0x47: {  	[spmem:s3] =	stream.indirect.scatter.add.f32 [tilespmem:s24], [sflag:$0x8], $0x40, s8, s17, $0xb8;
	[tilespmem:$0x1F400] =	vst v63  }
0x48: {  	_ =	swait.ge [sflag:s10], $0x1800  }
0x49: {  	[sflag:s10] =	ssyncset.done $0x0  }
0x4a: {  	s25 =	simm.s32 $0x240;
	[sflag:s10] =	ssyncadd.s32 $0xFFFFE800  }
0x4b: {  	[tilespmem:s21], [sflag:$0x3] =	stream.indirect.gather [spmem:s2], $0x40, s25, s17, $0xb8;
	[tilespmem:$0x1F400] =	vst v63  }
0x4c: {  	_ =	swait.ge [sflag:s22], $0x1800  }
0x4d: {  	[sflag:s22] =	ssyncset.done $0x0  }
0x4e: {  	s25 =	simm.s32 $0x2B80;
	[sflag:s22] =	ssyncadd.s32 $0xFFFFE800  }
0x4f: {  	[spmem:s3] =	stream.indirect.scatter.add.f32 [tilespmem:s18], [sflag:$0x5], $0x40, s25, s17, $0xb8;
	[tilespmem:$0x1F400] =	vst v63  }
0x50: {  	_ =	swait.ge [sflag:s11], $0x1800  }
0x51: {  	[sflag:s11] =	ssyncset.done $0x0  }
0x52: {  	s25 =	simm.s32 $0x2A0;
	[sflag:s11] =	ssyncadd.s32 $0xFFFFE800  }
0x53: {  	[tilespmem:s24], [sflag:$0x4] =	stream.indirect.gather [spmem:s2], $0x40, s25, s17, $0xb8;
	[tilespmem:$0x1F400] =	vst v63  }
0x54: {  	_ =	swait.ge [sflag:s26], $0x1800  }
0x55: {  	[sflag:s26] =	ssyncset.done $0x0  }
0x56: {  	s25 =	simm.s32 $0x2BE0;
	[sflag:s26] =	ssyncadd.s32 $0xFFFFE800  }
0x57: {  	[spmem:s3] =	stream.indirect.scatter.add.f32 [tilespmem:s19], [sflag:$0x6], $0x40, s25, s17, $0xb8;
	[tilespmem:$0x1F400] =	vst v63  }
0x58: {  	_ =	swait.ge [sflag:s29], $0x1800  }
0x59: {  	[sflag:s29] =	ssyncset.done $0x0  }
0x5a: {  	s25 =	simm.s32 $0x300;
	[sflag:s29] =	ssyncadd.s32 $0xFFFFE800  }
0x5b: {  	[tilespmem:s18], [sflag:$0x1] =	stream.indirect.gather [spmem:s2], $0x40, s25, s17, $0xb8;
	[tilespmem:$0x1F400] =	vst v63  }
0x5c: {  	_ =	swait.ge [sflag:s31], $0x1800  }
0x5d: {  	[sflag:s31] =	ssyncset.done $0x0  }
0x5e: {  	s25 =	simm.s32 $0x2C40;
	[sflag:s31] =	ssyncadd.s32 $0xFFFFE800  }
0x5f: {  	[spmem:s3] =	stream.indirect.scatter.add.f32 [tilespmem:s21], [sflag:$0x7], $0x40, s25, s17, $0xb8;
	[tilespmem:$0x1F400] =	vst v63  }
0x60: {  	_ =	swait.ge [sflag:s0], $0x1800  }
0x61: {  	[sflag:s0] =	ssyncset.done $0x0  }
0x62: {  	s25 =	simm.s32 $0x360;
	[sflag:s0] =	ssyncadd.s32 $0xFFFFE800  }
0x63: {  	[tilespmem:s19], [sflag:$0x2] =	stream.indirect.gather [spmem:s2], $0x40, s25, s17, $0xb8;
	[tilespmem:$0x1F400] =	vst v63  }
0x64: {  	_ =	swait.ge [sflag:s7], $0x1800  }
0x65: {  	[sflag:s7] =	ssyncset.done $0x0  }
0x66: {  	s30 =	simm.s32 $0x600;
	s1 =	simm.s32 $0x2CA0;
	[sflag:s7] =	ssyncadd.s32 $0xFFFFE800  }
.LBB2_2:
0x67: {  	[spmem:s3] =	stream.indirect.scatter.add.f32 [tilespmem:s24], [sflag:$0x8], $0x40, s1, s17, $0xb8;
	[tilespmem:$0x1F400] =	vst v63  }
0x68: {  	s1 =	smov.u32 s30;
	s30 =	sadd.s32 $0x600, s30;
	_ =	swait.ge [sflag:s10], $0x1800  }
0x69: {  	s1 =	sshra.s32 s1, $0x2;
	p0 =	sne.s32 s30, $0x9C00;
	[sflag:s10] =	ssyncset.done $0x0  }
0x6a: {  	s25 =	sadd.s32 $0x240, s1;
	[sflag:s10] =	ssyncadd.s32 $0xFFFFE800  }
0x6b: {  	[tilespmem:s21], [sflag:$0x3] =	stream.indirect.gather [spmem:s2], $0x40, s25, s17, $0xb8;
	[tilespmem:$0x1F400] =	vst v63  }
0x6c: {  	_ =	swait.ge [sflag:s22], $0x1800  }
0x6d: {  	[sflag:s22] =	ssyncset.done $0x0  }
0x6e: {  	s25 =	sadd.s32 $0x2B80, s1;
	[sflag:s22] =	ssyncadd.s32 $0xFFFFE800  }
0x6f: {  	[spmem:s3] =	stream.indirect.scatter.add.f32 [tilespmem:s18], [sflag:$0x5], $0x40, s25, s17, $0xb8;
	[tilespmem:$0x1F400] =	vst v63  }
0x70: {  	_ =	swait.ge [sflag:s11], $0x1800  }
0x71: {  	[sflag:s11] =	ssyncset.done $0x0  }
0x72: {  	s25 =	sadd.s32 $0x2A0, s1;
	[sflag:s11] =	ssyncadd.s32 $0xFFFFE800  }
0x73: {  	[tilespmem:s24], [sflag:$0x4] =	stream.indirect.gather [spmem:s2], $0x40, s25, s17, $0xb8;
	[tilespmem:$0x1F400] =	vst v63  }
0x74: {  	_ =	swait.ge [sflag:s26], $0x1800  }
0x75: {  	[sflag:s26] =	ssyncset.done $0x0  }
0x76: {  	s25 =	sadd.s32 $0x2BE0, s1;
	[sflag:s26] =	ssyncadd.s32 $0xFFFFE800  }
0x77: {  	[spmem:s3] =	stream.indirect.scatter.add.f32 [tilespmem:s19], [sflag:$0x6], $0x40, s25, s17, $0xb8;
	[tilespmem:$0x1F400] =	vst v63  }
0x78: {  	_ =	swait.ge [sflag:s29], $0x1800  }
0x79: {  	[sflag:s29] =	ssyncset.done $0x0  }
0x7a: {  	s25 =	sadd.s32 $0x300, s1;
	[sflag:s29] =	ssyncadd.s32 $0xFFFFE800  }
0x7b: {  	[tilespmem:s18], [sflag:$0x1] =	stream.indirect.gather [spmem:s2], $0x40, s25, s17, $0xb8;
	[tilespmem:$0x1F400] =	vst v63  }
0x7c: {  	_ =	swait.ge [sflag:s31], $0x1800  }
0x7d: {  	[sflag:s31] =	ssyncset.done $0x0  }
0x7e: {  	s25 =	sadd.s32 $0x2C40, s1;
	[sflag:s31] =	ssyncadd.s32 $0xFFFFE800  }
0x7f: {  	[spmem:s3] =	stream.indirect.scatter.add.f32 [tilespmem:s21], [sflag:$0x7], $0x40, s25, s17, $0xb8;
	[tilespmem:$0x1F400] =	vst v63  }
0x80: {  	_ =	swait.ge [sflag:s0], $0x1800  }
0x81: {  	[sflag:s0] =	ssyncset.done $0x0  }
.Ltmp0:
0x82: {  	s25 =	sadd.s32 $0x360, s1;
	[sflag:s0] =	ssyncadd.s32 $0xFFFFE800;
	(pc) =	sbr.rel @p0 .LBB2_2-.Ltmp0, $4  }
0x83: {  	[tilespmem:s19], [sflag:$0x2] =	stream.indirect.gather [spmem:s2], $0x40, s25, s17, $0xb8;
	[tilespmem:$0x1F400] =	vst v63  }
0x84: {  	_ =	swait.ge [sflag:s7], $0x1800  }
0x85: {  	[sflag:s7] =	ssyncset.done $0x0  }
0x86: {  	s1 =	sadd.s32 $0x2CA0, s1;
	[sflag:s7] =	ssyncadd.s32 $0xFFFFE800  }
0x87: {  	[spmem:s3] =	stream.indirect.scatter.add.f32 [tilespmem:s24], [sflag:$0x8], $0x40, s1, s17, $0xb8;
	[tilespmem:$0x1F400] =	vst v63  }
0x88: {  	_ =	swait.ge [sflag:s10], $0x1800  }
0x89: {  	s1 =	sshra.s32 s30, $0x2;
	[sflag:s10] =	ssyncset.done $0x0  }
0x8a: {  	s25 =	sadd.s32 $0x240, s1;
	[sflag:s10] =	ssyncadd.s32 $0xFFFFE800  }
0x8b: {  	[tilespmem:s21], [sflag:$0x3] =	stream.indirect.gather [spmem:s2], $0x40, s25, s17, $0xb8;
	[tilespmem:$0x1F400] =	vst v63  }
0x8c: {  	_ =	swait.ge [sflag:s22], $0x1800  }
0x8d: {  	[sflag:s22] =	ssyncset.done $0x0  }
0x8e: {  	s25 =	sadd.s32 $0x2B80, s1;
	[sflag:s22] =	ssyncadd.s32 $0xFFFFE800  }
0x8f: {  	[spmem:s3] =	stream.indirect.scatter.add.f32 [tilespmem:s18], [sflag:$0x5], $0x40, s25, s17, $0xb8;
	[tilespmem:$0x1F400] =	vst v63  }
0x90: {  	_ =	swait.ge [sflag:s11], $0x1800  }
0x91: {  	[sflag:s11] =	ssyncset.done $0x0  }
0x92: {  	[sflag:s11] =	ssyncadd.s32 $0xFFFFE800  }
0x93: {  	[tilespmem:s24], [sflag:$0x4] =	stream.indirect.gather [spmem:s2], $0x40, s20, s17, $0xb8;
	[tilespmem:$0x1F400] =	vst v63  }
0x94: {  	_ =	swait.ge [sflag:s26], $0x1800  }
0x95: {  	[sflag:s26] =	ssyncset.done $0x0  }
0x96: {  	s25 =	sadd.s32 $0x2BE0, s1;
	[sflag:s26] =	ssyncadd.s32 $0xFFFFE800  }
0x97: {  	[spmem:s3] =	stream.indirect.scatter.add.f32 [tilespmem:s19], [sflag:$0x6], $0x40, s25, s17, $0xb8;
	[tilespmem:$0x1F400] =	vst v63  }
0x98: {  	_ =	swait.ge [sflag:s29], $0x1800  }
0x99: {  	[sflag:s29] =	ssyncset.done $0x0  }
0x9a: {  	[sflag:s29] =	ssyncadd.s32 $0xFFFFE800  }
0x9b: {  	_ =	swait.ge [sflag:s31], $0x1800  }
0x9c: {  	[sflag:s31] =	ssyncset.done $0x0  }
0x9d: {  	s1 =	sadd.s32 $0x2C40, s1;
	[sflag:s31] =	ssyncadd.s32 $0xFFFFE800  }
0x9e: {  	[spmem:s3] =	stream.indirect.scatter.add.f32 [tilespmem:s21], [sflag:$0x7], $0x40, s1, s17, $0xb8;
	[tilespmem:$0x1F400] =	vst v63  }
0x9f: {  	_ =	swait.ge [sflag:s0], $0x1800  }
0xa0: {  	[sflag:s0] =	ssyncset.done $0x0  }
0xa1: {  	[sflag:s0] =	ssyncadd.s32 $0xFFFFE800  }
0xa2: {  	_ =	swait.ge [sflag:s7], $0x1800  }
0xa3: {  	[sflag:s7] =	ssyncset.done $0x0  }
0xa4: {  	[sflag:s7] =	ssyncadd.s32 $0xFFFFE800  }
0xa5: {  	[spmem:s3] =	stream.indirect.scatter.add.f32 [tilespmem:s24], [sflag:$0x8], $0x40, s23, s17, $0xb8;
	[tilespmem:$0x1F400] =	vst v63  }
0xa6: {  	_ =	swait.ge [sflag:s10], $0x1800  }
0xa7: {  	[sflag:s10] =	ssyncset.done $0x0  }
0xa8: {  	[sflag:s10] =	ssyncadd.s32 $0xFFFFE800  }
0xa9: {  	_ =	swait.ge [sflag:s11], $0x1800  }
0xaa: {  	[sflag:s11] =	ssyncset.done $0x0  }
0xab: {  	[sflag:s11] =	ssyncadd.s32 $0xFFFFE800  }
0xac: {  	[bflag:$0x0] =	sbarrier.arrive $0xFFFF  }
0xad: {  	s25 =	rddreg [dreg:$0x7]  }
0xae: {  	s30 =	sadd.s32 s6, s25  }
0xaf: {  	[hbm:s30], [sflag:s14] =	dma.local [spmem:s16], $0x1400  }
0xb0: {  	_ =	swait.ge [sflag:s12], $0x1400  }
0xb1: {  	[sflag:s12] =	ssyncset.done $0x0  }
0xb2: {  	[sflag:s12] =	ssyncadd.s32 $0xFFFFEC00  }
0xb3: {  	[bflag:$0x0] =	sbarrier.arrive $0xFFFF  }
0xb4: {  	s25 =	rddreg [dreg:$0x9]  }
0xb5: {  	[spmem:s15], [sflag:s14] =	dma.local [hbm:s25], $0x1400  }
0xb6: {  	_ =	swait.ge [sflag:s12], $0x1400  }
0xb7: {  	[sflag:s12] =	ssyncset.done $0x0  }
0xb8: {  	[sflag:s12] =	ssyncadd.s32 $0xFFFFEC00  }
0xb9: {  	[spmem:s16], [sflag:s14] =	dma.local [hbm:s9], $0x1400  }
0xba: {  	_ =	swait.ge [sflag:s12], $0x1400  }
0xbb: {  	[sflag:s12] =	ssyncset.done $0x0  }
0xbc: {  	[sflag:s12] =	ssyncadd.s32 $0xFFFFEC00  }
0xbd: {  	s25 =	simm.s32 $0x0;
	[bflag:$0x0] =	sbarrier.arrive $0xFFFF  }
0xbe: {  	[tilespmem:s18], [sflag:$0x1] =	stream.indirect.gather [spmem:s2], $0x40, s25, s17, $0xb8;
	[tilespmem:$0x1F400] =	vst v63  }
0xbf: {  	_ = 	snop  }
0xc0: {  	[tilespmem:s19], [sflag:$0x2] =	stream.indirect.gather [spmem:s2], $0x40, s17, s17, $0xb8;
	[tilespmem:$0x1F400] =	vst v63  }
0xc1: {  	s25 =	simm.s32 $0xC0  }
0xc2: {  	[tilespmem:s21], [sflag:$0x3] =	stream.indirect.gather [spmem:s2], $0x40, s25, s17, $0xb8;
	[tilespmem:$0x1F400] =	vst v63  }
0xc3: {  	_ =	swait.ge [sflag:s22], $0x1800  }
0xc4: {  	[sflag:s22] =	ssyncset.done $0x0  }
0xc5: {  	[sflag:s22] =	ssyncadd.s32 $0xFFFFE800  }
0xc6: {  	[spmem:s3] =	stream.indirect.scatter.add.f32 [tilespmem:s18], [sflag:$0x5], $0x40, s13, s17, $0xb8;
	[tilespmem:$0x1F400] =	vst v63  }
0xc7: {  	s25 =	simm.s32 $0x120  }
0xc8: {  	[tilespmem:s24], [sflag:$0x4] =	stream.indirect.gather [spmem:s2], $0x40, s25, s17, $0xb8;
	[tilespmem:$0x1F400] =	vst v63  }
0xc9: {  	_ =	swait.ge [sflag:s26], $0x1800  }
0xca: {  	[sflag:s26] =	ssyncset.done $0x0  }
0xcb: {  	[sflag:s26] =	ssyncadd.s32 $0xFFFFE800  }
0xcc: {  	[spmem:s3] =	stream.indirect.scatter.add.f32 [tilespmem:s19], [sflag:$0x6], $0x40, s5, s17, $0xb8;
	[tilespmem:$0x1F400] =	vst v63  }
0xcd: {  	_ =	swait.ge [sflag:s29], $0x1800  }
0xce: {  	[sflag:s29] =	ssyncset.done $0x0  }
0xcf: {  	s5 =	simm.s32 $0x180;
	[sflag:s29] =	ssyncadd.s32 $0xFFFFE800  }
0xd0: {  	[tilespmem:s18], [sflag:$0x1] =	stream.indirect.gather [spmem:s2], $0x40, s5, s17, $0xb8;
	[tilespmem:$0x1F400] =	vst v63  }
0xd1: {  	_ =	swait.ge [sflag:s31], $0x1800  }
0xd2: {  	[sflag:s31] =	ssyncset.done $0x0  }
0xd3: {  	s25 =	simm.s32 $0x2AC0;
	[sflag:s31] =	ssyncadd.s32 $0xFFFFE800  }
0xd4: {  	[spmem:s3] =	stream.indirect.scatter.add.f32 [tilespmem:s21], [sflag:$0x7], $0x40, s25, s17, $0xb8;
	[tilespmem:$0x1F400] =	vst v63  }
0xd5: {  	_ =	swait.ge [sflag:s0], $0x1800  }
0xd6: {  	[sflag:s0] =	ssyncset.done $0x0  }
0xd7: {  	s5 =	simm.s32 $0x1E0;
	[sflag:s0] =	ssyncadd.s32 $0xFFFFE800  }
0xd8: {  	[tilespmem:s19], [sflag:$0x2] =	stream.indirect.gather [spmem:s2], $0x40, s5, s17, $0xb8;
	[tilespmem:$0x1F400] =	vst v63  }
0xd9: {  	_ =	swait.ge [sflag:s7], $0x1800  }
0xda: {  	[sflag:s7] =	ssyncset.done $0x0  }
0xdb: {  	[sflag:s7] =	ssyncadd.s32 $0xFFFFE800  }
0xdc: {  	[spmem:s3] =	stream.indirect.scatter.add.f32 [tilespmem:s24], [sflag:$0x8], $0x40, s8, s17, $0xb8;
	[tilespmem:$0x1F400] =	vst v63  }
0xdd: {  	_ =	swait.ge [sflag:s10], $0x1800  }
0xde: {  	[sflag:s10] =	ssyncset.done $0x0  }
0xdf: {  	s25 =	simm.s32 $0x240;
	[sflag:s10] =	ssyncadd.s32 $0xFFFFE800  }
0xe0: {  	[tilespmem:s21], [sflag:$0x3] =	stream.indirect.gather [spmem:s2], $0x40, s25, s17, $0xb8;
	[tilespmem:$0x1F400] =	vst v63  }
0xe1: {  	_ =	swait.ge [sflag:s22], $0x1800  }
0xe2: {  	[sflag:s22] =	ssyncset.done $0x0  }
0xe3: {  	s5 =	simm.s32 $0x2B80;
	[sflag:s22] =	ssyncadd.s32 $0xFFFFE800  }
0xe4: {  	[spmem:s3] =	stream.indirect.scatter.add.f32 [tilespmem:s18], [sflag:$0x5], $0x40, s5, s17, $0xb8;
	[tilespmem:$0x1F400] =	vst v63  }
0xe5: {  	_ =	swait.ge [sflag:s11], $0x1800  }
0xe6: {  	[sflag:s11] =	ssyncset.done $0x0  }
0xe7: {  	s25 =	simm.s32 $0x2A0;
	[sflag:s11] =	ssyncadd.s32 $0xFFFFE800  }
0xe8: {  	[tilespmem:s24], [sflag:$0x4] =	stream.indirect.gather [spmem:s2], $0x40, s25, s17, $0xb8;
	[tilespmem:$0x1F400] =	vst v63  }
0xe9: {  	_ =	swait.ge [sflag:s26], $0x1800  }
0xea: {  	[sflag:s26] =	ssyncset.done $0x0  }
0xeb: {  	s5 =	simm.s32 $0x2BE0;
	[sflag:s26] =	ssyncadd.s32 $0xFFFFE800  }
0xec: {  	[spmem:s3] =	stream.indirect.scatter.add.f32 [tilespmem:s19], [sflag:$0x6], $0x40, s5, s17, $0xb8;
	[tilespmem:$0x1F400] =	vst v63  }
0xed: {  	_ =	swait.ge [sflag:s29], $0x1800  }
0xee: {  	[sflag:s29] =	ssyncset.done $0x0  }
0xef: {  	s25 =	simm.s32 $0x300;
	[sflag:s29] =	ssyncadd.s32 $0xFFFFE800  }
0xf0: {  	[tilespmem:s18], [sflag:$0x1] =	stream.indirect.gather [spmem:s2], $0x40, s25, s17, $0xb8;
	[tilespmem:$0x1F400] =	vst v63  }
0xf1: {  	_ =	swait.ge [sflag:s31], $0x1800  }
0xf2: {  	[sflag:s31] =	ssyncset.done $0x0  }
0xf3: {  	s5 =	simm.s32 $0x2C40;
	[sflag:s31] =	ssyncadd.s32 $0xFFFFE800  }
0xf4: {  	[spmem:s3] =	stream.indirect.scatter.add.f32 [tilespmem:s21], [sflag:$0x7], $0x40, s5, s17, $0xb8;
	[tilespmem:$0x1F400] =	vst v63  }
0xf5: {  	_ =	swait.ge [sflag:s0], $0x1800  }
0xf6: {  	[sflag:s0] =	ssyncset.done $0x0  }
0xf7: {  	s25 =	simm.s32 $0x360;
	[sflag:s0] =	ssyncadd.s32 $0xFFFFE800  }
0xf8: {  	[tilespmem:s19], [sflag:$0x2] =	stream.indirect.gather [spmem:s2], $0x40, s25, s17, $0xb8;
	[tilespmem:$0x1F400] =	vst v63  }
0xf9: {  	_ =	swait.ge [sflag:s7], $0x1800  }
0xfa: {  	[sflag:s7] =	ssyncset.done $0x0  }
0xfb: {  	s1 =	simm.s32 $0x600;
	s25 =	simm.s32 $0x2CA0;
	[sflag:s7] =	ssyncadd.s32 $0xFFFFE800  }
.LBB2_4:
0xfc: {  	[spmem:s3] =	stream.indirect.scatter.add.f32 [tilespmem:s24], [sflag:$0x8], $0x40, s25, s17, $0xb8;
	[tilespmem:$0x1F400] =	vst v63  }
0xfd: {  	s25 =	smov.u32 s1;
	s1 =	sadd.s32 $0x600, s1;
	_ =	swait.ge [sflag:s10], $0x1800  }
0xfe: {  	s25 =	sshra.s32 s25, $0x2;
	p0 =	sne.s32 s1, $0x9C00;
	[sflag:s10] =	ssyncset.done $0x0  }
0xff: {  	s5 =	sadd.s32 $0x240, s25;
	[sflag:s10] =	ssyncadd.s32 $0xFFFFE800  }
0x100: {  	[tilespmem:s21], [sflag:$0x3] =	stream.indirect.gather [spmem:s2], $0x40, s5, s17, $0xb8;
	[tilespmem:$0x1F400] =	vst v63  }
0x101: {  	_ =	swait.ge [sflag:s22], $0x1800  }
0x102: {  	[sflag:s22] =	ssyncset.done $0x0  }
0x103: {  	s5 =	sadd.s32 $0x2B80, s25;
	[sflag:s22] =	ssyncadd.s32 $0xFFFFE800  }
0x104: {  	[spmem:s3] =	stream.indirect.scatter.add.f32 [tilespmem:s18], [sflag:$0x5], $0x40, s5, s17, $0xb8;
	[tilespmem:$0x1F400] =	vst v63  }
0x105: {  	_ =	swait.ge [sflag:s11], $0x1800  }
0x106: {  	[sflag:s11] =	ssyncset.done $0x0  }
0x107: {  	s5 =	sadd.s32 $0x2A0, s25;
	[sflag:s11] =	ssyncadd.s32 $0xFFFFE800  }
0x108: {  	[tilespmem:s24], [sflag:$0x4] =	stream.indirect.gather [spmem:s2], $0x40, s5, s17, $0xb8;
	[tilespmem:$0x1F400] =	vst v63  }
0x109: {  	_ =	swait.ge [sflag:s26], $0x1800  }
0x10a: {  	[sflag:s26] =	ssyncset.done $0x0  }
0x10b: {  	s5 =	sadd.s32 $0x2BE0, s25;
	[sflag:s26] =	ssyncadd.s32 $0xFFFFE800  }
0x10c: {  	[spmem:s3] =	stream.indirect.scatter.add.f32 [tilespmem:s19], [sflag:$0x6], $0x40, s5, s17, $0xb8;
	[tilespmem:$0x1F400] =	vst v63  }
0x10d: {  	_ =	swait.ge [sflag:s29], $0x1800  }
0x10e: {  	[sflag:s29] =	ssyncset.done $0x0  }
0x10f: {  	s5 =	sadd.s32 $0x300, s25;
	[sflag:s29] =	ssyncadd.s32 $0xFFFFE800  }
0x110: {  	[tilespmem:s18], [sflag:$0x1] =	stream.indirect.gather [spmem:s2], $0x40, s5, s17, $0xb8;
	[tilespmem:$0x1F400] =	vst v63  }
0x111: {  	_ =	swait.ge [sflag:s31], $0x1800  }
0x112: {  	[sflag:s31] =	ssyncset.done $0x0  }
0x113: {  	s5 =	sadd.s32 $0x2C40, s25;
	[sflag:s31] =	ssyncadd.s32 $0xFFFFE800  }
0x114: {  	[spmem:s3] =	stream.indirect.scatter.add.f32 [tilespmem:s21], [sflag:$0x7], $0x40, s5, s17, $0xb8;
	[tilespmem:$0x1F400] =	vst v63  }
0x115: {  	_ =	swait.ge [sflag:s0], $0x1800  }
0x116: {  	[sflag:s0] =	ssyncset.done $0x0  }
.Ltmp1:
0x117: {  	s5 =	sadd.s32 $0x360, s25;
	[sflag:s0] =	ssyncadd.s32 $0xFFFFE800;
	(pc) =	sbr.rel @p0 .LBB2_4-.Ltmp1, $4  }
0x118: {  	[tilespmem:s19], [sflag:$0x2] =	stream.indirect.gather [spmem:s2], $0x40, s5, s17, $0xb8;
	[tilespmem:$0x1F400] =	vst v63  }
0x119: {  	_ =	swait.ge [sflag:s7], $0x1800  }
0x11a: {  	[sflag:s7] =	ssyncset.done $0x0  }
0x11b: {  	s25 =	sadd.s32 $0x2CA0, s25;
	[sflag:s7] =	ssyncadd.s32 $0xFFFFE800  }
0x11c: {  	[spmem:s3] =	stream.indirect.scatter.add.f32 [tilespmem:s24], [sflag:$0x8], $0x40, s25, s17, $0xb8;
	[tilespmem:$0x1F400] =	vst v63  }
0x11d: {  	_ =	swait.ge [sflag:s10], $0x1800  }
0x11e: {  	s1 =	sshra.s32 s1, $0x2;
	[sflag:s10] =	ssyncset.done $0x0  }
0x11f: {  	s5 =	sadd.s32 $0x240, s1;
	[sflag:s10] =	ssyncadd.s32 $0xFFFFE800  }
0x120: {  	[tilespmem:s21], [sflag:$0x3] =	stream.indirect.gather [spmem:s2], $0x40, s5, s17, $0xb8;
	[tilespmem:$0x1F400] =	vst v63  }
0x121: {  	_ =	swait.ge [sflag:s22], $0x1800  }
0x122: {  	[sflag:s22] =	ssyncset.done $0x0  }
0x123: {  	s25 =	sadd.s32 $0x2B80, s1;
	[sflag:s22] =	ssyncadd.s32 $0xFFFFE800  }
0x124: {  	[spmem:s3] =	stream.indirect.scatter.add.f32 [tilespmem:s18], [sflag:$0x5], $0x40, s25, s17, $0xb8;
	[tilespmem:$0x1F400] =	vst v63  }
0x125: {  	_ =	swait.ge [sflag:s11], $0x1800  }
0x126: {  	[sflag:s11] =	ssyncset.done $0x0  }
0x127: {  	[sflag:s11] =	ssyncadd.s32 $0xFFFFE800  }
0x128: {  	[tilespmem:s24], [sflag:$0x4] =	stream.indirect.gather [spmem:s2], $0x40, s20, s17, $0xb8;
	[tilespmem:$0x1F400] =	vst v63  }
0x129: {  	_ =	swait.ge [sflag:s26], $0x1800  }
0x12a: {  	[sflag:s26] =	ssyncset.done $0x0  }
0x12b: {  	s25 =	sadd.s32 $0x2BE0, s1;
	[sflag:s26] =	ssyncadd.s32 $0xFFFFE800  }
0x12c: {  	[spmem:s3] =	stream.indirect.scatter.add.f32 [tilespmem:s19], [sflag:$0x6], $0x40, s25, s17, $0xb8;
	[tilespmem:$0x1F400] =	vst v63  }
0x12d: {  	_ =	swait.ge [sflag:s29], $0x1800  }
0x12e: {  	[sflag:s29] =	ssyncset.done $0x0  }
0x12f: {  	[sflag:s29] =	ssyncadd.s32 $0xFFFFE800  }
0x130: {  	_ =	swait.ge [sflag:s31], $0x1800  }
0x131: {  	[sflag:s31] =	ssyncset.done $0x0  }
0x132: {  	s1 =	sadd.s32 $0x2C40, s1;
	[sflag:s31] =	ssyncadd.s32 $0xFFFFE800  }
0x133: {  	[spmem:s3] =	stream.indirect.scatter.add.f32 [tilespmem:s21], [sflag:$0x7], $0x40, s1, s17, $0xb8;
	[tilespmem:$0x1F400] =	vst v63  }
0x134: {  	_ =	swait.ge [sflag:s0], $0x1800  }
0x135: {  	[sflag:s0] =	ssyncset.done $0x0  }
0x136: {  	[sflag:s0] =	ssyncadd.s32 $0xFFFFE800  }
0x137: {  	_ =	swait.ge [sflag:s7], $0x1800  }
0x138: {  	[sflag:s7] =	ssyncset.done $0x0  }
0x139: {  	[sflag:s7] =	ssyncadd.s32 $0xFFFFE800  }
0x13a: {  	[spmem:s3] =	stream.indirect.scatter.add.f32 [tilespmem:s24], [sflag:$0x8], $0x40, s23, s17, $0xb8;
	[tilespmem:$0x1F400] =	vst v63  }
0x13b: {  	_ =	swait.ge [sflag:s10], $0x1800  }
0x13c: {  	[sflag:s10] =	ssyncset.done $0x0  }
0x13d: {  	[sflag:s10] =	ssyncadd.s32 $0xFFFFE800  }
0x13e: {  	_ =	swait.ge [sflag:s11], $0x1800  }
0x13f: {  	[sflag:s11] =	ssyncset.done $0x0  }
0x140: {  	[sflag:s11] =	ssyncadd.s32 $0xFFFFE800  }
0x141: {  	s25 =	sadd.s32 $0x14000, s30;
	[bflag:$0x0] =	sbarrier.arrive $0xFFFF  }
0x142: {  	[hbm:s25], [sflag:s14] =	dma.local [spmem:s16], $0x1400  }
0x143: {  	_ =	swait.ge [sflag:s12], $0x1400  }
0x144: {  	s28 =	sadd.s32 $0x1, s28;
	s30 =	rddreg [dreg:$0x8]  }
0x145: {  	p0 =	sne.s32 s28, s30  }
.Ltmp2:
0x146: {  	_ = 	snop;
	(pc) =	sbr.rel @p0 .LBB2_1-.Ltmp2, $3  }
0x147: {  	_ =	sdelay $0x1  }
0x148: {  	[sflag:s12] =	ssyncset.done $0x0  }
0x149: {  	s5 =	simm.s32 $0x2A60;
	[sflag:s12] =	ssyncadd.s32 $0xFFFFEC00  }
0x14a: {  	_ =	sfence.sel $0x180000  }
0x14b: {  	[bflag:$0x0] =	sbarrier.arrive $0xFFFF  }
0x14c: {  	_ =	strace $0x9000004D  }
0x14d: {  	s0 =	stileid.u32;
	[bflag:$0x2] =	sbarrier.arrive $0xFFFF  }
0x14e: {  	p0 =	sne.s32 s0, $0x0;
	s0 =	rddreg [dreg:$0x3]  }
0x14f: {  	s0 =	sadd.s32 @!p0 $0x100000, s0  }
0x150: {  	[sflag:s0] =	ssyncadd.tile.s32 @!p0 $0x1;
	_ =	shalt  }
.Lfunc_end2:
_tile_overlayer_lowered:
.L_overlay_start_2:
0x151: {  	(tag) =	ssettag $0x2  }
0x152: {  	s0 =	rddreg [dreg:$0x0];
	s2 =	stileid.u32  }
0x153: {  	s1 =	rddreg [dreg:$0x1];
	p0 =	sne.s32 s2, $0x0  }
0x154: {  	s3 =	rddreg [dreg:$0x2];
	[bflag:$0x3] =	sbarrier.arrive $0xFFFF;
	s2 =	simm.s32 @!p0 $0x1C09  }
0x155: {  	[timem:s3], [sflag:s2] =	dma.local @!p0 [hbm:s0], s1  }
0x156: {  	s0 =	simm.s32 @!p0 $0x9  }
0x157: {  	_ =	swait.ge @!p0 [sflag:s0], s1  }
0x158: {  	s1 =	ssub.s32 @!p0 $0x0, s1;
	[sflag:s0] =	ssyncset.done @!p0 $0x0  }
0x159: {  	[sflag:s0] =	ssyncadd.s32 @!p0 s1  }
0x15a: {  	[bflag:$0x3] =	sbarrier.arrive $0xFFFF  }
0x15b: {  	_ =	shalt  }

// kernel: kernel.20.cloned.1.call-start
scs
__scs_entry_jumppad:
0x0: {  	(pc) =	sbr.rel $0x88, $3  }
0x1: {  	(tag) =	ssettag $0x0;
	lr =	simm.s32 $0x1  }
0x2: {  	[smem:$0x3F93] =	sst lr;
	_ =	strace $0xD0000000  }
0x3: {  	_ = 	snop  }
0x4: {  	_ = 	snop  }
0x5: {  	_ = 	snop  }
0x6: {  	_ = 	snop  }
0x7: {  	_ = 	snop  }
__scs_overlays_trampoline_lowered:
0x8: {  	[smem:$0x3FA2] =	sst s0  }
0x9: {  	[smem:$0x3FA3] =	sst s1  }
0xa: {  	[smem:$0x3FA4] =	sst s2  }
0xb: {  	[smem:$0x3FA5] =	sst s3  }
0xc: {  	[smem:$0x3FA6] =	sst s4  }
0xd: {  	[smem:$0x3FA7] =	sst s5  }
0xe: {  	[smem:$0x3FA8] =	sst s6  }
0xf: {  	[smem:$0x3FA9] =	sst s7  }
0x10: {  	[smem:$0x3FAA] =	sst s8  }
0x11: {  	[smem:$0x3FAB] =	sst s9;
	s0 =	simm.s32 @!p0 $0x0  }
0x12: {  	s1 =	sld [smem:$0x3F91];
	s0 =	simm.s32 @p0 $0x1  }
0x13: {  	[smem:$0x3FAC] =	sst s0;
	s0 =	simm.s32 @!p1 $0x0  }
0x14: {  	s2 =	sld [smem:$0x3F90];
	s0 =	simm.s32 @p1 $0x1  }
0x15: {  	[smem:$0x3FAD] =	sst s0;
	s0 =	simm.s32 @!p2 $0x0  }
0x16: {  	s3 =	sld [smem:$0x3FDB];
	s0 =	simm.s32 @p2 $0x1  }
0x17: {  	s4 =	simm.s32 $0x1BF5;
	[smem:$0x3FAF] =	sst s0  }
0x18: {  	s0 =	sld [smem:$0x3F92];
	_ =	swait.ge [sflag:s4], $0x0  }
0x19: {  	s7 =	sld [smem:$0x3F93]  }
0x1a: {  	s8 =	sadd.s32 $0xFFFFE003, lr  }
0x1b: {  	s9 =	sadd.s32 $0xFFFFFEF7, lr;
	s5 =	simm.s32 $0xFFFFFFFF;
	p2 =	slt.u32 s8, $0xFFFFF086  }
0x1c: {  	p1 =	slt.u32 s9, $0xF7A;
	s5 =	simm.s32 @!p2 $0x0  }
0x1d: {  	s5 =	simm.s32 @p1 $0x1;
	p0 =	seq.s32 s7, s2  }
0x1e: {  	s7 =	smul.u32 @!p0 $0xF7A, s2;
	p2 =	seq.s32 @!p0 s5, $0x0  }
0x1f: {  	s9 =	smul.u32 $0xF7A, s1;
	s8 =	simm.s32 @!p0 $0x1BF5;
	p2 =	por !p2, p0  }
0x20: {  	[sflag:s8] =	ssyncset.s32 @!p0 $0xFFFFF086;
	s6 =	sadd.s32 @!p0 s3, s7;
	s7 =	simm.s32 @!p0 $0x108  }
0x21: {  	s3 =	sadd.s32 s3, s9;
	s6 =	sadd.s32 @!p0 $0x88, s6;
	s7 =	simm.s32 @p2 $0x1082  }
0x22: {  	[simem:s7], [sflag:s8] =	dma.local @!p0 [hbm:s6], $0xF7A  }
0x23: {  	s9 =	sor.u32 $0xD0000000, s2;
	s6 =	simm.s32 $0x108;
	_ =	swait.ge @!p0 [sflag:s8], $0x0  }
0x24: {  	s3 =	sadd.s32 $0x88, s3;
	s6 =	simm.s32 @!p1 $0x1082;
	[sflag:s4] =	ssyncset.s32 $0xFFFFF086  }
0x25: {  	[simem:s6], [sflag:s4] =	dma.local [hbm:s3], $0xF7A  }
0x26: {  	[smem:$0x3F93] =	sst s1;
	(tag) =	ssettag s2;
	_ =	strace s9  }
0x27: {  	s1 =	sld [smem:$0x3FA3]  }
0x28: {  	s2 =	sld [smem:$0x3FA4]  }
0x29: {  	s4 =	sld [smem:$0x3FA6]  }
0x2a: {  	p0 =	seq.s32 s5, $0x0;
	s5 =	sld [smem:$0x3FA7]  }
0x2b: {  	s6 =	sld [smem:$0x3FA8]  }
0x2c: {  	s7 =	sld [smem:$0x3FA9]  }
0x2d: {  	s3 =	simm.s32 $0x108;
	s8 =	sld [smem:$0x3FAA]  }
0x2e: {  	s3 =	simm.s32 @!p0 $0x1082;
	s9 =	sld [smem:$0x3FAB]  }
0x2f: {  	lr =	sadd.s32 s0, s3;
	s0 =	sld [smem:$0x3FA2]  }
0x30: {  	s3 =	sld [smem:$0x3FA5]  }
0x31: {  	[smem:$0x3FAE] =	sst s10  }
0x32: {  	s10 =	sld [smem:$0x3FAC];
	_ =	sdelay $0x3  }
0x33: {  	p0 =	seq.s32 s10, $0x1;
	s10 =	sld [smem:$0x3FAE];
	_ =	sdelay $0x3  }
0x34: {  	[smem:$0x3FAE] =	sst s10  }
0x35: {  	s10 =	sld [smem:$0x3FAD];
	_ =	sdelay $0x3  }
0x36: {  	p1 =	seq.s32 s10, $0x1;
	s10 =	sld [smem:$0x3FAE];
	_ =	sdelay $0x3  }
0x37: {  	[smem:$0x3FAE] =	sst s10  }
0x38: {  	s10 =	sld [smem:$0x3FAF]  }
0x39: {  	_ = 	snop;
	(pc) =	sbr.ind lr, $3  }
0x3a: {  	_ = 	snop  }
0x3b: {  	_ = 	snop  }
0x3c: {  	p2 =	seq.s32 s10, $0x1;
	s10 =	sld [smem:$0x3FAE]  }
0x3d: {  	_ =	shalt  }
0x3e: {  	_ =	shalt  }
0x3f: {  	_ =	shalt  }
0x40: {  	_ =	shalt  }
0x41: {  	_ =	shalt  }
0x42: {  	_ =	shalt  }
0x43: {  	_ =	shalt  }
0x44: {  	_ =	shalt  }
0x45: {  	_ =	shalt  }
0x46: {  	_ =	shalt  }
0x47: {  	_ =	shalt  }
0x48: {  	_ =	shalt  }
0x49: {  	_ =	shalt  }
0x4a: {  	_ =	shalt  }
0x4b: {  	_ =	shalt  }
0x4c: {  	_ =	shalt  }
0x4d: {  	_ =	shalt  }
0x4e: {  	_ =	shalt  }
0x4f: {  	_ =	shalt  }
0x50: {  	_ =	shalt  }
0x51: {  	_ =	shalt  }
0x52: {  	_ =	shalt  }
0x53: {  	_ =	shalt  }
0x54: {  	_ =	shalt  }
0x55: {  	_ =	shalt  }
0x56: {  	_ =	shalt  }
0x57: {  	_ =	shalt  }
0x58: {  	_ =	shalt  }
0x59: {  	_ =	shalt  }
0x5a: {  	_ =	shalt  }
0x5b: {  	_ =	shalt  }
0x5c: {  	_ =	shalt  }
0x5d: {  	_ =	shalt  }
0x5e: {  	_ =	shalt  }
0x5f: {  	_ =	shalt  }
0x60: {  	_ =	shalt  }
0x61: {  	_ =	shalt  }
0x62: {  	_ =	shalt  }
0x63: {  	_ =	shalt  }
0x64: {  	_ =	shalt  }
0x65: {  	_ =	shalt  }
0x66: {  	_ =	shalt  }
0x67: {  	_ =	shalt  }
0x68: {  	_ =	shalt  }
0x69: {  	_ =	shalt  }
0x6a: {  	_ =	shalt  }
0x6b: {  	_ =	shalt  }
0x6c: {  	_ =	shalt  }
0x6d: {  	_ =	shalt  }
0x6e: {  	_ =	shalt  }
0x6f: {  	_ =	shalt  }
0x70: {  	_ =	shalt  }
0x71: {  	_ =	shalt  }
0x72: {  	_ =	shalt  }
0x73: {  	_ =	shalt  }
0x74: {  	_ =	shalt  }
0x75: {  	_ =	shalt  }
0x76: {  	_ =	shalt  }
0x77: {  	_ =	shalt  }
0x78: {  	_ =	shalt  }
0x79: {  	_ =	shalt  }
0x7a: {  	_ =	shalt  }
0x7b: {  	_ =	shalt  }
0x7c: {  	_ =	shalt  }
0x7d: {  	_ =	shalt  }
0x7e: {  	_ =	shalt  }
0x7f: {  	_ =	shalt  }
0x80: {  	_ =	shalt  }
0x81: {  	_ =	shalt  }
0x82: {  	_ =	shalt  }
0x83: {  	_ =	shalt  }
0x84: {  	_ =	shalt  }
0x85: {  	_ =	shalt  }
0x86: {  	_ =	shalt  }
0x87: {  	_ =	shalt  }
.Lfunc_end0:
.L_simem_size_0:
called_computation.3_lowered:
.L_overlay_start_0:
0x88: {  	s2 =	sld [smem:$0x3FD9]  }
0x89: {  	s3 =	sld [smem:$0x3FFE];
	_ =	sdelay $0x1  }
0x8a: {  	s1 =	srdreg.scid  }
0x8b: {  	s0 =	sand.u32 $0x1, s1  }
0x8c: {  	s16 =	sshll.u32 s0, $0xA;
	s2 =	sadd.s32 s3, s2  }
0x8d: {  	s2 =	sadd.s32 s2, s16  }
0x8e: {  	[smem:$0x3FBA] =	sst s2  }
0x8f: {  	_ = 	snop  }
0x90: {  	(tm) =	ssettm $0x1  }
0x91: {  	s17 =	sld [smem:$0x3FFB];
	_ =	sdelay $0x3  }
0x92: {  	_ =	strace s17  }
0x93: {  	s2 =	sld [smem:$0x3FFC];
	_ =	sdelay $0x3  }
0x94: {  	_ =	strace s2  }
0x95: {  	s2 =	sld [smem:$0x3FFD];
	_ =	sdelay $0x3  }
0x96: {  	_ =	strace s2  }
0x97: {  	_ =	strace $0x8FFFFFFF  }
0x98: {  	s18 =	sld [smem:$0x3FDB];
	_ =	sdelay $0x1  }
0x99: {  	s19 =	simm.s32 $_scs_section_size  }
0x9a: {  	s4 =	simm.s32 $_size__tile_overlayer_lowered;
	s5 =	simm.s32 $_tile_overlayer_lowered  }
0x9b: {  	s22 =	simm.s32 $0x1BFF;
	s21 =	sshll.u32 s5, $0x1;
	s2 =	sadd.s32 s19, s18  }
0x9c: {  	s6 =	simm.s32 $0x0;
	s20 =	sshll.u32 s4, $0x1;
	s4 =	sadd.s32 s21, s2  }
0x9d: {  	[timem:s6], [sflag:s22] =	dma.local [hbm:s4], s20  }
0x9e: {  	_ =	swait.ge [sflag:s22], s20  }
0x9f: {  	s3 =	ssub.s32 $0x0, s20;
	[sflag:s22] =	ssyncset.done $0x0  }
0xa0: {  	[sflag:s22] =	ssyncadd.s32 s3;
	_ =	sdelay $0x1  }
0xa1: {  	s23 =	simm.s32 $0x1B8B  }
0xa2: {  	_ =	swait.ge [sflag:s23], $0x1  }
0xa3: {  	[sflag:s23] =	ssyncset.done $0x0  }
0xa4: {  	s25 =	simm.s32 $0x1B8E;
	s24 =	sld [smem:$0x3FFE];
	[sflag:s23] =	ssyncadd.s32 $0xFFFFFFFF  }
0xa5: {  	s26 =	simm.s32 $execute0_lowered;
	[smem:$0x3FD2] =	sst s25  }
0xa6: {  	s4 =	sshll.u32 s26, $0x1;
	_ =	strace $0x8000004F;
	[dreg:$0x1] =	wrdreg $0xFFFFFFFF  }
0xa7: {  	s28 =	simm.s32 $_size_execute0_lowered;
	s2 =	sadd.s32 s2, s4;
	[dreg:$0x0] =	wrdreg $0x0  }
0xa8: {  	s4 =	sshll.u32 s28, $0x1;
	[dreg:$0x2] =	wrdreg s2  }
0xa9: {  	[dreg:$0x3] =	wrdreg s4  }
0xaa: {  	[dreg:$0x4] =	wrdreg $0xC0  }
0xab: {  	_ =	task [dreg:s6], $0x5FFFF  }
0xac: {  	[dreg:$0x1] =	wrdreg $0xFFFFFFFF  }
0xad: {  	[dreg:$0x0] =	wrdreg $0x60  }
0xae: {  	[dreg:$0x2] =	wrdreg s24  }
0xaf: {  	[dreg:$0x3] =	wrdreg $0x154000  }
0xb0: {  	[dreg:$0x4] =	wrdreg $0xB4000  }
0xb1: {  	[dreg:$0x5] =	wrdreg $0x9  }
0xb2: {  	_ =	task.clear_ibuf [dreg:s6], $0x6FFFF;
	_ =	strace $0x9000004F  }
0xb3: {  	s29 =	simm.s32 $0x9;
	_ =	strace $0x80000051  }
0xb4: {  	_ =	swait.ge [sflag:s29], $0x1  }
0xb5: {  	[sflag:s29] =	ssyncadd.s32 $0xFFFFFFFF  }
0xb6: {  	_ =	strace $0x90000051  }
0xb7: {  	_ =	sfence  }
0xb8: {  	s30 =	sld [smem:$0x0];
	_ =	sdelay $0x2  }
0xb9: {  	s31 =	sshll.u32 s1, $0xD;
	s1 =	sshrl.u32 s1, $0x2  }
0xba: {  	s3 =	sand.u32 $0x4000, s31;
	s1 =	sadd.s32 s1, s30  }
0xbb: {  	s0 =	sor.u32 s3, s0;
	s1 =	sshll.u32 s1, $0x11  }
0xbc: {  	s0 =	sor.u32 s1, s0  }
0xbd: {  	s0 =	sadd.s32 $0x8F2B, s0  }
0xbe: {  	[sflag:s0] =	ssyncadd.remote.s32 $0x1  }
0xbf: {  	_ =	sfence.sel $0xFFFF  }
0xc0: {  	[dreg:$0x0] =	wrdreg $0xFFFFFFFF;
	(pc) =	sbr.abs _section_cstart, $3  }
0xc1: {  	[dreg:$0x1] =	wrdreg $0xFFFFFFFF  }
0xc2: {  	_ =	task.clear_ibuf [dreg:s6], $0x2FFFF;
	_ =	strace $0x9FFFFFFF  }
0xc3: {  	(tm) =	ssettm $0x7FFFFFFF  }
tec
execute0_lowered:
.L_overlay_start_1:
0x0: {  	(tag) =	ssettag $0x1  }
0x1: {  	s1 =	rddreg [dreg:$0x0]  }
0x2: {  	s0 =	srdreg.scid;
	s2 =	rddreg [dreg:$0x1]  }
0x3: {  	s11 =	stileid.u32;
	s3 =	rddreg [dreg:$0x2]  }
0x4: {  	s12 =	simm.s32 $0x9;
	s13 =	simm.s32 $0x2A00;
	s17 =	simm.s32 $0x60  }
0x5: {  	s18 =	simm.s32 $0x5400;
	s19 =	simm.s32 $0x6C00;
	s21 =	simm.s32 $0x8400  }
0x6: {  	s22 =	simm.s32 $0x1;
	s29 =	simm.s32 $0x5;
	s31 =	simm.s32 $0x3  }
0x7: {  	s28 =	simm.s32 $0x0;
	s0 =	sand.u32 $0x1, s0;
	s6 =	smul.u32 $0xA000, s11  }
0x8: {  	s26 =	sshll.u32 s11, $0x6;
	s4 =	sshll.u32 s0, $0x4;
	s7 =	smul.u32 $0x28000, s0  }
0x9: {  	s0 =	ssub.s32 $0x2, s0;
	s14 =	sor.u32 $0x1C09, s26;
	s26 =	simm.s32 $0x2  }
0xa: {  	s5 =	sor.u32 s11, s4;
	s4 =	simm.s32 $0x0;
	s20 =	sshrl.u32 s6, $0x3  }
0xb: {  	s9 =	sshrl.u32 s0, $0x1;
	s24 =	sadd.s32 s6, s2;
	s6 =	sadd.s32 s6, s3  }
0xc: {  	s11 =	simm.s32 $0x8;
	s5 =	smul.u32 $0x540, s5;
	[smem:$0x7FF] =	sst s4  }
0xd: {  	s10 =	sadd.s32 s20, s1;
	s7 =	sadd.s32 s7, s1;
	s0 =	ssub.s32 s0, s9  }
0xe: {  	s15 =	sshrl.u32 s24, $0x3;
	s16 =	sshrl.u32 s6, $0x3;
	s24 =	simm.s32 $0x9C00  }
0xf: {  	s6 =	smov.u32 s20;
	_ =	strace $0x80000050;
	s25 =	sadd.s32 $0x21600, s10  }
0x10: {  	s9 =	sadd.s32 $0xD600, s10;
	s7 =	sadd.s32 $0x54200, s7;
	[dreg:$0x6] =	wrdreg s25  }
0x11: {  	s0 =	smax.u32 s0, $0x1;
	s10 =	simm.s32 $0x7;
	[dreg:$0x7] =	wrdreg s7  }
0x12: {  	s8 =	sadd.s32 s5, s1;
	s1 =	sadd.s32 $0x35600, s1;
	[dreg:$0x8] =	wrdreg s0  }
0x13: {  	s5 =	simm.s32 $0x2A60;
	s0 =	simm.s32 $0x6;
	s23 =	sadd.s32 $0x49A00, s8  }
0x14: {  	s7 =	simm.s32 $0x4;
	s8 =	sadd.s32 $0x2E00, s8;
	[dreg:$0x4] =	wrdreg s23  }
0x15: {  	s30 =	sadd.s32 s20, s1;
	s20 =	simm.s32 $0x29A0;
	[dreg:$0x5] =	wrdreg s8  }
0x16: {  	[dreg:$0x9] =	wrdreg s30;
	s8 =	simm.s32 $0x2B20;
	s23 =	simm.s32 $0x53A0  }
.LBB2_1:
0x17: {  	s1 =	rddreg [dreg:$0x4]  }
0x18: {  	[tilespmem:s4], [sflag:$0x9] =	stream.linear.gather [hbm4b:s1+s4], $0x2A00, $0x38;
	[tilespmem:$0x1F400] =	vst v63  }
0x19: {  	_ =	swait.ge [sflag:s12], $0x2A00  }
0x1a: {  	[sflag:s12] =	ssyncset.done $0x0  }
0x1b: {  	s25 =	rddreg [dreg:$0x5];
	[sflag:s12] =	ssyncadd.s32 $0xFFFFD600  }
0x1c: {  	[tilespmem:s13], [sflag:$0x9] =	stream.linear.gather [hbm4b:s25+s4], $0x2A00, $0x38;
	[tilespmem:$0x1F400] =	vst v63  }
0x1d: {  	_ =	swait.ge [sflag:s12], $0x2A00  }
0x1e: {  	[sflag:s12] =	ssyncset.done $0x0  }
0x1f: {  	s25 =	rddreg [dreg:$0x6];
	[sflag:s12] =	ssyncadd.s32 $0xFFFFD600  }
0x20: {  	[spmem:s15], [sflag:s14] =	dma.local [hbm:s25], $0x1400  }
0x21: {  	_ =	swait.ge [sflag:s12], $0x1400  }
0x22: {  	[sflag:s12] =	ssyncset.done $0x0  }
0x23: {  	[sflag:s12] =	ssyncadd.s32 $0xFFFFEC00  }
0x24: {  	[spmem:s16], [sflag:s14] =	dma.local [hbm:s9], $0x1400  }
0x25: {  	_ =	swait.ge [sflag:s12], $0x1400  }
0x26: {  	[sflag:s12] =	ssyncset.done $0x0  }
0x27: {  	[sflag:s12] =	ssyncadd.s32 $0xFFFFEC00  }
0x28: {  	[bflag:$0x0] =	sbarrier.arrive $0xFFFF  }
0x29: {  	[tilespmem:s18], [sflag:$0x1] =	stream.indirect.gather [spmem:s2], $0x40, s4, s17, $0xb8;
	[tilespmem:$0x1F400] =	vst v63  }
0x2a: {  	_ = 	snop  }
0x2b: {  	[tilespmem:s19], [sflag:$0x2] =	stream.indirect.gather [spmem:s2], $0x40, s17, s17, $0xb8;
	[tilespmem:$0x1F400] =	vst v63  }
0x2c: {  	s25 =	simm.s32 $0xC0  }
0x2d: {  	[tilespmem:s21], [sflag:$0x3] =	stream.indirect.gather [spmem:s2], $0x40, s25, s17, $0xb8;
	[tilespmem:$0x1F400] =	vst v63  }
0x2e: {  	_ =	swait.ge [sflag:s22], $0x1800  }
0x2f: {  	[sflag:s22] =	ssyncset.done $0x0  }
0x30: {  	[sflag:s22] =	ssyncadd.s32 $0xFFFFE800  }
0x31: {  	[spmem:s3] =	stream.indirect.scatter.add.f32 [tilespmem:s18], [sflag:$0x5], $0x40, s13, s17, $0xb8;
	[tilespmem:$0x1F400] =	vst v63  }
0x32: {  	s25 =	simm.s32 $0x120  }
0x33: {  	[tilespmem:s24], [sflag:$0x4] =	stream.indirect.gather [spmem:s2], $0x40, s25, s17, $0xb8;
	[tilespmem:$0x1F400] =	vst v63  }
0x34: {  	_ =	swait.ge [sflag:s26], $0x1800  }
0x35: {  	[sflag:s26] =	ssyncset.done $0x0  }
0x36: {  	[sflag:s26] =	ssyncadd.s32 $0xFFFFE800  }
0x37: {  	[spmem:s3] =	stream.indirect.scatter.add.f32 [tilespmem:s19], [sflag:$0x6], $0x40, s5, s17, $0xb8;
	[tilespmem:$0x1F400] =	vst v63  }
0x38: {  	_ =	swait.ge [sflag:s29], $0x1800  }
0x39: {  	[sflag:s29] =	ssyncset.done $0x0  }
0x3a: {  	s25 =	simm.s32 $0x180;
	[sflag:s29] =	ssyncadd.s32 $0xFFFFE800  }
0x3b: {  	[tilespmem:s18], [sflag:$0x1] =	stream.indirect.gather [spmem:s2], $0x40, s25, s17, $0xb8;
	[tilespmem:$0x1F400] =	vst v63  }
0x3c: {  	_ =	swait.ge [sflag:s31], $0x1800  }
0x3d: {  	[sflag:s31] =	ssyncset.done $0x0  }
0x3e: {  	s25 =	simm.s32 $0x2AC0;
	[sflag:s31] =	ssyncadd.s32 $0xFFFFE800  }
0x3f: {  	[spmem:s3] =	stream.indirect.scatter.add.f32 [tilespmem:s21], [sflag:$0x7], $0x40, s25, s17, $0xb8;
	[tilespmem:$0x1F400] =	vst v63  }
0x40: {  	_ =	swait.ge [sflag:s0], $0x1800  }
0x41: {  	[sflag:s0] =	ssyncset.done $0x0  }
0x42: {  	s25 =	simm.s32 $0x1E0;
	[sflag:s0] =	ssyncadd.s32 $0xFFFFE800  }
0x43: {  	[tilespmem:s19], [sflag:$0x2] =	stream.indirect.gather [spmem:s2], $0x40, s25, s17, $0xb8;
	[tilespmem:$0x1F400] =	vst v63  }
0x44: {  	_ =	swait.ge [sflag:s7], $0x1800  }
0x45: {  	[sflag:s7] =	ssyncset.done $0x0  }
0x46: {  	[sflag:s7] =	ssyncadd.s32 $0xFFFFE800  }
0x47: {  	[spmem:s3] =	stream.indirect.scatter.add.f32 [tilespmem:s24], [sflag:$0x8], $0x40, s8, s17, $0xb8;
	[tilespmem:$0x1F400] =	vst v63  }
0x48: {  	_ =	swait.ge [sflag:s10], $0x1800  }
0x49: {  	[sflag:s10] =	ssyncset.done $0x0  }
0x4a: {  	s25 =	simm.s32 $0x240;
	[sflag:s10] =	ssyncadd.s32 $0xFFFFE800  }
0x4b: {  	[tilespmem:s21], [sflag:$0x3] =	stream.indirect.gather [spmem:s2], $0x40, s25, s17, $0xb8;
	[tilespmem:$0x1F400] =	vst v63  }
0x4c: {  	_ =	swait.ge [sflag:s22], $0x1800  }
0x4d: {  	[sflag:s22] =	ssyncset.done $0x0  }
0x4e: {  	s25 =	simm.s32 $0x2B80;
	[sflag:s22] =	ssyncadd.s32 $0xFFFFE800  }
0x4f: {  	[spmem:s3] =	stream.indirect.scatter.add.f32 [tilespmem:s18], [sflag:$0x5], $0x40, s25, s17, $0xb8;
	[tilespmem:$0x1F400] =	vst v63  }
0x50: {  	_ =	swait.ge [sflag:s11], $0x1800  }
0x51: {  	[sflag:s11] =	ssyncset.done $0x0  }
0x52: {  	s25 =	simm.s32 $0x2A0;
	[sflag:s11] =	ssyncadd.s32 $0xFFFFE800  }
0x53: {  	[tilespmem:s24], [sflag:$0x4] =	stream.indirect.gather [spmem:s2], $0x40, s25, s17, $0xb8;
	[tilespmem:$0x1F400] =	vst v63  }
0x54: {  	_ =	swait.ge [sflag:s26], $0x1800  }
0x55: {  	[sflag:s26] =	ssyncset.done $0x0  }
0x56: {  	s25 =	simm.s32 $0x2BE0;
	[sflag:s26] =	ssyncadd.s32 $0xFFFFE800  }
0x57: {  	[spmem:s3] =	stream.indirect.scatter.add.f32 [tilespmem:s19], [sflag:$0x6], $0x40, s25, s17, $0xb8;
	[tilespmem:$0x1F400] =	vst v63  }
0x58: {  	_ =	swait.ge [sflag:s29], $0x1800  }
0x59: {  	[sflag:s29] =	ssyncset.done $0x0  }
0x5a: {  	s25 =	simm.s32 $0x300;
	[sflag:s29] =	ssyncadd.s32 $0xFFFFE800  }
0x5b: {  	[tilespmem:s18], [sflag:$0x1] =	stream.indirect.gather [spmem:s2], $0x40, s25, s17, $0xb8;
	[tilespmem:$0x1F400] =	vst v63  }
0x5c: {  	_ =	swait.ge [sflag:s31], $0x1800  }
0x5d: {  	[sflag:s31] =	ssyncset.done $0x0  }
0x5e: {  	s25 =	simm.s32 $0x2C40;
	[sflag:s31] =	ssyncadd.s32 $0xFFFFE800  }
0x5f: {  	[spmem:s3] =	stream.indirect.scatter.add.f32 [tilespmem:s21], [sflag:$0x7], $0x40, s25, s17, $0xb8;
	[tilespmem:$0x1F400] =	vst v63  }
0x60: {  	_ =	swait.ge [sflag:s0], $0x1800  }
0x61: {  	[sflag:s0] =	ssyncset.done $0x0  }
0x62: {  	s25 =	simm.s32 $0x360;
	[sflag:s0] =	ssyncadd.s32 $0xFFFFE800  }
0x63: {  	[tilespmem:s19], [sflag:$0x2] =	stream.indirect.gather [spmem:s2], $0x40, s25, s17, $0xb8;
	[tilespmem:$0x1F400] =	vst v63  }
0x64: {  	_ =	swait.ge [sflag:s7], $0x1800  }
0x65: {  	[sflag:s7] =	ssyncset.done $0x0  }
0x66: {  	s30 =	simm.s32 $0x600;
	s1 =	simm.s32 $0x2CA0;
	[sflag:s7] =	ssyncadd.s32 $0xFFFFE800  }
.LBB2_2:
0x67: {  	[spmem:s3] =	stream.indirect.scatter.add.f32 [tilespmem:s24], [sflag:$0x8], $0x40, s1, s17, $0xb8;
	[tilespmem:$0x1F400] =	vst v63  }
0x68: {  	s1 =	smov.u32 s30;
	s30 =	sadd.s32 $0x600, s30;
	_ =	swait.ge [sflag:s10], $0x1800  }
0x69: {  	s1 =	sshra.s32 s1, $0x2;
	p0 =	sne.s32 s30, $0x9C00;
	[sflag:s10] =	ssyncset.done $0x0  }
0x6a: {  	s25 =	sadd.s32 $0x240, s1;
	[sflag:s10] =	ssyncadd.s32 $0xFFFFE800  }
0x6b: {  	[tilespmem:s21], [sflag:$0x3] =	stream.indirect.gather [spmem:s2], $0x40, s25, s17, $0xb8;
	[tilespmem:$0x1F400] =	vst v63  }
0x6c: {  	_ =	swait.ge [sflag:s22], $0x1800  }
0x6d: {  	[sflag:s22] =	ssyncset.done $0x0  }
0x6e: {  	s25 =	sadd.s32 $0x2B80, s1;
	[sflag:s22] =	ssyncadd.s32 $0xFFFFE800  }
0x6f: {  	[spmem:s3] =	stream.indirect.scatter.add.f32 [tilespmem:s18], [sflag:$0x5], $0x40, s25, s17, $0xb8;
	[tilespmem:$0x1F400] =	vst v63  }
0x70: {  	_ =	swait.ge [sflag:s11], $0x1800  }
0x71: {  	[sflag:s11] =	ssyncset.done $0x0  }
0x72: {  	s25 =	sadd.s32 $0x2A0, s1;
	[sflag:s11] =	ssyncadd.s32 $0xFFFFE800  }
0x73: {  	[tilespmem:s24], [sflag:$0x4] =	stream.indirect.gather [spmem:s2], $0x40, s25, s17, $0xb8;
	[tilespmem:$0x1F400] =	vst v63  }
0x74: {  	_ =	swait.ge [sflag:s26], $0x1800  }
0x75: {  	[sflag:s26] =	ssyncset.done $0x0  }
0x76: {  	s25 =	sadd.s32 $0x2BE0, s1;
	[sflag:s26] =	ssyncadd.s32 $0xFFFFE800  }
0x77: {  	[spmem:s3] =	stream.indirect.scatter.add.f32 [tilespmem:s19], [sflag:$0x6], $0x40, s25, s17, $0xb8;
	[tilespmem:$0x1F400] =	vst v63  }
0x78: {  	_ =	swait.ge [sflag:s29], $0x1800  }
0x79: {  	[sflag:s29] =	ssyncset.done $0x0  }
0x7a: {  	s25 =	sadd.s32 $0x300, s1;
	[sflag:s29] =	ssyncadd.s32 $0xFFFFE800  }
0x7b: {  	[tilespmem:s18], [sflag:$0x1] =	stream.indirect.gather [spmem:s2], $0x40, s25, s17, $0xb8;
	[tilespmem:$0x1F400] =	vst v63  }
0x7c: {  	_ =	swait.ge [sflag:s31], $0x1800  }
0x7d: {  	[sflag:s31] =	ssyncset.done $0x0  }
0x7e: {  	s25 =	sadd.s32 $0x2C40, s1;
	[sflag:s31] =	ssyncadd.s32 $0xFFFFE800  }
0x7f: {  	[spmem:s3] =	stream.indirect.scatter.add.f32 [tilespmem:s21], [sflag:$0x7], $0x40, s25, s17, $0xb8;
	[tilespmem:$0x1F400] =	vst v63  }
0x80: {  	_ =	swait.ge [sflag:s0], $0x1800  }
0x81: {  	[sflag:s0] =	ssyncset.done $0x0  }
.Ltmp0:
0x82: {  	s25 =	sadd.s32 $0x360, s1;
	[sflag:s0] =	ssyncadd.s32 $0xFFFFE800;
	(pc) =	sbr.rel @p0 .LBB2_2-.Ltmp0, $4  }
0x83: {  	[tilespmem:s19], [sflag:$0x2] =	stream.indirect.gather [spmem:s2], $0x40, s25, s17, $0xb8;
	[tilespmem:$0x1F400] =	vst v63  }
0x84: {  	_ =	swait.ge [sflag:s7], $0x1800  }
0x85: {  	[sflag:s7] =	ssyncset.done $0x0  }
0x86: {  	s1 =	sadd.s32 $0x2CA0, s1;
	[sflag:s7] =	ssyncadd.s32 $0xFFFFE800  }
0x87: {  	[spmem:s3] =	stream.indirect.scatter.add.f32 [tilespmem:s24], [sflag:$0x8], $0x40, s1, s17, $0xb8;
	[tilespmem:$0x1F400] =	vst v63  }
0x88: {  	_ =	swait.ge [sflag:s10], $0x1800  }
0x89: {  	s1 =	sshra.s32 s30, $0x2;
	[sflag:s10] =	ssyncset.done $0x0  }
0x8a: {  	s25 =	sadd.s32 $0x240, s1;
	[sflag:s10] =	ssyncadd.s32 $0xFFFFE800  }
0x8b: {  	[tilespmem:s21], [sflag:$0x3] =	stream.indirect.gather [spmem:s2], $0x40, s25, s17, $0xb8;
	[tilespmem:$0x1F400] =	vst v63  }
0x8c: {  	_ =	swait.ge [sflag:s22], $0x1800  }
0x8d: {  	[sflag:s22] =	ssyncset.done $0x0  }
0x8e: {  	s25 =	sadd.s32 $0x2B80, s1;
	[sflag:s22] =	ssyncadd.s32 $0xFFFFE800  }
0x8f: {  	[spmem:s3] =	stream.indirect.scatter.add.f32 [tilespmem:s18], [sflag:$0x5], $0x40, s25, s17, $0xb8;
	[tilespmem:$0x1F400] =	vst v63  }
0x90: {  	_ =	swait.ge [sflag:s11], $0x1800  }
0x91: {  	[sflag:s11] =	ssyncset.done $0x0  }
0x92: {  	[sflag:s11] =	ssyncadd.s32 $0xFFFFE800  }
0x93: {  	[tilespmem:s24], [sflag:$0x4] =	stream.indirect.gather [spmem:s2], $0x40, s20, s17, $0xb8;
	[tilespmem:$0x1F400] =	vst v63  }
0x94: {  	_ =	swait.ge [sflag:s26], $0x1800  }
0x95: {  	[sflag:s26] =	ssyncset.done $0x0  }
0x96: {  	s25 =	sadd.s32 $0x2BE0, s1;
	[sflag:s26] =	ssyncadd.s32 $0xFFFFE800  }
0x97: {  	[spmem:s3] =	stream.indirect.scatter.add.f32 [tilespmem:s19], [sflag:$0x6], $0x40, s25, s17, $0xb8;
	[tilespmem:$0x1F400] =	vst v63  }
0x98: {  	_ =	swait.ge [sflag:s29], $0x1800  }
0x99: {  	[sflag:s29] =	ssyncset.done $0x0  }
0x9a: {  	[sflag:s29] =	ssyncadd.s32 $0xFFFFE800  }
0x9b: {  	_ =	swait.ge [sflag:s31], $0x1800  }
0x9c: {  	[sflag:s31] =	ssyncset.done $0x0  }
0x9d: {  	s1 =	sadd.s32 $0x2C40, s1;
	[sflag:s31] =	ssyncadd.s32 $0xFFFFE800  }
0x9e: {  	[spmem:s3] =	stream.indirect.scatter.add.f32 [tilespmem:s21], [sflag:$0x7], $0x40, s1, s17, $0xb8;
	[tilespmem:$0x1F400] =	vst v63  }
0x9f: {  	_ =	swait.ge [sflag:s0], $0x1800  }
0xa0: {  	[sflag:s0] =	ssyncset.done $0x0  }
0xa1: {  	[sflag:s0] =	ssyncadd.s32 $0xFFFFE800  }
0xa2: {  	_ =	swait.ge [sflag:s7], $0x1800  }
0xa3: {  	[sflag:s7] =	ssyncset.done $0x0  }
0xa4: {  	[sflag:s7] =	ssyncadd.s32 $0xFFFFE800  }
0xa5: {  	[spmem:s3] =	stream.indirect.scatter.add.f32 [tilespmem:s24], [sflag:$0x8], $0x40, s23, s17, $0xb8;
	[tilespmem:$0x1F400] =	vst v63  }
0xa6: {  	_ =	swait.ge [sflag:s10], $0x1800  }
0xa7: {  	[sflag:s10] =	ssyncset.done $0x0  }
0xa8: {  	[sflag:s10] =	ssyncadd.s32 $0xFFFFE800  }
0xa9: {  	_ =	swait.ge [sflag:s11], $0x1800  }
0xaa: {  	[sflag:s11] =	ssyncset.done $0x0  }
0xab: {  	[sflag:s11] =	ssyncadd.s32 $0xFFFFE800  }
0xac: {  	[bflag:$0x0] =	sbarrier.arrive $0xFFFF  }
0xad: {  	s25 =	rddreg [dreg:$0x7]  }
0xae: {  	s30 =	sadd.s32 s6, s25  }
0xaf: {  	[hbm:s30], [sflag:s14] =	dma.local [spmem:s16], $0x1400  }
0xb0: {  	_ =	swait.ge [sflag:s12], $0x1400  }
0xb1: {  	[sflag:s12] =	ssyncset.done $0x0  }
0xb2: {  	[sflag:s12] =	ssyncadd.s32 $0xFFFFEC00  }
0xb3: {  	[bflag:$0x0] =	sbarrier.arrive $0xFFFF  }
0xb4: {  	s25 =	rddreg [dreg:$0x9]  }
0xb5: {  	[spmem:s15], [sflag:s14] =	dma.local [hbm:s25], $0x1400  }
0xb6: {  	_ =	swait.ge [sflag:s12], $0x1400  }
0xb7: {  	[sflag:s12] =	ssyncset.done $0x0  }
0xb8: {  	[sflag:s12] =	ssyncadd.s32 $0xFFFFEC00  }
0xb9: {  	[spmem:s16], [sflag:s14] =	dma.local [hbm:s9], $0x1400  }
0xba: {  	_ =	swait.ge [sflag:s12], $0x1400  }
0xbb: {  	[sflag:s12] =	ssyncset.done $0x0  }
0xbc: {  	[sflag:s12] =	ssyncadd.s32 $0xFFFFEC00  }
0xbd: {  	s25 =	simm.s32 $0x0;
	[bflag:$0x0] =	sbarrier.arrive $0xFFFF  }
0xbe: {  	[tilespmem:s18], [sflag:$0x1] =	stream.indirect.gather [spmem:s2], $0x40, s25, s17, $0xb8;
	[tilespmem:$0x1F400] =	vst v63  }
0xbf: {  	_ = 	snop  }
0xc0: {  	[tilespmem:s19], [sflag:$0x2] =	stream.indirect.gather [spmem:s2], $0x40, s17, s17, $0xb8;
	[tilespmem:$0x1F400] =	vst v63  }
0xc1: {  	s25 =	simm.s32 $0xC0  }
0xc2: {  	[tilespmem:s21], [sflag:$0x3] =	stream.indirect.gather [spmem:s2], $0x40, s25, s17, $0xb8;
	[tilespmem:$0x1F400] =	vst v63  }
0xc3: {  	_ =	swait.ge [sflag:s22], $0x1800  }
0xc4: {  	[sflag:s22] =	ssyncset.done $0x0  }
0xc5: {  	[sflag:s22] =	ssyncadd.s32 $0xFFFFE800  }
0xc6: {  	[spmem:s3] =	stream.indirect.scatter.add.f32 [tilespmem:s18], [sflag:$0x5], $0x40, s13, s17, $0xb8;
	[tilespmem:$0x1F400] =	vst v63  }
0xc7: {  	s25 =	simm.s32 $0x120  }
0xc8: {  	[tilespmem:s24], [sflag:$0x4] =	stream.indirect.gather [spmem:s2], $0x40, s25, s17, $0xb8;
	[tilespmem:$0x1F400] =	vst v63  }
0xc9: {  	_ =	swait.ge [sflag:s26], $0x1800  }
0xca: {  	[sflag:s26] =	ssyncset.done $0x0  }
0xcb: {  	[sflag:s26] =	ssyncadd.s32 $0xFFFFE800  }
0xcc: {  	[spmem:s3] =	stream.indirect.scatter.add.f32 [tilespmem:s19], [sflag:$0x6], $0x40, s5, s17, $0xb8;
	[tilespmem:$0x1F400] =	vst v63  }
0xcd: {  	_ =	swait.ge [sflag:s29], $0x1800  }
0xce: {  	[sflag:s29] =	ssyncset.done $0x0  }
0xcf: {  	s5 =	simm.s32 $0x180;
	[sflag:s29] =	ssyncadd.s32 $0xFFFFE800  }
0xd0: {  	[tilespmem:s18], [sflag:$0x1] =	stream.indirect.gather [spmem:s2], $0x40, s5, s17, $0xb8;
	[tilespmem:$0x1F400] =	vst v63  }
0xd1: {  	_ =	swait.ge [sflag:s31], $0x1800  }
0xd2: {  	[sflag:s31] =	ssyncset.done $0x0  }
0xd3: {  	s25 =	simm.s32 $0x2AC0;
	[sflag:s31] =	ssyncadd.s32 $0xFFFFE800  }
0xd4: {  	[spmem:s3] =	stream.indirect.scatter.add.f32 [tilespmem:s21], [sflag:$0x7], $0x40, s25, s17, $0xb8;
	[tilespmem:$0x1F400] =	vst v63  }
0xd5: {  	_ =	swait.ge [sflag:s0], $0x1800  }
0xd6: {  	[sflag:s0] =	ssyncset.done $0x0  }
0xd7: {  	s5 =	simm.s32 $0x1E0;
	[sflag:s0] =	ssyncadd.s32 $0xFFFFE800  }
0xd8: {  	[tilespmem:s19], [sflag:$0x2] =	stream.indirect.gather [spmem:s2], $0x40, s5, s17, $0xb8;
	[tilespmem:$0x1F400] =	vst v63  }
0xd9: {  	_ =	swait.ge [sflag:s7], $0x1800  }
0xda: {  	[sflag:s7] =	ssyncset.done $0x0  }
0xdb: {  	[sflag:s7] =	ssyncadd.s32 $0xFFFFE800  }
0xdc: {  	[spmem:s3] =	stream.indirect.scatter.add.f32 [tilespmem:s24], [sflag:$0x8], $0x40, s8, s17, $0xb8;
	[tilespmem:$0x1F400] =	vst v63  }
0xdd: {  	_ =	swait.ge [sflag:s10], $0x1800  }
0xde: {  	[sflag:s10] =	ssyncset.done $0x0  }
0xdf: {  	s25 =	simm.s32 $0x240;
	[sflag:s10] =	ssyncadd.s32 $0xFFFFE800  }
0xe0: {  	[tilespmem:s21], [sflag:$0x3] =	stream.indirect.gather [spmem:s2], $0x40, s25, s17, $0xb8;
	[tilespmem:$0x1F400] =	vst v63  }
0xe1: {  	_ =	swait.ge [sflag:s22], $0x1800  }
0xe2: {  	[sflag:s22] =	ssyncset.done $0x0  }
0xe3: {  	s5 =	simm.s32 $0x2B80;
	[sflag:s22] =	ssyncadd.s32 $0xFFFFE800  }
0xe4: {  	[spmem:s3] =	stream.indirect.scatter.add.f32 [tilespmem:s18], [sflag:$0x5], $0x40, s5, s17, $0xb8;
	[tilespmem:$0x1F400] =	vst v63  }
0xe5: {  	_ =	swait.ge [sflag:s11], $0x1800  }
0xe6: {  	[sflag:s11] =	ssyncset.done $0x0  }
0xe7: {  	s25 =	simm.s32 $0x2A0;
	[sflag:s11] =	ssyncadd.s32 $0xFFFFE800  }
0xe8: {  	[tilespmem:s24], [sflag:$0x4] =	stream.indirect.gather [spmem:s2], $0x40, s25, s17, $0xb8;
	[tilespmem:$0x1F400] =	vst v63  }
0xe9: {  	_ =	swait.ge [sflag:s26], $0x1800  }
0xea: {  	[sflag:s26] =	ssyncset.done $0x0  }
0xeb: {  	s5 =	simm.s32 $0x2BE0;
	[sflag:s26] =	ssyncadd.s32 $0xFFFFE800  }
0xec: {  	[spmem:s3] =	stream.indirect.scatter.add.f32 [tilespmem:s19], [sflag:$0x6], $0x40, s5, s17, $0xb8;
	[tilespmem:$0x1F400] =	vst v63  }
0xed: {  	_ =	swait.ge [sflag:s29], $0x1800  }
0xee: {  	[sflag:s29] =	ssyncset.done $0x0  }
0xef: {  	s25 =	simm.s32 $0x300;
	[sflag:s29] =	ssyncadd.s32 $0xFFFFE800  }
0xf0: {  	[tilespmem:s18], [sflag:$0x1] =	stream.indirect.gather [spmem:s2], $0x40, s25, s17, $0xb8;
	[tilespmem:$0x1F400] =	vst v63  }
0xf1: {  	_ =	swait.ge [sflag:s31], $0x1800  }
0xf2: {  	[sflag:s31] =	ssyncset.done $0x0  }
0xf3: {  	s5 =	simm.s32 $0x2C40;
	[sflag:s31] =	ssyncadd.s32 $0xFFFFE800  }
0xf4: {  	[spmem:s3] =	stream.indirect.scatter.add.f32 [tilespmem:s21], [sflag:$0x7], $0x40, s5, s17, $0xb8;
	[tilespmem:$0x1F400] =	vst v63  }
0xf5: {  	_ =	swait.ge [sflag:s0], $0x1800  }
0xf6: {  	[sflag:s0] =	ssyncset.done $0x0  }
0xf7: {  	s25 =	simm.s32 $0x360;
	[sflag:s0] =	ssyncadd.s32 $0xFFFFE800  }
0xf8: {  	[tilespmem:s19], [sflag:$0x2] =	stream.indirect.gather [spmem:s2], $0x40, s25, s17, $0xb8;
	[tilespmem:$0x1F400] =	vst v63  }
0xf9: {  	_ =	swait.ge [sflag:s7], $0x1800  }
0xfa: {  	[sflag:s7] =	ssyncset.done $0x0  }
0xfb: {  	s1 =	simm.s32 $0x600;
	s25 =	simm.s32 $0x2CA0;
	[sflag:s7] =	ssyncadd.s32 $0xFFFFE800  }
.LBB2_4:
0xfc: {  	[spmem:s3] =	stream.indirect.scatter.add.f32 [tilespmem:s24], [sflag:$0x8], $0x40, s25, s17, $0xb8;
	[tilespmem:$0x1F400] =	vst v63  }
0xfd: {  	s25 =	smov.u32 s1;
	s1 =	sadd.s32 $0x600, s1;
	_ =	swait.ge [sflag:s10], $0x1800  }
0xfe: {  	s25 =	sshra.s32 s25, $0x2;
	p0 =	sne.s32 s1, $0x9C00;
	[sflag:s10] =	ssyncset.done $0x0  }
0xff: {  	s5 =	sadd.s32 $0x240, s25;
	[sflag:s10] =	ssyncadd.s32 $0xFFFFE800  }
0x100: {  	[tilespmem:s21], [sflag:$0x3] =	stream.indirect.gather [spmem:s2], $0x40, s5, s17, $0xb8;
	[tilespmem:$0x1F400] =	vst v63  }
0x101: {  	_ =	swait.ge [sflag:s22], $0x1800  }
0x102: {  	[sflag:s22] =	ssyncset.done $0x0  }
0x103: {  	s5 =	sadd.s32 $0x2B80, s25;
	[sflag:s22] =	ssyncadd.s32 $0xFFFFE800  }
0x104: {  	[spmem:s3] =	stream.indirect.scatter.add.f32 [tilespmem:s18], [sflag:$0x5], $0x40, s5, s17, $0xb8;
	[tilespmem:$0x1F400] =	vst v63  }
0x105: {  	_ =	swait.ge [sflag:s11], $0x1800  }
0x106: {  	[sflag:s11] =	ssyncset.done $0x0  }
0x107: {  	s5 =	sadd.s32 $0x2A0, s25;
	[sflag:s11] =	ssyncadd.s32 $0xFFFFE800  }
0x108: {  	[tilespmem:s24], [sflag:$0x4] =	stream.indirect.gather [spmem:s2], $0x40, s5, s17, $0xb8;
	[tilespmem:$0x1F400] =	vst v63  }
0x109: {  	_ =	swait.ge [sflag:s26], $0x1800  }
0x10a: {  	[sflag:s26] =	ssyncset.done $0x0  }
0x10b: {  	s5 =	sadd.s32 $0x2BE0, s25;
	[sflag:s26] =	ssyncadd.s32 $0xFFFFE800  }
0x10c: {  	[spmem:s3] =	stream.indirect.scatter.add.f32 [tilespmem:s19], [sflag:$0x6], $0x40, s5, s17, $0xb8;
	[tilespmem:$0x1F400] =	vst v63  }
0x10d: {  	_ =	swait.ge [sflag:s29], $0x1800  }
0x10e: {  	[sflag:s29] =	ssyncset.done $0x0  }
0x10f: {  	s5 =	sadd.s32 $0x300, s25;
	[sflag:s29] =	ssyncadd.s32 $0xFFFFE800  }
0x110: {  	[tilespmem:s18], [sflag:$0x1] =	stream.indirect.gather [spmem:s2], $0x40, s5, s17, $0xb8;
	[tilespmem:$0x1F400] =	vst v63  }
0x111: {  	_ =	swait.ge [sflag:s31], $0x1800  }
0x112: {  	[sflag:s31] =	ssyncset.done $0x0  }
0x113: {  	s5 =	sadd.s32 $0x2C40, s25;
	[sflag:s31] =	ssyncadd.s32 $0xFFFFE800  }
0x114: {  	[spmem:s3] =	stream.indirect.scatter.add.f32 [tilespmem:s21], [sflag:$0x7], $0x40, s5, s17, $0xb8;
	[tilespmem:$0x1F400] =	vst v63  }
0x115: {  	_ =	swait.ge [sflag:s0], $0x1800  }
0x116: {  	[sflag:s0] =	ssyncset.done $0x0  }
.Ltmp1:
0x117: {  	s5 =	sadd.s32 $0x360, s25;
	[sflag:s0] =	ssyncadd.s32 $0xFFFFE800;
	(pc) =	sbr.rel @p0 .LBB2_4-.Ltmp1, $4  }
0x118: {  	[tilespmem:s19], [sflag:$0x2] =	stream.indirect.gather [spmem:s2], $0x40, s5, s17, $0xb8;
	[tilespmem:$0x1F400] =	vst v63  }
0x119: {  	_ =	swait.ge [sflag:s7], $0x1800  }
0x11a: {  	[sflag:s7] =	ssyncset.done $0x0  }
0x11b: {  	s25 =	sadd.s32 $0x2CA0, s25;
	[sflag:s7] =	ssyncadd.s32 $0xFFFFE800  }
0x11c: {  	[spmem:s3] =	stream.indirect.scatter.add.f32 [tilespmem:s24], [sflag:$0x8], $0x40, s25, s17, $0xb8;
	[tilespmem:$0x1F400] =	vst v63  }
0x11d: {  	_ =	swait.ge [sflag:s10], $0x1800  }
0x11e: {  	s1 =	sshra.s32 s1, $0x2;
	[sflag:s10] =	ssyncset.done $0x0  }
0x11f: {  	s5 =	sadd.s32 $0x240, s1;
	[sflag:s10] =	ssyncadd.s32 $0xFFFFE800  }
0x120: {  	[tilespmem:s21], [sflag:$0x3] =	stream.indirect.gather [spmem:s2], $0x40, s5, s17, $0xb8;
	[tilespmem:$0x1F400] =	vst v63  }
0x121: {  	_ =	swait.ge [sflag:s22], $0x1800  }
0x122: {  	[sflag:s22] =	ssyncset.done $0x0  }
0x123: {  	s25 =	sadd.s32 $0x2B80, s1;
	[sflag:s22] =	ssyncadd.s32 $0xFFFFE800  }
0x124: {  	[spmem:s3] =	stream.indirect.scatter.add.f32 [tilespmem:s18], [sflag:$0x5], $0x40, s25, s17, $0xb8;
	[tilespmem:$0x1F400] =	vst v63  }
0x125: {  	_ =	swait.ge [sflag:s11], $0x1800  }
0x126: {  	[sflag:s11] =	ssyncset.done $0x0  }
0x127: {  	[sflag:s11] =	ssyncadd.s32 $0xFFFFE800  }
0x128: {  	[tilespmem:s24], [sflag:$0x4] =	stream.indirect.gather [spmem:s2], $0x40, s20, s17, $0xb8;
	[tilespmem:$0x1F400] =	vst v63  }
0x129: {  	_ =	swait.ge [sflag:s26], $0x1800  }
0x12a: {  	[sflag:s26] =	ssyncset.done $0x0  }
0x12b: {  	s25 =	sadd.s32 $0x2BE0, s1;
	[sflag:s26] =	ssyncadd.s32 $0xFFFFE800  }
0x12c: {  	[spmem:s3] =	stream.indirect.scatter.add.f32 [tilespmem:s19], [sflag:$0x6], $0x40, s25, s17, $0xb8;
	[tilespmem:$0x1F400] =	vst v63  }
0x12d: {  	_ =	swait.ge [sflag:s29], $0x1800  }
0x12e: {  	[sflag:s29] =	ssyncset.done $0x0  }
0x12f: {  	[sflag:s29] =	ssyncadd.s32 $0xFFFFE800  }
0x130: {  	_ =	swait.ge [sflag:s31], $0x1800  }
0x131: {  	[sflag:s31] =	ssyncset.done $0x0  }
0x132: {  	s1 =	sadd.s32 $0x2C40, s1;
	[sflag:s31] =	ssyncadd.s32 $0xFFFFE800  }
0x133: {  	[spmem:s3] =	stream.indirect.scatter.add.f32 [tilespmem:s21], [sflag:$0x7], $0x40, s1, s17, $0xb8;
	[tilespmem:$0x1F400] =	vst v63  }
0x134: {  	_ =	swait.ge [sflag:s0], $0x1800  }
0x135: {  	[sflag:s0] =	ssyncset.done $0x0  }
0x136: {  	[sflag:s0] =	ssyncadd.s32 $0xFFFFE800  }
0x137: {  	_ =	swait.ge [sflag:s7], $0x1800  }
0x138: {  	[sflag:s7] =	ssyncset.done $0x0  }
0x139: {  	[sflag:s7] =	ssyncadd.s32 $0xFFFFE800  }
0x13a: {  	[spmem:s3] =	stream.indirect.scatter.add.f32 [tilespmem:s24], [sflag:$0x8], $0x40, s23, s17, $0xb8;
	[tilespmem:$0x1F400] =	vst v63  }
0x13b: {  	_ =	swait.ge [sflag:s10], $0x1800  }
0x13c: {  	[sflag:s10] =	ssyncset.done $0x0  }
0x13d: {  	[sflag:s10] =	ssyncadd.s32 $0xFFFFE800  }
0x13e: {  	_ =	swait.ge [sflag:s11], $0x1800  }
0x13f: {  	[sflag:s11] =	ssyncset.done $0x0  }
0x140: {  	[sflag:s11] =	ssyncadd.s32 $0xFFFFE800  }
0x141: {  	s25 =	sadd.s32 $0x14000, s30;
	[bflag:$0x0] =	sbarrier.arrive $0xFFFF  }
0x142: {  	[hbm:s25], [sflag:s14] =	dma.local [spmem:s16], $0x1400  }
0x143: {  	_ =	swait.ge [sflag:s12], $0x1400  }
0x144: {  	s28 =	sadd.s32 $0x1, s28;
	s30 =	rddreg [dreg:$0x8]  }
0x145: {  	p0 =	sne.s32 s28, s30  }
.Ltmp2:
0x146: {  	_ = 	snop;
	(pc) =	sbr.rel @p0 .LBB2_1-.Ltmp2, $3  }
0x147: {  	_ =	sdelay $0x1  }
0x148: {  	[sflag:s12] =	ssyncset.done $0x0  }
0x149: {  	s5 =	simm.s32 $0x2A60;
	[sflag:s12] =	ssyncadd.s32 $0xFFFFEC00  }
0x14a: {  	_ =	sfence.sel $0x180000  }
0x14b: {  	[bflag:$0x0] =	sbarrier.arrive $0xFFFF  }
0x14c: {  	_ =	strace $0x90000050  }
0x14d: {  	s0 =	stileid.u32;
	[bflag:$0x2] =	sbarrier.arrive $0xFFFF  }
0x14e: {  	p0 =	sne.s32 s0, $0x0;
	s0 =	rddreg [dreg:$0x3]  }
0x14f: {  	s0 =	sadd.s32 @!p0 $0x100000, s0  }
0x150: {  	[sflag:s0] =	ssyncadd.tile.s32 @!p0 $0x1;
	_ =	shalt  }
.Lfunc_end2:
_tile_overlayer_lowered:
.L_overlay_start_2:
0x151: {  	(tag) =	ssettag $0x2  }
0x152: {  	s0 =	rddreg [dreg:$0x0];
	s2 =	stileid.u32  }
0x153: {  	s1 =	rddreg [dreg:$0x1];
	p0 =	sne.s32 s2, $0x0  }
0x154: {  	s3 =	rddreg [dreg:$0x2];
	[bflag:$0x3] =	sbarrier.arrive $0xFFFF;
	s2 =	simm.s32 @!p0 $0x1C09  }
0x155: {  	[timem:s3], [sflag:s2] =	dma.local @!p0 [hbm:s0], s1  }
0x156: {  	s0 =	simm.s32 @!p0 $0x9  }
0x157: {  	_ =	swait.ge @!p0 [sflag:s0], s1  }
0x158: {  	s1 =	ssub.s32 @!p0 $0x0, s1;
	[sflag:s0] =	ssyncset.done @!p0 $0x0  }
0x159: {  	[sflag:s0] =	ssyncadd.s32 @!p0 s1  }
0x15a: {  	[bflag:$0x3] =	sbarrier.arrive $0xFFFF  }
0x15b: {  	_ =	shalt  }

</sc_bundles>
